<compile_context>
chip_gen: v7x
topology: tpu7x:2x2x1
jax: 0.10.2.dev20260603
libtpu: 0.0.44.dev20260713+nightly
codegen_flags: <defaults>
</compile_context>

<pallas_src>
import functools

import jax
import jax.numpy as jnp
from jax import lax
from jax.experimental import pallas as pl
from jax.experimental.pallas import tpu as pltpu
from jax.experimental.pallas import tpu_sc as plsc

N = 10000
E = 320000
D = 128
D2 = D // 2

NC = 2
NS = 16
NW = NC * NS
EPT = E // NS
G = 80
NGROUPS = EPT // G
SUB = 16
NSUB = G // SUB
NPAD = 10240
RPT = NPAD // NS
ZR = 128
LANES = 16


def _sc_segment_spmm(row3, col4, val3, x2):
    mesh = plsc.VectorSubcoreMesh(core_axis_name="c", subcore_axis_name="s")

    @functools.partial(
        pl.kernel,
        mesh=mesh,
        compiler_params=pltpu.CompilerParams(use_tc_tiling_on_sc=False),
        out_type=jax.ShapeDtypeStruct((NC * NPAD, D2), jnp.float32),
        scratch_types=[
            pltpu.VMEM((NGROUPS, G), jnp.int32),
            pltpu.VMEM((NGROUPS, G), jnp.int32),
            pltpu.VMEM((NGROUPS, G), jnp.float32),
            pltpu.VMEM((G, D2), jnp.float32),
            pltpu.VMEM((G, D2), jnp.float32),
            pltpu.VMEM((ZR, D2), jnp.float32),
            pltpu.VMEM_SHARED((NPAD, D2), jnp.float32),
            pltpu.SemaphoreType.DMA,
            pltpu.SemaphoreType.DMA,
        ],
    )
    def k(row_h, col_h, val_h, x_h, out_h, colv, rowv, valv, xr0, xr1,
          zbuf, agg, sem0, sem1):
        c = lax.axis_index("c")
        s = lax.axis_index("s")

        pltpu.sync_copy(col_h.at[c, s], colv)
        pltpu.sync_copy(val_h.at[s], valv)
        pltpu.sync_copy(row_h.at[s], rowv)

        def zb(i, carry):
            for kk in range(D2 // LANES):
                zbuf[i, pl.ds(LANES * kk, LANES)] = jnp.zeros(
                    (LANES,), jnp.float32)
            return carry
        lax.fori_loop(0, ZR, zb, 0)
        for j in range(RPT // ZR):
            pltpu.sync_copy(zbuf, agg.at[pl.ds(s * RPT + j * ZR, ZR)])
        plsc.subcore_barrier()

        def start_gather(g, xr, sem):
            pltpu.async_copy(x_h.at[colv.at[g]], xr, sem)

        def wait_gather(g, xr, sem):
            pltpu.make_async_copy(x_h.at[colv.at[g]], xr, sem).wait()

        dnums = lax.GatherDimensionNumbers(
            offset_dims=(), collapsed_slice_dims=(0,), start_index_map=(0,))

        def do_group(g, xr):
            def sub(t, carry2):
                v16 = valv[g, pl.ds(t * SUB, SUB)]
                for e in range(SUB):
                    idx = t * SUB + e
                    vv = lax.gather(
                        v16, jnp.full((LANES, 1), e, jnp.int32), dnums, (1,),
                        mode=lax.GatherScatterMode.PROMISE_IN_BOUNDS)
                    for kk in range(D2 // LANES):
                        sl = pl.ds(LANES * kk, LANES)
                        xr[idx, sl] = xr[idx, sl] * vv
                return carry2
            lax.fori_loop(0, NSUB, sub, 0)
            pltpu.sync_copy(xr, agg.at[rowv.at[g]], add=True)

        start_gather(0, xr0, sem0)

        def pair(i, carry):
            g0 = 2 * i
            wait_gather(g0, xr0, sem0)
            start_gather(g0 + 1, xr1, sem1)
            do_group(g0, xr0)
            wait_gather(g0 + 1, xr1, sem1)
            start_gather(g0 + 2, xr0, sem0)
            do_group(g0 + 1, xr1)
            return carry
        lax.fori_loop(0, NGROUPS // 2 - 1, pair, 0)
        wait_gather(NGROUPS - 2, xr0, sem0)
        start_gather(NGROUPS - 1, xr1, sem1)
        do_group(NGROUPS - 2, xr0)
        wait_gather(NGROUPS - 1, xr1, sem1)
        do_group(NGROUPS - 1, xr1)

        plsc.subcore_barrier()
        pltpu.sync_copy(agg.at[pl.ds(s * RPT, RPT)],
                        out_h.at[pl.ds(c * NPAD + s * RPT, RPT)])

    return k(row3, col4, val3, x2)


def _tc_body(p0, p1, wt0, wt1, bb, o):
    o[...] = (jnp.dot(p0[...], wt0[...], preferred_element_type=jnp.float32)
              + jnp.dot(p1[...], wt1[...],
                        preferred_element_type=jnp.float32)
              + bb[...])


def _tc_linear(partials, wt, b2):
    R = 512
    return pl.pallas_call(
        _tc_body,
        grid=(NPAD // R,),
        in_specs=[
            pl.BlockSpec((R, D2), lambda i: (i, 0)),
            pl.BlockSpec((R, D2), lambda i: (i + NPAD // R, 0)),
            pl.BlockSpec((D2, D), lambda i: (0, 0)),
            pl.BlockSpec((D2, D), lambda i: (1, 0)),
            pl.BlockSpec((1, D), lambda i: (0, 0)),
        ],
        out_specs=pl.BlockSpec((R, D), lambda i: (i, 0)),
        out_shape=jax.ShapeDtypeStruct((NPAD, D), jnp.float32),
    )(partials, partials, wt, wt, b2)


def kernel(L_indices, L_values, x, W, b):
    row3 = L_indices[0].reshape(NS, NGROUPS, G)
    col3 = L_indices[1].reshape(NS, NGROUPS, G)
    col4 = jnp.stack([col3, col3 + N])
    val3 = L_values.reshape(NS, NGROUPS, G)
    x2 = jnp.concatenate([x[:, :D2], x[:, D2:]], axis=0)
    pp = _sc_segment_spmm(row3, col4, val3, x2)
    out = _tc_linear(pp, W.T, b.reshape(1, D))
    return out[:N]

# --- scband reference (transcript-rebuilt; emitter-appended) ---
"""Pipeline reference for scband-scn-11244224380965 (READ-ONLY COPY).

The authoritative reference and input builder live on the scoring server;
editing this copy changes nothing except your own understanding.
"""

import jax, jax.numpy as jnp
import numpy as np

N_NODES = 10000
N_EDGES = 320000
D_FEAT = 128
D_OUT = 128


def setup_inputs(seed: int = 0) -> dict:
    key = jax.random.key(seed)
    k1, k2, k3, k4, k5 = jax.random.split(key, 5)
    L_indices = jax.random.randint(k1, (2, N_EDGES), 0, N_NODES, dtype=jnp.int64 if jax.config.jax_enable_x64 else jnp.int32).astype(jnp.int32)
    L_values = jax.random.normal(k2, (N_EDGES,), dtype=jnp.float32)
    x = jax.random.normal(k3, (N_NODES, D_FEAT), dtype=jnp.float32)
    # nn.Linear(feature_size, output_size) params
    bound = 1.0 / np.sqrt(D_FEAT)
    W = jax.random.uniform(k4, (D_OUT, D_FEAT), minval=-bound, maxval=bound, dtype=jnp.float32)
    b = jax.random.uniform(k5, (D_OUT,), minval=-bound, maxval=bound, dtype=jnp.float32)
    return {"L_indices": L_indices, "L_values": L_values, "x": x, "W": W, "b": b}


def reference(L_indices, L_values, x, W, b):
    # torch.sparse.mm(L, x): L is sparse COO [N, N] with indices L_indices, values L_values.
    row = L_indices[0]
    col = L_indices[1]
    gathered = L_values[:, None] * jnp.take(x, col, axis=0)   # [E, F] gather
    agg = jax.ops.segment_sum(gathered, row, num_segments=x.shape[0])  # [N, F] scatter-add
    # self.conv (nn.Linear)
    return agg @ W.T + b

if __name__ == "__main__":
    import jax
    _d = setup_inputs()
    print(jax.jit(kernel)(*tuple(_d.values())))

</pallas_src>

<mosaic_0001>
#map = affine_map<(d0, d1) -> (0, 0, 0)>
#map1 = affine_map<(d0, d1) -> (0, 0, 0, 0)>
#map2 = affine_map<(d0, d1) -> (0, 0)>
module attributes {stable_mosaic.version = 14 : i64} {
  func.func @k(%arg0: i32, %arg1: i32, %arg2: memref<16x250x80xi32, #tpu.memory_space<hbm>>, %arg3: memref<2x16x250x80xi32, #tpu.memory_space<hbm>>, %arg4: memref<16x250x80xf32, #tpu.memory_space<hbm>>, %arg5: memref<20000x64xf32, #tpu.memory_space<hbm>>, %arg6: memref<20480x64xf32, #tpu.memory_space<hbm>>, %arg7: memref<250x80xi32, #tpu.memory_space<vmem>>, %arg8: memref<250x80xi32, #tpu.memory_space<vmem>>, %arg9: memref<250x80xf32, #tpu.memory_space<vmem>>, %arg10: memref<80x64xf32, #tpu.memory_space<vmem>>, %arg11: memref<80x64xf32, #tpu.memory_space<vmem>>, %arg12: memref<128x64xf32, #tpu.memory_space<vmem>>, %arg13: memref<10240x64xf32, #tpu.memory_space<vmem_shared>>, %arg14: memref<!tpu.dma_semaphore, #tpu.memory_space<semaphore_mem>>, %arg15: memref<!tpu.dma_semaphore, #tpu.memory_space<semaphore_mem>>) attributes {dimension_semantics = [#tpu.dimension_semantics<core_parallel>, #tpu.dimension_semantics<subcore_parallel>], iteration_bounds = array<i64: 2, 16>, scalar_prefetch = 0 : i64, scratch_operands = 9 : i64, tpu.core_type = #tpu.core_type<sc_vector_subcore>, window_params = [{transform_indices = #map}, {transform_indices = #map1}, {transform_indices = #map}, {transform_indices = #map2}, {transform_indices = #map2}]} {
    "tpu.region"() ({
      %run_scoped3A_76 = tpu.sem_alloc : memref<!tpu.dma_semaphore, #tpu.memory_space<semaphore_mem>>
      %dma_start3A_77 = arith.constant 0 : i32
      %dma_start3A_78 = arith.constant 0 : i32
      %dma_start3A_79 = tpu.memref_slice %arg3[%arg0, %arg1, %dma_start3A_77, %dma_start3A_78] : memref<2x16x250x80xi32, #tpu.memory_space<hbm>> -> memref<1x1x250x80xi32, #tpu.memory_space<hbm>>
      %dma_start3A_80 = tpu.memref_squeeze %dma_start3A_79 : memref<1x1x250x80xi32, #tpu.memory_space<hbm>> -> memref<250x80xi32, #tpu.memory_space<hbm>>
      %dma_start3A_81 = arith.constant 0 : i32
      %dma_start3A_82 = arith.constant 0 : i32
      %dma_start3A_83 = tpu.memref_slice %arg3[%arg0, %arg1, %dma_start3A_81, %dma_start3A_82] : memref<2x16x250x80xi32, #tpu.memory_space<hbm>> -> memref<1x1x250x80xi32, #tpu.memory_space<hbm>>
      %dma_start3A_84 = tpu.memref_squeeze %dma_start3A_83 : memref<1x1x250x80xi32, #tpu.memory_space<hbm>> -> memref<250x80xi32, #tpu.memory_space<hbm>>
      tpu.enqueue_dma source(%dma_start3A_84 : memref<250x80xi32, #tpu.memory_space<hbm>>) target(%arg7 : memref<250x80xi32, #tpu.memory_space<vmem>>) target_semaphore(%run_scoped3A_76 : memref<!tpu.dma_semaphore, #tpu.memory_space<semaphore_mem>>)
      %dma_wait3A_85 = arith.constant 0 : i32
      %dma_wait3A_86 = arith.constant 0 : i32
      %dma_wait3A_87 = tpu.memref_slice %arg3[%arg0, %arg1, %dma_wait3A_85, %dma_wait3A_86] : memref<2x16x250x80xi32, #tpu.memory_space<hbm>> -> memref<1x1x250x80xi32, #tpu.memory_space<hbm>>
      %dma_wait3A_88 = tpu.memref_squeeze %dma_wait3A_87 : memref<1x1x250x80xi32, #tpu.memory_space<hbm>> -> memref<250x80xi32, #tpu.memory_space<hbm>>
      %dma_wait3A_89 = arith.constant 0 : i32
      %dma_wait3A_90 = arith.constant 0 : i32
      %dma_wait3A_91 = tpu.memref_slice %arg3[%arg0, %arg1, %dma_wait3A_89, %dma_wait3A_90] : memref<2x16x250x80xi32, #tpu.memory_space<hbm>> -> memref<1x1x250x80xi32, #tpu.memory_space<hbm>>
      %dma_wait3A_92 = tpu.memref_squeeze %dma_wait3A_91 : memref<1x1x250x80xi32, #tpu.memory_space<hbm>> -> memref<250x80xi32, #tpu.memory_space<hbm>>
      tpu.wait_dma2 semaphore(%run_scoped3A_76 : memref<!tpu.dma_semaphore, #tpu.memory_space<semaphore_mem>>) src(%dma_wait3A_92 : memref<250x80xi32, #tpu.memory_space<hbm>>) dst(%arg7 : memref<250x80xi32, #tpu.memory_space<vmem>>)
      tpu.yield
    }) : () -> ()
    "tpu.region"() ({
      %run_scoped3A_76 = tpu.sem_alloc : memref<!tpu.dma_semaphore, #tpu.memory_space<semaphore_mem>>
      %dma_start3A_77 = arith.constant 0 : i32
      %dma_start3A_78 = arith.constant 0 : i32
      %dma_start3A_79 = tpu.memref_slice %arg4[%arg1, %dma_start3A_77, %dma_start3A_78] : memref<16x250x80xf32, #tpu.memory_space<hbm>> -> memref<1x250x80xf32, #tpu.memory_space<hbm>>
      %dma_start3A_80 = tpu.memref_squeeze %dma_start3A_79 : memref<1x250x80xf32, #tpu.memory_space<hbm>> -> memref<250x80xf32, #tpu.memory_space<hbm>>
      %dma_start3A_81 = arith.constant 0 : i32
      %dma_start3A_82 = arith.constant 0 : i32
      %dma_start3A_83 = tpu.memref_slice %arg4[%arg1, %dma_start3A_81, %dma_start3A_82] : memref<16x250x80xf32, #tpu.memory_space<hbm>> -> memref<1x250x80xf32, #tpu.memory_space<hbm>>
      %dma_start3A_84 = tpu.memref_squeeze %dma_start3A_83 : memref<1x250x80xf32, #tpu.memory_space<hbm>> -> memref<250x80xf32, #tpu.memory_space<hbm>>
      tpu.enqueue_dma source(%dma_start3A_84 : memref<250x80xf32, #tpu.memory_space<hbm>>) target(%arg9 : memref<250x80xf32, #tpu.memory_space<vmem>>) target_semaphore(%run_scoped3A_76 : memref<!tpu.dma_semaphore, #tpu.memory_space<semaphore_mem>>)
      %dma_wait3A_85 = arith.constant 0 : i32
      %dma_wait3A_86 = arith.constant 0 : i32
      %dma_wait3A_87 = tpu.memref_slice %arg4[%arg1, %dma_wait3A_85, %dma_wait3A_86] : memref<16x250x80xf32, #tpu.memory_space<hbm>> -> memref<1x250x80xf32, #tpu.memory_space<hbm>>
      %dma_wait3A_88 = tpu.memref_squeeze %dma_wait3A_87 : memref<1x250x80xf32, #tpu.memory_space<hbm>> -> memref<250x80xf32, #tpu.memory_space<hbm>>
      %dma_wait3A_89 = arith.constant 0 : i32
      %dma_wait3A_90 = arith.constant 0 : i32
      %dma_wait3A_91 = tpu.memref_slice %arg4[%arg1, %dma_wait3A_89, %dma_wait3A_90] : memref<16x250x80xf32, #tpu.memory_space<hbm>> -> memref<1x250x80xf32, #tpu.memory_space<hbm>>
      %dma_wait3A_92 = tpu.memref_squeeze %dma_wait3A_91 : memref<1x250x80xf32, #tpu.memory_space<hbm>> -> memref<250x80xf32, #tpu.memory_space<hbm>>
      tpu.wait_dma2 semaphore(%run_scoped3A_76 : memref<!tpu.dma_semaphore, #tpu.memory_space<semaphore_mem>>) src(%dma_wait3A_92 : memref<250x80xf32, #tpu.memory_space<hbm>>) dst(%arg9 : memref<250x80xf32, #tpu.memory_space<vmem>>)
      tpu.yield
    }) : () -> ()
    "tpu.region"() ({
      %run_scoped3A_76 = tpu.sem_alloc : memref<!tpu.dma_semaphore, #tpu.memory_space<semaphore_mem>>
      %dma_start3A_77 = arith.constant 0 : i32
      %dma_start3A_78 = arith.constant 0 : i32
      %dma_start3A_79 = tpu.memref_slice %arg2[%arg1, %dma_start3A_77, %dma_start3A_78] : memref<16x250x80xi32, #tpu.memory_space<hbm>> -> memref<1x250x80xi32, #tpu.memory_space<hbm>>
      %dma_start3A_80 = tpu.memref_squeeze %dma_start3A_79 : memref<1x250x80xi32, #tpu.memory_space<hbm>> -> memref<250x80xi32, #tpu.memory_space<hbm>>
      %dma_start3A_81 = arith.constant 0 : i32
      %dma_start3A_82 = arith.constant 0 : i32
      %dma_start3A_83 = tpu.memref_slice %arg2[%arg1, %dma_start3A_81, %dma_start3A_82] : memref<16x250x80xi32, #tpu.memory_space<hbm>> -> memref<1x250x80xi32, #tpu.memory_space<hbm>>
      %dma_start3A_84 = tpu.memref_squeeze %dma_start3A_83 : memref<1x250x80xi32, #tpu.memory_space<hbm>> -> memref<250x80xi32, #tpu.memory_space<hbm>>
      tpu.enqueue_dma source(%dma_start3A_84 : memref<250x80xi32, #tpu.memory_space<hbm>>) target(%arg8 : memref<250x80xi32, #tpu.memory_space<vmem>>) target_semaphore(%run_scoped3A_76 : memref<!tpu.dma_semaphore, #tpu.memory_space<semaphore_mem>>)
      %dma_wait3A_85 = arith.constant 0 : i32
      %dma_wait3A_86 = arith.constant 0 : i32
      %dma_wait3A_87 = tpu.memref_slice %arg2[%arg1, %dma_wait3A_85, %dma_wait3A_86] : memref<16x250x80xi32, #tpu.memory_space<hbm>> -> memref<1x250x80xi32, #tpu.memory_space<hbm>>
      %dma_wait3A_88 = tpu.memref_squeeze %dma_wait3A_87 : memref<1x250x80xi32, #tpu.memory_space<hbm>> -> memref<250x80xi32, #tpu.memory_space<hbm>>
      %dma_wait3A_89 = arith.constant 0 : i32
      %dma_wait3A_90 = arith.constant 0 : i32
      %dma_wait3A_91 = tpu.memref_slice %arg2[%arg1, %dma_wait3A_89, %dma_wait3A_90] : memref<16x250x80xi32, #tpu.memory_space<hbm>> -> memref<1x250x80xi32, #tpu.memory_space<hbm>>
      %dma_wait3A_92 = tpu.memref_squeeze %dma_wait3A_91 : memref<1x250x80xi32, #tpu.memory_space<hbm>> -> memref<250x80xi32, #tpu.memory_space<hbm>>
      tpu.wait_dma2 semaphore(%run_scoped3A_76 : memref<!tpu.dma_semaphore, #tpu.memory_space<semaphore_mem>>) src(%dma_wait3A_92 : memref<250x80xi32, #tpu.memory_space<hbm>>) dst(%arg8 : memref<250x80xi32, #tpu.memory_space<vmem>>)
      tpu.yield
    }) : () -> ()
    %scan3A = arith.constant 0 : i32
    %scan3A_0 = arith.constant 0 : i32
    %scan3A_1 = arith.constant 128 : i32
    %scan3A_2 = arith.addi %scan3A_0, %scan3A_1 : i32
    %scan3A_3 = arith.constant 1 : i32
    scf.for %scan3A_76 = %scan3A_0 to %scan3A_2 step %scan3A_3  : i32 {
      %broadcast_in_dim3A = arith.constant 0.000000e+00 : f32
      %broadcast_in_dim3A_77 = vector.broadcast %broadcast_in_dim3A : f32 to vector<16xf32>
      %swap3A = arith.index_cast %scan3A_76 : i32 to index
      %swap3A_78 = arith.constant 0 : index
      %swap3A_79 = tpu.vector_load %arg12[%swap3A, %swap3A_78] {strides = array<i32>} : memref<128x64xf32, #tpu.memory_space<vmem>>, vector<1x16xf32>,
      %swap3A_80 = vector.shape_cast %swap3A_79 : vector<1x16xf32> to vector<16xf32>
      %swap3A_81 = vector.shape_cast %broadcast_in_dim3A_77 : vector<16xf32> to vector<1x16xf32>
      tpu.vector_store %arg12[%swap3A, %swap3A_78], %swap3A_81 {strides = array<i32>} : memref<128x64xf32, #tpu.memory_space<vmem>>, vector<1x16xf32>,
      %broadcast_in_dim3A_82 = arith.constant 0.000000e+00 : f32
      %broadcast_in_dim3A_83 = vector.broadcast %broadcast_in_dim3A_82 : f32 to vector<16xf32>
      %swap3A_84 = arith.index_cast %scan3A_76 : i32 to index
      %swap3A_85 = arith.constant 16 : index
      %swap3A_86 = tpu.vector_load %arg12[%swap3A_84, %swap3A_85] {strides = array<i32>} : memref<128x64xf32, #tpu.memory_space<vmem>>, vector<1x16xf32>,
      %swap3A_87 = vector.shape_cast %swap3A_86 : vector<1x16xf32> to vector<16xf32>
      %swap3A_88 = vector.shape_cast %broadcast_in_dim3A_83 : vector<16xf32> to vector<1x16xf32>
      tpu.vector_store %arg12[%swap3A_84, %swap3A_85], %swap3A_88 {strides = array<i32>} : memref<128x64xf32, #tpu.memory_space<vmem>>, vector<1x16xf32>,
      %broadcast_in_dim3A_89 = arith.constant 0.000000e+00 : f32
      %broadcast_in_dim3A_90 = vector.broadcast %broadcast_in_dim3A_89 : f32 to vector<16xf32>
      %swap3A_91 = arith.index_cast %scan3A_76 : i32 to index
      %swap3A_92 = arith.constant 32 : index
      %swap3A_93 = tpu.vector_load %arg12[%swap3A_91, %swap3A_92] {strides = array<i32>} : memref<128x64xf32, #tpu.memory_space<vmem>>, vector<1x16xf32>,
      %swap3A_94 = vector.shape_cast %swap3A_93 : vector<1x16xf32> to vector<16xf32>
      %swap3A_95 = vector.shape_cast %broadcast_in_dim3A_90 : vector<16xf32> to vector<1x16xf32>
      tpu.vector_store %arg12[%swap3A_91, %swap3A_92], %swap3A_95 {strides = array<i32>} : memref<128x64xf32, #tpu.memory_space<vmem>>, vector<1x16xf32>,
      %broadcast_in_dim3A_96 = arith.constant 0.000000e+00 : f32
      %broadcast_in_dim3A_97 = vector.broadcast %broadcast_in_dim3A_96 : f32 to vector<16xf32>
      %swap3A_98 = arith.index_cast %scan3A_76 : i32 to index
      %swap3A_99 = arith.constant 48 : index
      %swap3A_100 = tpu.vector_load %arg12[%swap3A_98, %swap3A_99] {strides = array<i32>} : memref<128x64xf32, #tpu.memory_space<vmem>>, vector<1x16xf32>,
      %swap3A_101 = vector.shape_cast %swap3A_100 : vector<1x16xf32> to vector<16xf32>
      %swap3A_102 = vector.shape_cast %broadcast_in_dim3A_97 : vector<16xf32> to vector<1x16xf32>
      tpu.vector_store %arg12[%swap3A_98, %swap3A_99], %swap3A_102 {strides = array<i32>} : memref<128x64xf32, #tpu.memory_space<vmem>>, vector<1x16xf32>,
    }
    %scan3A_4 = arith.constant 128 : i32
    %mul3A = arith.constant 640 : i32
    %mul3A_5 = arith.muli %arg1, %mul3A : i32
    %add3A = arith.constant 0 : i32
    %add3A_6 = arith.addi %mul3A_5, %add3A : i32
    "tpu.region"() ({
      %run_scoped3A_76 = tpu.sem_alloc : memref<!tpu.dma_semaphore, #tpu.memory_space<semaphore_mem>>
      %dma_start3A_77 = arith.constant 0 : i32
      %dma_start3A_78 = tpu.memref_slice %arg13[%add3A_6, %dma_start3A_77] : memref<10240x64xf32, #tpu.memory_space<vmem_shared>> -> memref<128x64xf32, #tpu.memory_space<vmem_shared>>
      %dma_start3A_79 = arith.constant 0 : i32
      %dma_start3A_80 = tpu.memref_slice %arg13[%add3A_6, %dma_start3A_79] : memref<10240x64xf32, #tpu.memory_space<vmem_shared>> -> memref<128x64xf32, #tpu.memory_space<vmem_shared>>
      tpu.enqueue_dma source(%arg12 : memref<128x64xf32, #tpu.memory_space<vmem>>) target(%dma_start3A_80 : memref<128x64xf32, #tpu.memory_space<vmem_shared>>) target_semaphore(%run_scoped3A_76 : memref<!tpu.dma_semaphore, #tpu.memory_space<semaphore_mem>>)
      %dma_wait3A_81 = arith.constant 0 : i32
      %dma_wait3A_82 = tpu.memref_slice %arg13[%add3A_6, %dma_wait3A_81] : memref<10240x64xf32, #tpu.memory_space<vmem_shared>> -> memref<128x64xf32, #tpu.memory_space<vmem_shared>>
      %dma_wait3A_83 = arith.constant 0 : i32
      %dma_wait3A_84 = tpu.memref_slice %arg13[%add3A_6, %dma_wait3A_83] : memref<10240x64xf32, #tpu.memory_space<vmem_shared>> -> memref<128x64xf32, #tpu.memory_space<vmem_shared>>
      tpu.wait_dma2 semaphore(%run_scoped3A_76 : memref<!tpu.dma_semaphore, #tpu.memory_space<semaphore_mem>>) src(%arg12 : memref<128x64xf32, #tpu.memory_space<vmem>>) dst(%dma_wait3A_84 : memref<128x64xf32, #tpu.memory_space<vmem_shared>>)
      tpu.yield
    }) : () -> ()
    %mul3A_7 = arith.constant 640 : i32
    %mul3A_8 = arith.muli %arg1, %mul3A_7 : i32
    %add3A_9 = arith.constant 128 : i32
    %add3A_10 = arith.addi %mul3A_8, %add3A_9 : i32
    "tpu.region"() ({
      %run_scoped3A_76 = tpu.sem_alloc : memref<!tpu.dma_semaphore, #tpu.memory_space<semaphore_mem>>
      %dma_start3A_77 = arith.constant 0 : i32
      %dma_start3A_78 = tpu.memref_slice %arg13[%add3A_10, %dma_start3A_77] : memref<10240x64xf32, #tpu.memory_space<vmem_shared>> -> memref<128x64xf32, #tpu.memory_space<vmem_shared>>
      %dma_start3A_79 = arith.constant 0 : i32
      %dma_start3A_80 = tpu.memref_slice %arg13[%add3A_10, %dma_start3A_79] : memref<10240x64xf32, #tpu.memory_space<vmem_shared>> -> memref<128x64xf32, #tpu.memory_space<vmem_shared>>
      tpu.enqueue_dma source(%arg12 : memref<128x64xf32, #tpu.memory_space<vmem>>) target(%dma_start3A_80 : memref<128x64xf32, #tpu.memory_space<vmem_shared>>) target_semaphore(%run_scoped3A_76 : memref<!tpu.dma_semaphore, #tpu.memory_space<semaphore_mem>>)
      %dma_wait3A_81 = arith.constant 0 : i32
      %dma_wait3A_82 = tpu.memref_slice %arg13[%add3A_10, %dma_wait3A_81] : memref<10240x64xf32, #tpu.memory_space<vmem_shared>> -> memref<128x64xf32, #tpu.memory_space<vmem_shared>>
      %dma_wait3A_83 = arith.constant 0 : i32
      %dma_wait3A_84 = tpu.memref_slice %arg13[%add3A_10, %dma_wait3A_83] : memref<10240x64xf32, #tpu.memory_space<vmem_shared>> -> memref<128x64xf32, #tpu.memory_space<vmem_shared>>
      tpu.wait_dma2 semaphore(%run_scoped3A_76 : memref<!tpu.dma_semaphore, #tpu.memory_space<semaphore_mem>>) src(%arg12 : memref<128x64xf32, #tpu.memory_space<vmem>>) dst(%dma_wait3A_84 : memref<128x64xf32, #tpu.memory_space<vmem_shared>>)
      tpu.yield
    }) : () -> ()
    %mul3A_11 = arith.constant 640 : i32
    %mul3A_12 = arith.muli %arg1, %mul3A_11 : i32
    %add3A_13 = arith.constant 256 : i32
    %add3A_14 = arith.addi %mul3A_12, %add3A_13 : i32
    "tpu.region"() ({
      %run_scoped3A_76 = tpu.sem_alloc : memref<!tpu.dma_semaphore, #tpu.memory_space<semaphore_mem>>
      %dma_start3A_77 = arith.constant 0 : i32
      %dma_start3A_78 = tpu.memref_slice %arg13[%add3A_14, %dma_start3A_77] : memref<10240x64xf32, #tpu.memory_space<vmem_shared>> -> memref<128x64xf32, #tpu.memory_space<vmem_shared>>
      %dma_start3A_79 = arith.constant 0 : i32
      %dma_start3A_80 = tpu.memref_slice %arg13[%add3A_14, %dma_start3A_79] : memref<10240x64xf32, #tpu.memory_space<vmem_shared>> -> memref<128x64xf32, #tpu.memory_space<vmem_shared>>
      tpu.enqueue_dma source(%arg12 : memref<128x64xf32, #tpu.memory_space<vmem>>) target(%dma_start3A_80 : memref<128x64xf32, #tpu.memory_space<vmem_shared>>) target_semaphore(%run_scoped3A_76 : memref<!tpu.dma_semaphore, #tpu.memory_space<semaphore_mem>>)
      %dma_wait3A_81 = arith.constant 0 : i32
      %dma_wait3A_82 = tpu.memref_slice %arg13[%add3A_14, %dma_wait3A_81] : memref<10240x64xf32, #tpu.memory_space<vmem_shared>> -> memref<128x64xf32, #tpu.memory_space<vmem_shared>>
      %dma_wait3A_83 = arith.constant 0 : i32
      %dma_wait3A_84 = tpu.memref_slice %arg13[%add3A_14, %dma_wait3A_83] : memref<10240x64xf32, #tpu.memory_space<vmem_shared>> -> memref<128x64xf32, #tpu.memory_space<vmem_shared>>
      tpu.wait_dma2 semaphore(%run_scoped3A_76 : memref<!tpu.dma_semaphore, #tpu.memory_space<semaphore_mem>>) src(%arg12 : memref<128x64xf32, #tpu.memory_space<vmem>>) dst(%dma_wait3A_84 : memref<128x64xf32, #tpu.memory_space<vmem_shared>>)
      tpu.yield
    }) : () -> ()
    %mul3A_15 = arith.constant 640 : i32
    %mul3A_16 = arith.muli %arg1, %mul3A_15 : i32
    %add3A_17 = arith.constant 384 : i32
    %add3A_18 = arith.addi %mul3A_16, %add3A_17 : i32
    "tpu.region"() ({
      %run_scoped3A_76 = tpu.sem_alloc : memref<!tpu.dma_semaphore, #tpu.memory_space<semaphore_mem>>
      %dma_start3A_77 = arith.constant 0 : i32
      %dma_start3A_78 = tpu.memref_slice %arg13[%add3A_18, %dma_start3A_77] : memref<10240x64xf32, #tpu.memory_space<vmem_shared>> -> memref<128x64xf32, #tpu.memory_space<vmem_shared>>
      %dma_start3A_79 = arith.constant 0 : i32
      %dma_start3A_80 = tpu.memref_slice %arg13[%add3A_18, %dma_start3A_79] : memref<10240x64xf32, #tpu.memory_space<vmem_shared>> -> memref<128x64xf32, #tpu.memory_space<vmem_shared>>
      tpu.enqueue_dma source(%arg12 : memref<128x64xf32, #tpu.memory_space<vmem>>) target(%dma_start3A_80 : memref<128x64xf32, #tpu.memory_space<vmem_shared>>) target_semaphore(%run_scoped3A_76 : memref<!tpu.dma_semaphore, #tpu.memory_space<semaphore_mem>>)
      %dma_wait3A_81 = arith.constant 0 : i32
      %dma_wait3A_82 = tpu.memref_slice %arg13[%add3A_18, %dma_wait3A_81] : memref<10240x64xf32, #tpu.memory_space<vmem_shared>> -> memref<128x64xf32, #tpu.memory_space<vmem_shared>>
      %dma_wait3A_83 = arith.constant 0 : i32
      %dma_wait3A_84 = tpu.memref_slice %arg13[%add3A_18, %dma_wait3A_83] : memref<10240x64xf32, #tpu.memory_space<vmem_shared>> -> memref<128x64xf32, #tpu.memory_space<vmem_shared>>
      tpu.wait_dma2 semaphore(%run_scoped3A_76 : memref<!tpu.dma_semaphore, #tpu.memory_space<semaphore_mem>>) src(%arg12 : memref<128x64xf32, #tpu.memory_space<vmem>>) dst(%dma_wait3A_84 : memref<128x64xf32, #tpu.memory_space<vmem_shared>>)
      tpu.yield
    }) : () -> ()
    %mul3A_19 = arith.constant 640 : i32
    %mul3A_20 = arith.muli %arg1, %mul3A_19 : i32
    %add3A_21 = arith.constant 512 : i32
    %add3A_22 = arith.addi %mul3A_20, %add3A_21 : i32
    "tpu.region"() ({
      %run_scoped3A_76 = tpu.sem_alloc : memref<!tpu.dma_semaphore, #tpu.memory_space<semaphore_mem>>
      %dma_start3A_77 = arith.constant 0 : i32
      %dma_start3A_78 = tpu.memref_slice %arg13[%add3A_22, %dma_start3A_77] : memref<10240x64xf32, #tpu.memory_space<vmem_shared>> -> memref<128x64xf32, #tpu.memory_space<vmem_shared>>
      %dma_start3A_79 = arith.constant 0 : i32
      %dma_start3A_80 = tpu.memref_slice %arg13[%add3A_22, %dma_start3A_79] : memref<10240x64xf32, #tpu.memory_space<vmem_shared>> -> memref<128x64xf32, #tpu.memory_space<vmem_shared>>
      tpu.enqueue_dma source(%arg12 : memref<128x64xf32, #tpu.memory_space<vmem>>) target(%dma_start3A_80 : memref<128x64xf32, #tpu.memory_space<vmem_shared>>) target_semaphore(%run_scoped3A_76 : memref<!tpu.dma_semaphore, #tpu.memory_space<semaphore_mem>>)
      %dma_wait3A_81 = arith.constant 0 : i32
      %dma_wait3A_82 = tpu.memref_slice %arg13[%add3A_22, %dma_wait3A_81] : memref<10240x64xf32, #tpu.memory_space<vmem_shared>> -> memref<128x64xf32, #tpu.memory_space<vmem_shared>>
      %dma_wait3A_83 = arith.constant 0 : i32
      %dma_wait3A_84 = tpu.memref_slice %arg13[%add3A_22, %dma_wait3A_83] : memref<10240x64xf32, #tpu.memory_space<vmem_shared>> -> memref<128x64xf32, #tpu.memory_space<vmem_shared>>
      tpu.wait_dma2 semaphore(%run_scoped3A_76 : memref<!tpu.dma_semaphore, #tpu.memory_space<semaphore_mem>>) src(%arg12 : memref<128x64xf32, #tpu.memory_space<vmem>>) dst(%dma_wait3A_84 : memref<128x64xf32, #tpu.memory_space<vmem_shared>>)
      tpu.yield
    }) : () -> ()
    %barrier3A = arith.constant 0 : index
    tpu.barrier barrier_id(%barrier3A)
    %dma_start3A = arith.constant 0 : i32
    %dma_start3A_23 = arith.constant 0 : i32
    %dma_start3A_24 = tpu.memref_slice %arg7[%dma_start3A, %dma_start3A_23] : memref<250x80xi32, #tpu.memory_space<vmem>> -> memref<1x80xi32, #tpu.memory_space<vmem>>
    %dma_start3A_25 = tpu.memref_squeeze %dma_start3A_24 : memref<1x80xi32, #tpu.memory_space<vmem>> -> memref<80xi32, #tpu.memory_space<vmem>>
    %dma_start3A_26 = arith.constant 0 : i32
    %dma_start3A_27 = arith.constant 0 : i32
    %dma_start3A_28 = tpu.memref_slice %arg5[%dma_start3A_26, %dma_start3A_27] : memref<20000x64xf32, #tpu.memory_space<hbm>> -> memref<20000x64xf32, #tpu.memory_space<hbm>>
    tpu.enqueue_indirect_dma source(%dma_start3A_28 : memref<20000x64xf32, #tpu.memory_space<hbm>>) target(%arg10 : memref<80x64xf32, #tpu.memory_space<vmem>>) offsets(%dma_start3A_25 : memref<80xi32, #tpu.memory_space<vmem>>) semaphore(%arg14 : memref<!tpu.dma_semaphore, #tpu.memory_space<semaphore_mem>>)
    %scan3A_29 = arith.constant 0 : i32
    %scan3A_30 = arith.constant 0 : i32
    %scan3A_31 = arith.constant 124 : i32
    %scan3A_32 = arith.addi %scan3A_30, %scan3A_31 : i32
    %scan3A_33 = arith.constant 1 : i32
    scf.for %scan3A_76 = %scan3A_30 to %scan3A_32 step %scan3A_33  : i32 {
      %mul3A_77 = arith.constant 2 : i32
      %mul3A_78 = arith.muli %mul3A_77, %scan3A_76 : i32
      %dma_wait3A_79 = arith.constant 0 : i32
      %dma_wait3A_80 = tpu.memref_slice %arg7[%mul3A_78, %dma_wait3A_79] : memref<250x80xi32, #tpu.memory_space<vmem>> -> memref<1x80xi32, #tpu.memory_space<vmem>>
      %dma_wait3A_81 = tpu.memref_squeeze %dma_wait3A_80 : memref<1x80xi32, #tpu.memory_space<vmem>> -> memref<80xi32, #tpu.memory_space<vmem>>
      %dma_wait3A_82 = arith.constant 0 : i32
      %dma_wait3A_83 = arith.constant 0 : i32
      %dma_wait3A_84 = tpu.memref_slice %arg5[%dma_wait3A_82, %dma_wait3A_83] : memref<20000x64xf32, #tpu.memory_space<hbm>> -> memref<20000x64xf32, #tpu.memory_space<hbm>>
      tpu.wait_indirect_dma semaphore(%arg14 : memref<!tpu.dma_semaphore, #tpu.memory_space<semaphore_mem>>) src(%dma_wait3A_84 : memref<20000x64xf32, #tpu.memory_space<hbm>>) dst(%arg10 : memref<80x64xf32, #tpu.memory_space<vmem>>)
      %add3A_85 = arith.constant 1 : i32
      %add3A_86 = arith.addi %mul3A_78, %add3A_85 : i32
      %dma_start3A_87 = arith.constant 0 : i32
      %dma_start3A_88 = tpu.memref_slice %arg7[%add3A_86, %dma_start3A_87] : memref<250x80xi32, #tpu.memory_space<vmem>> -> memref<1x80xi32, #tpu.memory_space<vmem>>
      %dma_start3A_89 = tpu.memref_squeeze %dma_start3A_88 : memref<1x80xi32, #tpu.memory_space<vmem>> -> memref<80xi32, #tpu.memory_space<vmem>>
      %dma_start3A_90 = arith.constant 0 : i32
      %dma_start3A_91 = arith.constant 0 : i32
      %dma_start3A_92 = tpu.memref_slice %arg5[%dma_start3A_90, %dma_start3A_91] : memref<20000x64xf32, #tpu.memory_space<hbm>> -> memref<20000x64xf32, #tpu.memory_space<hbm>>
      tpu.enqueue_indirect_dma source(%dma_start3A_92 : memref<20000x64xf32, #tpu.memory_space<hbm>>) target(%arg11 : memref<80x64xf32, #tpu.memory_space<vmem>>) offsets(%dma_start3A_89 : memref<80xi32, #tpu.memory_space<vmem>>) semaphore(%arg15 : memref<!tpu.dma_semaphore, #tpu.memory_space<semaphore_mem>>)
      %scan3A_93 = arith.constant 0 : i32
      %scan3A_94 = arith.constant 0 : i32
      %scan3A_95 = arith.constant 5 : i32
      %scan3A_96 = arith.addi %scan3A_94, %scan3A_95 : i32
      %scan3A_97 = arith.constant 1 : i32
      scf.for %scan3A_123 = %scan3A_94 to %scan3A_96 step %scan3A_97  : i32 {
        %mul3A_124 = arith.constant 16 : i32
        %mul3A_125 = arith.muli %scan3A_123, %mul3A_124 : i32
        %get3A = arith.index_cast %mul3A_78 : i32 to index
        %get3A_126 = arith.index_cast %mul3A_125 : i32 to index
        %get3A_127 = tpu.vector_load %arg9[%get3A, %get3A_126] {strides = array<i32>} : memref<250x80xf32, #tpu.memory_space<vmem>>, vector<1x16xf32>,
        %get3A_128 = vector.shape_cast %get3A_127 : vector<1x16xf32> to vector<16xf32>
        %mul3A_129 = arith.constant 16 : i32
        %mul3A_130 = arith.muli %scan3A_123, %mul3A_129 : i32
        %add3A_131 = arith.constant 0 : i32
        %add3A_132 = arith.addi %mul3A_130, %add3A_131 : i32
        %broadcast_in_dim3A = arith.constant 0 : i32
        %broadcast_in_dim3A_133 = vector.broadcast %broadcast_in_dim3A : i32 to vector<16x1xi32>
        %gather3A = vector.shape_cast %broadcast_in_dim3A_133 : vector<16x1xi32> to vector<16xi32>
        %gather3A_134 = tpu.dynamic_gather %get3A_128[%gather3A] in [0] : vector<16xf32>, vector<16xi32> -> vector<16xf32>
        %get3A_135 = arith.index_cast %add3A_132 : i32 to index
        %get3A_136 = arith.constant 0 : index
        %get3A_137 = tpu.vector_load %arg10[%get3A_135, %get3A_136] {strides = array<i32>} : memref<80x64xf32, #tpu.memory_space<vmem>>, vector<1x16xf32>,
        %get3A_138 = vector.shape_cast %get3A_137 : vector<1x16xf32> to vector<16xf32>
        %mul3A_139 = arith.mulf %get3A_138, %gather3A_134 : vector<16xf32>
        %swap3A = arith.index_cast %add3A_132 : i32 to index
        %swap3A_140 = arith.constant 0 : index
        %swap3A_141 = tpu.vector_load %arg10[%swap3A, %swap3A_140] {strides = array<i32>} : memref<80x64xf32, #tpu.memory_space<vmem>>, vector<1x16xf32>,
        %swap3A_142 = vector.shape_cast %swap3A_141 : vector<1x16xf32> to vector<16xf32>
        %swap3A_143 = vector.shape_cast %mul3A_139 : vector<16xf32> to vector<1x16xf32>
        tpu.vector_store %arg10[%swap3A, %swap3A_140], %swap3A_143 {strides = array<i32>} : memref<80x64xf32, #tpu.memory_space<vmem>>, vector<1x16xf32>,
        %get3A_144 = arith.index_cast %add3A_132 : i32 to index
        %get3A_145 = arith.constant 16 : index
        %get3A_146 = tpu.vector_load %arg10[%get3A_144, %get3A_145] {strides = array<i32>} : memref<80x64xf32, #tpu.memory_space<vmem>>, vector<1x16xf32>,
        %get3A_147 = vector.shape_cast %get3A_146 : vector<1x16xf32> to vector<16xf32>
        %mul3A_148 = arith.mulf %get3A_147, %gather3A_134 : vector<16xf32>
        %swap3A_149 = arith.index_cast %add3A_132 : i32 to index
        %swap3A_150 = arith.constant 16 : index
        %swap3A_151 = tpu.vector_load %arg10[%swap3A_149, %swap3A_150] {strides = array<i32>} : memref<80x64xf32, #tpu.memory_space<vmem>>, vector<1x16xf32>,
        %swap3A_152 = vector.shape_cast %swap3A_151 : vector<1x16xf32> to vector<16xf32>
        %swap3A_153 = vector.shape_cast %mul3A_148 : vector<16xf32> to vector<1x16xf32>
        tpu.vector_store %arg10[%swap3A_149, %swap3A_150], %swap3A_153 {strides = array<i32>} : memref<80x64xf32, #tpu.memory_space<vmem>>, vector<1x16xf32>,
        %get3A_154 = arith.index_cast %add3A_132 : i32 to index
        %get3A_155 = arith.constant 32 : index
        %get3A_156 = tpu.vector_load %arg10[%get3A_154, %get3A_155] {strides = array<i32>} : memref<80x64xf32, #tpu.memory_space<vmem>>, vector<1x16xf32>,
        %get3A_157 = vector.shape_cast %get3A_156 : vector<1x16xf32> to vector<16xf32>
        %mul3A_158 = arith.mulf %get3A_157, %gather3A_134 : vector<16xf32>
        %swap3A_159 = arith.index_cast %add3A_132 : i32 to index
        %swap3A_160 = arith.constant 32 : index
        %swap3A_161 = tpu.vector_load %arg10[%swap3A_159, %swap3A_160] {strides = array<i32>} : memref<80x64xf32, #tpu.memory_space<vmem>>, vector<1x16xf32>,
        %swap3A_162 = vector.shape_cast %swap3A_161 : vector<1x16xf32> to vector<16xf32>
        %swap3A_163 = vector.shape_cast %mul3A_158 : vector<16xf32> to vector<1x16xf32>
        tpu.vector_store %arg10[%swap3A_159, %swap3A_160], %swap3A_163 {strides = array<i32>} : memref<80x64xf32, #tpu.memory_space<vmem>>, vector<1x16xf32>,
        %get3A_164 = arith.index_cast %add3A_132 : i32 to index
        %get3A_165 = arith.constant 48 : index
        %get3A_166 = tpu.vector_load %arg10[%get3A_164, %get3A_165] {strides = array<i32>} : memref<80x64xf32, #tpu.memory_space<vmem>>, vector<1x16xf32>,
        %get3A_167 = vector.shape_cast %get3A_166 : vector<1x16xf32> to vector<16xf32>
        %mul3A_168 = arith.mulf %get3A_167, %gather3A_134 : vector<16xf32>
        %swap3A_169 = arith.index_cast %add3A_132 : i32 to index
        %swap3A_170 = arith.constant 48 : index
        %swap3A_171 = tpu.vector_load %arg10[%swap3A_169, %swap3A_170] {strides = array<i32>} : memref<80x64xf32, #tpu.memory_space<vmem>>, vector<1x16xf32>,
        %swap3A_172 = vector.shape_cast %swap3A_171 : vector<1x16xf32> to vector<16xf32>
        %swap3A_173 = vector.shape_cast %mul3A_168 : vector<16xf32> to vector<1x16xf32>
        tpu.vector_store %arg10[%swap3A_169, %swap3A_170], %swap3A_173 {strides = array<i32>} : memref<80x64xf32, #tpu.memory_space<vmem>>, vector<1x16xf32>,
        %mul3A_174 = arith.constant 16 : i32
        %mul3A_175 = arith.muli %scan3A_123, %mul3A_174 : i32
        %add3A_176 = arith.constant 1 : i32
        %add3A_177 = arith.addi %mul3A_175, %add3A_176 : i32
        %broadcast_in_dim3A_178 = arith.constant 1 : i32
        %broadcast_in_dim3A_179 = vector.broadcast %broadcast_in_dim3A_178 : i32 to vector<16x1xi32>
        %gather3A_180 = vector.shape_cast %broadcast_in_dim3A_179 : vector<16x1xi32> to vector<16xi32>
        %gather3A_181 = tpu.dynamic_gather %get3A_128[%gather3A_180] in [0] : vector<16xf32>, vector<16xi32> -> vector<16xf32>
        %get3A_182 = arith.index_cast %add3A_177 : i32 to index
        %get3A_183 = arith.constant 0 : index
        %get3A_184 = tpu.vector_load %arg10[%get3A_182, %get3A_183] {strides = array<i32>} : memref<80x64xf32, #tpu.memory_space<vmem>>, vector<1x16xf32>,
        %get3A_185 = vector.shape_cast %get3A_184 : vector<1x16xf32> to vector<16xf32>
        %mul3A_186 = arith.mulf %get3A_185, %gather3A_181 : vector<16xf32>
        %swap3A_187 = arith.index_cast %add3A_177 : i32 to index
        %swap3A_188 = arith.constant 0 : index
        %swap3A_189 = tpu.vector_load %arg10[%swap3A_187, %swap3A_188] {strides = array<i32>} : memref<80x64xf32, #tpu.memory_space<vmem>>, vector<1x16xf32>,
        %swap3A_190 = vector.shape_cast %swap3A_189 : vector<1x16xf32> to vector<16xf32>
        %swap3A_191 = vector.shape_cast %mul3A_186 : vector<16xf32> to vector<1x16xf32>
        tpu.vector_store %arg10[%swap3A_187, %swap3A_188], %swap3A_191 {strides = array<i32>} : memref<80x64xf32, #tpu.memory_space<vmem>>, vector<1x16xf32>,
        %get3A_192 = arith.index_cast %add3A_177 : i32 to index
        %get3A_193 = arith.constant 16 : index
        %get3A_194 = tpu.vector_load %arg10[%get3A_192, %get3A_193] {strides = array<i32>} : memref<80x64xf32, #tpu.memory_space<vmem>>, vector<1x16xf32>,
        %get3A_195 = vector.shape_cast %get3A_194 : vector<1x16xf32> to vector<16xf32>
        %mul3A_196 = arith.mulf %get3A_195, %gather3A_181 : vector<16xf32>
        %swap3A_197 = arith.index_cast %add3A_177 : i32 to index
        %swap3A_198 = arith.constant 16 : index
        %swap3A_199 = tpu.vector_load %arg10[%swap3A_197, %swap3A_198] {strides = array<i32>} : memref<80x64xf32, #tpu.memory_space<vmem>>, vector<1x16xf32>,
        %swap3A_200 = vector.shape_cast %swap3A_199 : vector<1x16xf32> to vector<16xf32>
        %swap3A_201 = vector.shape_cast %mul3A_196 : vector<16xf32> to vector<1x16xf32>
        tpu.vector_store %arg10[%swap3A_197, %swap3A_198], %swap3A_201 {strides = array<i32>} : memref<80x64xf32, #tpu.memory_space<vmem>>, vector<1x16xf32>,
        %get3A_202 = arith.index_cast %add3A_177 : i32 to index
        %get3A_203 = arith.constant 32 : index
        %get3A_204 = tpu.vector_load %arg10[%get3A_202, %get3A_203] {strides = array<i32>} : memref<80x64xf32, #tpu.memory_space<vmem>>, vector<1x16xf32>,
        %get3A_205 = vector.shape_cast %get3A_204 : vector<1x16xf32> to vector<16xf32>
        %mul3A_206 = arith.mulf %get3A_205, %gather3A_181 : vector<16xf32>
        %swap3A_207 = arith.index_cast %add3A_177 : i32 to index
        %swap3A_208 = arith.constant 32 : index
        %swap3A_209 = tpu.vector_load %arg10[%swap3A_207, %swap3A_208] {strides = array<i32>} : memref<80x64xf32, #tpu.memory_space<vmem>>, vector<1x16xf32>,
        %swap3A_210 = vector.shape_cast %swap3A_209 : vector<1x16xf32> to vector<16xf32>
        %swap3A_211 = vector.shape_cast %mul3A_206 : vector<16xf32> to vector<1x16xf32>
        tpu.vector_store %arg10[%swap3A_207, %swap3A_208], %swap3A_211 {strides = array<i32>} : memref<80x64xf32, #tpu.memory_space<vmem>>, vector<1x16xf32>,
        %get3A_212 = arith.index_cast %add3A_177 : i32 to index
        %get3A_213 = arith.constant 48 : index
        %get3A_214 = tpu.vector_load %arg10[%get3A_212, %get3A_213] {strides = array<i32>} : memref<80x64xf32, #tpu.memory_space<vmem>>, vector<1x16xf32>,
        %get3A_215 = vector.shape_cast %get3A_214 : vector<1x16xf32> to vector<16xf32>
        %mul3A_216 = arith.mulf %get3A_215, %gather3A_181 : vector<16xf32>
        %swap3A_217 = arith.index_cast %add3A_177 : i32 to index
        %swap3A_218 = arith.constant 48 : index
        %swap3A_219 = tpu.vector_load %arg10[%swap3A_217, %swap3A_218] {strides = array<i32>} : memref<80x64xf32, #tpu.memory_space<vmem>>, vector<1x16xf32>,
        %swap3A_220 = vector.shape_cast %swap3A_219 : vector<1x16xf32> to vector<16xf32>
        %swap3A_221 = vector.shape_cast %mul3A_216 : vector<16xf32> to vector<1x16xf32>
        tpu.vector_store %arg10[%swap3A_217, %swap3A_218], %swap3A_221 {strides = array<i32>} : memref<80x64xf32, #tpu.memory_space<vmem>>, vector<1x16xf32>,
        %mul3A_222 = arith.constant 16 : i32
        %mul3A_223 = arith.muli %scan3A_123, %mul3A_222 : i32
        %add3A_224 = arith.constant 2 : i32
        %add3A_225 = arith.addi %mul3A_223, %add3A_224 : i32
        %broadcast_in_dim3A_226 = arith.constant 2 : i32
        %broadcast_in_dim3A_227 = vector.broadcast %broadcast_in_dim3A_226 : i32 to vector<16x1xi32>
        %gather3A_228 = vector.shape_cast %broadcast_in_dim3A_227 : vector<16x1xi32> to vector<16xi32>
        %gather3A_229 = tpu.dynamic_gather %get3A_128[%gather3A_228] in [0] : vector<16xf32>, vector<16xi32> -> vector<16xf32>
        %get3A_230 = arith.index_cast %add3A_225 : i32 to index
        %get3A_231 = arith.constant 0 : index
        %get3A_232 = tpu.vector_load %arg10[%get3A_230, %get3A_231] {strides = array<i32>} : memref<80x64xf32, #tpu.memory_space<vmem>>, vector<1x16xf32>,
        %get3A_233 = vector.shape_cast %get3A_232 : vector<1x16xf32> to vector<16xf32>
        %mul3A_234 = arith.mulf %get3A_233, %gather3A_229 : vector<16xf32>
        %swap3A_235 = arith.index_cast %add3A_225 : i32 to index
        %swap3A_236 = arith.constant 0 : index
        %swap3A_237 = tpu.vector_load %arg10[%swap3A_235, %swap3A_236] {strides = array<i32>} : memref<80x64xf32, #tpu.memory_space<vmem>>, vector<1x16xf32>,
        %swap3A_238 = vector.shape_cast %swap3A_237 : vector<1x16xf32> to vector<16xf32>
        %swap3A_239 = vector.shape_cast %mul3A_234 : vector<16xf32> to vector<1x16xf32>
        tpu.vector_store %arg10[%swap3A_235, %swap3A_236], %swap3A_239 {strides = array<i32>} : memref<80x64xf32, #tpu.memory_space<vmem>>, vector<1x16xf32>,
        %get3A_240 = arith.index_cast %add3A_225 : i32 to index
        %get3A_241 = arith.constant 16 : index
        %get3A_242 = tpu.vector_load %arg10[%get3A_240, %get3A_241] {strides = array<i32>} : memref<80x64xf32, #tpu.memory_space<vmem>>, vector<1x16xf32>,
        %get3A_243 = vector.shape_cast %get3A_242 : vector<1x16xf32> to vector<16xf32>
        %mul3A_244 = arith.mulf %get3A_243, %gather3A_229 : vector<16xf32>
        %swap3A_245 = arith.index_cast %add3A_225 : i32 to index
        %swap3A_246 = arith.constant 16 : index
        %swap3A_247 = tpu.vector_load %arg10[%swap3A_245, %swap3A_246] {strides = array<i32>} : memref<80x64xf32, #tpu.memory_space<vmem>>, vector<1x16xf32>,
        %swap3A_248 = vector.shape_cast %swap3A_247 : vector<1x16xf32> to vector<16xf32>
        %swap3A_249 = vector.shape_cast %mul3A_244 : vector<16xf32> to vector<1x16xf32>
        tpu.vector_store %arg10[%swap3A_245, %swap3A_246], %swap3A_249 {strides = array<i32>} : memref<80x64xf32, #tpu.memory_space<vmem>>, vector<1x16xf32>,
        %get3A_250 = arith.index_cast %add3A_225 : i32 to index
        %get3A_251 = arith.constant 32 : index
        %get3A_252 = tpu.vector_load %arg10[%get3A_250, %get3A_251] {strides = array<i32>} : memref<80x64xf32, #tpu.memory_space<vmem>>, vector<1x16xf32>,
        %get3A_253 = vector.shape_cast %get3A_252 : vector<1x16xf32> to vector<16xf32>
        %mul3A_254 = arith.mulf %get3A_253, %gather3A_229 : vector<16xf32>
        %swap3A_255 = arith.index_cast %add3A_225 : i32 to index
        %swap3A_256 = arith.constant 32 : index
        %swap3A_257 = tpu.vector_load %arg10[%swap3A_255, %swap3A_256] {strides = array<i32>} : memref<80x64xf32, #tpu.memory_space<vmem>>, vector<1x16xf32>,
        %swap3A_258 = vector.shape_cast %swap3A_257 : vector<1x16xf32> to vector<16xf32>
        %swap3A_259 = vector.shape_cast %mul3A_254 : vector<16xf32> to vector<1x16xf32>
        tpu.vector_store %arg10[%swap3A_255, %swap3A_256], %swap3A_259 {strides = array<i32>} : memref<80x64xf32, #tpu.memory_space<vmem>>, vector<1x16xf32>,
        %get3A_260 = arith.index_cast %add3A_225 : i32 to index
        %get3A_261 = arith.constant 48 : index
        %get3A_262 = tpu.vector_load %arg10[%get3A_260, %get3A_261] {strides = array<i32>} : memref<80x64xf32, #tpu.memory_space<vmem>>, vector<1x16xf32>,
        %get3A_263 = vector.shape_cast %get3A_262 : vector<1x16xf32> to vector<16xf32>
        %mul3A_264 = arith.mulf %get3A_263, %gather3A_229 : vector<16xf32>
        %swap3A_265 = arith.index_cast %add3A_225 : i32 to index
        %swap3A_266 = arith.constant 48 : index
        %swap3A_267 = tpu.vector_load %arg10[%swap3A_265, %swap3A_266] {strides = array<i32>} : memref<80x64xf32, #tpu.memory_space<vmem>>, vector<1x16xf32>,
        %swap3A_268 = vector.shape_cast %swap3A_267 : vector<1x16xf32> to vector<16xf32>
        %swap3A_269 = vector.shape_cast %mul3A_264 : vector<16xf32> to vector<1x16xf32>
        tpu.vector_store %arg10[%swap3A_265, %swap3A_266], %swap3A_269 {strides = array<i32>} : memref<80x64xf32, #tpu.memory_space<vmem>>, vector<1x16xf32>,
        %mul3A_270 = arith.constant 16 : i32
        %mul3A_271 = arith.muli %scan3A_123, %mul3A_270 : i32
        %add3A_272 = arith.constant 3 : i32
        %add3A_273 = arith.addi %mul3A_271, %add3A_272 : i32
        %broadcast_in_dim3A_274 = arith.constant 3 : i32
        %broadcast_in_dim3A_275 = vector.broadcast %broadcast_in_dim3A_274 : i32 to vector<16x1xi32>
        %gather3A_276 = vector.shape_cast %broadcast_in_dim3A_275 : vector<16x1xi32> to vector<16xi32>
        %gather3A_277 = tpu.dynamic_gather %get3A_128[%gather3A_276] in [0] : vector<16xf32>, vector<16xi32> -> vector<16xf32>
        %get3A_278 = arith.index_cast %add3A_273 : i32 to index
        %get3A_279 = arith.constant 0 : index
        %get3A_280 = tpu.vector_load %arg10[%get3A_278, %get3A_279] {strides = array<i32>} : memref<80x64xf32, #tpu.memory_space<vmem>>, vector<1x16xf32>,
        %get3A_281 = vector.shape_cast %get3A_280 : vector<1x16xf32> to vector<16xf32>
        %mul3A_282 = arith.mulf %get3A_281, %gather3A_277 : vector<16xf32>
        %swap3A_283 = arith.index_cast %add3A_273 : i32 to index
        %swap3A_284 = arith.constant 0 : index
        %swap3A_285 = tpu.vector_load %arg10[%swap3A_283, %swap3A_284] {strides = array<i32>} : memref<80x64xf32, #tpu.memory_space<vmem>>, vector<1x16xf32>,
        %swap3A_286 = vector.shape_cast %swap3A_285 : vector<1x16xf32> to vector<16xf32>
        %swap3A_287 = vector.shape_cast %mul3A_282 : vector<16xf32> to vector<1x16xf32>
        tpu.vector_store %arg10[%swap3A_283, %swap3A_284], %swap3A_287 {strides = array<i32>} : memref<80x64xf32, #tpu.memory_space<vmem>>, vector<1x16xf32>,
        %get3A_288 = arith.index_cast %add3A_273 : i32 to index
        %get3A_289 = arith.constant 16 : index
        %get3A_290 = tpu.vector_load %arg10[%get3A_288, %get3A_289] {strides = array<i32>} : memref<80x64xf32, #tpu.memory_space<vmem>>, vector<1x16xf32>,
        %get3A_291 = vector.shape_cast %get3A_290 : vector<1x16xf32> to vector<16xf32>
        %mul3A_292 = arith.mulf %get3A_291, %gather3A_277 : vector<16xf32>
        %swap3A_293 = arith.index_cast %add3A_273 : i32 to index
        %swap3A_294 = arith.constant 16 : index
        %swap3A_295 = tpu.vector_load %arg10[%swap3A_293, %swap3A_294] {strides = array<i32>} : memref<80x64xf32, #tpu.memory_space<vmem>>, vector<1x16xf32>,
        %swap3A_296 = vector.shape_cast %swap3A_295 : vector<1x16xf32> to vector<16xf32>
        %swap3A_297 = vector.shape_cast %mul3A_292 : vector<16xf32> to vector<1x16xf32>
        tpu.vector_store %arg10[%swap3A_293, %swap3A_294], %swap3A_297 {strides = array<i32>} : memref<80x64xf32, #tpu.memory_space<vmem>>, vector<1x16xf32>,
        %get3A_298 = arith.index_cast %add3A_273 : i32 to index
        %get3A_299 = arith.constant 32 : index
        %get3A_300 = tpu.vector_load %arg10[%get3A_298, %get3A_299] {strides = array<i32>} : memref<80x64xf32, #tpu.memory_space<vmem>>, vector<1x16xf32>,
        %get3A_301 = vector.shape_cast %get3A_300 : vector<1x16xf32> to vector<16xf32>
        %mul3A_302 = arith.mulf %get3A_301, %gather3A_277 : vector<16xf32>
        %swap3A_303 = arith.index_cast %add3A_273 : i32 to index
        %swap3A_304 = arith.constant 32 : index
        %swap3A_305 = tpu.vector_load %arg10[%swap3A_303, %swap3A_304] {strides = array<i32>} : memref<80x64xf32, #tpu.memory_space<vmem>>, vector<1x16xf32>,
        %swap3A_306 = vector.shape_cast %swap3A_305 : vector<1x16xf32> to vector<16xf32>
        %swap3A_307 = vector.shape_cast %mul3A_302 : vector<16xf32> to vector<1x16xf32>
        tpu.vector_store %arg10[%swap3A_303, %swap3A_304], %swap3A_307 {strides = array<i32>} : memref<80x64xf32, #tpu.memory_space<vmem>>, vector<1x16xf32>,
        %get3A_308 = arith.index_cast %add3A_273 : i32 to index
        %get3A_309 = arith.constant 48 : index
        %get3A_310 = tpu.vector_load %arg10[%get3A_308, %get3A_309] {strides = array<i32>} : memref<80x64xf32, #tpu.memory_space<vmem>>, vector<1x16xf32>,
        %get3A_311 = vector.shape_cast %get3A_310 : vector<1x16xf32> to vector<16xf32>
        %mul3A_312 = arith.mulf %get3A_311, %gather3A_277 : vector<16xf32>
        %swap3A_313 = arith.index_cast %add3A_273 : i32 to index
        %swap3A_314 = arith.constant 48 : index
        %swap3A_315 = tpu.vector_load %arg10[%swap3A_313, %swap3A_314] {strides = array<i32>} : memref<80x64xf32, #tpu.memory_space<vmem>>, vector<1x16xf32>,
        %swap3A_316 = vector.shape_cast %swap3A_315 : vector<1x16xf32> to vector<16xf32>
        %swap3A_317 = vector.shape_cast %mul3A_312 : vector<16xf32> to vector<1x16xf32>
        tpu.vector_store %arg10[%swap3A_313, %swap3A_314], %swap3A_317 {strides = array<i32>} : memref<80x64xf32, #tpu.memory_space<vmem>>, vector<1x16xf32>,
        %mul3A_318 = arith.constant 16 : i32
        %mul3A_319 = arith.muli %scan3A_123, %mul3A_318 : i32
        %add3A_320 = arith.constant 4 : i32
        %add3A_321 = arith.addi %mul3A_319, %add3A_320 : i32
        %broadcast_in_dim3A_322 = arith.constant 4 : i32
        %broadcast_in_dim3A_323 = vector.broadcast %broadcast_in_dim3A_322 : i32 to vector<16x1xi32>
        %gather3A_324 = vector.shape_cast %broadcast_in_dim3A_323 : vector<16x1xi32> to vector<16xi32>
        %gather3A_325 = tpu.dynamic_gather %get3A_128[%gather3A_324] in [0] : vector<16xf32>, vector<16xi32> -> vector<16xf32>
        %get3A_326 = arith.index_cast %add3A_321 : i32 to index
        %get3A_327 = arith.constant 0 : index
        %get3A_328 = tpu.vector_load %arg10[%get3A_326, %get3A_327] {strides = array<i32>} : memref<80x64xf32, #tpu.memory_space<vmem>>, vector<1x16xf32>,
        %get3A_329 = vector.shape_cast %get3A_328 : vector<1x16xf32> to vector<16xf32>
        %mul3A_330 = arith.mulf %get3A_329, %gather3A_325 : vector<16xf32>
        %swap3A_331 = arith.index_cast %add3A_321 : i32 to index
        %swap3A_332 = arith.constant 0 : index
        %swap3A_333 = tpu.vector_load %arg10[%swap3A_331, %swap3A_332] {strides = array<i32>} : memref<80x64xf32, #tpu.memory_space<vmem>>, vector<1x16xf32>,
        %swap3A_334 = vector.shape_cast %swap3A_333 : vector<1x16xf32> to vector<16xf32>
        %swap3A_335 = vector.shape_cast %mul3A_330 : vector<16xf32> to vector<1x16xf32>
        tpu.vector_store %arg10[%swap3A_331, %swap3A_332], %swap3A_335 {strides = array<i32>} : memref<80x64xf32, #tpu.memory_space<vmem>>, vector<1x16xf32>,
        %get3A_336 = arith.index_cast %add3A_321 : i32 to index
        %get3A_337 = arith.constant 16 : index
        %get3A_338 = tpu.vector_load %arg10[%get3A_336, %get3A_337] {strides = array<i32>} : memref<80x64xf32, #tpu.memory_space<vmem>>, vector<1x16xf32>,
        %get3A_339 = vector.shape_cast %get3A_338 : vector<1x16xf32> to vector<16xf32>
        %mul3A_340 = arith.mulf %get3A_339, %gather3A_325 : vector<16xf32>
        %swap3A_341 = arith.index_cast %add3A_321 : i32 to index
        %swap3A_342 = arith.constant 16 : index
        %swap3A_343 = tpu.vector_load %arg10[%swap3A_341, %swap3A_342] {strides = array<i32>} : memref<80x64xf32, #tpu.memory_space<vmem>>, vector<1x16xf32>,
        %swap3A_344 = vector.shape_cast %swap3A_343 : vector<1x16xf32> to vector<16xf32>
        %swap3A_345 = vector.shape_cast %mul3A_340 : vector<16xf32> to vector<1x16xf32>
        tpu.vector_store %arg10[%swap3A_341, %swap3A_342], %swap3A_345 {strides = array<i32>} : memref<80x64xf32, #tpu.memory_space<vmem>>, vector<1x16xf32>,
        %get3A_346 = arith.index_cast %add3A_321 : i32 to index
        %get3A_347 = arith.constant 32 : index
        %get3A_348 = tpu.vector_load %arg10[%get3A_346, %get3A_347] {strides = array<i32>} : memref<80x64xf32, #tpu.memory_space<vmem>>, vector<1x16xf32>,
        %get3A_349 = vector.shape_cast %get3A_348 : vector<1x16xf32> to vector<16xf32>
        %mul3A_350 = arith.mulf %get3A_349, %gather3A_325 : vector<16xf32>
        %swap3A_351 = arith.index_cast %add3A_321 : i32 to index
        %swap3A_352 = arith.constant 32 : index
        %swap3A_353 = tpu.vector_load %arg10[%swap3A_351, %swap3A_352] {strides = array<i32>} : memref<80x64xf32, #tpu.memory_space<vmem>>, vector<1x16xf32>,
        %swap3A_354 = vector.shape_cast %swap3A_353 : vector<1x16xf32> to vector<16xf32>
        %swap3A_355 = vector.shape_cast %mul3A_350 : vector<16xf32> to vector<1x16xf32>
        tpu.vector_store %arg10[%swap3A_351, %swap3A_352], %swap3A_355 {strides = array<i32>} : memref<80x64xf32, #tpu.memory_space<vmem>>, vector<1x16xf32>,
        %get3A_356 = arith.index_cast %add3A_321 : i32 to index
        %get3A_357 = arith.constant 48 : index
        %get3A_358 = tpu.vector_load %arg10[%get3A_356, %get3A_357] {strides = array<i32>} : memref<80x64xf32, #tpu.memory_space<vmem>>, vector<1x16xf32>,
        %get3A_359 = vector.shape_cast %get3A_358 : vector<1x16xf32> to vector<16xf32>
        %mul3A_360 = arith.mulf %get3A_359, %gather3A_325 : vector<16xf32>
        %swap3A_361 = arith.index_cast %add3A_321 : i32 to index
        %swap3A_362 = arith.constant 48 : index
        %swap3A_363 = tpu.vector_load %arg10[%swap3A_361, %swap3A_362] {strides = array<i32>} : memref<80x64xf32, #tpu.memory_space<vmem>>, vector<1x16xf32>,
        %swap3A_364 = vector.shape_cast %swap3A_363 : vector<1x16xf32> to vector<16xf32>
        %swap3A_365 = vector.shape_cast %mul3A_360 : vector<16xf32> to vector<1x16xf32>
        tpu.vector_store %arg10[%swap3A_361, %swap3A_362], %swap3A_365 {strides = array<i32>} : memref<80x64xf32, #tpu.memory_space<vmem>>, vector<1x16xf32>,
        %mul3A_366 = arith.constant 16 : i32
        %mul3A_367 = arith.muli %scan3A_123, %mul3A_366 : i32
        %add3A_368 = arith.constant 5 : i32
        %add3A_369 = arith.addi %mul3A_367, %add3A_368 : i32
        %broadcast_in_dim3A_370 = arith.constant 5 : i32
        %broadcast_in_dim3A_371 = vector.broadcast %broadcast_in_dim3A_370 : i32 to vector<16x1xi32>
        %gather3A_372 = vector.shape_cast %broadcast_in_dim3A_371 : vector<16x1xi32> to vector<16xi32>
        %gather3A_373 = tpu.dynamic_gather %get3A_128[%gather3A_372] in [0] : vector<16xf32>, vector<16xi32> -> vector<16xf32>
        %get3A_374 = arith.index_cast %add3A_369 : i32 to index
        %get3A_375 = arith.constant 0 : index
        %get3A_376 = tpu.vector_load %arg10[%get3A_374, %get3A_375] {strides = array<i32>} : memref<80x64xf32, #tpu.memory_space<vmem>>, vector<1x16xf32>,
        %get3A_377 = vector.shape_cast %get3A_376 : vector<1x16xf32> to vector<16xf32>
        %mul3A_378 = arith.mulf %get3A_377, %gather3A_373 : vector<16xf32>
        %swap3A_379 = arith.index_cast %add3A_369 : i32 to index
        %swap3A_380 = arith.constant 0 : index
        %swap3A_381 = tpu.vector_load %arg10[%swap3A_379, %swap3A_380] {strides = array<i32>} : memref<80x64xf32, #tpu.memory_space<vmem>>, vector<1x16xf32>,
        %swap3A_382 = vector.shape_cast %swap3A_381 : vector<1x16xf32> to vector<16xf32>
        %swap3A_383 = vector.shape_cast %mul3A_378 : vector<16xf32> to vector<1x16xf32>
        tpu.vector_store %arg10[%swap3A_379, %swap3A_380], %swap3A_383 {strides = array<i32>} : memref<80x64xf32, #tpu.memory_space<vmem>>, vector<1x16xf32>,
        %get3A_384 = arith.index_cast %add3A_369 : i32 to index
        %get3A_385 = arith.constant 16 : index
        %get3A_386 = tpu.vector_load %arg10[%get3A_384, %get3A_385] {strides = array<i32>} : memref<80x64xf32, #tpu.memory_space<vmem>>, vector<1x16xf32>,
        %get3A_387 = vector.shape_cast %get3A_386 : vector<1x16xf32> to vector<16xf32>
        %mul3A_388 = arith.mulf %get3A_387, %gather3A_373 : vector<16xf32>
        %swap3A_389 = arith.index_cast %add3A_369 : i32 to index
        %swap3A_390 = arith.constant 16 : index
        %swap3A_391 = tpu.vector_load %arg10[%swap3A_389, %swap3A_390] {strides = array<i32>} : memref<80x64xf32, #tpu.memory_space<vmem>>, vector<1x16xf32>,
        %swap3A_392 = vector.shape_cast %swap3A_391 : vector<1x16xf32> to vector<16xf32>
        %swap3A_393 = vector.shape_cast %mul3A_388 : vector<16xf32> to vector<1x16xf32>
        tpu.vector_store %arg10[%swap3A_389, %swap3A_390], %swap3A_393 {strides = array<i32>} : memref<80x64xf32, #tpu.memory_space<vmem>>, vector<1x16xf32>,
        %get3A_394 = arith.index_cast %add3A_369 : i32 to index
        %get3A_395 = arith.constant 32 : index
        %get3A_396 = tpu.vector_load %arg10[%get3A_394, %get3A_395] {strides = array<i32>} : memref<80x64xf32, #tpu.memory_space<vmem>>, vector<1x16xf32>,
        %get3A_397 = vector.shape_cast %get3A_396 : vector<1x16xf32> to vector<16xf32>
        %mul3A_398 = arith.mulf %get3A_397, %gather3A_373 : vector<16xf32>
        %swap3A_399 = arith.index_cast %add3A_369 : i32 to index
        %swap3A_400 = arith.constant 32 : index
        %swap3A_401 = tpu.vector_load %arg10[%swap3A_399, %swap3A_400] {strides = array<i32>} : memref<80x64xf32, #tpu.memory_space<vmem>>, vector<1x16xf32>,
        %swap3A_402 = vector.shape_cast %swap3A_401 : vector<1x16xf32> to vector<16xf32>
        %swap3A_403 = vector.shape_cast %mul3A_398 : vector<16xf32> to vector<1x16xf32>
        tpu.vector_store %arg10[%swap3A_399, %swap3A_400], %swap3A_403 {strides = array<i32>} : memref<80x64xf32, #tpu.memory_space<vmem>>, vector<1x16xf32>,
        %get3A_404 = arith.index_cast %add3A_369 : i32 to index
        %get3A_405 = arith.constant 48 : index
        %get3A_406 = tpu.vector_load %arg10[%get3A_404, %get3A_405] {strides = array<i32>} : memref<80x64xf32, #tpu.memory_space<vmem>>, vector<1x16xf32>,
        %get3A_407 = vector.shape_cast %get3A_406 : vector<1x16xf32> to vector<16xf32>
        %mul3A_408 = arith.mulf %get3A_407, %gather3A_373 : vector<16xf32>
        %swap3A_409 = arith.index_cast %add3A_369 : i32 to index
        %swap3A_410 = arith.constant 48 : index
        %swap3A_411 = tpu.vector_load %arg10[%swap3A_409, %swap3A_410] {strides = array<i32>} : memref<80x64xf32, #tpu.memory_space<vmem>>, vector<1x16xf32>,
        %swap3A_412 = vector.shape_cast %swap3A_411 : vector<1x16xf32> to vector<16xf32>
        %swap3A_413 = vector.shape_cast %mul3A_408 : vector<16xf32> to vector<1x16xf32>
        tpu.vector_store %arg10[%swap3A_409, %swap3A_410], %swap3A_413 {strides = array<i32>} : memref<80x64xf32, #tpu.memory_space<vmem>>, vector<1x16xf32>,
        %mul3A_414 = arith.constant 16 : i32
        %mul3A_415 = arith.muli %scan3A_123, %mul3A_414 : i32
        %add3A_416 = arith.constant 6 : i32
        %add3A_417 = arith.addi %mul3A_415, %add3A_416 : i32
        %broadcast_in_dim3A_418 = arith.constant 6 : i32
        %broadcast_in_dim3A_419 = vector.broadcast %broadcast_in_dim3A_418 : i32 to vector<16x1xi32>
        %gather3A_420 = vector.shape_cast %broadcast_in_dim3A_419 : vector<16x1xi32> to vector<16xi32>
        %gather3A_421 = tpu.dynamic_gather %get3A_128[%gather3A_420] in [0] : vector<16xf32>, vector<16xi32> -> vector<16xf32>
        %get3A_422 = arith.index_cast %add3A_417 : i32 to index
        %get3A_423 = arith.constant 0 : index
        %get3A_424 = tpu.vector_load %arg10[%get3A_422, %get3A_423] {strides = array<i32>} : memref<80x64xf32, #tpu.memory_space<vmem>>, vector<1x16xf32>,
        %get3A_425 = vector.shape_cast %get3A_424 : vector<1x16xf32> to vector<16xf32>
        %mul3A_426 = arith.mulf %get3A_425, %gather3A_421 : vector<16xf32>
        %swap3A_427 = arith.index_cast %add3A_417 : i32 to index
        %swap3A_428 = arith.constant 0 : index
        %swap3A_429 = tpu.vector_load %arg10[%swap3A_427, %swap3A_428] {strides = array<i32>} : memref<80x64xf32, #tpu.memory_space<vmem>>, vector<1x16xf32>,
        %swap3A_430 = vector.shape_cast %swap3A_429 : vector<1x16xf32> to vector<16xf32>
        %swap3A_431 = vector.shape_cast %mul3A_426 : vector<16xf32> to vector<1x16xf32>
        tpu.vector_store %arg10[%swap3A_427, %swap3A_428], %swap3A_431 {strides = array<i32>} : memref<80x64xf32, #tpu.memory_space<vmem>>, vector<1x16xf32>,
        %get3A_432 = arith.index_cast %add3A_417 : i32 to index
        %get3A_433 = arith.constant 16 : index
        %get3A_434 = tpu.vector_load %arg10[%get3A_432, %get3A_433] {strides = array<i32>} : memref<80x64xf32, #tpu.memory_space<vmem>>, vector<1x16xf32>,
        %get3A_435 = vector.shape_cast %get3A_434 : vector<1x16xf32> to vector<16xf32>
        %mul3A_436 = arith.mulf %get3A_435, %gather3A_421 : vector<16xf32>
        %swap3A_437 = arith.index_cast %add3A_417 : i32 to index
        %swap3A_438 = arith.constant 16 : index
        %swap3A_439 = tpu.vector_load %arg10[%swap3A_437, %swap3A_438] {strides = array<i32>} : memref<80x64xf32, #tpu.memory_space<vmem>>, vector<1x16xf32>,
        %swap3A_440 = vector.shape_cast %swap3A_439 : vector<1x16xf32> to vector<16xf32>
        %swap3A_441 = vector.shape_cast %mul3A_436 : vector<16xf32> to vector<1x16xf32>
        tpu.vector_store %arg10[%swap3A_437, %swap3A_438], %swap3A_441 {strides = array<i32>} : memref<80x64xf32, #tpu.memory_space<vmem>>, vector<1x16xf32>,
        %get3A_442 = arith.index_cast %add3A_417 : i32 to index
        %get3A_443 = arith.constant 32 : index
        %get3A_444 = tpu.vector_load %arg10[%get3A_442, %get3A_443] {strides = array<i32>} : memref<80x64xf32, #tpu.memory_space<vmem>>, vector<1x16xf32>,
        %get3A_445 = vector.shape_cast %get3A_444 : vector<1x16xf32> to vector<16xf32>
        %mul3A_446 = arith.mulf %get3A_445, %gather3A_421 : vector<16xf32>
        %swap3A_447 = arith.index_cast %add3A_417 : i32 to index
        %swap3A_448 = arith.constant 32 : index
        %swap3A_449 = tpu.vector_load %arg10[%swap3A_447, %swap3A_448] {strides = array<i32>} : memref<80x64xf32, #tpu.memory_space<vmem>>, vector<1x16xf32>,
        %swap3A_450 = vector.shape_cast %swap3A_449 : vector<1x16xf32> to vector<16xf32>
        %swap3A_451 = vector.shape_cast %mul3A_446 : vector<16xf32> to vector<1x16xf32>
        tpu.vector_store %arg10[%swap3A_447, %swap3A_448], %swap3A_451 {strides = array<i32>} : memref<80x64xf32, #tpu.memory_space<vmem>>, vector<1x16xf32>,
        %get3A_452 = arith.index_cast %add3A_417 : i32 to index
        %get3A_453 = arith.constant 48 : index
        %get3A_454 = tpu.vector_load %arg10[%get3A_452, %get3A_453] {strides = array<i32>} : memref<80x64xf32, #tpu.memory_space<vmem>>, vector<1x16xf32>,
        %get3A_455 = vector.shape_cast %get3A_454 : vector<1x16xf32> to vector<16xf32>
        %mul3A_456 = arith.mulf %get3A_455, %gather3A_421 : vector<16xf32>
        %swap3A_457 = arith.index_cast %add3A_417 : i32 to index
        %swap3A_458 = arith.constant 48 : index
        %swap3A_459 = tpu.vector_load %arg10[%swap3A_457, %swap3A_458] {strides = array<i32>} : memref<80x64xf32, #tpu.memory_space<vmem>>, vector<1x16xf32>,
        %swap3A_460 = vector.shape_cast %swap3A_459 : vector<1x16xf32> to vector<16xf32>
        %swap3A_461 = vector.shape_cast %mul3A_456 : vector<16xf32> to vector<1x16xf32>
        tpu.vector_store %arg10[%swap3A_457, %swap3A_458], %swap3A_461 {strides = array<i32>} : memref<80x64xf32, #tpu.memory_space<vmem>>, vector<1x16xf32>,
        %mul3A_462 = arith.constant 16 : i32
        %mul3A_463 = arith.muli %scan3A_123, %mul3A_462 : i32
        %add3A_464 = arith.constant 7 : i32
        %add3A_465 = arith.addi %mul3A_463, %add3A_464 : i32
        %broadcast_in_dim3A_466 = arith.constant 7 : i32
        %broadcast_in_dim3A_467 = vector.broadcast %broadcast_in_dim3A_466 : i32 to vector<16x1xi32>
        %gather3A_468 = vector.shape_cast %broadcast_in_dim3A_467 : vector<16x1xi32> to vector<16xi32>
        %gather3A_469 = tpu.dynamic_gather %get3A_128[%gather3A_468] in [0] : vector<16xf32>, vector<16xi32> -> vector<16xf32>
        %get3A_470 = arith.index_cast %add3A_465 : i32 to index
        %get3A_471 = arith.constant 0 : index
        %get3A_472 = tpu.vector_load %arg10[%get3A_470, %get3A_471] {strides = array<i32>} : memref<80x64xf32, #tpu.memory_space<vmem>>, vector<1x16xf32>,
        %get3A_473 = vector.shape_cast %get3A_472 : vector<1x16xf32> to vector<16xf32>
        %mul3A_474 = arith.mulf %get3A_473, %gather3A_469 : vector<16xf32>
        %swap3A_475 = arith.index_cast %add3A_465 : i32 to index
        %swap3A_476 = arith.constant 0 : index
        %swap3A_477 = tpu.vector_load %arg10[%swap3A_475, %swap3A_476] {strides = array<i32>} : memref<80x64xf32, #tpu.memory_space<vmem>>, vector<1x16xf32>,
        %swap3A_478 = vector.shape_cast %swap3A_477 : vector<1x16xf32> to vector<16xf32>
        %swap3A_479 = vector.shape_cast %mul3A_474 : vector<16xf32> to vector<1x16xf32>
        tpu.vector_store %arg10[%swap3A_475, %swap3A_476], %swap3A_479 {strides = array<i32>} : memref<80x64xf32, #tpu.memory_space<vmem>>, vector<1x16xf32>,
        %get3A_480 = arith.index_cast %add3A_465 : i32 to index
        %get3A_481 = arith.constant 16 : index
        %get3A_482 = tpu.vector_load %arg10[%get3A_480, %get3A_481] {strides = array<i32>} : memref<80x64xf32, #tpu.memory_space<vmem>>, vector<1x16xf32>,
        %get3A_483 = vector.shape_cast %get3A_482 : vector<1x16xf32> to vector<16xf32>
        %mul3A_484 = arith.mulf %get3A_483, %gather3A_469 : vector<16xf32>
        %swap3A_485 = arith.index_cast %add3A_465 : i32 to index
        %swap3A_486 = arith.constant 16 : index
        %swap3A_487 = tpu.vector_load %arg10[%swap3A_485, %swap3A_486] {strides = array<i32>} : memref<80x64xf32, #tpu.memory_space<vmem>>, vector<1x16xf32>,
        %swap3A_488 = vector.shape_cast %swap3A_487 : vector<1x16xf32> to vector<16xf32>
        %swap3A_489 = vector.shape_cast %mul3A_484 : vector<16xf32> to vector<1x16xf32>
        tpu.vector_store %arg10[%swap3A_485, %swap3A_486], %swap3A_489 {strides = array<i32>} : memref<80x64xf32, #tpu.memory_space<vmem>>, vector<1x16xf32>,
        %get3A_490 = arith.index_cast %add3A_465 : i32 to index
        %get3A_491 = arith.constant 32 : index
        %get3A_492 = tpu.vector_load %arg10[%get3A_490, %get3A_491] {strides = array<i32>} : memref<80x64xf32, #tpu.memory_space<vmem>>, vector<1x16xf32>,
        %get3A_493 = vector.shape_cast %get3A_492 : vector<1x16xf32> to vector<16xf32>
        %mul3A_494 = arith.mulf %get3A_493, %gather3A_469 : vector<16xf32>
        %swap3A_495 = arith.index_cast %add3A_465 : i32 to index
        %swap3A_496 = arith.constant 32 : index
        %swap3A_497 = tpu.vector_load %arg10[%swap3A_495, %swap3A_496] {strides = array<i32>} : memref<80x64xf32, #tpu.memory_space<vmem>>, vector<1x16xf32>,
        %swap3A_498 = vector.shape_cast %swap3A_497 : vector<1x16xf32> to vector<16xf32>
        %swap3A_499 = vector.shape_cast %mul3A_494 : vector<16xf32> to vector<1x16xf32>
        tpu.vector_store %arg10[%swap3A_495, %swap3A_496], %swap3A_499 {strides = array<i32>} : memref<80x64xf32, #tpu.memory_space<vmem>>, vector<1x16xf32>,
        %get3A_500 = arith.index_cast %add3A_465 : i32 to index
        %get3A_501 = arith.constant 48 : index
        %get3A_502 = tpu.vector_load %arg10[%get3A_500, %get3A_501] {strides = array<i32>} : memref<80x64xf32, #tpu.memory_space<vmem>>, vector<1x16xf32>,
        %get3A_503 = vector.shape_cast %get3A_502 : vector<1x16xf32> to vector<16xf32>
        %mul3A_504 = arith.mulf %get3A_503, %gather3A_469 : vector<16xf32>
        %swap3A_505 = arith.index_cast %add3A_465 : i32 to index
        %swap3A_506 = arith.constant 48 : index
        %swap3A_507 = tpu.vector_load %arg10[%swap3A_505, %swap3A_506] {strides = array<i32>} : memref<80x64xf32, #tpu.memory_space<vmem>>, vector<1x16xf32>,
        %swap3A_508 = vector.shape_cast %swap3A_507 : vector<1x16xf32> to vector<16xf32>
        %swap3A_509 = vector.shape_cast %mul3A_504 : vector<16xf32> to vector<1x16xf32>
        tpu.vector_store %arg10[%swap3A_505, %swap3A_506], %swap3A_509 {strides = array<i32>} : memref<80x64xf32, #tpu.memory_space<vmem>>, vector<1x16xf32>,
        %mul3A_510 = arith.constant 16 : i32
        %mul3A_511 = arith.muli %scan3A_123, %mul3A_510 : i32
        %add3A_512 = arith.constant 8 : i32
        %add3A_513 = arith.addi %mul3A_511, %add3A_512 : i32
        %broadcast_in_dim3A_514 = arith.constant 8 : i32
        %broadcast_in_dim3A_515 = vector.broadcast %broadcast_in_dim3A_514 : i32 to vector<16x1xi32>
        %gather3A_516 = vector.shape_cast %broadcast_in_dim3A_515 : vector<16x1xi32> to vector<16xi32>
        %gather3A_517 = tpu.dynamic_gather %get3A_128[%gather3A_516] in [0] : vector<16xf32>, vector<16xi32> -> vector<16xf32>
        %get3A_518 = arith.index_cast %add3A_513 : i32 to index
        %get3A_519 = arith.constant 0 : index
        %get3A_520 = tpu.vector_load %arg10[%get3A_518, %get3A_519] {strides = array<i32>} : memref<80x64xf32, #tpu.memory_space<vmem>>, vector<1x16xf32>,
        %get3A_521 = vector.shape_cast %get3A_520 : vector<1x16xf32> to vector<16xf32>
        %mul3A_522 = arith.mulf %get3A_521, %gather3A_517 : vector<16xf32>
        %swap3A_523 = arith.index_cast %add3A_513 : i32 to index
        %swap3A_524 = arith.constant 0 : index
        %swap3A_525 = tpu.vector_load %arg10[%swap3A_523, %swap3A_524] {strides = array<i32>} : memref<80x64xf32, #tpu.memory_space<vmem>>, vector<1x16xf32>,
        %swap3A_526 = vector.shape_cast %swap3A_525 : vector<1x16xf32> to vector<16xf32>
        %swap3A_527 = vector.shape_cast %mul3A_522 : vector<16xf32> to vector<1x16xf32>
        tpu.vector_store %arg10[%swap3A_523, %swap3A_524], %swap3A_527 {strides = array<i32>} : memref<80x64xf32, #tpu.memory_space<vmem>>, vector<1x16xf32>,
        %get3A_528 = arith.index_cast %add3A_513 : i32 to index
        %get3A_529 = arith.constant 16 : index
        %get3A_530 = tpu.vector_load %arg10[%get3A_528, %get3A_529] {strides = array<i32>} : memref<80x64xf32, #tpu.memory_space<vmem>>, vector<1x16xf32>,
        %get3A_531 = vector.shape_cast %get3A_530 : vector<1x16xf32> to vector<16xf32>
        %mul3A_532 = arith.mulf %get3A_531, %gather3A_517 : vector<16xf32>
        %swap3A_533 = arith.index_cast %add3A_513 : i32 to index
        %swap3A_534 = arith.constant 16 : index
        %swap3A_535 = tpu.vector_load %arg10[%swap3A_533, %swap3A_534] {strides = array<i32>} : memref<80x64xf32, #tpu.memory_space<vmem>>, vector<1x16xf32>,
        %swap3A_536 = vector.shape_cast %swap3A_535 : vector<1x16xf32> to vector<16xf32>
        %swap3A_537 = vector.shape_cast %mul3A_532 : vector<16xf32> to vector<1x16xf32>
        tpu.vector_store %arg10[%swap3A_533, %swap3A_534], %swap3A_537 {strides = array<i32>} : memref<80x64xf32, #tpu.memory_space<vmem>>, vector<1x16xf32>,
        %get3A_538 = arith.index_cast %add3A_513 : i32 to index
        %get3A_539 = arith.constant 32 : index
        %get3A_540 = tpu.vector_load %arg10[%get3A_538, %get3A_539] {strides = array<i32>} : memref<80x64xf32, #tpu.memory_space<vmem>>, vector<1x16xf32>,
        %get3A_541 = vector.shape_cast %get3A_540 : vector<1x16xf32> to vector<16xf32>
        %mul3A_542 = arith.mulf %get3A_541, %gather3A_517 : vector<16xf32>
        %swap3A_543 = arith.index_cast %add3A_513 : i32 to index
        %swap3A_544 = arith.constant 32 : index
        %swap3A_545 = tpu.vector_load %arg10[%swap3A_543, %swap3A_544] {strides = array<i32>} : memref<80x64xf32, #tpu.memory_space<vmem>>, vector<1x16xf32>,
        %swap3A_546 = vector.shape_cast %swap3A_545 : vector<1x16xf32> to vector<16xf32>
        %swap3A_547 = vector.shape_cast %mul3A_542 : vector<16xf32> to vector<1x16xf32>
        tpu.vector_store %arg10[%swap3A_543, %swap3A_544], %swap3A_547 {strides = array<i32>} : memref<80x64xf32, #tpu.memory_space<vmem>>, vector<1x16xf32>,
        %get3A_548 = arith.index_cast %add3A_513 : i32 to index
        %get3A_549 = arith.constant 48 : index
        %get3A_550 = tpu.vector_load %arg10[%get3A_548, %get3A_549] {strides = array<i32>} : memref<80x64xf32, #tpu.memory_space<vmem>>, vector<1x16xf32>,
        %get3A_551 = vector.shape_cast %get3A_550 : vector<1x16xf32> to vector<16xf32>
        %mul3A_552 = arith.mulf %get3A_551, %gather3A_517 : vector<16xf32>
        %swap3A_553 = arith.index_cast %add3A_513 : i32 to index
        %swap3A_554 = arith.constant 48 : index
        %swap3A_555 = tpu.vector_load %arg10[%swap3A_553, %swap3A_554] {strides = array<i32>} : memref<80x64xf32, #tpu.memory_space<vmem>>, vector<1x16xf32>,
        %swap3A_556 = vector.shape_cast %swap3A_555 : vector<1x16xf32> to vector<16xf32>
        %swap3A_557 = vector.shape_cast %mul3A_552 : vector<16xf32> to vector<1x16xf32>
        tpu.vector_store %arg10[%swap3A_553, %swap3A_554], %swap3A_557 {strides = array<i32>} : memref<80x64xf32, #tpu.memory_space<vmem>>, vector<1x16xf32>,
        %mul3A_558 = arith.constant 16 : i32
        %mul3A_559 = arith.muli %scan3A_123, %mul3A_558 : i32
        %add3A_560 = arith.constant 9 : i32
        %add3A_561 = arith.addi %mul3A_559, %add3A_560 : i32
        %broadcast_in_dim3A_562 = arith.constant 9 : i32
        %broadcast_in_dim3A_563 = vector.broadcast %broadcast_in_dim3A_562 : i32 to vector<16x1xi32>
        %gather3A_564 = vector.shape_cast %broadcast_in_dim3A_563 : vector<16x1xi32> to vector<16xi32>
        %gather3A_565 = tpu.dynamic_gather %get3A_128[%gather3A_564] in [0] : vector<16xf32>, vector<16xi32> -> vector<16xf32>
        %get3A_566 = arith.index_cast %add3A_561 : i32 to index
        %get3A_567 = arith.constant 0 : index
        %get3A_568 = tpu.vector_load %arg10[%get3A_566, %get3A_567] {strides = array<i32>} : memref<80x64xf32, #tpu.memory_space<vmem>>, vector<1x16xf32>,
        %get3A_569 = vector.shape_cast %get3A_568 : vector<1x16xf32> to vector<16xf32>
        %mul3A_570 = arith.mulf %get3A_569, %gather3A_565 : vector<16xf32>
        %swap3A_571 = arith.index_cast %add3A_561 : i32 to index
        %swap3A_572 = arith.constant 0 : index
        %swap3A_573 = tpu.vector_load %arg10[%swap3A_571, %swap3A_572] {strides = array<i32>} : memref<80x64xf32, #tpu.memory_space<vmem>>, vector<1x16xf32>,
        %swap3A_574 = vector.shape_cast %swap3A_573 : vector<1x16xf32> to vector<16xf32>
        %swap3A_575 = vector.shape_cast %mul3A_570 : vector<16xf32> to vector<1x16xf32>
        tpu.vector_store %arg10[%swap3A_571, %swap3A_572], %swap3A_575 {strides = array<i32>} : memref<80x64xf32, #tpu.memory_space<vmem>>, vector<1x16xf32>,
        %get3A_576 = arith.index_cast %add3A_561 : i32 to index
        %get3A_577 = arith.constant 16 : index
        %get3A_578 = tpu.vector_load %arg10[%get3A_576, %get3A_577] {strides = array<i32>} : memref<80x64xf32, #tpu.memory_space<vmem>>, vector<1x16xf32>,
        %get3A_579 = vector.shape_cast %get3A_578 : vector<1x16xf32> to vector<16xf32>
        %mul3A_580 = arith.mulf %get3A_579, %gather3A_565 : vector<16xf32>
        %swap3A_581 = arith.index_cast %add3A_561 : i32 to index
        %swap3A_582 = arith.constant 16 : index
        %swap3A_583 = tpu.vector_load %arg10[%swap3A_581, %swap3A_582] {strides = array<i32>} : memref<80x64xf32, #tpu.memory_space<vmem>>, vector<1x16xf32>,
        %swap3A_584 = vector.shape_cast %swap3A_583 : vector<1x16xf32> to vector<16xf32>
        %swap3A_585 = vector.shape_cast %mul3A_580 : vector<16xf32> to vector<1x16xf32>
        tpu.vector_store %arg10[%swap3A_581, %swap3A_582], %swap3A_585 {strides = array<i32>} : memref<80x64xf32, #tpu.memory_space<vmem>>, vector<1x16xf32>,
        %get3A_586 = arith.index_cast %add3A_561 : i32 to index
        %get3A_587 = arith.constant 32 : index
        %get3A_588 = tpu.vector_load %arg10[%get3A_586, %get3A_587] {strides = array<i32>} : memref<80x64xf32, #tpu.memory_space<vmem>>, vector<1x16xf32>,
        %get3A_589 = vector.shape_cast %get3A_588 : vector<1x16xf32> to vector<16xf32>
        %mul3A_590 = arith.mulf %get3A_589, %gather3A_565 : vector<16xf32>
        %swap3A_591 = arith.index_cast %add3A_561 : i32 to index
        %swap3A_592 = arith.constant 32 : index
        %swap3A_593 = tpu.vector_load %arg10[%swap3A_591, %swap3A_592] {strides = array<i32>} : memref<80x64xf32, #tpu.memory_space<vmem>>, vector<1x16xf32>,
        %swap3A_594 = vector.shape_cast %swap3A_593 : vector<1x16xf32> to vector<16xf32>
        %swap3A_595 = vector.shape_cast %mul3A_590 : vector<16xf32> to vector<1x16xf32>
        tpu.vector_store %arg10[%swap3A_591, %swap3A_592], %swap3A_595 {strides = array<i32>} : memref<80x64xf32, #tpu.memory_space<vmem>>, vector<1x16xf32>,
        %get3A_596 = arith.index_cast %add3A_561 : i32 to index
        %get3A_597 = arith.constant 48 : index
        %get3A_598 = tpu.vector_load %arg10[%get3A_596, %get3A_597] {strides = array<i32>} : memref<80x64xf32, #tpu.memory_space<vmem>>, vector<1x16xf32>,
        %get3A_599 = vector.shape_cast %get3A_598 : vector<1x16xf32> to vector<16xf32>
        %mul3A_600 = arith.mulf %get3A_599, %gather3A_565 : vector<16xf32>
        %swap3A_601 = arith.index_cast %add3A_561 : i32 to index
        %swap3A_602 = arith.constant 48 : index
        %swap3A_603 = tpu.vector_load %arg10[%swap3A_601, %swap3A_602] {strides = array<i32>} : memref<80x64xf32, #tpu.memory_space<vmem>>, vector<1x16xf32>,
        %swap3A_604 = vector.shape_cast %swap3A_603 : vector<1x16xf32> to vector<16xf32>
        %swap3A_605 = vector.shape_cast %mul3A_600 : vector<16xf32> to vector<1x16xf32>
        tpu.vector_store %arg10[%swap3A_601, %swap3A_602], %swap3A_605 {strides = array<i32>} : memref<80x64xf32, #tpu.memory_space<vmem>>, vector<1x16xf32>,
        %mul3A_606 = arith.constant 16 : i32
        %mul3A_607 = arith.muli %scan3A_123, %mul3A_606 : i32
        %add3A_608 = arith.constant 10 : i32
        %add3A_609 = arith.addi %mul3A_607, %add3A_608 : i32
        %broadcast_in_dim3A_610 = arith.constant 10 : i32
        %broadcast_in_dim3A_611 = vector.broadcast %broadcast_in_dim3A_610 : i32 to vector<16x1xi32>
        %gather3A_612 = vector.shape_cast %broadcast_in_dim3A_611 : vector<16x1xi32> to vector<16xi32>
        %gather3A_613 = tpu.dynamic_gather %get3A_128[%gather3A_612] in [0] : vector<16xf32>, vector<16xi32> -> vector<16xf32>
        %get3A_614 = arith.index_cast %add3A_609 : i32 to index
        %get3A_615 = arith.constant 0 : index
        %get3A_616 = tpu.vector_load %arg10[%get3A_614, %get3A_615] {strides = array<i32>} : memref<80x64xf32, #tpu.memory_space<vmem>>, vector<1x16xf32>,
        %get3A_617 = vector.shape_cast %get3A_616 : vector<1x16xf32> to vector<16xf32>
        %mul3A_618 = arith.mulf %get3A_617, %gather3A_613 : vector<16xf32>
        %swap3A_619 = arith.index_cast %add3A_609 : i32 to index
        %swap3A_620 = arith.constant 0 : index
        %swap3A_621 = tpu.vector_load %arg10[%swap3A_619, %swap3A_620] {strides = array<i32>} : memref<80x64xf32, #tpu.memory_space<vmem>>, vector<1x16xf32>,
        %swap3A_622 = vector.shape_cast %swap3A_621 : vector<1x16xf32> to vector<16xf32>
        %swap3A_623 = vector.shape_cast %mul3A_618 : vector<16xf32> to vector<1x16xf32>
        tpu.vector_store %arg10[%swap3A_619, %swap3A_620], %swap3A_623 {strides = array<i32>} : memref<80x64xf32, #tpu.memory_space<vmem>>, vector<1x16xf32>,
        %get3A_624 = arith.index_cast %add3A_609 : i32 to index
        %get3A_625 = arith.constant 16 : index
        %get3A_626 = tpu.vector_load %arg10[%get3A_624, %get3A_625] {strides = array<i32>} : memref<80x64xf32, #tpu.memory_space<vmem>>, vector<1x16xf32>,
        %get3A_627 = vector.shape_cast %get3A_626 : vector<1x16xf32> to vector<16xf32>
        %mul3A_628 = arith.mulf %get3A_627, %gather3A_613 : vector<16xf32>
        %swap3A_629 = arith.index_cast %add3A_609 : i32 to index
        %swap3A_630 = arith.constant 16 : index
        %swap3A_631 = tpu.vector_load %arg10[%swap3A_629, %swap3A_630] {strides = array<i32>} : memref<80x64xf32, #tpu.memory_space<vmem>>, vector<1x16xf32>,
        %swap3A_632 = vector.shape_cast %swap3A_631 : vector<1x16xf32> to vector<16xf32>
        %swap3A_633 = vector.shape_cast %mul3A_628 : vector<16xf32> to vector<1x16xf32>
        tpu.vector_store %arg10[%swap3A_629, %swap3A_630], %swap3A_633 {strides = array<i32>} : memref<80x64xf32, #tpu.memory_space<vmem>>, vector<1x16xf32>,
        %get3A_634 = arith.index_cast %add3A_609 : i32 to index
        %get3A_635 = arith.constant 32 : index
        %get3A_636 = tpu.vector_load %arg10[%get3A_634, %get3A_635] {strides = array<i32>} : memref<80x64xf32, #tpu.memory_space<vmem>>, vector<1x16xf32>,
        %get3A_637 = vector.shape_cast %get3A_636 : vector<1x16xf32> to vector<16xf32>
        %mul3A_638 = arith.mulf %get3A_637, %gather3A_613 : vector<16xf32>
        %swap3A_639 = arith.index_cast %add3A_609 : i32 to index
        %swap3A_640 = arith.constant 32 : index
        %swap3A_641 = tpu.vector_load %arg10[%swap3A_639, %swap3A_640] {strides = array<i32>} : memref<80x64xf32, #tpu.memory_space<vmem>>, vector<1x16xf32>,
        %swap3A_642 = vector.shape_cast %swap3A_641 : vector<1x16xf32> to vector<16xf32>
        %swap3A_643 = vector.shape_cast %mul3A_638 : vector<16xf32> to vector<1x16xf32>
        tpu.vector_store %arg10[%swap3A_639, %swap3A_640], %swap3A_643 {strides = array<i32>} : memref<80x64xf32, #tpu.memory_space<vmem>>, vector<1x16xf32>,
        %get3A_644 = arith.index_cast %add3A_609 : i32 to index
        %get3A_645 = arith.constant 48 : index
        %get3A_646 = tpu.vector_load %arg10[%get3A_644, %get3A_645] {strides = array<i32>} : memref<80x64xf32, #tpu.memory_space<vmem>>, vector<1x16xf32>,
        %get3A_647 = vector.shape_cast %get3A_646 : vector<1x16xf32> to vector<16xf32>
        %mul3A_648 = arith.mulf %get3A_647, %gather3A_613 : vector<16xf32>
        %swap3A_649 = arith.index_cast %add3A_609 : i32 to index
        %swap3A_650 = arith.constant 48 : index
        %swap3A_651 = tpu.vector_load %arg10[%swap3A_649, %swap3A_650] {strides = array<i32>} : memref<80x64xf32, #tpu.memory_space<vmem>>, vector<1x16xf32>,
        %swap3A_652 = vector.shape_cast %swap3A_651 : vector<1x16xf32> to vector<16xf32>
        %swap3A_653 = vector.shape_cast %mul3A_648 : vector<16xf32> to vector<1x16xf32>
        tpu.vector_store %arg10[%swap3A_649, %swap3A_650], %swap3A_653 {strides = array<i32>} : memref<80x64xf32, #tpu.memory_space<vmem>>, vector<1x16xf32>,
        %mul3A_654 = arith.constant 16 : i32
        %mul3A_655 = arith.muli %scan3A_123, %mul3A_654 : i32
        %add3A_656 = arith.constant 11 : i32
        %add3A_657 = arith.addi %mul3A_655, %add3A_656 : i32
        %broadcast_in_dim3A_658 = arith.constant 11 : i32
        %broadcast_in_dim3A_659 = vector.broadcast %broadcast_in_dim3A_658 : i32 to vector<16x1xi32>
        %gather3A_660 = vector.shape_cast %broadcast_in_dim3A_659 : vector<16x1xi32> to vector<16xi32>
        %gather3A_661 = tpu.dynamic_gather %get3A_128[%gather3A_660] in [0] : vector<16xf32>, vector<16xi32> -> vector<16xf32>
        %get3A_662 = arith.index_cast %add3A_657 : i32 to index
        %get3A_663 = arith.constant 0 : index
        %get3A_664 = tpu.vector_load %arg10[%get3A_662, %get3A_663] {strides = array<i32>} : memref<80x64xf32, #tpu.memory_space<vmem>>, vector<1x16xf32>,
        %get3A_665 = vector.shape_cast %get3A_664 : vector<1x16xf32> to vector<16xf32>
        %mul3A_666 = arith.mulf %get3A_665, %gather3A_661 : vector<16xf32>
        %swap3A_667 = arith.index_cast %add3A_657 : i32 to index
        %swap3A_668 = arith.constant 0 : index
        %swap3A_669 = tpu.vector_load %arg10[%swap3A_667, %swap3A_668] {strides = array<i32>} : memref<80x64xf32, #tpu.memory_space<vmem>>, vector<1x16xf32>,
        %swap3A_670 = vector.shape_cast %swap3A_669 : vector<1x16xf32> to vector<16xf32>
        %swap3A_671 = vector.shape_cast %mul3A_666 : vector<16xf32> to vector<1x16xf32>
        tpu.vector_store %arg10[%swap3A_667, %swap3A_668], %swap3A_671 {strides = array<i32>} : memref<80x64xf32, #tpu.memory_space<vmem>>, vector<1x16xf32>,
        %get3A_672 = arith.index_cast %add3A_657 : i32 to index
        %get3A_673 = arith.constant 16 : index
        %get3A_674 = tpu.vector_load %arg10[%get3A_672, %get3A_673] {strides = array<i32>} : memref<80x64xf32, #tpu.memory_space<vmem>>, vector<1x16xf32>,
        %get3A_675 = vector.shape_cast %get3A_674 : vector<1x16xf32> to vector<16xf32>
        %mul3A_676 = arith.mulf %get3A_675, %gather3A_661 : vector<16xf32>
        %swap3A_677 = arith.index_cast %add3A_657 : i32 to index
        %swap3A_678 = arith.constant 16 : index
        %swap3A_679 = tpu.vector_load %arg10[%swap3A_677, %swap3A_678] {strides = array<i32>} : memref<80x64xf32, #tpu.memory_space<vmem>>, vector<1x16xf32>,
        %swap3A_680 = vector.shape_cast %swap3A_679 : vector<1x16xf32> to vector<16xf32>
        %swap3A_681 = vector.shape_cast %mul3A_676 : vector<16xf32> to vector<1x16xf32>
        tpu.vector_store %arg10[%swap3A_677, %swap3A_678], %swap3A_681 {strides = array<i32>} : memref<80x64xf32, #tpu.memory_space<vmem>>, vector<1x16xf32>,
        %get3A_682 = arith.index_cast %add3A_657 : i32 to index
        %get3A_683 = arith.constant 32 : index
        %get3A_684 = tpu.vector_load %arg10[%get3A_682, %get3A_683] {strides = array<i32>} : memref<80x64xf32, #tpu.memory_space<vmem>>, vector<1x16xf32>,
        %get3A_685 = vector.shape_cast %get3A_684 : vector<1x16xf32> to vector<16xf32>
        %mul3A_686 = arith.mulf %get3A_685, %gather3A_661 : vector<16xf32>
        %swap3A_687 = arith.index_cast %add3A_657 : i32 to index
        %swap3A_688 = arith.constant 32 : index
        %swap3A_689 = tpu.vector_load %arg10[%swap3A_687, %swap3A_688] {strides = array<i32>} : memref<80x64xf32, #tpu.memory_space<vmem>>, vector<1x16xf32>,
        %swap3A_690 = vector.shape_cast %swap3A_689 : vector<1x16xf32> to vector<16xf32>
        %swap3A_691 = vector.shape_cast %mul3A_686 : vector<16xf32> to vector<1x16xf32>
        tpu.vector_store %arg10[%swap3A_687, %swap3A_688], %swap3A_691 {strides = array<i32>} : memref<80x64xf32, #tpu.memory_space<vmem>>, vector<1x16xf32>,
        %get3A_692 = arith.index_cast %add3A_657 : i32 to index
        %get3A_693 = arith.constant 48 : index
        %get3A_694 = tpu.vector_load %arg10[%get3A_692, %get3A_693] {strides = array<i32>} : memref<80x64xf32, #tpu.memory_space<vmem>>, vector<1x16xf32>,
        %get3A_695 = vector.shape_cast %get3A_694 : vector<1x16xf32> to vector<16xf32>
        %mul3A_696 = arith.mulf %get3A_695, %gather3A_661 : vector<16xf32>
        %swap3A_697 = arith.index_cast %add3A_657 : i32 to index
        %swap3A_698 = arith.constant 48 : index
        %swap3A_699 = tpu.vector_load %arg10[%swap3A_697, %swap3A_698] {strides = array<i32>} : memref<80x64xf32, #tpu.memory_space<vmem>>, vector<1x16xf32>,
        %swap3A_700 = vector.shape_cast %swap3A_699 : vector<1x16xf32> to vector<16xf32>
        %swap3A_701 = vector.shape_cast %mul3A_696 : vector<16xf32> to vector<1x16xf32>
        tpu.vector_store %arg10[%swap3A_697, %swap3A_698], %swap3A_701 {strides = array<i32>} : memref<80x64xf32, #tpu.memory_space<vmem>>, vector<1x16xf32>,
        %mul3A_702 = arith.constant 16 : i32
        %mul3A_703 = arith.muli %scan3A_123, %mul3A_702 : i32
        %add3A_704 = arith.constant 12 : i32
        %add3A_705 = arith.addi %mul3A_703, %add3A_704 : i32
        %broadcast_in_dim3A_706 = arith.constant 12 : i32
        %broadcast_in_dim3A_707 = vector.broadcast %broadcast_in_dim3A_706 : i32 to vector<16x1xi32>
        %gather3A_708 = vector.shape_cast %broadcast_in_dim3A_707 : vector<16x1xi32> to vector<16xi32>
        %gather3A_709 = tpu.dynamic_gather %get3A_128[%gather3A_708] in [0] : vector<16xf32>, vector<16xi32> -> vector<16xf32>
        %get3A_710 = arith.index_cast %add3A_705 : i32 to index
        %get3A_711 = arith.constant 0 : index
        %get3A_712 = tpu.vector_load %arg10[%get3A_710, %get3A_711] {strides = array<i32>} : memref<80x64xf32, #tpu.memory_space<vmem>>, vector<1x16xf32>,
        %get3A_713 = vector.shape_cast %get3A_712 : vector<1x16xf32> to vector<16xf32>
        %mul3A_714 = arith.mulf %get3A_713, %gather3A_709 : vector<16xf32>
        %swap3A_715 = arith.index_cast %add3A_705 : i32 to index
        %swap3A_716 = arith.constant 0 : index
        %swap3A_717 = tpu.vector_load %arg10[%swap3A_715, %swap3A_716] {strides = array<i32>} : memref<80x64xf32, #tpu.memory_space<vmem>>, vector<1x16xf32>,
        %swap3A_718 = vector.shape_cast %swap3A_717 : vector<1x16xf32> to vector<16xf32>
        %swap3A_719 = vector.shape_cast %mul3A_714 : vector<16xf32> to vector<1x16xf32>
        tpu.vector_store %arg10[%swap3A_715, %swap3A_716], %swap3A_719 {strides = array<i32>} : memref<80x64xf32, #tpu.memory_space<vmem>>, vector<1x16xf32>,
        %get3A_720 = arith.index_cast %add3A_705 : i32 to index
        %get3A_721 = arith.constant 16 : index
        %get3A_722 = tpu.vector_load %arg10[%get3A_720, %get3A_721] {strides = array<i32>} : memref<80x64xf32, #tpu.memory_space<vmem>>, vector<1x16xf32>,
        %get3A_723 = vector.shape_cast %get3A_722 : vector<1x16xf32> to vector<16xf32>
        %mul3A_724 = arith.mulf %get3A_723, %gather3A_709 : vector<16xf32>
        %swap3A_725 = arith.index_cast %add3A_705 : i32 to index
        %swap3A_726 = arith.constant 16 : index
        %swap3A_727 = tpu.vector_load %arg10[%swap3A_725, %swap3A_726] {strides = array<i32>} : memref<80x64xf32, #tpu.memory_space<vmem>>, vector<1x16xf32>,
        %swap3A_728 = vector.shape_cast %swap3A_727 : vector<1x16xf32> to vector<16xf32>
        %swap3A_729 = vector.shape_cast %mul3A_724 : vector<16xf32> to vector<1x16xf32>
        tpu.vector_store %arg10[%swap3A_725, %swap3A_726], %swap3A_729 {strides = array<i32>} : memref<80x64xf32, #tpu.memory_space<vmem>>, vector<1x16xf32>,
        %get3A_730 = arith.index_cast %add3A_705 : i32 to index
        %get3A_731 = arith.constant 32 : index
        %get3A_732 = tpu.vector_load %arg10[%get3A_730, %get3A_731] {strides = array<i32>} : memref<80x64xf32, #tpu.memory_space<vmem>>, vector<1x16xf32>,
        %get3A_733 = vector.shape_cast %get3A_732 : vector<1x16xf32> to vector<16xf32>
        %mul3A_734 = arith.mulf %get3A_733, %gather3A_709 : vector<16xf32>
        %swap3A_735 = arith.index_cast %add3A_705 : i32 to index
        %swap3A_736 = arith.constant 32 : index
        %swap3A_737 = tpu.vector_load %arg10[%swap3A_735, %swap3A_736] {strides = array<i32>} : memref<80x64xf32, #tpu.memory_space<vmem>>, vector<1x16xf32>,
        %swap3A_738 = vector.shape_cast %swap3A_737 : vector<1x16xf32> to vector<16xf32>
        %swap3A_739 = vector.shape_cast %mul3A_734 : vector<16xf32> to vector<1x16xf32>
        tpu.vector_store %arg10[%swap3A_735, %swap3A_736], %swap3A_739 {strides = array<i32>} : memref<80x64xf32, #tpu.memory_space<vmem>>, vector<1x16xf32>,
        %get3A_740 = arith.index_cast %add3A_705 : i32 to index
        %get3A_741 = arith.constant 48 : index
        %get3A_742 = tpu.vector_load %arg10[%get3A_740, %get3A_741] {strides = array<i32>} : memref<80x64xf32, #tpu.memory_space<vmem>>, vector<1x16xf32>,
        %get3A_743 = vector.shape_cast %get3A_742 : vector<1x16xf32> to vector<16xf32>
        %mul3A_744 = arith.mulf %get3A_743, %gather3A_709 : vector<16xf32>
        %swap3A_745 = arith.index_cast %add3A_705 : i32 to index
        %swap3A_746 = arith.constant 48 : index
        %swap3A_747 = tpu.vector_load %arg10[%swap3A_745, %swap3A_746] {strides = array<i32>} : memref<80x64xf32, #tpu.memory_space<vmem>>, vector<1x16xf32>,
        %swap3A_748 = vector.shape_cast %swap3A_747 : vector<1x16xf32> to vector<16xf32>
        %swap3A_749 = vector.shape_cast %mul3A_744 : vector<16xf32> to vector<1x16xf32>
        tpu.vector_store %arg10[%swap3A_745, %swap3A_746], %swap3A_749 {strides = array<i32>} : memref<80x64xf32, #tpu.memory_space<vmem>>, vector<1x16xf32>,
        %mul3A_750 = arith.constant 16 : i32
        %mul3A_751 = arith.muli %scan3A_123, %mul3A_750 : i32
        %add3A_752 = arith.constant 13 : i32
        %add3A_753 = arith.addi %mul3A_751, %add3A_752 : i32
        %broadcast_in_dim3A_754 = arith.constant 13 : i32
        %broadcast_in_dim3A_755 = vector.broadcast %broadcast_in_dim3A_754 : i32 to vector<16x1xi32>
        %gather3A_756 = vector.shape_cast %broadcast_in_dim3A_755 : vector<16x1xi32> to vector<16xi32>
        %gather3A_757 = tpu.dynamic_gather %get3A_128[%gather3A_756] in [0] : vector<16xf32>, vector<16xi32> -> vector<16xf32>
        %get3A_758 = arith.index_cast %add3A_753 : i32 to index
        %get3A_759 = arith.constant 0 : index
        %get3A_760 = tpu.vector_load %arg10[%get3A_758, %get3A_759] {strides = array<i32>} : memref<80x64xf32, #tpu.memory_space<vmem>>, vector<1x16xf32>,
        %get3A_761 = vector.shape_cast %get3A_760 : vector<1x16xf32> to vector<16xf32>
        %mul3A_762 = arith.mulf %get3A_761, %gather3A_757 : vector<16xf32>
        %swap3A_763 = arith.index_cast %add3A_753 : i32 to index
        %swap3A_764 = arith.constant 0 : index
        %swap3A_765 = tpu.vector_load %arg10[%swap3A_763, %swap3A_764] {strides = array<i32>} : memref<80x64xf32, #tpu.memory_space<vmem>>, vector<1x16xf32>,
        %swap3A_766 = vector.shape_cast %swap3A_765 : vector<1x16xf32> to vector<16xf32>
        %swap3A_767 = vector.shape_cast %mul3A_762 : vector<16xf32> to vector<1x16xf32>
        tpu.vector_store %arg10[%swap3A_763, %swap3A_764], %swap3A_767 {strides = array<i32>} : memref<80x64xf32, #tpu.memory_space<vmem>>, vector<1x16xf32>,
        %get3A_768 = arith.index_cast %add3A_753 : i32 to index
        %get3A_769 = arith.constant 16 : index
        %get3A_770 = tpu.vector_load %arg10[%get3A_768, %get3A_769] {strides = array<i32>} : memref<80x64xf32, #tpu.memory_space<vmem>>, vector<1x16xf32>,
        %get3A_771 = vector.shape_cast %get3A_770 : vector<1x16xf32> to vector<16xf32>
        %mul3A_772 = arith.mulf %get3A_771, %gather3A_757 : vector<16xf32>
        %swap3A_773 = arith.index_cast %add3A_753 : i32 to index
        %swap3A_774 = arith.constant 16 : index
        %swap3A_775 = tpu.vector_load %arg10[%swap3A_773, %swap3A_774] {strides = array<i32>} : memref<80x64xf32, #tpu.memory_space<vmem>>, vector<1x16xf32>,
        %swap3A_776 = vector.shape_cast %swap3A_775 : vector<1x16xf32> to vector<16xf32>
        %swap3A_777 = vector.shape_cast %mul3A_772 : vector<16xf32> to vector<1x16xf32>
        tpu.vector_store %arg10[%swap3A_773, %swap3A_774], %swap3A_777 {strides = array<i32>} : memref<80x64xf32, #tpu.memory_space<vmem>>, vector<1x16xf32>,
        %get3A_778 = arith.index_cast %add3A_753 : i32 to index
        %get3A_779 = arith.constant 32 : index
        %get3A_780 = tpu.vector_load %arg10[%get3A_778, %get3A_779] {strides = array<i32>} : memref<80x64xf32, #tpu.memory_space<vmem>>, vector<1x16xf32>,
        %get3A_781 = vector.shape_cast %get3A_780 : vector<1x16xf32> to vector<16xf32>
        %mul3A_782 = arith.mulf %get3A_781, %gather3A_757 : vector<16xf32>
        %swap3A_783 = arith.index_cast %add3A_753 : i32 to index
        %swap3A_784 = arith.constant 32 : index
        %swap3A_785 = tpu.vector_load %arg10[%swap3A_783, %swap3A_784] {strides = array<i32>} : memref<80x64xf32, #tpu.memory_space<vmem>>, vector<1x16xf32>,
        %swap3A_786 = vector.shape_cast %swap3A_785 : vector<1x16xf32> to vector<16xf32>
        %swap3A_787 = vector.shape_cast %mul3A_782 : vector<16xf32> to vector<1x16xf32>
        tpu.vector_store %arg10[%swap3A_783, %swap3A_784], %swap3A_787 {strides = array<i32>} : memref<80x64xf32, #tpu.memory_space<vmem>>, vector<1x16xf32>,
        %get3A_788 = arith.index_cast %add3A_753 : i32 to index
        %get3A_789 = arith.constant 48 : index
        %get3A_790 = tpu.vector_load %arg10[%get3A_788, %get3A_789] {strides = array<i32>} : memref<80x64xf32, #tpu.memory_space<vmem>>, vector<1x16xf32>,
        %get3A_791 = vector.shape_cast %get3A_790 : vector<1x16xf32> to vector<16xf32>
        %mul3A_792 = arith.mulf %get3A_791, %gather3A_757 : vector<16xf32>
        %swap3A_793 = arith.index_cast %add3A_753 : i32 to index
        %swap3A_794 = arith.constant 48 : index
        %swap3A_795 = tpu.vector_load %arg10[%swap3A_793, %swap3A_794] {strides = array<i32>} : memref<80x64xf32, #tpu.memory_space<vmem>>, vector<1x16xf32>,
        %swap3A_796 = vector.shape_cast %swap3A_795 : vector<1x16xf32> to vector<16xf32>
        %swap3A_797 = vector.shape_cast %mul3A_792 : vector<16xf32> to vector<1x16xf32>
        tpu.vector_store %arg10[%swap3A_793, %swap3A_794], %swap3A_797 {strides = array<i32>} : memref<80x64xf32, #tpu.memory_space<vmem>>, vector<1x16xf32>,
        %mul3A_798 = arith.constant 16 : i32
        %mul3A_799 = arith.muli %scan3A_123, %mul3A_798 : i32
        %add3A_800 = arith.constant 14 : i32
        %add3A_801 = arith.addi %mul3A_799, %add3A_800 : i32
        %broadcast_in_dim3A_802 = arith.constant 14 : i32
        %broadcast_in_dim3A_803 = vector.broadcast %broadcast_in_dim3A_802 : i32 to vector<16x1xi32>
        %gather3A_804 = vector.shape_cast %broadcast_in_dim3A_803 : vector<16x1xi32> to vector<16xi32>
        %gather3A_805 = tpu.dynamic_gather %get3A_128[%gather3A_804] in [0] : vector<16xf32>, vector<16xi32> -> vector<16xf32>
        %get3A_806 = arith.index_cast %add3A_801 : i32 to index
        %get3A_807 = arith.constant 0 : index
        %get3A_808 = tpu.vector_load %arg10[%get3A_806, %get3A_807] {strides = array<i32>} : memref<80x64xf32, #tpu.memory_space<vmem>>, vector<1x16xf32>,
        %get3A_809 = vector.shape_cast %get3A_808 : vector<1x16xf32> to vector<16xf32>
        %mul3A_810 = arith.mulf %get3A_809, %gather3A_805 : vector<16xf32>
        %swap3A_811 = arith.index_cast %add3A_801 : i32 to index
        %swap3A_812 = arith.constant 0 : index
        %swap3A_813 = tpu.vector_load %arg10[%swap3A_811, %swap3A_812] {strides = array<i32>} : memref<80x64xf32, #tpu.memory_space<vmem>>, vector<1x16xf32>,
        %swap3A_814 = vector.shape_cast %swap3A_813 : vector<1x16xf32> to vector<16xf32>
        %swap3A_815 = vector.shape_cast %mul3A_810 : vector<16xf32> to vector<1x16xf32>
        tpu.vector_store %arg10[%swap3A_811, %swap3A_812], %swap3A_815 {strides = array<i32>} : memref<80x64xf32, #tpu.memory_space<vmem>>, vector<1x16xf32>,
        %get3A_816 = arith.index_cast %add3A_801 : i32 to index
        %get3A_817 = arith.constant 16 : index
        %get3A_818 = tpu.vector_load %arg10[%get3A_816, %get3A_817] {strides = array<i32>} : memref<80x64xf32, #tpu.memory_space<vmem>>, vector<1x16xf32>,
        %get3A_819 = vector.shape_cast %get3A_818 : vector<1x16xf32> to vector<16xf32>
        %mul3A_820 = arith.mulf %get3A_819, %gather3A_805 : vector<16xf32>
        %swap3A_821 = arith.index_cast %add3A_801 : i32 to index
        %swap3A_822 = arith.constant 16 : index
        %swap3A_823 = tpu.vector_load %arg10[%swap3A_821, %swap3A_822] {strides = array<i32>} : memref<80x64xf32, #tpu.memory_space<vmem>>, vector<1x16xf32>,
        %swap3A_824 = vector.shape_cast %swap3A_823 : vector<1x16xf32> to vector<16xf32>
        %swap3A_825 = vector.shape_cast %mul3A_820 : vector<16xf32> to vector<1x16xf32>
        tpu.vector_store %arg10[%swap3A_821, %swap3A_822], %swap3A_825 {strides = array<i32>} : memref<80x64xf32, #tpu.memory_space<vmem>>, vector<1x16xf32>,
        %get3A_826 = arith.index_cast %add3A_801 : i32 to index
        %get3A_827 = arith.constant 32 : index
        %get3A_828 = tpu.vector_load %arg10[%get3A_826, %get3A_827] {strides = array<i32>} : memref<80x64xf32, #tpu.memory_space<vmem>>, vector<1x16xf32>,
        %get3A_829 = vector.shape_cast %get3A_828 : vector<1x16xf32> to vector<16xf32>
        %mul3A_830 = arith.mulf %get3A_829, %gather3A_805 : vector<16xf32>
        %swap3A_831 = arith.index_cast %add3A_801 : i32 to index
        %swap3A_832 = arith.constant 32 : index
        %swap3A_833 = tpu.vector_load %arg10[%swap3A_831, %swap3A_832] {strides = array<i32>} : memref<80x64xf32, #tpu.memory_space<vmem>>, vector<1x16xf32>,
        %swap3A_834 = vector.shape_cast %swap3A_833 : vector<1x16xf32> to vector<16xf32>
        %swap3A_835 = vector.shape_cast %mul3A_830 : vector<16xf32> to vector<1x16xf32>
        tpu.vector_store %arg10[%swap3A_831, %swap3A_832], %swap3A_835 {strides = array<i32>} : memref<80x64xf32, #tpu.memory_space<vmem>>, vector<1x16xf32>,
        %get3A_836 = arith.index_cast %add3A_801 : i32 to index
        %get3A_837 = arith.constant 48 : index
        %get3A_838 = tpu.vector_load %arg10[%get3A_836, %get3A_837] {strides = array<i32>} : memref<80x64xf32, #tpu.memory_space<vmem>>, vector<1x16xf32>,
        %get3A_839 = vector.shape_cast %get3A_838 : vector<1x16xf32> to vector<16xf32>
        %mul3A_840 = arith.mulf %get3A_839, %gather3A_805 : vector<16xf32>
        %swap3A_841 = arith.index_cast %add3A_801 : i32 to index
        %swap3A_842 = arith.constant 48 : index
        %swap3A_843 = tpu.vector_load %arg10[%swap3A_841, %swap3A_842] {strides = array<i32>} : memref<80x64xf32, #tpu.memory_space<vmem>>, vector<1x16xf32>,
        %swap3A_844 = vector.shape_cast %swap3A_843 : vector<1x16xf32> to vector<16xf32>
        %swap3A_845 = vector.shape_cast %mul3A_840 : vector<16xf32> to vector<1x16xf32>
        tpu.vector_store %arg10[%swap3A_841, %swap3A_842], %swap3A_845 {strides = array<i32>} : memref<80x64xf32, #tpu.memory_space<vmem>>, vector<1x16xf32>,
        %mul3A_846 = arith.constant 16 : i32
        %mul3A_847 = arith.muli %scan3A_123, %mul3A_846 : i32
        %add3A_848 = arith.constant 15 : i32
        %add3A_849 = arith.addi %mul3A_847, %add3A_848 : i32
        %broadcast_in_dim3A_850 = arith.constant 15 : i32
        %broadcast_in_dim3A_851 = vector.broadcast %broadcast_in_dim3A_850 : i32 to vector<16x1xi32>
        %gather3A_852 = vector.shape_cast %broadcast_in_dim3A_851 : vector<16x1xi32> to vector<16xi32>
        %gather3A_853 = tpu.dynamic_gather %get3A_128[%gather3A_852] in [0] : vector<16xf32>, vector<16xi32> -> vector<16xf32>
        %get3A_854 = arith.index_cast %add3A_849 : i32 to index
        %get3A_855 = arith.constant 0 : index
        %get3A_856 = tpu.vector_load %arg10[%get3A_854, %get3A_855] {strides = array<i32>} : memref<80x64xf32, #tpu.memory_space<vmem>>, vector<1x16xf32>,
        %get3A_857 = vector.shape_cast %get3A_856 : vector<1x16xf32> to vector<16xf32>
        %mul3A_858 = arith.mulf %get3A_857, %gather3A_853 : vector<16xf32>
        %swap3A_859 = arith.index_cast %add3A_849 : i32 to index
        %swap3A_860 = arith.constant 0 : index
        %swap3A_861 = tpu.vector_load %arg10[%swap3A_859, %swap3A_860] {strides = array<i32>} : memref<80x64xf32, #tpu.memory_space<vmem>>, vector<1x16xf32>,
        %swap3A_862 = vector.shape_cast %swap3A_861 : vector<1x16xf32> to vector<16xf32>
        %swap3A_863 = vector.shape_cast %mul3A_858 : vector<16xf32> to vector<1x16xf32>
        tpu.vector_store %arg10[%swap3A_859, %swap3A_860], %swap3A_863 {strides = array<i32>} : memref<80x64xf32, #tpu.memory_space<vmem>>, vector<1x16xf32>,
        %get3A_864 = arith.index_cast %add3A_849 : i32 to index
        %get3A_865 = arith.constant 16 : index
        %get3A_866 = tpu.vector_load %arg10[%get3A_864, %get3A_865] {strides = array<i32>} : memref<80x64xf32, #tpu.memory_space<vmem>>, vector<1x16xf32>,
        %get3A_867 = vector.shape_cast %get3A_866 : vector<1x16xf32> to vector<16xf32>
        %mul3A_868 = arith.mulf %get3A_867, %gather3A_853 : vector<16xf32>
        %swap3A_869 = arith.index_cast %add3A_849 : i32 to index
        %swap3A_870 = arith.constant 16 : index
        %swap3A_871 = tpu.vector_load %arg10[%swap3A_869, %swap3A_870] {strides = array<i32>} : memref<80x64xf32, #tpu.memory_space<vmem>>, vector<1x16xf32>,
        %swap3A_872 = vector.shape_cast %swap3A_871 : vector<1x16xf32> to vector<16xf32>
        %swap3A_873 = vector.shape_cast %mul3A_868 : vector<16xf32> to vector<1x16xf32>
        tpu.vector_store %arg10[%swap3A_869, %swap3A_870], %swap3A_873 {strides = array<i32>} : memref<80x64xf32, #tpu.memory_space<vmem>>, vector<1x16xf32>,
        %get3A_874 = arith.index_cast %add3A_849 : i32 to index
        %get3A_875 = arith.constant 32 : index
        %get3A_876 = tpu.vector_load %arg10[%get3A_874, %get3A_875] {strides = array<i32>} : memref<80x64xf32, #tpu.memory_space<vmem>>, vector<1x16xf32>,
        %get3A_877 = vector.shape_cast %get3A_876 : vector<1x16xf32> to vector<16xf32>
        %mul3A_878 = arith.mulf %get3A_877, %gather3A_853 : vector<16xf32>
        %swap3A_879 = arith.index_cast %add3A_849 : i32 to index
        %swap3A_880 = arith.constant 32 : index
        %swap3A_881 = tpu.vector_load %arg10[%swap3A_879, %swap3A_880] {strides = array<i32>} : memref<80x64xf32, #tpu.memory_space<vmem>>, vector<1x16xf32>,
        %swap3A_882 = vector.shape_cast %swap3A_881 : vector<1x16xf32> to vector<16xf32>
        %swap3A_883 = vector.shape_cast %mul3A_878 : vector<16xf32> to vector<1x16xf32>
        tpu.vector_store %arg10[%swap3A_879, %swap3A_880], %swap3A_883 {strides = array<i32>} : memref<80x64xf32, #tpu.memory_space<vmem>>, vector<1x16xf32>,
        %get3A_884 = arith.index_cast %add3A_849 : i32 to index
        %get3A_885 = arith.constant 48 : index
        %get3A_886 = tpu.vector_load %arg10[%get3A_884, %get3A_885] {strides = array<i32>} : memref<80x64xf32, #tpu.memory_space<vmem>>, vector<1x16xf32>,
        %get3A_887 = vector.shape_cast %get3A_886 : vector<1x16xf32> to vector<16xf32>
        %mul3A_888 = arith.mulf %get3A_887, %gather3A_853 : vector<16xf32>
        %swap3A_889 = arith.index_cast %add3A_849 : i32 to index
        %swap3A_890 = arith.constant 48 : index
        %swap3A_891 = tpu.vector_load %arg10[%swap3A_889, %swap3A_890] {strides = array<i32>} : memref<80x64xf32, #tpu.memory_space<vmem>>, vector<1x16xf32>,
        %swap3A_892 = vector.shape_cast %swap3A_891 : vector<1x16xf32> to vector<16xf32>
        %swap3A_893 = vector.shape_cast %mul3A_888 : vector<16xf32> to vector<1x16xf32>
        tpu.vector_store %arg10[%swap3A_889, %swap3A_890], %swap3A_893 {strides = array<i32>} : memref<80x64xf32, #tpu.memory_space<vmem>>, vector<1x16xf32>,
      }
      %scan3A_98 = arith.constant 5 : i32
      "tpu.region"() ({
        %run_scoped3A_123 = tpu.sem_alloc : memref<!tpu.dma_semaphore, #tpu.memory_space<semaphore_mem>>
        %dma_start3A_124 = arith.constant 0 : i32
        %dma_start3A_125 = tpu.memref_slice %arg8[%mul3A_78, %dma_start3A_124] : memref<250x80xi32, #tpu.memory_space<vmem>> -> memref<1x80xi32, #tpu.memory_space<vmem>>
        %dma_start3A_126 = tpu.memref_squeeze %dma_start3A_125 : memref<1x80xi32, #tpu.memory_space<vmem>> -> memref<80xi32, #tpu.memory_space<vmem>>
        %dma_start3A_127 = arith.constant 0 : i32
        %dma_start3A_128 = arith.constant 0 : i32
        %dma_start3A_129 = tpu.memref_slice %arg13[%dma_start3A_127, %dma_start3A_128] : memref<10240x64xf32, #tpu.memory_space<vmem_shared>> -> memref<10240x64xf32, #tpu.memory_space<vmem_shared>>
        tpu.enqueue_indirect_dma source(%arg10 : memref<80x64xf32, #tpu.memory_space<vmem>>) target(%dma_start3A_129 : memref<10240x64xf32, #tpu.memory_space<vmem_shared>>) offsets(%dma_start3A_126 : memref<80xi32, #tpu.memory_space<vmem>>) semaphore(%run_scoped3A_123 : memref<!tpu.dma_semaphore, #tpu.memory_space<semaphore_mem>>) {add = true}
        %dma_wait3A_130 = arith.constant 0 : i32
        %dma_wait3A_131 = tpu.memref_slice %arg8[%mul3A_78, %dma_wait3A_130] : memref<250x80xi32, #tpu.memory_space<vmem>> -> memref<1x80xi32, #tpu.memory_space<vmem>>
        %dma_wait3A_132 = tpu.memref_squeeze %dma_wait3A_131 : memref<1x80xi32, #tpu.memory_space<vmem>> -> memref<80xi32, #tpu.memory_space<vmem>>
        %dma_wait3A_133 = arith.constant 0 : i32
        %dma_wait3A_134 = arith.constant 0 : i32
        %dma_wait3A_135 = tpu.memref_slice %arg13[%dma_wait3A_133, %dma_wait3A_134] : memref<10240x64xf32, #tpu.memory_space<vmem_shared>> -> memref<10240x64xf32, #tpu.memory_space<vmem_shared>>
        tpu.wait_indirect_dma semaphore(%run_scoped3A_123 : memref<!tpu.dma_semaphore, #tpu.memory_space<semaphore_mem>>) src(%arg10 : memref<80x64xf32, #tpu.memory_space<vmem>>) dst(%dma_wait3A_135 : memref<10240x64xf32, #tpu.memory_space<vmem_shared>>)
        tpu.yield
      }) : () -> ()
      %add3A_99 = arith.constant 1 : i32
      %add3A_100 = arith.addi %mul3A_78, %add3A_99 : i32
      %dma_wait3A_101 = arith.constant 0 : i32
      %dma_wait3A_102 = tpu.memref_slice %arg7[%add3A_100, %dma_wait3A_101] : memref<250x80xi32, #tpu.memory_space<vmem>> -> memref<1x80xi32, #tpu.memory_space<vmem>>
      %dma_wait3A_103 = tpu.memref_squeeze %dma_wait3A_102 : memref<1x80xi32, #tpu.memory_space<vmem>> -> memref<80xi32, #tpu.memory_space<vmem>>
      %dma_wait3A_104 = arith.constant 0 : i32
      %dma_wait3A_105 = arith.constant 0 : i32
      %dma_wait3A_106 = tpu.memref_slice %arg5[%dma_wait3A_104, %dma_wait3A_105] : memref<20000x64xf32, #tpu.memory_space<hbm>> -> memref<20000x64xf32, #tpu.memory_space<hbm>>
      tpu.wait_indirect_dma semaphore(%arg15 : memref<!tpu.dma_semaphore, #tpu.memory_space<semaphore_mem>>) src(%dma_wait3A_106 : memref<20000x64xf32, #tpu.memory_space<hbm>>) dst(%arg11 : memref<80x64xf32, #tpu.memory_space<vmem>>)
      %add3A_107 = arith.constant 2 : i32
      %add3A_108 = arith.addi %mul3A_78, %add3A_107 : i32
      %dma_start3A_109 = arith.constant 0 : i32
      %dma_start3A_110 = tpu.memref_slice %arg7[%add3A_108, %dma_start3A_109] : memref<250x80xi32, #tpu.memory_space<vmem>> -> memref<1x80xi32, #tpu.memory_space<vmem>>
      %dma_start3A_111 = tpu.memref_squeeze %dma_start3A_110 : memref<1x80xi32, #tpu.memory_space<vmem>> -> memref<80xi32, #tpu.memory_space<vmem>>
      %dma_start3A_112 = arith.constant 0 : i32
      %dma_start3A_113 = arith.constant 0 : i32
      %dma_start3A_114 = tpu.memref_slice %arg5[%dma_start3A_112, %dma_start3A_113] : memref<20000x64xf32, #tpu.memory_space<hbm>> -> memref<20000x64xf32, #tpu.memory_space<hbm>>
      tpu.enqueue_indirect_dma source(%dma_start3A_114 : memref<20000x64xf32, #tpu.memory_space<hbm>>) target(%arg10 : memref<80x64xf32, #tpu.memory_space<vmem>>) offsets(%dma_start3A_111 : memref<80xi32, #tpu.memory_space<vmem>>) semaphore(%arg14 : memref<!tpu.dma_semaphore, #tpu.memory_space<semaphore_mem>>)
      %add3A_115 = arith.constant 1 : i32
      %add3A_116 = arith.addi %mul3A_78, %add3A_115 : i32
      %scan3A_117 = arith.constant 0 : i32
      %scan3A_118 = arith.constant 0 : i32
      %scan3A_119 = arith.constant 5 : i32
      %scan3A_120 = arith.addi %scan3A_118, %scan3A_119 : i32
      %scan3A_121 = arith.constant 1 : i32
      scf.for %scan3A_123 = %scan3A_118 to %scan3A_120 step %scan3A_121  : i32 {
        %mul3A_124 = arith.constant 16 : i32
        %mul3A_125 = arith.muli %scan3A_123, %mul3A_124 : i32
        %get3A = arith.index_cast %add3A_116 : i32 to index
        %get3A_126 = arith.index_cast %mul3A_125 : i32 to index
        %get3A_127 = tpu.vector_load %arg9[%get3A, %get3A_126] {strides = array<i32>} : memref<250x80xf32, #tpu.memory_space<vmem>>, vector<1x16xf32>,
        %get3A_128 = vector.shape_cast %get3A_127 : vector<1x16xf32> to vector<16xf32>
        %mul3A_129 = arith.constant 16 : i32
        %mul3A_130 = arith.muli %scan3A_123, %mul3A_129 : i32
        %add3A_131 = arith.constant 0 : i32
        %add3A_132 = arith.addi %mul3A_130, %add3A_131 : i32
        %broadcast_in_dim3A = arith.constant 0 : i32
        %broadcast_in_dim3A_133 = vector.broadcast %broadcast_in_dim3A : i32 to vector<16x1xi32>
        %gather3A = vector.shape_cast %broadcast_in_dim3A_133 : vector<16x1xi32> to vector<16xi32>
        %gather3A_134 = tpu.dynamic_gather %get3A_128[%gather3A] in [0] : vector<16xf32>, vector<16xi32> -> vector<16xf32>
        %get3A_135 = arith.index_cast %add3A_132 : i32 to index
        %get3A_136 = arith.constant 0 : index
        %get3A_137 = tpu.vector_load %arg11[%get3A_135, %get3A_136] {strides = array<i32>} : memref<80x64xf32, #tpu.memory_space<vmem>>, vector<1x16xf32>,
        %get3A_138 = vector.shape_cast %get3A_137 : vector<1x16xf32> to vector<16xf32>
        %mul3A_139 = arith.mulf %get3A_138, %gather3A_134 : vector<16xf32>
        %swap3A = arith.index_cast %add3A_132 : i32 to index
        %swap3A_140 = arith.constant 0 : index
        %swap3A_141 = tpu.vector_load %arg11[%swap3A, %swap3A_140] {strides = array<i32>} : memref<80x64xf32, #tpu.memory_space<vmem>>, vector<1x16xf32>,
        %swap3A_142 = vector.shape_cast %swap3A_141 : vector<1x16xf32> to vector<16xf32>
        %swap3A_143 = vector.shape_cast %mul3A_139 : vector<16xf32> to vector<1x16xf32>
        tpu.vector_store %arg11[%swap3A, %swap3A_140], %swap3A_143 {strides = array<i32>} : memref<80x64xf32, #tpu.memory_space<vmem>>, vector<1x16xf32>,
        %get3A_144 = arith.index_cast %add3A_132 : i32 to index
        %get3A_145 = arith.constant 16 : index
        %get3A_146 = tpu.vector_load %arg11[%get3A_144, %get3A_145] {strides = array<i32>} : memref<80x64xf32, #tpu.memory_space<vmem>>, vector<1x16xf32>,
        %get3A_147 = vector.shape_cast %get3A_146 : vector<1x16xf32> to vector<16xf32>
        %mul3A_148 = arith.mulf %get3A_147, %gather3A_134 : vector<16xf32>
        %swap3A_149 = arith.index_cast %add3A_132 : i32 to index
        %swap3A_150 = arith.constant 16 : index
        %swap3A_151 = tpu.vector_load %arg11[%swap3A_149, %swap3A_150] {strides = array<i32>} : memref<80x64xf32, #tpu.memory_space<vmem>>, vector<1x16xf32>,
        %swap3A_152 = vector.shape_cast %swap3A_151 : vector<1x16xf32> to vector<16xf32>
        %swap3A_153 = vector.shape_cast %mul3A_148 : vector<16xf32> to vector<1x16xf32>
        tpu.vector_store %arg11[%swap3A_149, %swap3A_150], %swap3A_153 {strides = array<i32>} : memref<80x64xf32, #tpu.memory_space<vmem>>, vector<1x16xf32>,
        %get3A_154 = arith.index_cast %add3A_132 : i32 to index
        %get3A_155 = arith.constant 32 : index
        %get3A_156 = tpu.vector_load %arg11[%get3A_154, %get3A_155] {strides = array<i32>} : memref<80x64xf32, #tpu.memory_space<vmem>>, vector<1x16xf32>,
        %get3A_157 = vector.shape_cast %get3A_156 : vector<1x16xf32> to vector<16xf32>
        %mul3A_158 = arith.mulf %get3A_157, %gather3A_134 : vector<16xf32>
        %swap3A_159 = arith.index_cast %add3A_132 : i32 to index
        %swap3A_160 = arith.constant 32 : index
        %swap3A_161 = tpu.vector_load %arg11[%swap3A_159, %swap3A_160] {strides = array<i32>} : memref<80x64xf32, #tpu.memory_space<vmem>>, vector<1x16xf32>,
        %swap3A_162 = vector.shape_cast %swap3A_161 : vector<1x16xf32> to vector<16xf32>
        %swap3A_163 = vector.shape_cast %mul3A_158 : vector<16xf32> to vector<1x16xf32>
        tpu.vector_store %arg11[%swap3A_159, %swap3A_160], %swap3A_163 {strides = array<i32>} : memref<80x64xf32, #tpu.memory_space<vmem>>, vector<1x16xf32>,
        %get3A_164 = arith.index_cast %add3A_132 : i32 to index
        %get3A_165 = arith.constant 48 : index
        %get3A_166 = tpu.vector_load %arg11[%get3A_164, %get3A_165] {strides = array<i32>} : memref<80x64xf32, #tpu.memory_space<vmem>>, vector<1x16xf32>,
        %get3A_167 = vector.shape_cast %get3A_166 : vector<1x16xf32> to vector<16xf32>
        %mul3A_168 = arith.mulf %get3A_167, %gather3A_134 : vector<16xf32>
        %swap3A_169 = arith.index_cast %add3A_132 : i32 to index
        %swap3A_170 = arith.constant 48 : index
        %swap3A_171 = tpu.vector_load %arg11[%swap3A_169, %swap3A_170] {strides = array<i32>} : memref<80x64xf32, #tpu.memory_space<vmem>>, vector<1x16xf32>,
        %swap3A_172 = vector.shape_cast %swap3A_171 : vector<1x16xf32> to vector<16xf32>
        %swap3A_173 = vector.shape_cast %mul3A_168 : vector<16xf32> to vector<1x16xf32>
        tpu.vector_store %arg11[%swap3A_169, %swap3A_170], %swap3A_173 {strides = array<i32>} : memref<80x64xf32, #tpu.memory_space<vmem>>, vector<1x16xf32>,
        %mul3A_174 = arith.constant 16 : i32
        %mul3A_175 = arith.muli %scan3A_123, %mul3A_174 : i32
        %add3A_176 = arith.constant 1 : i32
        %add3A_177 = arith.addi %mul3A_175, %add3A_176 : i32
        %broadcast_in_dim3A_178 = arith.constant 1 : i32
        %broadcast_in_dim3A_179 = vector.broadcast %broadcast_in_dim3A_178 : i32 to vector<16x1xi32>
        %gather3A_180 = vector.shape_cast %broadcast_in_dim3A_179 : vector<16x1xi32> to vector<16xi32>
        %gather3A_181 = tpu.dynamic_gather %get3A_128[%gather3A_180] in [0] : vector<16xf32>, vector<16xi32> -> vector<16xf32>
        %get3A_182 = arith.index_cast %add3A_177 : i32 to index
        %get3A_183 = arith.constant 0 : index
        %get3A_184 = tpu.vector_load %arg11[%get3A_182, %get3A_183] {strides = array<i32>} : memref<80x64xf32, #tpu.memory_space<vmem>>, vector<1x16xf32>,
        %get3A_185 = vector.shape_cast %get3A_184 : vector<1x16xf32> to vector<16xf32>
        %mul3A_186 = arith.mulf %get3A_185, %gather3A_181 : vector<16xf32>
        %swap3A_187 = arith.index_cast %add3A_177 : i32 to index
        %swap3A_188 = arith.constant 0 : index
        %swap3A_189 = tpu.vector_load %arg11[%swap3A_187, %swap3A_188] {strides = array<i32>} : memref<80x64xf32, #tpu.memory_space<vmem>>, vector<1x16xf32>,
        %swap3A_190 = vector.shape_cast %swap3A_189 : vector<1x16xf32> to vector<16xf32>
        %swap3A_191 = vector.shape_cast %mul3A_186 : vector<16xf32> to vector<1x16xf32>
        tpu.vector_store %arg11[%swap3A_187, %swap3A_188], %swap3A_191 {strides = array<i32>} : memref<80x64xf32, #tpu.memory_space<vmem>>, vector<1x16xf32>,
        %get3A_192 = arith.index_cast %add3A_177 : i32 to index
        %get3A_193 = arith.constant 16 : index
        %get3A_194 = tpu.vector_load %arg11[%get3A_192, %get3A_193] {strides = array<i32>} : memref<80x64xf32, #tpu.memory_space<vmem>>, vector<1x16xf32>,
        %get3A_195 = vector.shape_cast %get3A_194 : vector<1x16xf32> to vector<16xf32>
        %mul3A_196 = arith.mulf %get3A_195, %gather3A_181 : vector<16xf32>
        %swap3A_197 = arith.index_cast %add3A_177 : i32 to index
        %swap3A_198 = arith.constant 16 : index
        %swap3A_199 = tpu.vector_load %arg11[%swap3A_197, %swap3A_198] {strides = array<i32>} : memref<80x64xf32, #tpu.memory_space<vmem>>, vector<1x16xf32>,
        %swap3A_200 = vector.shape_cast %swap3A_199 : vector<1x16xf32> to vector<16xf32>
        %swap3A_201 = vector.shape_cast %mul3A_196 : vector<16xf32> to vector<1x16xf32>
        tpu.vector_store %arg11[%swap3A_197, %swap3A_198], %swap3A_201 {strides = array<i32>} : memref<80x64xf32, #tpu.memory_space<vmem>>, vector<1x16xf32>,
        %get3A_202 = arith.index_cast %add3A_177 : i32 to index
        %get3A_203 = arith.constant 32 : index
        %get3A_204 = tpu.vector_load %arg11[%get3A_202, %get3A_203] {strides = array<i32>} : memref<80x64xf32, #tpu.memory_space<vmem>>, vector<1x16xf32>,
        %get3A_205 = vector.shape_cast %get3A_204 : vector<1x16xf32> to vector<16xf32>
        %mul3A_206 = arith.mulf %get3A_205, %gather3A_181 : vector<16xf32>
        %swap3A_207 = arith.index_cast %add3A_177 : i32 to index
        %swap3A_208 = arith.constant 32 : index
        %swap3A_209 = tpu.vector_load %arg11[%swap3A_207, %swap3A_208] {strides = array<i32>} : memref<80x64xf32, #tpu.memory_space<vmem>>, vector<1x16xf32>,
        %swap3A_210 = vector.shape_cast %swap3A_209 : vector<1x16xf32> to vector<16xf32>
        %swap3A_211 = vector.shape_cast %mul3A_206 : vector<16xf32> to vector<1x16xf32>
        tpu.vector_store %arg11[%swap3A_207, %swap3A_208], %swap3A_211 {strides = array<i32>} : memref<80x64xf32, #tpu.memory_space<vmem>>, vector<1x16xf32>,
        %get3A_212 = arith.index_cast %add3A_177 : i32 to index
        %get3A_213 = arith.constant 48 : index
        %get3A_214 = tpu.vector_load %arg11[%get3A_212, %get3A_213] {strides = array<i32>} : memref<80x64xf32, #tpu.memory_space<vmem>>, vector<1x16xf32>,
        %get3A_215 = vector.shape_cast %get3A_214 : vector<1x16xf32> to vector<16xf32>
        %mul3A_216 = arith.mulf %get3A_215, %gather3A_181 : vector<16xf32>
        %swap3A_217 = arith.index_cast %add3A_177 : i32 to index
        %swap3A_218 = arith.constant 48 : index
        %swap3A_219 = tpu.vector_load %arg11[%swap3A_217, %swap3A_218] {strides = array<i32>} : memref<80x64xf32, #tpu.memory_space<vmem>>, vector<1x16xf32>,
        %swap3A_220 = vector.shape_cast %swap3A_219 : vector<1x16xf32> to vector<16xf32>
        %swap3A_221 = vector.shape_cast %mul3A_216 : vector<16xf32> to vector<1x16xf32>
        tpu.vector_store %arg11[%swap3A_217, %swap3A_218], %swap3A_221 {strides = array<i32>} : memref<80x64xf32, #tpu.memory_space<vmem>>, vector<1x16xf32>,
        %mul3A_222 = arith.constant 16 : i32
        %mul3A_223 = arith.muli %scan3A_123, %mul3A_222 : i32
        %add3A_224 = arith.constant 2 : i32
        %add3A_225 = arith.addi %mul3A_223, %add3A_224 : i32
        %broadcast_in_dim3A_226 = arith.constant 2 : i32
        %broadcast_in_dim3A_227 = vector.broadcast %broadcast_in_dim3A_226 : i32 to vector<16x1xi32>
        %gather3A_228 = vector.shape_cast %broadcast_in_dim3A_227 : vector<16x1xi32> to vector<16xi32>
        %gather3A_229 = tpu.dynamic_gather %get3A_128[%gather3A_228] in [0] : vector<16xf32>, vector<16xi32> -> vector<16xf32>
        %get3A_230 = arith.index_cast %add3A_225 : i32 to index
        %get3A_231 = arith.constant 0 : index
        %get3A_232 = tpu.vector_load %arg11[%get3A_230, %get3A_231] {strides = array<i32>} : memref<80x64xf32, #tpu.memory_space<vmem>>, vector<1x16xf32>,
        %get3A_233 = vector.shape_cast %get3A_232 : vector<1x16xf32> to vector<16xf32>
        %mul3A_234 = arith.mulf %get3A_233, %gather3A_229 : vector<16xf32>
        %swap3A_235 = arith.index_cast %add3A_225 : i32 to index
        %swap3A_236 = arith.constant 0 : index
        %swap3A_237 = tpu.vector_load %arg11[%swap3A_235, %swap3A_236] {strides = array<i32>} : memref<80x64xf32, #tpu.memory_space<vmem>>, vector<1x16xf32>,
        %swap3A_238 = vector.shape_cast %swap3A_237 : vector<1x16xf32> to vector<16xf32>
        %swap3A_239 = vector.shape_cast %mul3A_234 : vector<16xf32> to vector<1x16xf32>
        tpu.vector_store %arg11[%swap3A_235, %swap3A_236], %swap3A_239 {strides = array<i32>} : memref<80x64xf32, #tpu.memory_space<vmem>>, vector<1x16xf32>,
        %get3A_240 = arith.index_cast %add3A_225 : i32 to index
        %get3A_241 = arith.constant 16 : index
        %get3A_242 = tpu.vector_load %arg11[%get3A_240, %get3A_241] {strides = array<i32>} : memref<80x64xf32, #tpu.memory_space<vmem>>, vector<1x16xf32>,
        %get3A_243 = vector.shape_cast %get3A_242 : vector<1x16xf32> to vector<16xf32>
        %mul3A_244 = arith.mulf %get3A_243, %gather3A_229 : vector<16xf32>
        %swap3A_245 = arith.index_cast %add3A_225 : i32 to index
        %swap3A_246 = arith.constant 16 : index
        %swap3A_247 = tpu.vector_load %arg11[%swap3A_245, %swap3A_246] {strides = array<i32>} : memref<80x64xf32, #tpu.memory_space<vmem>>, vector<1x16xf32>,
        %swap3A_248 = vector.shape_cast %swap3A_247 : vector<1x16xf32> to vector<16xf32>
        %swap3A_249 = vector.shape_cast %mul3A_244 : vector<16xf32> to vector<1x16xf32>
        tpu.vector_store %arg11[%swap3A_245, %swap3A_246], %swap3A_249 {strides = array<i32>} : memref<80x64xf32, #tpu.memory_space<vmem>>, vector<1x16xf32>,
        %get3A_250 = arith.index_cast %add3A_225 : i32 to index
        %get3A_251 = arith.constant 32 : index
        %get3A_252 = tpu.vector_load %arg11[%get3A_250, %get3A_251] {strides = array<i32>} : memref<80x64xf32, #tpu.memory_space<vmem>>, vector<1x16xf32>,
        %get3A_253 = vector.shape_cast %get3A_252 : vector<1x16xf32> to vector<16xf32>
        %mul3A_254 = arith.mulf %get3A_253, %gather3A_229 : vector<16xf32>
        %swap3A_255 = arith.index_cast %add3A_225 : i32 to index
        %swap3A_256 = arith.constant 32 : index
        %swap3A_257 = tpu.vector_load %arg11[%swap3A_255, %swap3A_256] {strides = array<i32>} : memref<80x64xf32, #tpu.memory_space<vmem>>, vector<1x16xf32>,
        %swap3A_258 = vector.shape_cast %swap3A_257 : vector<1x16xf32> to vector<16xf32>
        %swap3A_259 = vector.shape_cast %mul3A_254 : vector<16xf32> to vector<1x16xf32>
        tpu.vector_store %arg11[%swap3A_255, %swap3A_256], %swap3A_259 {strides = array<i32>} : memref<80x64xf32, #tpu.memory_space<vmem>>, vector<1x16xf32>,
        %get3A_260 = arith.index_cast %add3A_225 : i32 to index
        %get3A_261 = arith.constant 48 : index
        %get3A_262 = tpu.vector_load %arg11[%get3A_260, %get3A_261] {strides = array<i32>} : memref<80x64xf32, #tpu.memory_space<vmem>>, vector<1x16xf32>,
        %get3A_263 = vector.shape_cast %get3A_262 : vector<1x16xf32> to vector<16xf32>
        %mul3A_264 = arith.mulf %get3A_263, %gather3A_229 : vector<16xf32>
        %swap3A_265 = arith.index_cast %add3A_225 : i32 to index
        %swap3A_266 = arith.constant 48 : index
        %swap3A_267 = tpu.vector_load %arg11[%swap3A_265, %swap3A_266] {strides = array<i32>} : memref<80x64xf32, #tpu.memory_space<vmem>>, vector<1x16xf32>,
        %swap3A_268 = vector.shape_cast %swap3A_267 : vector<1x16xf32> to vector<16xf32>
        %swap3A_269 = vector.shape_cast %mul3A_264 : vector<16xf32> to vector<1x16xf32>
        tpu.vector_store %arg11[%swap3A_265, %swap3A_266], %swap3A_269 {strides = array<i32>} : memref<80x64xf32, #tpu.memory_space<vmem>>, vector<1x16xf32>,
        %mul3A_270 = arith.constant 16 : i32
        %mul3A_271 = arith.muli %scan3A_123, %mul3A_270 : i32
        %add3A_272 = arith.constant 3 : i32
        %add3A_273 = arith.addi %mul3A_271, %add3A_272 : i32
        %broadcast_in_dim3A_274 = arith.constant 3 : i32
        %broadcast_in_dim3A_275 = vector.broadcast %broadcast_in_dim3A_274 : i32 to vector<16x1xi32>
        %gather3A_276 = vector.shape_cast %broadcast_in_dim3A_275 : vector<16x1xi32> to vector<16xi32>
        %gather3A_277 = tpu.dynamic_gather %get3A_128[%gather3A_276] in [0] : vector<16xf32>, vector<16xi32> -> vector<16xf32>
        %get3A_278 = arith.index_cast %add3A_273 : i32 to index
        %get3A_279 = arith.constant 0 : index
        %get3A_280 = tpu.vector_load %arg11[%get3A_278, %get3A_279] {strides = array<i32>} : memref<80x64xf32, #tpu.memory_space<vmem>>, vector<1x16xf32>,
        %get3A_281 = vector.shape_cast %get3A_280 : vector<1x16xf32> to vector<16xf32>
        %mul3A_282 = arith.mulf %get3A_281, %gather3A_277 : vector<16xf32>
        %swap3A_283 = arith.index_cast %add3A_273 : i32 to index
        %swap3A_284 = arith.constant 0 : index
        %swap3A_285 = tpu.vector_load %arg11[%swap3A_283, %swap3A_284] {strides = array<i32>} : memref<80x64xf32, #tpu.memory_space<vmem>>, vector<1x16xf32>,
        %swap3A_286 = vector.shape_cast %swap3A_285 : vector<1x16xf32> to vector<16xf32>
        %swap3A_287 = vector.shape_cast %mul3A_282 : vector<16xf32> to vector<1x16xf32>
        tpu.vector_store %arg11[%swap3A_283, %swap3A_284], %swap3A_287 {strides = array<i32>} : memref<80x64xf32, #tpu.memory_space<vmem>>, vector<1x16xf32>,
        %get3A_288 = arith.index_cast %add3A_273 : i32 to index
        %get3A_289 = arith.constant 16 : index
        %get3A_290 = tpu.vector_load %arg11[%get3A_288, %get3A_289] {strides = array<i32>} : memref<80x64xf32, #tpu.memory_space<vmem>>, vector<1x16xf32>,
        %get3A_291 = vector.shape_cast %get3A_290 : vector<1x16xf32> to vector<16xf32>
        %mul3A_292 = arith.mulf %get3A_291, %gather3A_277 : vector<16xf32>
        %swap3A_293 = arith.index_cast %add3A_273 : i32 to index
        %swap3A_294 = arith.constant 16 : index
        %swap3A_295 = tpu.vector_load %arg11[%swap3A_293, %swap3A_294] {strides = array<i32>} : memref<80x64xf32, #tpu.memory_space<vmem>>, vector<1x16xf32>,
        %swap3A_296 = vector.shape_cast %swap3A_295 : vector<1x16xf32> to vector<16xf32>
        %swap3A_297 = vector.shape_cast %mul3A_292 : vector<16xf32> to vector<1x16xf32>
        tpu.vector_store %arg11[%swap3A_293, %swap3A_294], %swap3A_297 {strides = array<i32>} : memref<80x64xf32, #tpu.memory_space<vmem>>, vector<1x16xf32>,
        %get3A_298 = arith.index_cast %add3A_273 : i32 to index
        %get3A_299 = arith.constant 32 : index
        %get3A_300 = tpu.vector_load %arg11[%get3A_298, %get3A_299] {strides = array<i32>} : memref<80x64xf32, #tpu.memory_space<vmem>>, vector<1x16xf32>,
        %get3A_301 = vector.shape_cast %get3A_300 : vector<1x16xf32> to vector<16xf32>
        %mul3A_302 = arith.mulf %get3A_301, %gather3A_277 : vector<16xf32>
        %swap3A_303 = arith.index_cast %add3A_273 : i32 to index
        %swap3A_304 = arith.constant 32 : index
        %swap3A_305 = tpu.vector_load %arg11[%swap3A_303, %swap3A_304] {strides = array<i32>} : memref<80x64xf32, #tpu.memory_space<vmem>>, vector<1x16xf32>,
        %swap3A_306 = vector.shape_cast %swap3A_305 : vector<1x16xf32> to vector<16xf32>
        %swap3A_307 = vector.shape_cast %mul3A_302 : vector<16xf32> to vector<1x16xf32>
        tpu.vector_store %arg11[%swap3A_303, %swap3A_304], %swap3A_307 {strides = array<i32>} : memref<80x64xf32, #tpu.memory_space<vmem>>, vector<1x16xf32>,
        %get3A_308 = arith.index_cast %add3A_273 : i32 to index
        %get3A_309 = arith.constant 48 : index
        %get3A_310 = tpu.vector_load %arg11[%get3A_308, %get3A_309] {strides = array<i32>} : memref<80x64xf32, #tpu.memory_space<vmem>>, vector<1x16xf32>,
        %get3A_311 = vector.shape_cast %get3A_310 : vector<1x16xf32> to vector<16xf32>
        %mul3A_312 = arith.mulf %get3A_311, %gather3A_277 : vector<16xf32>
        %swap3A_313 = arith.index_cast %add3A_273 : i32 to index
        %swap3A_314 = arith.constant 48 : index
        %swap3A_315 = tpu.vector_load %arg11[%swap3A_313, %swap3A_314] {strides = array<i32>} : memref<80x64xf32, #tpu.memory_space<vmem>>, vector<1x16xf32>,
        %swap3A_316 = vector.shape_cast %swap3A_315 : vector<1x16xf32> to vector<16xf32>
        %swap3A_317 = vector.shape_cast %mul3A_312 : vector<16xf32> to vector<1x16xf32>
        tpu.vector_store %arg11[%swap3A_313, %swap3A_314], %swap3A_317 {strides = array<i32>} : memref<80x64xf32, #tpu.memory_space<vmem>>, vector<1x16xf32>,
        %mul3A_318 = arith.constant 16 : i32
        %mul3A_319 = arith.muli %scan3A_123, %mul3A_318 : i32
        %add3A_320 = arith.constant 4 : i32
        %add3A_321 = arith.addi %mul3A_319, %add3A_320 : i32
        %broadcast_in_dim3A_322 = arith.constant 4 : i32
        %broadcast_in_dim3A_323 = vector.broadcast %broadcast_in_dim3A_322 : i32 to vector<16x1xi32>
        %gather3A_324 = vector.shape_cast %broadcast_in_dim3A_323 : vector<16x1xi32> to vector<16xi32>
        %gather3A_325 = tpu.dynamic_gather %get3A_128[%gather3A_324] in [0] : vector<16xf32>, vector<16xi32> -> vector<16xf32>
        %get3A_326 = arith.index_cast %add3A_321 : i32 to index
        %get3A_327 = arith.constant 0 : index
        %get3A_328 = tpu.vector_load %arg11[%get3A_326, %get3A_327] {strides = array<i32>} : memref<80x64xf32, #tpu.memory_space<vmem>>, vector<1x16xf32>,
        %get3A_329 = vector.shape_cast %get3A_328 : vector<1x16xf32> to vector<16xf32>
        %mul3A_330 = arith.mulf %get3A_329, %gather3A_325 : vector<16xf32>
        %swap3A_331 = arith.index_cast %add3A_321 : i32 to index
        %swap3A_332 = arith.constant 0 : index
        %swap3A_333 = tpu.vector_load %arg11[%swap3A_331, %swap3A_332] {strides = array<i32>} : memref<80x64xf32, #tpu.memory_space<vmem>>, vector<1x16xf32>,
        %swap3A_334 = vector.shape_cast %swap3A_333 : vector<1x16xf32> to vector<16xf32>
        %swap3A_335 = vector.shape_cast %mul3A_330 : vector<16xf32> to vector<1x16xf32>
        tpu.vector_store %arg11[%swap3A_331, %swap3A_332], %swap3A_335 {strides = array<i32>} : memref<80x64xf32, #tpu.memory_space<vmem>>, vector<1x16xf32>,
        %get3A_336 = arith.index_cast %add3A_321 : i32 to index
        %get3A_337 = arith.constant 16 : index
        %get3A_338 = tpu.vector_load %arg11[%get3A_336, %get3A_337] {strides = array<i32>} : memref<80x64xf32, #tpu.memory_space<vmem>>, vector<1x16xf32>,
        %get3A_339 = vector.shape_cast %get3A_338 : vector<1x16xf32> to vector<16xf32>
        %mul3A_340 = arith.mulf %get3A_339, %gather3A_325 : vector<16xf32>
        %swap3A_341 = arith.index_cast %add3A_321 : i32 to index
        %swap3A_342 = arith.constant 16 : index
        %swap3A_343 = tpu.vector_load %arg11[%swap3A_341, %swap3A_342] {strides = array<i32>} : memref<80x64xf32, #tpu.memory_space<vmem>>, vector<1x16xf32>,
        %swap3A_344 = vector.shape_cast %swap3A_343 : vector<1x16xf32> to vector<16xf32>
        %swap3A_345 = vector.shape_cast %mul3A_340 : vector<16xf32> to vector<1x16xf32>
        tpu.vector_store %arg11[%swap3A_341, %swap3A_342], %swap3A_345 {strides = array<i32>} : memref<80x64xf32, #tpu.memory_space<vmem>>, vector<1x16xf32>,
        %get3A_346 = arith.index_cast %add3A_321 : i32 to index
        %get3A_347 = arith.constant 32 : index
        %get3A_348 = tpu.vector_load %arg11[%get3A_346, %get3A_347] {strides = array<i32>} : memref<80x64xf32, #tpu.memory_space<vmem>>, vector<1x16xf32>,
        %get3A_349 = vector.shape_cast %get3A_348 : vector<1x16xf32> to vector<16xf32>
        %mul3A_350 = arith.mulf %get3A_349, %gather3A_325 : vector<16xf32>
        %swap3A_351 = arith.index_cast %add3A_321 : i32 to index
        %swap3A_352 = arith.constant 32 : index
        %swap3A_353 = tpu.vector_load %arg11[%swap3A_351, %swap3A_352] {strides = array<i32>} : memref<80x64xf32, #tpu.memory_space<vmem>>, vector<1x16xf32>,
        %swap3A_354 = vector.shape_cast %swap3A_353 : vector<1x16xf32> to vector<16xf32>
        %swap3A_355 = vector.shape_cast %mul3A_350 : vector<16xf32> to vector<1x16xf32>
        tpu.vector_store %arg11[%swap3A_351, %swap3A_352], %swap3A_355 {strides = array<i32>} : memref<80x64xf32, #tpu.memory_space<vmem>>, vector<1x16xf32>,
        %get3A_356 = arith.index_cast %add3A_321 : i32 to index
        %get3A_357 = arith.constant 48 : index
        %get3A_358 = tpu.vector_load %arg11[%get3A_356, %get3A_357] {strides = array<i32>} : memref<80x64xf32, #tpu.memory_space<vmem>>, vector<1x16xf32>,
        %get3A_359 = vector.shape_cast %get3A_358 : vector<1x16xf32> to vector<16xf32>
        %mul3A_360 = arith.mulf %get3A_359, %gather3A_325 : vector<16xf32>
        %swap3A_361 = arith.index_cast %add3A_321 : i32 to index
        %swap3A_362 = arith.constant 48 : index
        %swap3A_363 = tpu.vector_load %arg11[%swap3A_361, %swap3A_362] {strides = array<i32>} : memref<80x64xf32, #tpu.memory_space<vmem>>, vector<1x16xf32>,
        %swap3A_364 = vector.shape_cast %swap3A_363 : vector<1x16xf32> to vector<16xf32>
        %swap3A_365 = vector.shape_cast %mul3A_360 : vector<16xf32> to vector<1x16xf32>
        tpu.vector_store %arg11[%swap3A_361, %swap3A_362], %swap3A_365 {strides = array<i32>} : memref<80x64xf32, #tpu.memory_space<vmem>>, vector<1x16xf32>,
        %mul3A_366 = arith.constant 16 : i32
        %mul3A_367 = arith.muli %scan3A_123, %mul3A_366 : i32
        %add3A_368 = arith.constant 5 : i32
        %add3A_369 = arith.addi %mul3A_367, %add3A_368 : i32
        %broadcast_in_dim3A_370 = arith.constant 5 : i32
        %broadcast_in_dim3A_371 = vector.broadcast %broadcast_in_dim3A_370 : i32 to vector<16x1xi32>
        %gather3A_372 = vector.shape_cast %broadcast_in_dim3A_371 : vector<16x1xi32> to vector<16xi32>
        %gather3A_373 = tpu.dynamic_gather %get3A_128[%gather3A_372] in [0] : vector<16xf32>, vector<16xi32> -> vector<16xf32>
        %get3A_374 = arith.index_cast %add3A_369 : i32 to index
        %get3A_375 = arith.constant 0 : index
        %get3A_376 = tpu.vector_load %arg11[%get3A_374, %get3A_375] {strides = array<i32>} : memref<80x64xf32, #tpu.memory_space<vmem>>, vector<1x16xf32>,
        %get3A_377 = vector.shape_cast %get3A_376 : vector<1x16xf32> to vector<16xf32>
        %mul3A_378 = arith.mulf %get3A_377, %gather3A_373 : vector<16xf32>
        %swap3A_379 = arith.index_cast %add3A_369 : i32 to index
        %swap3A_380 = arith.constant 0 : index
        %swap3A_381 = tpu.vector_load %arg11[%swap3A_379, %swap3A_380] {strides = array<i32>} : memref<80x64xf32, #tpu.memory_space<vmem>>, vector<1x16xf32>,
        %swap3A_382 = vector.shape_cast %swap3A_381 : vector<1x16xf32> to vector<16xf32>
        %swap3A_383 = vector.shape_cast %mul3A_378 : vector<16xf32> to vector<1x16xf32>
        tpu.vector_store %arg11[%swap3A_379, %swap3A_380], %swap3A_383 {strides = array<i32>} : memref<80x64xf32, #tpu.memory_space<vmem>>, vector<1x16xf32>,
        %get3A_384 = arith.index_cast %add3A_369 : i32 to index
        %get3A_385 = arith.constant 16 : index
        %get3A_386 = tpu.vector_load %arg11[%get3A_384, %get3A_385] {strides = array<i32>} : memref<80x64xf32, #tpu.memory_space<vmem>>, vector<1x16xf32>,
        %get3A_387 = vector.shape_cast %get3A_386 : vector<1x16xf32> to vector<16xf32>
        %mul3A_388 = arith.mulf %get3A_387, %gather3A_373 : vector<16xf32>
        %swap3A_389 = arith.index_cast %add3A_369 : i32 to index
        %swap3A_390 = arith.constant 16 : index
        %swap3A_391 = tpu.vector_load %arg11[%swap3A_389, %swap3A_390] {strides = array<i32>} : memref<80x64xf32, #tpu.memory_space<vmem>>, vector<1x16xf32>,
        %swap3A_392 = vector.shape_cast %swap3A_391 : vector<1x16xf32> to vector<16xf32>
        %swap3A_393 = vector.shape_cast %mul3A_388 : vector<16xf32> to vector<1x16xf32>
        tpu.vector_store %arg11[%swap3A_389, %swap3A_390], %swap3A_393 {strides = array<i32>} : memref<80x64xf32, #tpu.memory_space<vmem>>, vector<1x16xf32>,
        %get3A_394 = arith.index_cast %add3A_369 : i32 to index
        %get3A_395 = arith.constant 32 : index
        %get3A_396 = tpu.vector_load %arg11[%get3A_394, %get3A_395] {strides = array<i32>} : memref<80x64xf32, #tpu.memory_space<vmem>>, vector<1x16xf32>,
        %get3A_397 = vector.shape_cast %get3A_396 : vector<1x16xf32> to vector<16xf32>
        %mul3A_398 = arith.mulf %get3A_397, %gather3A_373 : vector<16xf32>
        %swap3A_399 = arith.index_cast %add3A_369 : i32 to index
        %swap3A_400 = arith.constant 32 : index
        %swap3A_401 = tpu.vector_load %arg11[%swap3A_399, %swap3A_400] {strides = array<i32>} : memref<80x64xf32, #tpu.memory_space<vmem>>, vector<1x16xf32>,
        %swap3A_402 = vector.shape_cast %swap3A_401 : vector<1x16xf32> to vector<16xf32>
        %swap3A_403 = vector.shape_cast %mul3A_398 : vector<16xf32> to vector<1x16xf32>
        tpu.vector_store %arg11[%swap3A_399, %swap3A_400], %swap3A_403 {strides = array<i32>} : memref<80x64xf32, #tpu.memory_space<vmem>>, vector<1x16xf32>,
        %get3A_404 = arith.index_cast %add3A_369 : i32 to index
        %get3A_405 = arith.constant 48 : index
        %get3A_406 = tpu.vector_load %arg11[%get3A_404, %get3A_405] {strides = array<i32>} : memref<80x64xf32, #tpu.memory_space<vmem>>, vector<1x16xf32>,
        %get3A_407 = vector.shape_cast %get3A_406 : vector<1x16xf32> to vector<16xf32>
        %mul3A_408 = arith.mulf %get3A_407, %gather3A_373 : vector<16xf32>
        %swap3A_409 = arith.index_cast %add3A_369 : i32 to index
        %swap3A_410 = arith.constant 48 : index
        %swap3A_411 = tpu.vector_load %arg11[%swap3A_409, %swap3A_410] {strides = array<i32>} : memref<80x64xf32, #tpu.memory_space<vmem>>, vector<1x16xf32>,
        %swap3A_412 = vector.shape_cast %swap3A_411 : vector<1x16xf32> to vector<16xf32>
        %swap3A_413 = vector.shape_cast %mul3A_408 : vector<16xf32> to vector<1x16xf32>
        tpu.vector_store %arg11[%swap3A_409, %swap3A_410], %swap3A_413 {strides = array<i32>} : memref<80x64xf32, #tpu.memory_space<vmem>>, vector<1x16xf32>,
        %mul3A_414 = arith.constant 16 : i32
        %mul3A_415 = arith.muli %scan3A_123, %mul3A_414 : i32
        %add3A_416 = arith.constant 6 : i32
        %add3A_417 = arith.addi %mul3A_415, %add3A_416 : i32
        %broadcast_in_dim3A_418 = arith.constant 6 : i32
        %broadcast_in_dim3A_419 = vector.broadcast %broadcast_in_dim3A_418 : i32 to vector<16x1xi32>
        %gather3A_420 = vector.shape_cast %broadcast_in_dim3A_419 : vector<16x1xi32> to vector<16xi32>
        %gather3A_421 = tpu.dynamic_gather %get3A_128[%gather3A_420] in [0] : vector<16xf32>, vector<16xi32> -> vector<16xf32>
        %get3A_422 = arith.index_cast %add3A_417 : i32 to index
        %get3A_423 = arith.constant 0 : index
        %get3A_424 = tpu.vector_load %arg11[%get3A_422, %get3A_423] {strides = array<i32>} : memref<80x64xf32, #tpu.memory_space<vmem>>, vector<1x16xf32>,
        %get3A_425 = vector.shape_cast %get3A_424 : vector<1x16xf32> to vector<16xf32>
        %mul3A_426 = arith.mulf %get3A_425, %gather3A_421 : vector<16xf32>
        %swap3A_427 = arith.index_cast %add3A_417 : i32 to index
        %swap3A_428 = arith.constant 0 : index
        %swap3A_429 = tpu.vector_load %arg11[%swap3A_427, %swap3A_428] {strides = array<i32>} : memref<80x64xf32, #tpu.memory_space<vmem>>, vector<1x16xf32>,
        %swap3A_430 = vector.shape_cast %swap3A_429 : vector<1x16xf32> to vector<16xf32>
        %swap3A_431 = vector.shape_cast %mul3A_426 : vector<16xf32> to vector<1x16xf32>
        tpu.vector_store %arg11[%swap3A_427, %swap3A_428], %swap3A_431 {strides = array<i32>} : memref<80x64xf32, #tpu.memory_space<vmem>>, vector<1x16xf32>,
        %get3A_432 = arith.index_cast %add3A_417 : i32 to index
        %get3A_433 = arith.constant 16 : index
        %get3A_434 = tpu.vector_load %arg11[%get3A_432, %get3A_433] {strides = array<i32>} : memref<80x64xf32, #tpu.memory_space<vmem>>, vector<1x16xf32>,
        %get3A_435 = vector.shape_cast %get3A_434 : vector<1x16xf32> to vector<16xf32>
        %mul3A_436 = arith.mulf %get3A_435, %gather3A_421 : vector<16xf32>
        %swap3A_437 = arith.index_cast %add3A_417 : i32 to index
        %swap3A_438 = arith.constant 16 : index
        %swap3A_439 = tpu.vector_load %arg11[%swap3A_437, %swap3A_438] {strides = array<i32>} : memref<80x64xf32, #tpu.memory_space<vmem>>, vector<1x16xf32>,
        %swap3A_440 = vector.shape_cast %swap3A_439 : vector<1x16xf32> to vector<16xf32>
        %swap3A_441 = vector.shape_cast %mul3A_436 : vector<16xf32> to vector<1x16xf32>
        tpu.vector_store %arg11[%swap3A_437, %swap3A_438], %swap3A_441 {strides = array<i32>} : memref<80x64xf32, #tpu.memory_space<vmem>>, vector<1x16xf32>,
        %get3A_442 = arith.index_cast %add3A_417 : i32 to index
        %get3A_443 = arith.constant 32 : index
        %get3A_444 = tpu.vector_load %arg11[%get3A_442, %get3A_443] {strides = array<i32>} : memref<80x64xf32, #tpu.memory_space<vmem>>, vector<1x16xf32>,
        %get3A_445 = vector.shape_cast %get3A_444 : vector<1x16xf32> to vector<16xf32>
        %mul3A_446 = arith.mulf %get3A_445, %gather3A_421 : vector<16xf32>
        %swap3A_447 = arith.index_cast %add3A_417 : i32 to index
        %swap3A_448 = arith.constant 32 : index
        %swap3A_449 = tpu.vector_load %arg11[%swap3A_447, %swap3A_448] {strides = array<i32>} : memref<80x64xf32, #tpu.memory_space<vmem>>, vector<1x16xf32>,
        %swap3A_450 = vector.shape_cast %swap3A_449 : vector<1x16xf32> to vector<16xf32>
        %swap3A_451 = vector.shape_cast %mul3A_446 : vector<16xf32> to vector<1x16xf32>
        tpu.vector_store %arg11[%swap3A_447, %swap3A_448], %swap3A_451 {strides = array<i32>} : memref<80x64xf32, #tpu.memory_space<vmem>>, vector<1x16xf32>,
        %get3A_452 = arith.index_cast %add3A_417 : i32 to index
        %get3A_453 = arith.constant 48 : index
        %get3A_454 = tpu.vector_load %arg11[%get3A_452, %get3A_453] {strides = array<i32>} : memref<80x64xf32, #tpu.memory_space<vmem>>, vector<1x16xf32>,
        %get3A_455 = vector.shape_cast %get3A_454 : vector<1x16xf32> to vector<16xf32>
        %mul3A_456 = arith.mulf %get3A_455, %gather3A_421 : vector<16xf32>
        %swap3A_457 = arith.index_cast %add3A_417 : i32 to index
        %swap3A_458 = arith.constant 48 : index
        %swap3A_459 = tpu.vector_load %arg11[%swap3A_457, %swap3A_458] {strides = array<i32>} : memref<80x64xf32, #tpu.memory_space<vmem>>, vector<1x16xf32>,
        %swap3A_460 = vector.shape_cast %swap3A_459 : vector<1x16xf32> to vector<16xf32>
        %swap3A_461 = vector.shape_cast %mul3A_456 : vector<16xf32> to vector<1x16xf32>
        tpu.vector_store %arg11[%swap3A_457, %swap3A_458], %swap3A_461 {strides = array<i32>} : memref<80x64xf32, #tpu.memory_space<vmem>>, vector<1x16xf32>,
        %mul3A_462 = arith.constant 16 : i32
        %mul3A_463 = arith.muli %scan3A_123, %mul3A_462 : i32
        %add3A_464 = arith.constant 7 : i32
        %add3A_465 = arith.addi %mul3A_463, %add3A_464 : i32
        %broadcast_in_dim3A_466 = arith.constant 7 : i32
        %broadcast_in_dim3A_467 = vector.broadcast %broadcast_in_dim3A_466 : i32 to vector<16x1xi32>
        %gather3A_468 = vector.shape_cast %broadcast_in_dim3A_467 : vector<16x1xi32> to vector<16xi32>
        %gather3A_469 = tpu.dynamic_gather %get3A_128[%gather3A_468] in [0] : vector<16xf32>, vector<16xi32> -> vector<16xf32>
        %get3A_470 = arith.index_cast %add3A_465 : i32 to index
        %get3A_471 = arith.constant 0 : index
        %get3A_472 = tpu.vector_load %arg11[%get3A_470, %get3A_471] {strides = array<i32>} : memref<80x64xf32, #tpu.memory_space<vmem>>, vector<1x16xf32>,
        %get3A_473 = vector.shape_cast %get3A_472 : vector<1x16xf32> to vector<16xf32>
        %mul3A_474 = arith.mulf %get3A_473, %gather3A_469 : vector<16xf32>
        %swap3A_475 = arith.index_cast %add3A_465 : i32 to index
        %swap3A_476 = arith.constant 0 : index
        %swap3A_477 = tpu.vector_load %arg11[%swap3A_475, %swap3A_476] {strides = array<i32>} : memref<80x64xf32, #tpu.memory_space<vmem>>, vector<1x16xf32>,
        %swap3A_478 = vector.shape_cast %swap3A_477 : vector<1x16xf32> to vector<16xf32>
        %swap3A_479 = vector.shape_cast %mul3A_474 : vector<16xf32> to vector<1x16xf32>
        tpu.vector_store %arg11[%swap3A_475, %swap3A_476], %swap3A_479 {strides = array<i32>} : memref<80x64xf32, #tpu.memory_space<vmem>>, vector<1x16xf32>,
        %get3A_480 = arith.index_cast %add3A_465 : i32 to index
        %get3A_481 = arith.constant 16 : index
        %get3A_482 = tpu.vector_load %arg11[%get3A_480, %get3A_481] {strides = array<i32>} : memref<80x64xf32, #tpu.memory_space<vmem>>, vector<1x16xf32>,
        %get3A_483 = vector.shape_cast %get3A_482 : vector<1x16xf32> to vector<16xf32>
        %mul3A_484 = arith.mulf %get3A_483, %gather3A_469 : vector<16xf32>
        %swap3A_485 = arith.index_cast %add3A_465 : i32 to index
        %swap3A_486 = arith.constant 16 : index
        %swap3A_487 = tpu.vector_load %arg11[%swap3A_485, %swap3A_486] {strides = array<i32>} : memref<80x64xf32, #tpu.memory_space<vmem>>, vector<1x16xf32>,
        %swap3A_488 = vector.shape_cast %swap3A_487 : vector<1x16xf32> to vector<16xf32>
        %swap3A_489 = vector.shape_cast %mul3A_484 : vector<16xf32> to vector<1x16xf32>
        tpu.vector_store %arg11[%swap3A_485, %swap3A_486], %swap3A_489 {strides = array<i32>} : memref<80x64xf32, #tpu.memory_space<vmem>>, vector<1x16xf32>,
        %get3A_490 = arith.index_cast %add3A_465 : i32 to index
        %get3A_491 = arith.constant 32 : index
        %get3A_492 = tpu.vector_load %arg11[%get3A_490, %get3A_491] {strides = array<i32>} : memref<80x64xf32, #tpu.memory_space<vmem>>, vector<1x16xf32>,
        %get3A_493 = vector.shape_cast %get3A_492 : vector<1x16xf32> to vector<16xf32>
        %mul3A_494 = arith.mulf %get3A_493, %gather3A_469 : vector<16xf32>
        %swap3A_495 = arith.index_cast %add3A_465 : i32 to index
        %swap3A_496 = arith.constant 32 : index
        %swap3A_497 = tpu.vector_load %arg11[%swap3A_495, %swap3A_496] {strides = array<i32>} : memref<80x64xf32, #tpu.memory_space<vmem>>, vector<1x16xf32>,
        %swap3A_498 = vector.shape_cast %swap3A_497 : vector<1x16xf32> to vector<16xf32>
        %swap3A_499 = vector.shape_cast %mul3A_494 : vector<16xf32> to vector<1x16xf32>
        tpu.vector_store %arg11[%swap3A_495, %swap3A_496], %swap3A_499 {strides = array<i32>} : memref<80x64xf32, #tpu.memory_space<vmem>>, vector<1x16xf32>,
        %get3A_500 = arith.index_cast %add3A_465 : i32 to index
        %get3A_501 = arith.constant 48 : index
        %get3A_502 = tpu.vector_load %arg11[%get3A_500, %get3A_501] {strides = array<i32>} : memref<80x64xf32, #tpu.memory_space<vmem>>, vector<1x16xf32>,
        %get3A_503 = vector.shape_cast %get3A_502 : vector<1x16xf32> to vector<16xf32>
        %mul3A_504 = arith.mulf %get3A_503, %gather3A_469 : vector<16xf32>
        %swap3A_505 = arith.index_cast %add3A_465 : i32 to index
        %swap3A_506 = arith.constant 48 : index
        %swap3A_507 = tpu.vector_load %arg11[%swap3A_505, %swap3A_506] {strides = array<i32>} : memref<80x64xf32, #tpu.memory_space<vmem>>, vector<1x16xf32>,
        %swap3A_508 = vector.shape_cast %swap3A_507 : vector<1x16xf32> to vector<16xf32>
        %swap3A_509 = vector.shape_cast %mul3A_504 : vector<16xf32> to vector<1x16xf32>
        tpu.vector_store %arg11[%swap3A_505, %swap3A_506], %swap3A_509 {strides = array<i32>} : memref<80x64xf32, #tpu.memory_space<vmem>>, vector<1x16xf32>,
        %mul3A_510 = arith.constant 16 : i32
        %mul3A_511 = arith.muli %scan3A_123, %mul3A_510 : i32
        %add3A_512 = arith.constant 8 : i32
        %add3A_513 = arith.addi %mul3A_511, %add3A_512 : i32
        %broadcast_in_dim3A_514 = arith.constant 8 : i32
        %broadcast_in_dim3A_515 = vector.broadcast %broadcast_in_dim3A_514 : i32 to vector<16x1xi32>
        %gather3A_516 = vector.shape_cast %broadcast_in_dim3A_515 : vector<16x1xi32> to vector<16xi32>
        %gather3A_517 = tpu.dynamic_gather %get3A_128[%gather3A_516] in [0] : vector<16xf32>, vector<16xi32> -> vector<16xf32>
        %get3A_518 = arith.index_cast %add3A_513 : i32 to index
        %get3A_519 = arith.constant 0 : index
        %get3A_520 = tpu.vector_load %arg11[%get3A_518, %get3A_519] {strides = array<i32>} : memref<80x64xf32, #tpu.memory_space<vmem>>, vector<1x16xf32>,
        %get3A_521 = vector.shape_cast %get3A_520 : vector<1x16xf32> to vector<16xf32>
        %mul3A_522 = arith.mulf %get3A_521, %gather3A_517 : vector<16xf32>
        %swap3A_523 = arith.index_cast %add3A_513 : i32 to index
        %swap3A_524 = arith.constant 0 : index
        %swap3A_525 = tpu.vector_load %arg11[%swap3A_523, %swap3A_524] {strides = array<i32>} : memref<80x64xf32, #tpu.memory_space<vmem>>, vector<1x16xf32>,
        %swap3A_526 = vector.shape_cast %swap3A_525 : vector<1x16xf32> to vector<16xf32>
        %swap3A_527 = vector.shape_cast %mul3A_522 : vector<16xf32> to vector<1x16xf32>
        tpu.vector_store %arg11[%swap3A_523, %swap3A_524], %swap3A_527 {strides = array<i32>} : memref<80x64xf32, #tpu.memory_space<vmem>>, vector<1x16xf32>,
        %get3A_528 = arith.index_cast %add3A_513 : i32 to index
        %get3A_529 = arith.constant 16 : index
        %get3A_530 = tpu.vector_load %arg11[%get3A_528, %get3A_529] {strides = array<i32>} : memref<80x64xf32, #tpu.memory_space<vmem>>, vector<1x16xf32>,
        %get3A_531 = vector.shape_cast %get3A_530 : vector<1x16xf32> to vector<16xf32>
        %mul3A_532 = arith.mulf %get3A_531, %gather3A_517 : vector<16xf32>
        %swap3A_533 = arith.index_cast %add3A_513 : i32 to index
        %swap3A_534 = arith.constant 16 : index
        %swap3A_535 = tpu.vector_load %arg11[%swap3A_533, %swap3A_534] {strides = array<i32>} : memref<80x64xf32, #tpu.memory_space<vmem>>, vector<1x16xf32>,
        %swap3A_536 = vector.shape_cast %swap3A_535 : vector<1x16xf32> to vector<16xf32>
        %swap3A_537 = vector.shape_cast %mul3A_532 : vector<16xf32> to vector<1x16xf32>
        tpu.vector_store %arg11[%swap3A_533, %swap3A_534], %swap3A_537 {strides = array<i32>} : memref<80x64xf32, #tpu.memory_space<vmem>>, vector<1x16xf32>,
        %get3A_538 = arith.index_cast %add3A_513 : i32 to index
        %get3A_539 = arith.constant 32 : index
        %get3A_540 = tpu.vector_load %arg11[%get3A_538, %get3A_539] {strides = array<i32>} : memref<80x64xf32, #tpu.memory_space<vmem>>, vector<1x16xf32>,
        %get3A_541 = vector.shape_cast %get3A_540 : vector<1x16xf32> to vector<16xf32>
        %mul3A_542 = arith.mulf %get3A_541, %gather3A_517 : vector<16xf32>
        %swap3A_543 = arith.index_cast %add3A_513 : i32 to index
        %swap3A_544 = arith.constant 32 : index
        %swap3A_545 = tpu.vector_load %arg11[%swap3A_543, %swap3A_544] {strides = array<i32>} : memref<80x64xf32, #tpu.memory_space<vmem>>, vector<1x16xf32>,
        %swap3A_546 = vector.shape_cast %swap3A_545 : vector<1x16xf32> to vector<16xf32>
        %swap3A_547 = vector.shape_cast %mul3A_542 : vector<16xf32> to vector<1x16xf32>
        tpu.vector_store %arg11[%swap3A_543, %swap3A_544], %swap3A_547 {strides = array<i32>} : memref<80x64xf32, #tpu.memory_space<vmem>>, vector<1x16xf32>,
        %get3A_548 = arith.index_cast %add3A_513 : i32 to index
        %get3A_549 = arith.constant 48 : index
        %get3A_550 = tpu.vector_load %arg11[%get3A_548, %get3A_549] {strides = array<i32>} : memref<80x64xf32, #tpu.memory_space<vmem>>, vector<1x16xf32>,
        %get3A_551 = vector.shape_cast %get3A_550 : vector<1x16xf32> to vector<16xf32>
        %mul3A_552 = arith.mulf %get3A_551, %gather3A_517 : vector<16xf32>
        %swap3A_553 = arith.index_cast %add3A_513 : i32 to index
        %swap3A_554 = arith.constant 48 : index
        %swap3A_555 = tpu.vector_load %arg11[%swap3A_553, %swap3A_554] {strides = array<i32>} : memref<80x64xf32, #tpu.memory_space<vmem>>, vector<1x16xf32>,
        %swap3A_556 = vector.shape_cast %swap3A_555 : vector<1x16xf32> to vector<16xf32>
        %swap3A_557 = vector.shape_cast %mul3A_552 : vector<16xf32> to vector<1x16xf32>
        tpu.vector_store %arg11[%swap3A_553, %swap3A_554], %swap3A_557 {strides = array<i32>} : memref<80x64xf32, #tpu.memory_space<vmem>>, vector<1x16xf32>,
        %mul3A_558 = arith.constant 16 : i32
        %mul3A_559 = arith.muli %scan3A_123, %mul3A_558 : i32
        %add3A_560 = arith.constant 9 : i32
        %add3A_561 = arith.addi %mul3A_559, %add3A_560 : i32
        %broadcast_in_dim3A_562 = arith.constant 9 : i32
        %broadcast_in_dim3A_563 = vector.broadcast %broadcast_in_dim3A_562 : i32 to vector<16x1xi32>
        %gather3A_564 = vector.shape_cast %broadcast_in_dim3A_563 : vector<16x1xi32> to vector<16xi32>
        %gather3A_565 = tpu.dynamic_gather %get3A_128[%gather3A_564] in [0] : vector<16xf32>, vector<16xi32> -> vector<16xf32>
        %get3A_566 = arith.index_cast %add3A_561 : i32 to index
        %get3A_567 = arith.constant 0 : index
        %get3A_568 = tpu.vector_load %arg11[%get3A_566, %get3A_567] {strides = array<i32>} : memref<80x64xf32, #tpu.memory_space<vmem>>, vector<1x16xf32>,
        %get3A_569 = vector.shape_cast %get3A_568 : vector<1x16xf32> to vector<16xf32>
        %mul3A_570 = arith.mulf %get3A_569, %gather3A_565 : vector<16xf32>
        %swap3A_571 = arith.index_cast %add3A_561 : i32 to index
        %swap3A_572 = arith.constant 0 : index
        %swap3A_573 = tpu.vector_load %arg11[%swap3A_571, %swap3A_572] {strides = array<i32>} : memref<80x64xf32, #tpu.memory_space<vmem>>, vector<1x16xf32>,
        %swap3A_574 = vector.shape_cast %swap3A_573 : vector<1x16xf32> to vector<16xf32>
        %swap3A_575 = vector.shape_cast %mul3A_570 : vector<16xf32> to vector<1x16xf32>
        tpu.vector_store %arg11[%swap3A_571, %swap3A_572], %swap3A_575 {strides = array<i32>} : memref<80x64xf32, #tpu.memory_space<vmem>>, vector<1x16xf32>,
        %get3A_576 = arith.index_cast %add3A_561 : i32 to index
        %get3A_577 = arith.constant 16 : index
        %get3A_578 = tpu.vector_load %arg11[%get3A_576, %get3A_577] {strides = array<i32>} : memref<80x64xf32, #tpu.memory_space<vmem>>, vector<1x16xf32>,
        %get3A_579 = vector.shape_cast %get3A_578 : vector<1x16xf32> to vector<16xf32>
        %mul3A_580 = arith.mulf %get3A_579, %gather3A_565 : vector<16xf32>
        %swap3A_581 = arith.index_cast %add3A_561 : i32 to index
        %swap3A_582 = arith.constant 16 : index
        %swap3A_583 = tpu.vector_load %arg11[%swap3A_581, %swap3A_582] {strides = array<i32>} : memref<80x64xf32, #tpu.memory_space<vmem>>, vector<1x16xf32>,
        %swap3A_584 = vector.shape_cast %swap3A_583 : vector<1x16xf32> to vector<16xf32>
        %swap3A_585 = vector.shape_cast %mul3A_580 : vector<16xf32> to vector<1x16xf32>
        tpu.vector_store %arg11[%swap3A_581, %swap3A_582], %swap3A_585 {strides = array<i32>} : memref<80x64xf32, #tpu.memory_space<vmem>>, vector<1x16xf32>,
        %get3A_586 = arith.index_cast %add3A_561 : i32 to index
        %get3A_587 = arith.constant 32 : index
        %get3A_588 = tpu.vector_load %arg11[%get3A_586, %get3A_587] {strides = array<i32>} : memref<80x64xf32, #tpu.memory_space<vmem>>, vector<1x16xf32>,
        %get3A_589 = vector.shape_cast %get3A_588 : vector<1x16xf32> to vector<16xf32>
        %mul3A_590 = arith.mulf %get3A_589, %gather3A_565 : vector<16xf32>
        %swap3A_591 = arith.index_cast %add3A_561 : i32 to index
        %swap3A_592 = arith.constant 32 : index
        %swap3A_593 = tpu.vector_load %arg11[%swap3A_591, %swap3A_592] {strides = array<i32>} : memref<80x64xf32, #tpu.memory_space<vmem>>, vector<1x16xf32>,
        %swap3A_594 = vector.shape_cast %swap3A_593 : vector<1x16xf32> to vector<16xf32>
        %swap3A_595 = vector.shape_cast %mul3A_590 : vector<16xf32> to vector<1x16xf32>
        tpu.vector_store %arg11[%swap3A_591, %swap3A_592], %swap3A_595 {strides = array<i32>} : memref<80x64xf32, #tpu.memory_space<vmem>>, vector<1x16xf32>,
        %get3A_596 = arith.index_cast %add3A_561 : i32 to index
        %get3A_597 = arith.constant 48 : index
        %get3A_598 = tpu.vector_load %arg11[%get3A_596, %get3A_597] {strides = array<i32>} : memref<80x64xf32, #tpu.memory_space<vmem>>, vector<1x16xf32>,
        %get3A_599 = vector.shape_cast %get3A_598 : vector<1x16xf32> to vector<16xf32>
        %mul3A_600 = arith.mulf %get3A_599, %gather3A_565 : vector<16xf32>
        %swap3A_601 = arith.index_cast %add3A_561 : i32 to index
        %swap3A_602 = arith.constant 48 : index
        %swap3A_603 = tpu.vector_load %arg11[%swap3A_601, %swap3A_602] {strides = array<i32>} : memref<80x64xf32, #tpu.memory_space<vmem>>, vector<1x16xf32>,
        %swap3A_604 = vector.shape_cast %swap3A_603 : vector<1x16xf32> to vector<16xf32>
        %swap3A_605 = vector.shape_cast %mul3A_600 : vector<16xf32> to vector<1x16xf32>
        tpu.vector_store %arg11[%swap3A_601, %swap3A_602], %swap3A_605 {strides = array<i32>} : memref<80x64xf32, #tpu.memory_space<vmem>>, vector<1x16xf32>,
        %mul3A_606 = arith.constant 16 : i32
        %mul3A_607 = arith.muli %scan3A_123, %mul3A_606 : i32
        %add3A_608 = arith.constant 10 : i32
        %add3A_609 = arith.addi %mul3A_607, %add3A_608 : i32
        %broadcast_in_dim3A_610 = arith.constant 10 : i32
        %broadcast_in_dim3A_611 = vector.broadcast %broadcast_in_dim3A_610 : i32 to vector<16x1xi32>
        %gather3A_612 = vector.shape_cast %broadcast_in_dim3A_611 : vector<16x1xi32> to vector<16xi32>
        %gather3A_613 = tpu.dynamic_gather %get3A_128[%gather3A_612] in [0] : vector<16xf32>, vector<16xi32> -> vector<16xf32>
        %get3A_614 = arith.index_cast %add3A_609 : i32 to index
        %get3A_615 = arith.constant 0 : index
        %get3A_616 = tpu.vector_load %arg11[%get3A_614, %get3A_615] {strides = array<i32>} : memref<80x64xf32, #tpu.memory_space<vmem>>, vector<1x16xf32>,
        %get3A_617 = vector.shape_cast %get3A_616 : vector<1x16xf32> to vector<16xf32>
        %mul3A_618 = arith.mulf %get3A_617, %gather3A_613 : vector<16xf32>
        %swap3A_619 = arith.index_cast %add3A_609 : i32 to index
        %swap3A_620 = arith.constant 0 : index
        %swap3A_621 = tpu.vector_load %arg11[%swap3A_619, %swap3A_620] {strides = array<i32>} : memref<80x64xf32, #tpu.memory_space<vmem>>, vector<1x16xf32>,
        %swap3A_622 = vector.shape_cast %swap3A_621 : vector<1x16xf32> to vector<16xf32>
        %swap3A_623 = vector.shape_cast %mul3A_618 : vector<16xf32> to vector<1x16xf32>
        tpu.vector_store %arg11[%swap3A_619, %swap3A_620], %swap3A_623 {strides = array<i32>} : memref<80x64xf32, #tpu.memory_space<vmem>>, vector<1x16xf32>,
        %get3A_624 = arith.index_cast %add3A_609 : i32 to index
        %get3A_625 = arith.constant 16 : index
        %get3A_626 = tpu.vector_load %arg11[%get3A_624, %get3A_625] {strides = array<i32>} : memref<80x64xf32, #tpu.memory_space<vmem>>, vector<1x16xf32>,
        %get3A_627 = vector.shape_cast %get3A_626 : vector<1x16xf32> to vector<16xf32>
        %mul3A_628 = arith.mulf %get3A_627, %gather3A_613 : vector<16xf32>
        %swap3A_629 = arith.index_cast %add3A_609 : i32 to index
        %swap3A_630 = arith.constant 16 : index
        %swap3A_631 = tpu.vector_load %arg11[%swap3A_629, %swap3A_630] {strides = array<i32>} : memref<80x64xf32, #tpu.memory_space<vmem>>, vector<1x16xf32>,
        %swap3A_632 = vector.shape_cast %swap3A_631 : vector<1x16xf32> to vector<16xf32>
        %swap3A_633 = vector.shape_cast %mul3A_628 : vector<16xf32> to vector<1x16xf32>
        tpu.vector_store %arg11[%swap3A_629, %swap3A_630], %swap3A_633 {strides = array<i32>} : memref<80x64xf32, #tpu.memory_space<vmem>>, vector<1x16xf32>,
        %get3A_634 = arith.index_cast %add3A_609 : i32 to index
        %get3A_635 = arith.constant 32 : index
        %get3A_636 = tpu.vector_load %arg11[%get3A_634, %get3A_635] {strides = array<i32>} : memref<80x64xf32, #tpu.memory_space<vmem>>, vector<1x16xf32>,
        %get3A_637 = vector.shape_cast %get3A_636 : vector<1x16xf32> to vector<16xf32>
        %mul3A_638 = arith.mulf %get3A_637, %gather3A_613 : vector<16xf32>
        %swap3A_639 = arith.index_cast %add3A_609 : i32 to index
        %swap3A_640 = arith.constant 32 : index
        %swap3A_641 = tpu.vector_load %arg11[%swap3A_639, %swap3A_640] {strides = array<i32>} : memref<80x64xf32, #tpu.memory_space<vmem>>, vector<1x16xf32>,
        %swap3A_642 = vector.shape_cast %swap3A_641 : vector<1x16xf32> to vector<16xf32>
        %swap3A_643 = vector.shape_cast %mul3A_638 : vector<16xf32> to vector<1x16xf32>
        tpu.vector_store %arg11[%swap3A_639, %swap3A_640], %swap3A_643 {strides = array<i32>} : memref<80x64xf32, #tpu.memory_space<vmem>>, vector<1x16xf32>,
        %get3A_644 = arith.index_cast %add3A_609 : i32 to index
        %get3A_645 = arith.constant 48 : index
        %get3A_646 = tpu.vector_load %arg11[%get3A_644, %get3A_645] {strides = array<i32>} : memref<80x64xf32, #tpu.memory_space<vmem>>, vector<1x16xf32>,
        %get3A_647 = vector.shape_cast %get3A_646 : vector<1x16xf32> to vector<16xf32>
        %mul3A_648 = arith.mulf %get3A_647, %gather3A_613 : vector<16xf32>
        %swap3A_649 = arith.index_cast %add3A_609 : i32 to index
        %swap3A_650 = arith.constant 48 : index
        %swap3A_651 = tpu.vector_load %arg11[%swap3A_649, %swap3A_650] {strides = array<i32>} : memref<80x64xf32, #tpu.memory_space<vmem>>, vector<1x16xf32>,
        %swap3A_652 = vector.shape_cast %swap3A_651 : vector<1x16xf32> to vector<16xf32>
        %swap3A_653 = vector.shape_cast %mul3A_648 : vector<16xf32> to vector<1x16xf32>
        tpu.vector_store %arg11[%swap3A_649, %swap3A_650], %swap3A_653 {strides = array<i32>} : memref<80x64xf32, #tpu.memory_space<vmem>>, vector<1x16xf32>,
        %mul3A_654 = arith.constant 16 : i32
        %mul3A_655 = arith.muli %scan3A_123, %mul3A_654 : i32
        %add3A_656 = arith.constant 11 : i32
        %add3A_657 = arith.addi %mul3A_655, %add3A_656 : i32
        %broadcast_in_dim3A_658 = arith.constant 11 : i32
        %broadcast_in_dim3A_659 = vector.broadcast %broadcast_in_dim3A_658 : i32 to vector<16x1xi32>
        %gather3A_660 = vector.shape_cast %broadcast_in_dim3A_659 : vector<16x1xi32> to vector<16xi32>
        %gather3A_661 = tpu.dynamic_gather %get3A_128[%gather3A_660] in [0] : vector<16xf32>, vector<16xi32> -> vector<16xf32>
        %get3A_662 = arith.index_cast %add3A_657 : i32 to index
        %get3A_663 = arith.constant 0 : index
        %get3A_664 = tpu.vector_load %arg11[%get3A_662, %get3A_663] {strides = array<i32>} : memref<80x64xf32, #tpu.memory_space<vmem>>, vector<1x16xf32>,
        %get3A_665 = vector.shape_cast %get3A_664 : vector<1x16xf32> to vector<16xf32>
        %mul3A_666 = arith.mulf %get3A_665, %gather3A_661 : vector<16xf32>
        %swap3A_667 = arith.index_cast %add3A_657 : i32 to index
        %swap3A_668 = arith.constant 0 : index
        %swap3A_669 = tpu.vector_load %arg11[%swap3A_667, %swap3A_668] {strides = array<i32>} : memref<80x64xf32, #tpu.memory_space<vmem>>, vector<1x16xf32>,
        %swap3A_670 = vector.shape_cast %swap3A_669 : vector<1x16xf32> to vector<16xf32>
        %swap3A_671 = vector.shape_cast %mul3A_666 : vector<16xf32> to vector<1x16xf32>
        tpu.vector_store %arg11[%swap3A_667, %swap3A_668], %swap3A_671 {strides = array<i32>} : memref<80x64xf32, #tpu.memory_space<vmem>>, vector<1x16xf32>,
        %get3A_672 = arith.index_cast %add3A_657 : i32 to index
        %get3A_673 = arith.constant 16 : index
        %get3A_674 = tpu.vector_load %arg11[%get3A_672, %get3A_673] {strides = array<i32>} : memref<80x64xf32, #tpu.memory_space<vmem>>, vector<1x16xf32>,
        %get3A_675 = vector.shape_cast %get3A_674 : vector<1x16xf32> to vector<16xf32>
        %mul3A_676 = arith.mulf %get3A_675, %gather3A_661 : vector<16xf32>
        %swap3A_677 = arith.index_cast %add3A_657 : i32 to index
        %swap3A_678 = arith.constant 16 : index
        %swap3A_679 = tpu.vector_load %arg11[%swap3A_677, %swap3A_678] {strides = array<i32>} : memref<80x64xf32, #tpu.memory_space<vmem>>, vector<1x16xf32>,
        %swap3A_680 = vector.shape_cast %swap3A_679 : vector<1x16xf32> to vector<16xf32>
        %swap3A_681 = vector.shape_cast %mul3A_676 : vector<16xf32> to vector<1x16xf32>
        tpu.vector_store %arg11[%swap3A_677, %swap3A_678], %swap3A_681 {strides = array<i32>} : memref<80x64xf32, #tpu.memory_space<vmem>>, vector<1x16xf32>,
        %get3A_682 = arith.index_cast %add3A_657 : i32 to index
        %get3A_683 = arith.constant 32 : index
        %get3A_684 = tpu.vector_load %arg11[%get3A_682, %get3A_683] {strides = array<i32>} : memref<80x64xf32, #tpu.memory_space<vmem>>, vector<1x16xf32>,
        %get3A_685 = vector.shape_cast %get3A_684 : vector<1x16xf32> to vector<16xf32>
        %mul3A_686 = arith.mulf %get3A_685, %gather3A_661 : vector<16xf32>
        %swap3A_687 = arith.index_cast %add3A_657 : i32 to index
        %swap3A_688 = arith.constant 32 : index
        %swap3A_689 = tpu.vector_load %arg11[%swap3A_687, %swap3A_688] {strides = array<i32>} : memref<80x64xf32, #tpu.memory_space<vmem>>, vector<1x16xf32>,
        %swap3A_690 = vector.shape_cast %swap3A_689 : vector<1x16xf32> to vector<16xf32>
        %swap3A_691 = vector.shape_cast %mul3A_686 : vector<16xf32> to vector<1x16xf32>
        tpu.vector_store %arg11[%swap3A_687, %swap3A_688], %swap3A_691 {strides = array<i32>} : memref<80x64xf32, #tpu.memory_space<vmem>>, vector<1x16xf32>,
        %get3A_692 = arith.index_cast %add3A_657 : i32 to index
        %get3A_693 = arith.constant 48 : index
        %get3A_694 = tpu.vector_load %arg11[%get3A_692, %get3A_693] {strides = array<i32>} : memref<80x64xf32, #tpu.memory_space<vmem>>, vector<1x16xf32>,
        %get3A_695 = vector.shape_cast %get3A_694 : vector<1x16xf32> to vector<16xf32>
        %mul3A_696 = arith.mulf %get3A_695, %gather3A_661 : vector<16xf32>
        %swap3A_697 = arith.index_cast %add3A_657 : i32 to index
        %swap3A_698 = arith.constant 48 : index
        %swap3A_699 = tpu.vector_load %arg11[%swap3A_697, %swap3A_698] {strides = array<i32>} : memref<80x64xf32, #tpu.memory_space<vmem>>, vector<1x16xf32>,
        %swap3A_700 = vector.shape_cast %swap3A_699 : vector<1x16xf32> to vector<16xf32>
        %swap3A_701 = vector.shape_cast %mul3A_696 : vector<16xf32> to vector<1x16xf32>
        tpu.vector_store %arg11[%swap3A_697, %swap3A_698], %swap3A_701 {strides = array<i32>} : memref<80x64xf32, #tpu.memory_space<vmem>>, vector<1x16xf32>,
        %mul3A_702 = arith.constant 16 : i32
        %mul3A_703 = arith.muli %scan3A_123, %mul3A_702 : i32
        %add3A_704 = arith.constant 12 : i32
        %add3A_705 = arith.addi %mul3A_703, %add3A_704 : i32
        %broadcast_in_dim3A_706 = arith.constant 12 : i32
        %broadcast_in_dim3A_707 = vector.broadcast %broadcast_in_dim3A_706 : i32 to vector<16x1xi32>
        %gather3A_708 = vector.shape_cast %broadcast_in_dim3A_707 : vector<16x1xi32> to vector<16xi32>
        %gather3A_709 = tpu.dynamic_gather %get3A_128[%gather3A_708] in [0] : vector<16xf32>, vector<16xi32> -> vector<16xf32>
        %get3A_710 = arith.index_cast %add3A_705 : i32 to index
        %get3A_711 = arith.constant 0 : index
        %get3A_712 = tpu.vector_load %arg11[%get3A_710, %get3A_711] {strides = array<i32>} : memref<80x64xf32, #tpu.memory_space<vmem>>, vector<1x16xf32>,
        %get3A_713 = vector.shape_cast %get3A_712 : vector<1x16xf32> to vector<16xf32>
        %mul3A_714 = arith.mulf %get3A_713, %gather3A_709 : vector<16xf32>
        %swap3A_715 = arith.index_cast %add3A_705 : i32 to index
        %swap3A_716 = arith.constant 0 : index
        %swap3A_717 = tpu.vector_load %arg11[%swap3A_715, %swap3A_716] {strides = array<i32>} : memref<80x64xf32, #tpu.memory_space<vmem>>, vector<1x16xf32>,
        %swap3A_718 = vector.shape_cast %swap3A_717 : vector<1x16xf32> to vector<16xf32>
        %swap3A_719 = vector.shape_cast %mul3A_714 : vector<16xf32> to vector<1x16xf32>
        tpu.vector_store %arg11[%swap3A_715, %swap3A_716], %swap3A_719 {strides = array<i32>} : memref<80x64xf32, #tpu.memory_space<vmem>>, vector<1x16xf32>,
        %get3A_720 = arith.index_cast %add3A_705 : i32 to index
        %get3A_721 = arith.constant 16 : index
        %get3A_722 = tpu.vector_load %arg11[%get3A_720, %get3A_721] {strides = array<i32>} : memref<80x64xf32, #tpu.memory_space<vmem>>, vector<1x16xf32>,
        %get3A_723 = vector.shape_cast %get3A_722 : vector<1x16xf32> to vector<16xf32>
        %mul3A_724 = arith.mulf %get3A_723, %gather3A_709 : vector<16xf32>
        %swap3A_725 = arith.index_cast %add3A_705 : i32 to index
        %swap3A_726 = arith.constant 16 : index
        %swap3A_727 = tpu.vector_load %arg11[%swap3A_725, %swap3A_726] {strides = array<i32>} : memref<80x64xf32, #tpu.memory_space<vmem>>, vector<1x16xf32>,
        %swap3A_728 = vector.shape_cast %swap3A_727 : vector<1x16xf32> to vector<16xf32>
        %swap3A_729 = vector.shape_cast %mul3A_724 : vector<16xf32> to vector<1x16xf32>
        tpu.vector_store %arg11[%swap3A_725, %swap3A_726], %swap3A_729 {strides = array<i32>} : memref<80x64xf32, #tpu.memory_space<vmem>>, vector<1x16xf32>,
        %get3A_730 = arith.index_cast %add3A_705 : i32 to index
        %get3A_731 = arith.constant 32 : index
        %get3A_732 = tpu.vector_load %arg11[%get3A_730, %get3A_731] {strides = array<i32>} : memref<80x64xf32, #tpu.memory_space<vmem>>, vector<1x16xf32>,
        %get3A_733 = vector.shape_cast %get3A_732 : vector<1x16xf32> to vector<16xf32>
        %mul3A_734 = arith.mulf %get3A_733, %gather3A_709 : vector<16xf32>
        %swap3A_735 = arith.index_cast %add3A_705 : i32 to index
        %swap3A_736 = arith.constant 32 : index
        %swap3A_737 = tpu.vector_load %arg11[%swap3A_735, %swap3A_736] {strides = array<i32>} : memref<80x64xf32, #tpu.memory_space<vmem>>, vector<1x16xf32>,
        %swap3A_738 = vector.shape_cast %swap3A_737 : vector<1x16xf32> to vector<16xf32>
        %swap3A_739 = vector.shape_cast %mul3A_734 : vector<16xf32> to vector<1x16xf32>
        tpu.vector_store %arg11[%swap3A_735, %swap3A_736], %swap3A_739 {strides = array<i32>} : memref<80x64xf32, #tpu.memory_space<vmem>>, vector<1x16xf32>,
        %get3A_740 = arith.index_cast %add3A_705 : i32 to index
        %get3A_741 = arith.constant 48 : index
        %get3A_742 = tpu.vector_load %arg11[%get3A_740, %get3A_741] {strides = array<i32>} : memref<80x64xf32, #tpu.memory_space<vmem>>, vector<1x16xf32>,
        %get3A_743 = vector.shape_cast %get3A_742 : vector<1x16xf32> to vector<16xf32>
        %mul3A_744 = arith.mulf %get3A_743, %gather3A_709 : vector<16xf32>
        %swap3A_745 = arith.index_cast %add3A_705 : i32 to index
        %swap3A_746 = arith.constant 48 : index
        %swap3A_747 = tpu.vector_load %arg11[%swap3A_745, %swap3A_746] {strides = array<i32>} : memref<80x64xf32, #tpu.memory_space<vmem>>, vector<1x16xf32>,
        %swap3A_748 = vector.shape_cast %swap3A_747 : vector<1x16xf32> to vector<16xf32>
        %swap3A_749 = vector.shape_cast %mul3A_744 : vector<16xf32> to vector<1x16xf32>
        tpu.vector_store %arg11[%swap3A_745, %swap3A_746], %swap3A_749 {strides = array<i32>} : memref<80x64xf32, #tpu.memory_space<vmem>>, vector<1x16xf32>,
        %mul3A_750 = arith.constant 16 : i32
        %mul3A_751 = arith.muli %scan3A_123, %mul3A_750 : i32
        %add3A_752 = arith.constant 13 : i32
        %add3A_753 = arith.addi %mul3A_751, %add3A_752 : i32
        %broadcast_in_dim3A_754 = arith.constant 13 : i32
        %broadcast_in_dim3A_755 = vector.broadcast %broadcast_in_dim3A_754 : i32 to vector<16x1xi32>
        %gather3A_756 = vector.shape_cast %broadcast_in_dim3A_755 : vector<16x1xi32> to vector<16xi32>
        %gather3A_757 = tpu.dynamic_gather %get3A_128[%gather3A_756] in [0] : vector<16xf32>, vector<16xi32> -> vector<16xf32>
        %get3A_758 = arith.index_cast %add3A_753 : i32 to index
        %get3A_759 = arith.constant 0 : index
        %get3A_760 = tpu.vector_load %arg11[%get3A_758, %get3A_759] {strides = array<i32>} : memref<80x64xf32, #tpu.memory_space<vmem>>, vector<1x16xf32>,
        %get3A_761 = vector.shape_cast %get3A_760 : vector<1x16xf32> to vector<16xf32>
        %mul3A_762 = arith.mulf %get3A_761, %gather3A_757 : vector<16xf32>
        %swap3A_763 = arith.index_cast %add3A_753 : i32 to index
        %swap3A_764 = arith.constant 0 : index
        %swap3A_765 = tpu.vector_load %arg11[%swap3A_763, %swap3A_764] {strides = array<i32>} : memref<80x64xf32, #tpu.memory_space<vmem>>, vector<1x16xf32>,
        %swap3A_766 = vector.shape_cast %swap3A_765 : vector<1x16xf32> to vector<16xf32>
        %swap3A_767 = vector.shape_cast %mul3A_762 : vector<16xf32> to vector<1x16xf32>
        tpu.vector_store %arg11[%swap3A_763, %swap3A_764], %swap3A_767 {strides = array<i32>} : memref<80x64xf32, #tpu.memory_space<vmem>>, vector<1x16xf32>,
        %get3A_768 = arith.index_cast %add3A_753 : i32 to index
        %get3A_769 = arith.constant 16 : index
        %get3A_770 = tpu.vector_load %arg11[%get3A_768, %get3A_769] {strides = array<i32>} : memref<80x64xf32, #tpu.memory_space<vmem>>, vector<1x16xf32>,
        %get3A_771 = vector.shape_cast %get3A_770 : vector<1x16xf32> to vector<16xf32>
        %mul3A_772 = arith.mulf %get3A_771, %gather3A_757 : vector<16xf32>
        %swap3A_773 = arith.index_cast %add3A_753 : i32 to index
        %swap3A_774 = arith.constant 16 : index
        %swap3A_775 = tpu.vector_load %arg11[%swap3A_773, %swap3A_774] {strides = array<i32>} : memref<80x64xf32, #tpu.memory_space<vmem>>, vector<1x16xf32>,
        %swap3A_776 = vector.shape_cast %swap3A_775 : vector<1x16xf32> to vector<16xf32>
        %swap3A_777 = vector.shape_cast %mul3A_772 : vector<16xf32> to vector<1x16xf32>
        tpu.vector_store %arg11[%swap3A_773, %swap3A_774], %swap3A_777 {strides = array<i32>} : memref<80x64xf32, #tpu.memory_space<vmem>>, vector<1x16xf32>,
        %get3A_778 = arith.index_cast %add3A_753 : i32 to index
        %get3A_779 = arith.constant 32 : index
        %get3A_780 = tpu.vector_load %arg11[%get3A_778, %get3A_779] {strides = array<i32>} : memref<80x64xf32, #tpu.memory_space<vmem>>, vector<1x16xf32>,
        %get3A_781 = vector.shape_cast %get3A_780 : vector<1x16xf32> to vector<16xf32>
        %mul3A_782 = arith.mulf %get3A_781, %gather3A_757 : vector<16xf32>
        %swap3A_783 = arith.index_cast %add3A_753 : i32 to index
        %swap3A_784 = arith.constant 32 : index
        %swap3A_785 = tpu.vector_load %arg11[%swap3A_783, %swap3A_784] {strides = array<i32>} : memref<80x64xf32, #tpu.memory_space<vmem>>, vector<1x16xf32>,
        %swap3A_786 = vector.shape_cast %swap3A_785 : vector<1x16xf32> to vector<16xf32>
        %swap3A_787 = vector.shape_cast %mul3A_782 : vector<16xf32> to vector<1x16xf32>
        tpu.vector_store %arg11[%swap3A_783, %swap3A_784], %swap3A_787 {strides = array<i32>} : memref<80x64xf32, #tpu.memory_space<vmem>>, vector<1x16xf32>,
        %get3A_788 = arith.index_cast %add3A_753 : i32 to index
        %get3A_789 = arith.constant 48 : index
        %get3A_790 = tpu.vector_load %arg11[%get3A_788, %get3A_789] {strides = array<i32>} : memref<80x64xf32, #tpu.memory_space<vmem>>, vector<1x16xf32>,
        %get3A_791 = vector.shape_cast %get3A_790 : vector<1x16xf32> to vector<16xf32>
        %mul3A_792 = arith.mulf %get3A_791, %gather3A_757 : vector<16xf32>
        %swap3A_793 = arith.index_cast %add3A_753 : i32 to index
        %swap3A_794 = arith.constant 48 : index
        %swap3A_795 = tpu.vector_load %arg11[%swap3A_793, %swap3A_794] {strides = array<i32>} : memref<80x64xf32, #tpu.memory_space<vmem>>, vector<1x16xf32>,
        %swap3A_796 = vector.shape_cast %swap3A_795 : vector<1x16xf32> to vector<16xf32>
        %swap3A_797 = vector.shape_cast %mul3A_792 : vector<16xf32> to vector<1x16xf32>
        tpu.vector_store %arg11[%swap3A_793, %swap3A_794], %swap3A_797 {strides = array<i32>} : memref<80x64xf32, #tpu.memory_space<vmem>>, vector<1x16xf32>,
        %mul3A_798 = arith.constant 16 : i32
        %mul3A_799 = arith.muli %scan3A_123, %mul3A_798 : i32
        %add3A_800 = arith.constant 14 : i32
        %add3A_801 = arith.addi %mul3A_799, %add3A_800 : i32
        %broadcast_in_dim3A_802 = arith.constant 14 : i32
        %broadcast_in_dim3A_803 = vector.broadcast %broadcast_in_dim3A_802 : i32 to vector<16x1xi32>
        %gather3A_804 = vector.shape_cast %broadcast_in_dim3A_803 : vector<16x1xi32> to vector<16xi32>
        %gather3A_805 = tpu.dynamic_gather %get3A_128[%gather3A_804] in [0] : vector<16xf32>, vector<16xi32> -> vector<16xf32>
        %get3A_806 = arith.index_cast %add3A_801 : i32 to index
        %get3A_807 = arith.constant 0 : index
        %get3A_808 = tpu.vector_load %arg11[%get3A_806, %get3A_807] {strides = array<i32>} : memref<80x64xf32, #tpu.memory_space<vmem>>, vector<1x16xf32>,
        %get3A_809 = vector.shape_cast %get3A_808 : vector<1x16xf32> to vector<16xf32>
        %mul3A_810 = arith.mulf %get3A_809, %gather3A_805 : vector<16xf32>
        %swap3A_811 = arith.index_cast %add3A_801 : i32 to index
        %swap3A_812 = arith.constant 0 : index
        %swap3A_813 = tpu.vector_load %arg11[%swap3A_811, %swap3A_812] {strides = array<i32>} : memref<80x64xf32, #tpu.memory_space<vmem>>, vector<1x16xf32>,
        %swap3A_814 = vector.shape_cast %swap3A_813 : vector<1x16xf32> to vector<16xf32>
        %swap3A_815 = vector.shape_cast %mul3A_810 : vector<16xf32> to vector<1x16xf32>
        tpu.vector_store %arg11[%swap3A_811, %swap3A_812], %swap3A_815 {strides = array<i32>} : memref<80x64xf32, #tpu.memory_space<vmem>>, vector<1x16xf32>,
        %get3A_816 = arith.index_cast %add3A_801 : i32 to index
        %get3A_817 = arith.constant 16 : index
        %get3A_818 = tpu.vector_load %arg11[%get3A_816, %get3A_817] {strides = array<i32>} : memref<80x64xf32, #tpu.memory_space<vmem>>, vector<1x16xf32>,
        %get3A_819 = vector.shape_cast %get3A_818 : vector<1x16xf32> to vector<16xf32>
        %mul3A_820 = arith.mulf %get3A_819, %gather3A_805 : vector<16xf32>
        %swap3A_821 = arith.index_cast %add3A_801 : i32 to index
        %swap3A_822 = arith.constant 16 : index
        %swap3A_823 = tpu.vector_load %arg11[%swap3A_821, %swap3A_822] {strides = array<i32>} : memref<80x64xf32, #tpu.memory_space<vmem>>, vector<1x16xf32>,
        %swap3A_824 = vector.shape_cast %swap3A_823 : vector<1x16xf32> to vector<16xf32>
        %swap3A_825 = vector.shape_cast %mul3A_820 : vector<16xf32> to vector<1x16xf32>
        tpu.vector_store %arg11[%swap3A_821, %swap3A_822], %swap3A_825 {strides = array<i32>} : memref<80x64xf32, #tpu.memory_space<vmem>>, vector<1x16xf32>,
        %get3A_826 = arith.index_cast %add3A_801 : i32 to index
        %get3A_827 = arith.constant 32 : index
        %get3A_828 = tpu.vector_load %arg11[%get3A_826, %get3A_827] {strides = array<i32>} : memref<80x64xf32, #tpu.memory_space<vmem>>, vector<1x16xf32>,
        %get3A_829 = vector.shape_cast %get3A_828 : vector<1x16xf32> to vector<16xf32>
        %mul3A_830 = arith.mulf %get3A_829, %gather3A_805 : vector<16xf32>
        %swap3A_831 = arith.index_cast %add3A_801 : i32 to index
        %swap3A_832 = arith.constant 32 : index
        %swap3A_833 = tpu.vector_load %arg11[%swap3A_831, %swap3A_832] {strides = array<i32>} : memref<80x64xf32, #tpu.memory_space<vmem>>, vector<1x16xf32>,
        %swap3A_834 = vector.shape_cast %swap3A_833 : vector<1x16xf32> to vector<16xf32>
        %swap3A_835 = vector.shape_cast %mul3A_830 : vector<16xf32> to vector<1x16xf32>
        tpu.vector_store %arg11[%swap3A_831, %swap3A_832], %swap3A_835 {strides = array<i32>} : memref<80x64xf32, #tpu.memory_space<vmem>>, vector<1x16xf32>,
        %get3A_836 = arith.index_cast %add3A_801 : i32 to index
        %get3A_837 = arith.constant 48 : index
        %get3A_838 = tpu.vector_load %arg11[%get3A_836, %get3A_837] {strides = array<i32>} : memref<80x64xf32, #tpu.memory_space<vmem>>, vector<1x16xf32>,
        %get3A_839 = vector.shape_cast %get3A_838 : vector<1x16xf32> to vector<16xf32>
        %mul3A_840 = arith.mulf %get3A_839, %gather3A_805 : vector<16xf32>
        %swap3A_841 = arith.index_cast %add3A_801 : i32 to index
        %swap3A_842 = arith.constant 48 : index
        %swap3A_843 = tpu.vector_load %arg11[%swap3A_841, %swap3A_842] {strides = array<i32>} : memref<80x64xf32, #tpu.memory_space<vmem>>, vector<1x16xf32>,
        %swap3A_844 = vector.shape_cast %swap3A_843 : vector<1x16xf32> to vector<16xf32>
        %swap3A_845 = vector.shape_cast %mul3A_840 : vector<16xf32> to vector<1x16xf32>
        tpu.vector_store %arg11[%swap3A_841, %swap3A_842], %swap3A_845 {strides = array<i32>} : memref<80x64xf32, #tpu.memory_space<vmem>>, vector<1x16xf32>,
        %mul3A_846 = arith.constant 16 : i32
        %mul3A_847 = arith.muli %scan3A_123, %mul3A_846 : i32
        %add3A_848 = arith.constant 15 : i32
        %add3A_849 = arith.addi %mul3A_847, %add3A_848 : i32
        %broadcast_in_dim3A_850 = arith.constant 15 : i32
        %broadcast_in_dim3A_851 = vector.broadcast %broadcast_in_dim3A_850 : i32 to vector<16x1xi32>
        %gather3A_852 = vector.shape_cast %broadcast_in_dim3A_851 : vector<16x1xi32> to vector<16xi32>
        %gather3A_853 = tpu.dynamic_gather %get3A_128[%gather3A_852] in [0] : vector<16xf32>, vector<16xi32> -> vector<16xf32>
        %get3A_854 = arith.index_cast %add3A_849 : i32 to index
        %get3A_855 = arith.constant 0 : index
        %get3A_856 = tpu.vector_load %arg11[%get3A_854, %get3A_855] {strides = array<i32>} : memref<80x64xf32, #tpu.memory_space<vmem>>, vector<1x16xf32>,
        %get3A_857 = vector.shape_cast %get3A_856 : vector<1x16xf32> to vector<16xf32>
        %mul3A_858 = arith.mulf %get3A_857, %gather3A_853 : vector<16xf32>
        %swap3A_859 = arith.index_cast %add3A_849 : i32 to index
        %swap3A_860 = arith.constant 0 : index
        %swap3A_861 = tpu.vector_load %arg11[%swap3A_859, %swap3A_860] {strides = array<i32>} : memref<80x64xf32, #tpu.memory_space<vmem>>, vector<1x16xf32>,
        %swap3A_862 = vector.shape_cast %swap3A_861 : vector<1x16xf32> to vector<16xf32>
        %swap3A_863 = vector.shape_cast %mul3A_858 : vector<16xf32> to vector<1x16xf32>
        tpu.vector_store %arg11[%swap3A_859, %swap3A_860], %swap3A_863 {strides = array<i32>} : memref<80x64xf32, #tpu.memory_space<vmem>>, vector<1x16xf32>,
        %get3A_864 = arith.index_cast %add3A_849 : i32 to index
        %get3A_865 = arith.constant 16 : index
        %get3A_866 = tpu.vector_load %arg11[%get3A_864, %get3A_865] {strides = array<i32>} : memref<80x64xf32, #tpu.memory_space<vmem>>, vector<1x16xf32>,
        %get3A_867 = vector.shape_cast %get3A_866 : vector<1x16xf32> to vector<16xf32>
        %mul3A_868 = arith.mulf %get3A_867, %gather3A_853 : vector<16xf32>
        %swap3A_869 = arith.index_cast %add3A_849 : i32 to index
        %swap3A_870 = arith.constant 16 : index
        %swap3A_871 = tpu.vector_load %arg11[%swap3A_869, %swap3A_870] {strides = array<i32>} : memref<80x64xf32, #tpu.memory_space<vmem>>, vector<1x16xf32>,
        %swap3A_872 = vector.shape_cast %swap3A_871 : vector<1x16xf32> to vector<16xf32>
        %swap3A_873 = vector.shape_cast %mul3A_868 : vector<16xf32> to vector<1x16xf32>
        tpu.vector_store %arg11[%swap3A_869, %swap3A_870], %swap3A_873 {strides = array<i32>} : memref<80x64xf32, #tpu.memory_space<vmem>>, vector<1x16xf32>,
        %get3A_874 = arith.index_cast %add3A_849 : i32 to index
        %get3A_875 = arith.constant 32 : index
        %get3A_876 = tpu.vector_load %arg11[%get3A_874, %get3A_875] {strides = array<i32>} : memref<80x64xf32, #tpu.memory_space<vmem>>, vector<1x16xf32>,
        %get3A_877 = vector.shape_cast %get3A_876 : vector<1x16xf32> to vector<16xf32>
        %mul3A_878 = arith.mulf %get3A_877, %gather3A_853 : vector<16xf32>
        %swap3A_879 = arith.index_cast %add3A_849 : i32 to index
        %swap3A_880 = arith.constant 32 : index
        %swap3A_881 = tpu.vector_load %arg11[%swap3A_879, %swap3A_880] {strides = array<i32>} : memref<80x64xf32, #tpu.memory_space<vmem>>, vector<1x16xf32>,
        %swap3A_882 = vector.shape_cast %swap3A_881 : vector<1x16xf32> to vector<16xf32>
        %swap3A_883 = vector.shape_cast %mul3A_878 : vector<16xf32> to vector<1x16xf32>
        tpu.vector_store %arg11[%swap3A_879, %swap3A_880], %swap3A_883 {strides = array<i32>} : memref<80x64xf32, #tpu.memory_space<vmem>>, vector<1x16xf32>,
        %get3A_884 = arith.index_cast %add3A_849 : i32 to index
        %get3A_885 = arith.constant 48 : index
        %get3A_886 = tpu.vector_load %arg11[%get3A_884, %get3A_885] {strides = array<i32>} : memref<80x64xf32, #tpu.memory_space<vmem>>, vector<1x16xf32>,
        %get3A_887 = vector.shape_cast %get3A_886 : vector<1x16xf32> to vector<16xf32>
        %mul3A_888 = arith.mulf %get3A_887, %gather3A_853 : vector<16xf32>
        %swap3A_889 = arith.index_cast %add3A_849 : i32 to index
        %swap3A_890 = arith.constant 48 : index
        %swap3A_891 = tpu.vector_load %arg11[%swap3A_889, %swap3A_890] {strides = array<i32>} : memref<80x64xf32, #tpu.memory_space<vmem>>, vector<1x16xf32>,
        %swap3A_892 = vector.shape_cast %swap3A_891 : vector<1x16xf32> to vector<16xf32>
        %swap3A_893 = vector.shape_cast %mul3A_888 : vector<16xf32> to vector<1x16xf32>
        tpu.vector_store %arg11[%swap3A_889, %swap3A_890], %swap3A_893 {strides = array<i32>} : memref<80x64xf32, #tpu.memory_space<vmem>>, vector<1x16xf32>,
      }
      %scan3A_122 = arith.constant 5 : i32
      "tpu.region"() ({
        %run_scoped3A_123 = tpu.sem_alloc : memref<!tpu.dma_semaphore, #tpu.memory_space<semaphore_mem>>
        %dma_start3A_124 = arith.constant 0 : i32
        %dma_start3A_125 = tpu.memref_slice %arg8[%add3A_116, %dma_start3A_124] : memref<250x80xi32, #tpu.memory_space<vmem>> -> memref<1x80xi32, #tpu.memory_space<vmem>>
        %dma_start3A_126 = tpu.memref_squeeze %dma_start3A_125 : memref<1x80xi32, #tpu.memory_space<vmem>> -> memref<80xi32, #tpu.memory_space<vmem>>
        %dma_start3A_127 = arith.constant 0 : i32
        %dma_start3A_128 = arith.constant 0 : i32
        %dma_start3A_129 = tpu.memref_slice %arg13[%dma_start3A_127, %dma_start3A_128] : memref<10240x64xf32, #tpu.memory_space<vmem_shared>> -> memref<10240x64xf32, #tpu.memory_space<vmem_shared>>
        tpu.enqueue_indirect_dma source(%arg11 : memref<80x64xf32, #tpu.memory_space<vmem>>) target(%dma_start3A_129 : memref<10240x64xf32, #tpu.memory_space<vmem_shared>>) offsets(%dma_start3A_126 : memref<80xi32, #tpu.memory_space<vmem>>) semaphore(%run_scoped3A_123 : memref<!tpu.dma_semaphore, #tpu.memory_space<semaphore_mem>>) {add = true}
        %dma_wait3A_130 = arith.constant 0 : i32
        %dma_wait3A_131 = tpu.memref_slice %arg8[%add3A_116, %dma_wait3A_130] : memref<250x80xi32, #tpu.memory_space<vmem>> -> memref<1x80xi32, #tpu.memory_space<vmem>>
        %dma_wait3A_132 = tpu.memref_squeeze %dma_wait3A_131 : memref<1x80xi32, #tpu.memory_space<vmem>> -> memref<80xi32, #tpu.memory_space<vmem>>
        %dma_wait3A_133 = arith.constant 0 : i32
        %dma_wait3A_134 = arith.constant 0 : i32
        %dma_wait3A_135 = tpu.memref_slice %arg13[%dma_wait3A_133, %dma_wait3A_134] : memref<10240x64xf32, #tpu.memory_space<vmem_shared>> -> memref<10240x64xf32, #tpu.memory_space<vmem_shared>>
        tpu.wait_indirect_dma semaphore(%run_scoped3A_123 : memref<!tpu.dma_semaphore, #tpu.memory_space<semaphore_mem>>) src(%arg11 : memref<80x64xf32, #tpu.memory_space<vmem>>) dst(%dma_wait3A_135 : memref<10240x64xf32, #tpu.memory_space<vmem_shared>>)
        tpu.yield
      }) : () -> ()
    }
    %scan3A_34 = arith.constant 124 : i32
    %dma_wait3A = arith.constant 248 : i32
    %dma_wait3A_35 = arith.constant 0 : i32
    %dma_wait3A_36 = tpu.memref_slice %arg7[%dma_wait3A, %dma_wait3A_35] : memref<250x80xi32, #tpu.memory_space<vmem>> -> memref<1x80xi32, #tpu.memory_space<vmem>>
    %dma_wait3A_37 = tpu.memref_squeeze %dma_wait3A_36 : memref<1x80xi32, #tpu.memory_space<vmem>> -> memref<80xi32, #tpu.memory_space<vmem>>
    %dma_wait3A_38 = arith.constant 0 : i32
    %dma_wait3A_39 = arith.constant 0 : i32
    %dma_wait3A_40 = tpu.memref_slice %arg5[%dma_wait3A_38, %dma_wait3A_39] : memref<20000x64xf32, #tpu.memory_space<hbm>> -> memref<20000x64xf32, #tpu.memory_space<hbm>>
    tpu.wait_indirect_dma semaphore(%arg14 : memref<!tpu.dma_semaphore, #tpu.memory_space<semaphore_mem>>) src(%dma_wait3A_40 : memref<20000x64xf32, #tpu.memory_space<hbm>>) dst(%arg10 : memref<80x64xf32, #tpu.memory_space<vmem>>)
    %dma_start3A_41 = arith.constant 249 : i32
    %dma_start3A_42 = arith.constant 0 : i32
    %dma_start3A_43 = tpu.memref_slice %arg7[%dma_start3A_41, %dma_start3A_42] : memref<250x80xi32, #tpu.memory_space<vmem>> -> memref<1x80xi32, #tpu.memory_space<vmem>>
    %dma_start3A_44 = tpu.memref_squeeze %dma_start3A_43 : memref<1x80xi32, #tpu.memory_space<vmem>> -> memref<80xi32, #tpu.memory_space<vmem>>
    %dma_start3A_45 = arith.constant 0 : i32
    %dma_start3A_46 = arith.constant 0 : i32
    %dma_start3A_47 = tpu.memref_slice %arg5[%dma_start3A_45, %dma_start3A_46] : memref<20000x64xf32, #tpu.memory_space<hbm>> -> memref<20000x64xf32, #tpu.memory_space<hbm>>
    tpu.enqueue_indirect_dma source(%dma_start3A_47 : memref<20000x64xf32, #tpu.memory_space<hbm>>) target(%arg11 : memref<80x64xf32, #tpu.memory_space<vmem>>) offsets(%dma_start3A_44 : memref<80xi32, #tpu.memory_space<vmem>>) semaphore(%arg15 : memref<!tpu.dma_semaphore, #tpu.memory_space<semaphore_mem>>)
    %scan3A_48 = arith.constant 0 : i32
    %scan3A_49 = arith.constant 0 : i32
    %scan3A_50 = arith.constant 5 : i32
    %scan3A_51 = arith.addi %scan3A_49, %scan3A_50 : i32
    %scan3A_52 = arith.constant 1 : i32
    scf.for %scan3A_76 = %scan3A_49 to %scan3A_51 step %scan3A_52  : i32 {
      %mul3A_77 = arith.constant 16 : i32
      %mul3A_78 = arith.muli %scan3A_76, %mul3A_77 : i32
      %get3A = arith.constant 248 : i32
      %get3A_79 = arith.index_cast %get3A : i32 to index
      %get3A_80 = arith.index_cast %mul3A_78 : i32 to index
      %get3A_81 = tpu.vector_load %arg9[%get3A_79, %get3A_80] {strides = array<i32>} : memref<250x80xf32, #tpu.memory_space<vmem>>, vector<1x16xf32>,
      %get3A_82 = vector.shape_cast %get3A_81 : vector<1x16xf32> to vector<16xf32>
      %mul3A_83 = arith.constant 16 : i32
      %mul3A_84 = arith.muli %scan3A_76, %mul3A_83 : i32
      %add3A_85 = arith.constant 0 : i32
      %add3A_86 = arith.addi %mul3A_84, %add3A_85 : i32
      %broadcast_in_dim3A = arith.constant 0 : i32
      %broadcast_in_dim3A_87 = vector.broadcast %broadcast_in_dim3A : i32 to vector<16x1xi32>
      %gather3A = vector.shape_cast %broadcast_in_dim3A_87 : vector<16x1xi32> to vector<16xi32>
      %gather3A_88 = tpu.dynamic_gather %get3A_82[%gather3A] in [0] : vector<16xf32>, vector<16xi32> -> vector<16xf32>
      %get3A_89 = arith.index_cast %add3A_86 : i32 to index
      %get3A_90 = arith.constant 0 : index
      %get3A_91 = tpu.vector_load %arg10[%get3A_89, %get3A_90] {strides = array<i32>} : memref<80x64xf32, #tpu.memory_space<vmem>>, vector<1x16xf32>,
      %get3A_92 = vector.shape_cast %get3A_91 : vector<1x16xf32> to vector<16xf32>
      %mul3A_93 = arith.mulf %get3A_92, %gather3A_88 : vector<16xf32>
      %swap3A = arith.index_cast %add3A_86 : i32 to index
      %swap3A_94 = arith.constant 0 : index
      %swap3A_95 = tpu.vector_load %arg10[%swap3A, %swap3A_94] {strides = array<i32>} : memref<80x64xf32, #tpu.memory_space<vmem>>, vector<1x16xf32>,
      %swap3A_96 = vector.shape_cast %swap3A_95 : vector<1x16xf32> to vector<16xf32>
      %swap3A_97 = vector.shape_cast %mul3A_93 : vector<16xf32> to vector<1x16xf32>
      tpu.vector_store %arg10[%swap3A, %swap3A_94], %swap3A_97 {strides = array<i32>} : memref<80x64xf32, #tpu.memory_space<vmem>>, vector<1x16xf32>,
      %get3A_98 = arith.index_cast %add3A_86 : i32 to index
      %get3A_99 = arith.constant 16 : index
      %get3A_100 = tpu.vector_load %arg10[%get3A_98, %get3A_99] {strides = array<i32>} : memref<80x64xf32, #tpu.memory_space<vmem>>, vector<1x16xf32>,
      %get3A_101 = vector.shape_cast %get3A_100 : vector<1x16xf32> to vector<16xf32>
      %mul3A_102 = arith.mulf %get3A_101, %gather3A_88 : vector<16xf32>
      %swap3A_103 = arith.index_cast %add3A_86 : i32 to index
      %swap3A_104 = arith.constant 16 : index
      %swap3A_105 = tpu.vector_load %arg10[%swap3A_103, %swap3A_104] {strides = array<i32>} : memref<80x64xf32, #tpu.memory_space<vmem>>, vector<1x16xf32>,
      %swap3A_106 = vector.shape_cast %swap3A_105 : vector<1x16xf32> to vector<16xf32>
      %swap3A_107 = vector.shape_cast %mul3A_102 : vector<16xf32> to vector<1x16xf32>
      tpu.vector_store %arg10[%swap3A_103, %swap3A_104], %swap3A_107 {strides = array<i32>} : memref<80x64xf32, #tpu.memory_space<vmem>>, vector<1x16xf32>,
      %get3A_108 = arith.index_cast %add3A_86 : i32 to index
      %get3A_109 = arith.constant 32 : index
      %get3A_110 = tpu.vector_load %arg10[%get3A_108, %get3A_109] {strides = array<i32>} : memref<80x64xf32, #tpu.memory_space<vmem>>, vector<1x16xf32>,
      %get3A_111 = vector.shape_cast %get3A_110 : vector<1x16xf32> to vector<16xf32>
      %mul3A_112 = arith.mulf %get3A_111, %gather3A_88 : vector<16xf32>
      %swap3A_113 = arith.index_cast %add3A_86 : i32 to index
      %swap3A_114 = arith.constant 32 : index
      %swap3A_115 = tpu.vector_load %arg10[%swap3A_113, %swap3A_114] {strides = array<i32>} : memref<80x64xf32, #tpu.memory_space<vmem>>, vector<1x16xf32>,
      %swap3A_116 = vector.shape_cast %swap3A_115 : vector<1x16xf32> to vector<16xf32>
      %swap3A_117 = vector.shape_cast %mul3A_112 : vector<16xf32> to vector<1x16xf32>
      tpu.vector_store %arg10[%swap3A_113, %swap3A_114], %swap3A_117 {strides = array<i32>} : memref<80x64xf32, #tpu.memory_space<vmem>>, vector<1x16xf32>,
      %get3A_118 = arith.index_cast %add3A_86 : i32 to index
      %get3A_119 = arith.constant 48 : index
      %get3A_120 = tpu.vector_load %arg10[%get3A_118, %get3A_119] {strides = array<i32>} : memref<80x64xf32, #tpu.memory_space<vmem>>, vector<1x16xf32>,
      %get3A_121 = vector.shape_cast %get3A_120 : vector<1x16xf32> to vector<16xf32>
      %mul3A_122 = arith.mulf %get3A_121, %gather3A_88 : vector<16xf32>
      %swap3A_123 = arith.index_cast %add3A_86 : i32 to index
      %swap3A_124 = arith.constant 48 : index
      %swap3A_125 = tpu.vector_load %arg10[%swap3A_123, %swap3A_124] {strides = array<i32>} : memref<80x64xf32, #tpu.memory_space<vmem>>, vector<1x16xf32>,
      %swap3A_126 = vector.shape_cast %swap3A_125 : vector<1x16xf32> to vector<16xf32>
      %swap3A_127 = vector.shape_cast %mul3A_122 : vector<16xf32> to vector<1x16xf32>
      tpu.vector_store %arg10[%swap3A_123, %swap3A_124], %swap3A_127 {strides = array<i32>} : memref<80x64xf32, #tpu.memory_space<vmem>>, vector<1x16xf32>,
      %mul3A_128 = arith.constant 16 : i32
      %mul3A_129 = arith.muli %scan3A_76, %mul3A_128 : i32
      %add3A_130 = arith.constant 1 : i32
      %add3A_131 = arith.addi %mul3A_129, %add3A_130 : i32
      %broadcast_in_dim3A_132 = arith.constant 1 : i32
      %broadcast_in_dim3A_133 = vector.broadcast %broadcast_in_dim3A_132 : i32 to vector<16x1xi32>
      %gather3A_134 = vector.shape_cast %broadcast_in_dim3A_133 : vector<16x1xi32> to vector<16xi32>
      %gather3A_135 = tpu.dynamic_gather %get3A_82[%gather3A_134] in [0] : vector<16xf32>, vector<16xi32> -> vector<16xf32>
      %get3A_136 = arith.index_cast %add3A_131 : i32 to index
      %get3A_137 = arith.constant 0 : index
      %get3A_138 = tpu.vector_load %arg10[%get3A_136, %get3A_137] {strides = array<i32>} : memref<80x64xf32, #tpu.memory_space<vmem>>, vector<1x16xf32>,
      %get3A_139 = vector.shape_cast %get3A_138 : vector<1x16xf32> to vector<16xf32>
      %mul3A_140 = arith.mulf %get3A_139, %gather3A_135 : vector<16xf32>
      %swap3A_141 = arith.index_cast %add3A_131 : i32 to index
      %swap3A_142 = arith.constant 0 : index
      %swap3A_143 = tpu.vector_load %arg10[%swap3A_141, %swap3A_142] {strides = array<i32>} : memref<80x64xf32, #tpu.memory_space<vmem>>, vector<1x16xf32>,
      %swap3A_144 = vector.shape_cast %swap3A_143 : vector<1x16xf32> to vector<16xf32>
      %swap3A_145 = vector.shape_cast %mul3A_140 : vector<16xf32> to vector<1x16xf32>
      tpu.vector_store %arg10[%swap3A_141, %swap3A_142], %swap3A_145 {strides = array<i32>} : memref<80x64xf32, #tpu.memory_space<vmem>>, vector<1x16xf32>,
      %get3A_146 = arith.index_cast %add3A_131 : i32 to index
      %get3A_147 = arith.constant 16 : index
      %get3A_148 = tpu.vector_load %arg10[%get3A_146, %get3A_147] {strides = array<i32>} : memref<80x64xf32, #tpu.memory_space<vmem>>, vector<1x16xf32>,
      %get3A_149 = vector.shape_cast %get3A_148 : vector<1x16xf32> to vector<16xf32>
      %mul3A_150 = arith.mulf %get3A_149, %gather3A_135 : vector<16xf32>
      %swap3A_151 = arith.index_cast %add3A_131 : i32 to index
      %swap3A_152 = arith.constant 16 : index
      %swap3A_153 = tpu.vector_load %arg10[%swap3A_151, %swap3A_152] {strides = array<i32>} : memref<80x64xf32, #tpu.memory_space<vmem>>, vector<1x16xf32>,
      %swap3A_154 = vector.shape_cast %swap3A_153 : vector<1x16xf32> to vector<16xf32>
      %swap3A_155 = vector.shape_cast %mul3A_150 : vector<16xf32> to vector<1x16xf32>
      tpu.vector_store %arg10[%swap3A_151, %swap3A_152], %swap3A_155 {strides = array<i32>} : memref<80x64xf32, #tpu.memory_space<vmem>>, vector<1x16xf32>,
      %get3A_156 = arith.index_cast %add3A_131 : i32 to index
      %get3A_157 = arith.constant 32 : index
      %get3A_158 = tpu.vector_load %arg10[%get3A_156, %get3A_157] {strides = array<i32>} : memref<80x64xf32, #tpu.memory_space<vmem>>, vector<1x16xf32>,
      %get3A_159 = vector.shape_cast %get3A_158 : vector<1x16xf32> to vector<16xf32>
      %mul3A_160 = arith.mulf %get3A_159, %gather3A_135 : vector<16xf32>
      %swap3A_161 = arith.index_cast %add3A_131 : i32 to index
      %swap3A_162 = arith.constant 32 : index
      %swap3A_163 = tpu.vector_load %arg10[%swap3A_161, %swap3A_162] {strides = array<i32>} : memref<80x64xf32, #tpu.memory_space<vmem>>, vector<1x16xf32>,
      %swap3A_164 = vector.shape_cast %swap3A_163 : vector<1x16xf32> to vector<16xf32>
      %swap3A_165 = vector.shape_cast %mul3A_160 : vector<16xf32> to vector<1x16xf32>
      tpu.vector_store %arg10[%swap3A_161, %swap3A_162], %swap3A_165 {strides = array<i32>} : memref<80x64xf32, #tpu.memory_space<vmem>>, vector<1x16xf32>,
      %get3A_166 = arith.index_cast %add3A_131 : i32 to index
      %get3A_167 = arith.constant 48 : index
      %get3A_168 = tpu.vector_load %arg10[%get3A_166, %get3A_167] {strides = array<i32>} : memref<80x64xf32, #tpu.memory_space<vmem>>, vector<1x16xf32>,
      %get3A_169 = vector.shape_cast %get3A_168 : vector<1x16xf32> to vector<16xf32>
      %mul3A_170 = arith.mulf %get3A_169, %gather3A_135 : vector<16xf32>
      %swap3A_171 = arith.index_cast %add3A_131 : i32 to index
      %swap3A_172 = arith.constant 48 : index
      %swap3A_173 = tpu.vector_load %arg10[%swap3A_171, %swap3A_172] {strides = array<i32>} : memref<80x64xf32, #tpu.memory_space<vmem>>, vector<1x16xf32>,
      %swap3A_174 = vector.shape_cast %swap3A_173 : vector<1x16xf32> to vector<16xf32>
      %swap3A_175 = vector.shape_cast %mul3A_170 : vector<16xf32> to vector<1x16xf32>
      tpu.vector_store %arg10[%swap3A_171, %swap3A_172], %swap3A_175 {strides = array<i32>} : memref<80x64xf32, #tpu.memory_space<vmem>>, vector<1x16xf32>,
      %mul3A_176 = arith.constant 16 : i32
      %mul3A_177 = arith.muli %scan3A_76, %mul3A_176 : i32
      %add3A_178 = arith.constant 2 : i32
      %add3A_179 = arith.addi %mul3A_177, %add3A_178 : i32
      %broadcast_in_dim3A_180 = arith.constant 2 : i32
      %broadcast_in_dim3A_181 = vector.broadcast %broadcast_in_dim3A_180 : i32 to vector<16x1xi32>
      %gather3A_182 = vector.shape_cast %broadcast_in_dim3A_181 : vector<16x1xi32> to vector<16xi32>
      %gather3A_183 = tpu.dynamic_gather %get3A_82[%gather3A_182] in [0] : vector<16xf32>, vector<16xi32> -> vector<16xf32>
      %get3A_184 = arith.index_cast %add3A_179 : i32 to index
      %get3A_185 = arith.constant 0 : index
      %get3A_186 = tpu.vector_load %arg10[%get3A_184, %get3A_185] {strides = array<i32>} : memref<80x64xf32, #tpu.memory_space<vmem>>, vector<1x16xf32>,
      %get3A_187 = vector.shape_cast %get3A_186 : vector<1x16xf32> to vector<16xf32>
      %mul3A_188 = arith.mulf %get3A_187, %gather3A_183 : vector<16xf32>
      %swap3A_189 = arith.index_cast %add3A_179 : i32 to index
      %swap3A_190 = arith.constant 0 : index
      %swap3A_191 = tpu.vector_load %arg10[%swap3A_189, %swap3A_190] {strides = array<i32>} : memref<80x64xf32, #tpu.memory_space<vmem>>, vector<1x16xf32>,
      %swap3A_192 = vector.shape_cast %swap3A_191 : vector<1x16xf32> to vector<16xf32>
      %swap3A_193 = vector.shape_cast %mul3A_188 : vector<16xf32> to vector<1x16xf32>
      tpu.vector_store %arg10[%swap3A_189, %swap3A_190], %swap3A_193 {strides = array<i32>} : memref<80x64xf32, #tpu.memory_space<vmem>>, vector<1x16xf32>,
      %get3A_194 = arith.index_cast %add3A_179 : i32 to index
      %get3A_195 = arith.constant 16 : index
      %get3A_196 = tpu.vector_load %arg10[%get3A_194, %get3A_195] {strides = array<i32>} : memref<80x64xf32, #tpu.memory_space<vmem>>, vector<1x16xf32>,
      %get3A_197 = vector.shape_cast %get3A_196 : vector<1x16xf32> to vector<16xf32>
      %mul3A_198 = arith.mulf %get3A_197, %gather3A_183 : vector<16xf32>
      %swap3A_199 = arith.index_cast %add3A_179 : i32 to index
      %swap3A_200 = arith.constant 16 : index
      %swap3A_201 = tpu.vector_load %arg10[%swap3A_199, %swap3A_200] {strides = array<i32>} : memref<80x64xf32, #tpu.memory_space<vmem>>, vector<1x16xf32>,
      %swap3A_202 = vector.shape_cast %swap3A_201 : vector<1x16xf32> to vector<16xf32>
      %swap3A_203 = vector.shape_cast %mul3A_198 : vector<16xf32> to vector<1x16xf32>
      tpu.vector_store %arg10[%swap3A_199, %swap3A_200], %swap3A_203 {strides = array<i32>} : memref<80x64xf32, #tpu.memory_space<vmem>>, vector<1x16xf32>,
      %get3A_204 = arith.index_cast %add3A_179 : i32 to index
      %get3A_205 = arith.constant 32 : index
      %get3A_206 = tpu.vector_load %arg10[%get3A_204, %get3A_205] {strides = array<i32>} : memref<80x64xf32, #tpu.memory_space<vmem>>, vector<1x16xf32>,
      %get3A_207 = vector.shape_cast %get3A_206 : vector<1x16xf32> to vector<16xf32>
      %mul3A_208 = arith.mulf %get3A_207, %gather3A_183 : vector<16xf32>
      %swap3A_209 = arith.index_cast %add3A_179 : i32 to index
      %swap3A_210 = arith.constant 32 : index
      %swap3A_211 = tpu.vector_load %arg10[%swap3A_209, %swap3A_210] {strides = array<i32>} : memref<80x64xf32, #tpu.memory_space<vmem>>, vector<1x16xf32>,
      %swap3A_212 = vector.shape_cast %swap3A_211 : vector<1x16xf32> to vector<16xf32>
      %swap3A_213 = vector.shape_cast %mul3A_208 : vector<16xf32> to vector<1x16xf32>
      tpu.vector_store %arg10[%swap3A_209, %swap3A_210], %swap3A_213 {strides = array<i32>} : memref<80x64xf32, #tpu.memory_space<vmem>>, vector<1x16xf32>,
      %get3A_214 = arith.index_cast %add3A_179 : i32 to index
      %get3A_215 = arith.constant 48 : index
      %get3A_216 = tpu.vector_load %arg10[%get3A_214, %get3A_215] {strides = array<i32>} : memref<80x64xf32, #tpu.memory_space<vmem>>, vector<1x16xf32>,
      %get3A_217 = vector.shape_cast %get3A_216 : vector<1x16xf32> to vector<16xf32>
      %mul3A_218 = arith.mulf %get3A_217, %gather3A_183 : vector<16xf32>
      %swap3A_219 = arith.index_cast %add3A_179 : i32 to index
      %swap3A_220 = arith.constant 48 : index
      %swap3A_221 = tpu.vector_load %arg10[%swap3A_219, %swap3A_220] {strides = array<i32>} : memref<80x64xf32, #tpu.memory_space<vmem>>, vector<1x16xf32>,
      %swap3A_222 = vector.shape_cast %swap3A_221 : vector<1x16xf32> to vector<16xf32>
      %swap3A_223 = vector.shape_cast %mul3A_218 : vector<16xf32> to vector<1x16xf32>
      tpu.vector_store %arg10[%swap3A_219, %swap3A_220], %swap3A_223 {strides = array<i32>} : memref<80x64xf32, #tpu.memory_space<vmem>>, vector<1x16xf32>,
      %mul3A_224 = arith.constant 16 : i32
      %mul3A_225 = arith.muli %scan3A_76, %mul3A_224 : i32
      %add3A_226 = arith.constant 3 : i32
      %add3A_227 = arith.addi %mul3A_225, %add3A_226 : i32
      %broadcast_in_dim3A_228 = arith.constant 3 : i32
      %broadcast_in_dim3A_229 = vector.broadcast %broadcast_in_dim3A_228 : i32 to vector<16x1xi32>
      %gather3A_230 = vector.shape_cast %broadcast_in_dim3A_229 : vector<16x1xi32> to vector<16xi32>
      %gather3A_231 = tpu.dynamic_gather %get3A_82[%gather3A_230] in [0] : vector<16xf32>, vector<16xi32> -> vector<16xf32>
      %get3A_232 = arith.index_cast %add3A_227 : i32 to index
      %get3A_233 = arith.constant 0 : index
      %get3A_234 = tpu.vector_load %arg10[%get3A_232, %get3A_233] {strides = array<i32>} : memref<80x64xf32, #tpu.memory_space<vmem>>, vector<1x16xf32>,
      %get3A_235 = vector.shape_cast %get3A_234 : vector<1x16xf32> to vector<16xf32>
      %mul3A_236 = arith.mulf %get3A_235, %gather3A_231 : vector<16xf32>
      %swap3A_237 = arith.index_cast %add3A_227 : i32 to index
      %swap3A_238 = arith.constant 0 : index
      %swap3A_239 = tpu.vector_load %arg10[%swap3A_237, %swap3A_238] {strides = array<i32>} : memref<80x64xf32, #tpu.memory_space<vmem>>, vector<1x16xf32>,
      %swap3A_240 = vector.shape_cast %swap3A_239 : vector<1x16xf32> to vector<16xf32>
      %swap3A_241 = vector.shape_cast %mul3A_236 : vector<16xf32> to vector<1x16xf32>
      tpu.vector_store %arg10[%swap3A_237, %swap3A_238], %swap3A_241 {strides = array<i32>} : memref<80x64xf32, #tpu.memory_space<vmem>>, vector<1x16xf32>,
      %get3A_242 = arith.index_cast %add3A_227 : i32 to index
      %get3A_243 = arith.constant 16 : index
      %get3A_244 = tpu.vector_load %arg10[%get3A_242, %get3A_243] {strides = array<i32>} : memref<80x64xf32, #tpu.memory_space<vmem>>, vector<1x16xf32>,
      %get3A_245 = vector.shape_cast %get3A_244 : vector<1x16xf32> to vector<16xf32>
      %mul3A_246 = arith.mulf %get3A_245, %gather3A_231 : vector<16xf32>
      %swap3A_247 = arith.index_cast %add3A_227 : i32 to index
      %swap3A_248 = arith.constant 16 : index
      %swap3A_249 = tpu.vector_load %arg10[%swap3A_247, %swap3A_248] {strides = array<i32>} : memref<80x64xf32, #tpu.memory_space<vmem>>, vector<1x16xf32>,
      %swap3A_250 = vector.shape_cast %swap3A_249 : vector<1x16xf32> to vector<16xf32>
      %swap3A_251 = vector.shape_cast %mul3A_246 : vector<16xf32> to vector<1x16xf32>
      tpu.vector_store %arg10[%swap3A_247, %swap3A_248], %swap3A_251 {strides = array<i32>} : memref<80x64xf32, #tpu.memory_space<vmem>>, vector<1x16xf32>,
      %get3A_252 = arith.index_cast %add3A_227 : i32 to index
      %get3A_253 = arith.constant 32 : index
      %get3A_254 = tpu.vector_load %arg10[%get3A_252, %get3A_253] {strides = array<i32>} : memref<80x64xf32, #tpu.memory_space<vmem>>, vector<1x16xf32>,
      %get3A_255 = vector.shape_cast %get3A_254 : vector<1x16xf32> to vector<16xf32>
      %mul3A_256 = arith.mulf %get3A_255, %gather3A_231 : vector<16xf32>
      %swap3A_257 = arith.index_cast %add3A_227 : i32 to index
      %swap3A_258 = arith.constant 32 : index
      %swap3A_259 = tpu.vector_load %arg10[%swap3A_257, %swap3A_258] {strides = array<i32>} : memref<80x64xf32, #tpu.memory_space<vmem>>, vector<1x16xf32>,
      %swap3A_260 = vector.shape_cast %swap3A_259 : vector<1x16xf32> to vector<16xf32>
      %swap3A_261 = vector.shape_cast %mul3A_256 : vector<16xf32> to vector<1x16xf32>
      tpu.vector_store %arg10[%swap3A_257, %swap3A_258], %swap3A_261 {strides = array<i32>} : memref<80x64xf32, #tpu.memory_space<vmem>>, vector<1x16xf32>,
      %get3A_262 = arith.index_cast %add3A_227 : i32 to index
      %get3A_263 = arith.constant 48 : index
      %get3A_264 = tpu.vector_load %arg10[%get3A_262, %get3A_263] {strides = array<i32>} : memref<80x64xf32, #tpu.memory_space<vmem>>, vector<1x16xf32>,
      %get3A_265 = vector.shape_cast %get3A_264 : vector<1x16xf32> to vector<16xf32>
      %mul3A_266 = arith.mulf %get3A_265, %gather3A_231 : vector<16xf32>
      %swap3A_267 = arith.index_cast %add3A_227 : i32 to index
      %swap3A_268 = arith.constant 48 : index
      %swap3A_269 = tpu.vector_load %arg10[%swap3A_267, %swap3A_268] {strides = array<i32>} : memref<80x64xf32, #tpu.memory_space<vmem>>, vector<1x16xf32>,
      %swap3A_270 = vector.shape_cast %swap3A_269 : vector<1x16xf32> to vector<16xf32>
      %swap3A_271 = vector.shape_cast %mul3A_266 : vector<16xf32> to vector<1x16xf32>
      tpu.vector_store %arg10[%swap3A_267, %swap3A_268], %swap3A_271 {strides = array<i32>} : memref<80x64xf32, #tpu.memory_space<vmem>>, vector<1x16xf32>,
      %mul3A_272 = arith.constant 16 : i32
      %mul3A_273 = arith.muli %scan3A_76, %mul3A_272 : i32
      %add3A_274 = arith.constant 4 : i32
      %add3A_275 = arith.addi %mul3A_273, %add3A_274 : i32
      %broadcast_in_dim3A_276 = arith.constant 4 : i32
      %broadcast_in_dim3A_277 = vector.broadcast %broadcast_in_dim3A_276 : i32 to vector<16x1xi32>
      %gather3A_278 = vector.shape_cast %broadcast_in_dim3A_277 : vector<16x1xi32> to vector<16xi32>
      %gather3A_279 = tpu.dynamic_gather %get3A_82[%gather3A_278] in [0] : vector<16xf32>, vector<16xi32> -> vector<16xf32>
      %get3A_280 = arith.index_cast %add3A_275 : i32 to index
      %get3A_281 = arith.constant 0 : index
      %get3A_282 = tpu.vector_load %arg10[%get3A_280, %get3A_281] {strides = array<i32>} : memref<80x64xf32, #tpu.memory_space<vmem>>, vector<1x16xf32>,
      %get3A_283 = vector.shape_cast %get3A_282 : vector<1x16xf32> to vector<16xf32>
      %mul3A_284 = arith.mulf %get3A_283, %gather3A_279 : vector<16xf32>
      %swap3A_285 = arith.index_cast %add3A_275 : i32 to index
      %swap3A_286 = arith.constant 0 : index
      %swap3A_287 = tpu.vector_load %arg10[%swap3A_285, %swap3A_286] {strides = array<i32>} : memref<80x64xf32, #tpu.memory_space<vmem>>, vector<1x16xf32>,
      %swap3A_288 = vector.shape_cast %swap3A_287 : vector<1x16xf32> to vector<16xf32>
      %swap3A_289 = vector.shape_cast %mul3A_284 : vector<16xf32> to vector<1x16xf32>
      tpu.vector_store %arg10[%swap3A_285, %swap3A_286], %swap3A_289 {strides = array<i32>} : memref<80x64xf32, #tpu.memory_space<vmem>>, vector<1x16xf32>,
      %get3A_290 = arith.index_cast %add3A_275 : i32 to index
      %get3A_291 = arith.constant 16 : index
      %get3A_292 = tpu.vector_load %arg10[%get3A_290, %get3A_291] {strides = array<i32>} : memref<80x64xf32, #tpu.memory_space<vmem>>, vector<1x16xf32>,
      %get3A_293 = vector.shape_cast %get3A_292 : vector<1x16xf32> to vector<16xf32>
      %mul3A_294 = arith.mulf %get3A_293, %gather3A_279 : vector<16xf32>
      %swap3A_295 = arith.index_cast %add3A_275 : i32 to index
      %swap3A_296 = arith.constant 16 : index
      %swap3A_297 = tpu.vector_load %arg10[%swap3A_295, %swap3A_296] {strides = array<i32>} : memref<80x64xf32, #tpu.memory_space<vmem>>, vector<1x16xf32>,
      %swap3A_298 = vector.shape_cast %swap3A_297 : vector<1x16xf32> to vector<16xf32>
      %swap3A_299 = vector.shape_cast %mul3A_294 : vector<16xf32> to vector<1x16xf32>
      tpu.vector_store %arg10[%swap3A_295, %swap3A_296], %swap3A_299 {strides = array<i32>} : memref<80x64xf32, #tpu.memory_space<vmem>>, vector<1x16xf32>,
      %get3A_300 = arith.index_cast %add3A_275 : i32 to index
      %get3A_301 = arith.constant 32 : index
      %get3A_302 = tpu.vector_load %arg10[%get3A_300, %get3A_301] {strides = array<i32>} : memref<80x64xf32, #tpu.memory_space<vmem>>, vector<1x16xf32>,
      %get3A_303 = vector.shape_cast %get3A_302 : vector<1x16xf32> to vector<16xf32>
      %mul3A_304 = arith.mulf %get3A_303, %gather3A_279 : vector<16xf32>
      %swap3A_305 = arith.index_cast %add3A_275 : i32 to index
      %swap3A_306 = arith.constant 32 : index
      %swap3A_307 = tpu.vector_load %arg10[%swap3A_305, %swap3A_306] {strides = array<i32>} : memref<80x64xf32, #tpu.memory_space<vmem>>, vector<1x16xf32>,
      %swap3A_308 = vector.shape_cast %swap3A_307 : vector<1x16xf32> to vector<16xf32>
      %swap3A_309 = vector.shape_cast %mul3A_304 : vector<16xf32> to vector<1x16xf32>
      tpu.vector_store %arg10[%swap3A_305, %swap3A_306], %swap3A_309 {strides = array<i32>} : memref<80x64xf32, #tpu.memory_space<vmem>>, vector<1x16xf32>,
      %get3A_310 = arith.index_cast %add3A_275 : i32 to index
      %get3A_311 = arith.constant 48 : index
      %get3A_312 = tpu.vector_load %arg10[%get3A_310, %get3A_311] {strides = array<i32>} : memref<80x64xf32, #tpu.memory_space<vmem>>, vector<1x16xf32>,
      %get3A_313 = vector.shape_cast %get3A_312 : vector<1x16xf32> to vector<16xf32>
      %mul3A_314 = arith.mulf %get3A_313, %gather3A_279 : vector<16xf32>
      %swap3A_315 = arith.index_cast %add3A_275 : i32 to index
      %swap3A_316 = arith.constant 48 : index
      %swap3A_317 = tpu.vector_load %arg10[%swap3A_315, %swap3A_316] {strides = array<i32>} : memref<80x64xf32, #tpu.memory_space<vmem>>, vector<1x16xf32>,
      %swap3A_318 = vector.shape_cast %swap3A_317 : vector<1x16xf32> to vector<16xf32>
      %swap3A_319 = vector.shape_cast %mul3A_314 : vector<16xf32> to vector<1x16xf32>
      tpu.vector_store %arg10[%swap3A_315, %swap3A_316], %swap3A_319 {strides = array<i32>} : memref<80x64xf32, #tpu.memory_space<vmem>>, vector<1x16xf32>,
      %mul3A_320 = arith.constant 16 : i32
      %mul3A_321 = arith.muli %scan3A_76, %mul3A_320 : i32
      %add3A_322 = arith.constant 5 : i32
      %add3A_323 = arith.addi %mul3A_321, %add3A_322 : i32
      %broadcast_in_dim3A_324 = arith.constant 5 : i32
      %broadcast_in_dim3A_325 = vector.broadcast %broadcast_in_dim3A_324 : i32 to vector<16x1xi32>
      %gather3A_326 = vector.shape_cast %broadcast_in_dim3A_325 : vector<16x1xi32> to vector<16xi32>
      %gather3A_327 = tpu.dynamic_gather %get3A_82[%gather3A_326] in [0] : vector<16xf32>, vector<16xi32> -> vector<16xf32>
      %get3A_328 = arith.index_cast %add3A_323 : i32 to index
      %get3A_329 = arith.constant 0 : index
      %get3A_330 = tpu.vector_load %arg10[%get3A_328, %get3A_329] {strides = array<i32>} : memref<80x64xf32, #tpu.memory_space<vmem>>, vector<1x16xf32>,
      %get3A_331 = vector.shape_cast %get3A_330 : vector<1x16xf32> to vector<16xf32>
      %mul3A_332 = arith.mulf %get3A_331, %gather3A_327 : vector<16xf32>
      %swap3A_333 = arith.index_cast %add3A_323 : i32 to index
      %swap3A_334 = arith.constant 0 : index
      %swap3A_335 = tpu.vector_load %arg10[%swap3A_333, %swap3A_334] {strides = array<i32>} : memref<80x64xf32, #tpu.memory_space<vmem>>, vector<1x16xf32>,
      %swap3A_336 = vector.shape_cast %swap3A_335 : vector<1x16xf32> to vector<16xf32>
      %swap3A_337 = vector.shape_cast %mul3A_332 : vector<16xf32> to vector<1x16xf32>
      tpu.vector_store %arg10[%swap3A_333, %swap3A_334], %swap3A_337 {strides = array<i32>} : memref<80x64xf32, #tpu.memory_space<vmem>>, vector<1x16xf32>,
      %get3A_338 = arith.index_cast %add3A_323 : i32 to index
      %get3A_339 = arith.constant 16 : index
      %get3A_340 = tpu.vector_load %arg10[%get3A_338, %get3A_339] {strides = array<i32>} : memref<80x64xf32, #tpu.memory_space<vmem>>, vector<1x16xf32>,
      %get3A_341 = vector.shape_cast %get3A_340 : vector<1x16xf32> to vector<16xf32>
      %mul3A_342 = arith.mulf %get3A_341, %gather3A_327 : vector<16xf32>
      %swap3A_343 = arith.index_cast %add3A_323 : i32 to index
      %swap3A_344 = arith.constant 16 : index
      %swap3A_345 = tpu.vector_load %arg10[%swap3A_343, %swap3A_344] {strides = array<i32>} : memref<80x64xf32, #tpu.memory_space<vmem>>, vector<1x16xf32>,
      %swap3A_346 = vector.shape_cast %swap3A_345 : vector<1x16xf32> to vector<16xf32>
      %swap3A_347 = vector.shape_cast %mul3A_342 : vector<16xf32> to vector<1x16xf32>
      tpu.vector_store %arg10[%swap3A_343, %swap3A_344], %swap3A_347 {strides = array<i32>} : memref<80x64xf32, #tpu.memory_space<vmem>>, vector<1x16xf32>,
      %get3A_348 = arith.index_cast %add3A_323 : i32 to index
      %get3A_349 = arith.constant 32 : index
      %get3A_350 = tpu.vector_load %arg10[%get3A_348, %get3A_349] {strides = array<i32>} : memref<80x64xf32, #tpu.memory_space<vmem>>, vector<1x16xf32>,
      %get3A_351 = vector.shape_cast %get3A_350 : vector<1x16xf32> to vector<16xf32>
      %mul3A_352 = arith.mulf %get3A_351, %gather3A_327 : vector<16xf32>
      %swap3A_353 = arith.index_cast %add3A_323 : i32 to index
      %swap3A_354 = arith.constant 32 : index
      %swap3A_355 = tpu.vector_load %arg10[%swap3A_353, %swap3A_354] {strides = array<i32>} : memref<80x64xf32, #tpu.memory_space<vmem>>, vector<1x16xf32>,
      %swap3A_356 = vector.shape_cast %swap3A_355 : vector<1x16xf32> to vector<16xf32>
      %swap3A_357 = vector.shape_cast %mul3A_352 : vector<16xf32> to vector<1x16xf32>
      tpu.vector_store %arg10[%swap3A_353, %swap3A_354], %swap3A_357 {strides = array<i32>} : memref<80x64xf32, #tpu.memory_space<vmem>>, vector<1x16xf32>,
      %get3A_358 = arith.index_cast %add3A_323 : i32 to index
      %get3A_359 = arith.constant 48 : index
      %get3A_360 = tpu.vector_load %arg10[%get3A_358, %get3A_359] {strides = array<i32>} : memref<80x64xf32, #tpu.memory_space<vmem>>, vector<1x16xf32>,
      %get3A_361 = vector.shape_cast %get3A_360 : vector<1x16xf32> to vector<16xf32>
      %mul3A_362 = arith.mulf %get3A_361, %gather3A_327 : vector<16xf32>
      %swap3A_363 = arith.index_cast %add3A_323 : i32 to index
      %swap3A_364 = arith.constant 48 : index
      %swap3A_365 = tpu.vector_load %arg10[%swap3A_363, %swap3A_364] {strides = array<i32>} : memref<80x64xf32, #tpu.memory_space<vmem>>, vector<1x16xf32>,
      %swap3A_366 = vector.shape_cast %swap3A_365 : vector<1x16xf32> to vector<16xf32>
      %swap3A_367 = vector.shape_cast %mul3A_362 : vector<16xf32> to vector<1x16xf32>
      tpu.vector_store %arg10[%swap3A_363, %swap3A_364], %swap3A_367 {strides = array<i32>} : memref<80x64xf32, #tpu.memory_space<vmem>>, vector<1x16xf32>,
      %mul3A_368 = arith.constant 16 : i32
      %mul3A_369 = arith.muli %scan3A_76, %mul3A_368 : i32
      %add3A_370 = arith.constant 6 : i32
      %add3A_371 = arith.addi %mul3A_369, %add3A_370 : i32
      %broadcast_in_dim3A_372 = arith.constant 6 : i32
      %broadcast_in_dim3A_373 = vector.broadcast %broadcast_in_dim3A_372 : i32 to vector<16x1xi32>
      %gather3A_374 = vector.shape_cast %broadcast_in_dim3A_373 : vector<16x1xi32> to vector<16xi32>
      %gather3A_375 = tpu.dynamic_gather %get3A_82[%gather3A_374] in [0] : vector<16xf32>, vector<16xi32> -> vector<16xf32>
      %get3A_376 = arith.index_cast %add3A_371 : i32 to index
      %get3A_377 = arith.constant 0 : index
      %get3A_378 = tpu.vector_load %arg10[%get3A_376, %get3A_377] {strides = array<i32>} : memref<80x64xf32, #tpu.memory_space<vmem>>, vector<1x16xf32>,
      %get3A_379 = vector.shape_cast %get3A_378 : vector<1x16xf32> to vector<16xf32>
      %mul3A_380 = arith.mulf %get3A_379, %gather3A_375 : vector<16xf32>
      %swap3A_381 = arith.index_cast %add3A_371 : i32 to index
      %swap3A_382 = arith.constant 0 : index
      %swap3A_383 = tpu.vector_load %arg10[%swap3A_381, %swap3A_382] {strides = array<i32>} : memref<80x64xf32, #tpu.memory_space<vmem>>, vector<1x16xf32>,
      %swap3A_384 = vector.shape_cast %swap3A_383 : vector<1x16xf32> to vector<16xf32>
      %swap3A_385 = vector.shape_cast %mul3A_380 : vector<16xf32> to vector<1x16xf32>
      tpu.vector_store %arg10[%swap3A_381, %swap3A_382], %swap3A_385 {strides = array<i32>} : memref<80x64xf32, #tpu.memory_space<vmem>>, vector<1x16xf32>,
      %get3A_386 = arith.index_cast %add3A_371 : i32 to index
      %get3A_387 = arith.constant 16 : index
      %get3A_388 = tpu.vector_load %arg10[%get3A_386, %get3A_387] {strides = array<i32>} : memref<80x64xf32, #tpu.memory_space<vmem>>, vector<1x16xf32>,
      %get3A_389 = vector.shape_cast %get3A_388 : vector<1x16xf32> to vector<16xf32>
      %mul3A_390 = arith.mulf %get3A_389, %gather3A_375 : vector<16xf32>
      %swap3A_391 = arith.index_cast %add3A_371 : i32 to index
      %swap3A_392 = arith.constant 16 : index
      %swap3A_393 = tpu.vector_load %arg10[%swap3A_391, %swap3A_392] {strides = array<i32>} : memref<80x64xf32, #tpu.memory_space<vmem>>, vector<1x16xf32>,
      %swap3A_394 = vector.shape_cast %swap3A_393 : vector<1x16xf32> to vector<16xf32>
      %swap3A_395 = vector.shape_cast %mul3A_390 : vector<16xf32> to vector<1x16xf32>
      tpu.vector_store %arg10[%swap3A_391, %swap3A_392], %swap3A_395 {strides = array<i32>} : memref<80x64xf32, #tpu.memory_space<vmem>>, vector<1x16xf32>,
      %get3A_396 = arith.index_cast %add3A_371 : i32 to index
      %get3A_397 = arith.constant 32 : index
      %get3A_398 = tpu.vector_load %arg10[%get3A_396, %get3A_397] {strides = array<i32>} : memref<80x64xf32, #tpu.memory_space<vmem>>, vector<1x16xf32>,
      %get3A_399 = vector.shape_cast %get3A_398 : vector<1x16xf32> to vector<16xf32>
      %mul3A_400 = arith.mulf %get3A_399, %gather3A_375 : vector<16xf32>
      %swap3A_401 = arith.index_cast %add3A_371 : i32 to index
      %swap3A_402 = arith.constant 32 : index
      %swap3A_403 = tpu.vector_load %arg10[%swap3A_401, %swap3A_402] {strides = array<i32>} : memref<80x64xf32, #tpu.memory_space<vmem>>, vector<1x16xf32>,
      %swap3A_404 = vector.shape_cast %swap3A_403 : vector<1x16xf32> to vector<16xf32>
      %swap3A_405 = vector.shape_cast %mul3A_400 : vector<16xf32> to vector<1x16xf32>
      tpu.vector_store %arg10[%swap3A_401, %swap3A_402], %swap3A_405 {strides = array<i32>} : memref<80x64xf32, #tpu.memory_space<vmem>>, vector<1x16xf32>,
      %get3A_406 = arith.index_cast %add3A_371 : i32 to index
      %get3A_407 = arith.constant 48 : index
      %get3A_408 = tpu.vector_load %arg10[%get3A_406, %get3A_407] {strides = array<i32>} : memref<80x64xf32, #tpu.memory_space<vmem>>, vector<1x16xf32>,
      %get3A_409 = vector.shape_cast %get3A_408 : vector<1x16xf32> to vector<16xf32>
      %mul3A_410 = arith.mulf %get3A_409, %gather3A_375 : vector<16xf32>
      %swap3A_411 = arith.index_cast %add3A_371 : i32 to index
      %swap3A_412 = arith.constant 48 : index
      %swap3A_413 = tpu.vector_load %arg10[%swap3A_411, %swap3A_412] {strides = array<i32>} : memref<80x64xf32, #tpu.memory_space<vmem>>, vector<1x16xf32>,
      %swap3A_414 = vector.shape_cast %swap3A_413 : vector<1x16xf32> to vector<16xf32>
      %swap3A_415 = vector.shape_cast %mul3A_410 : vector<16xf32> to vector<1x16xf32>
      tpu.vector_store %arg10[%swap3A_411, %swap3A_412], %swap3A_415 {strides = array<i32>} : memref<80x64xf32, #tpu.memory_space<vmem>>, vector<1x16xf32>,
      %mul3A_416 = arith.constant 16 : i32
      %mul3A_417 = arith.muli %scan3A_76, %mul3A_416 : i32
      %add3A_418 = arith.constant 7 : i32
      %add3A_419 = arith.addi %mul3A_417, %add3A_418 : i32
      %broadcast_in_dim3A_420 = arith.constant 7 : i32
      %broadcast_in_dim3A_421 = vector.broadcast %broadcast_in_dim3A_420 : i32 to vector<16x1xi32>
      %gather3A_422 = vector.shape_cast %broadcast_in_dim3A_421 : vector<16x1xi32> to vector<16xi32>
      %gather3A_423 = tpu.dynamic_gather %get3A_82[%gather3A_422] in [0] : vector<16xf32>, vector<16xi32> -> vector<16xf32>
      %get3A_424 = arith.index_cast %add3A_419 : i32 to index
      %get3A_425 = arith.constant 0 : index
      %get3A_426 = tpu.vector_load %arg10[%get3A_424, %get3A_425] {strides = array<i32>} : memref<80x64xf32, #tpu.memory_space<vmem>>, vector<1x16xf32>,
      %get3A_427 = vector.shape_cast %get3A_426 : vector<1x16xf32> to vector<16xf32>
      %mul3A_428 = arith.mulf %get3A_427, %gather3A_423 : vector<16xf32>
      %swap3A_429 = arith.index_cast %add3A_419 : i32 to index
      %swap3A_430 = arith.constant 0 : index
      %swap3A_431 = tpu.vector_load %arg10[%swap3A_429, %swap3A_430] {strides = array<i32>} : memref<80x64xf32, #tpu.memory_space<vmem>>, vector<1x16xf32>,
      %swap3A_432 = vector.shape_cast %swap3A_431 : vector<1x16xf32> to vector<16xf32>
      %swap3A_433 = vector.shape_cast %mul3A_428 : vector<16xf32> to vector<1x16xf32>
      tpu.vector_store %arg10[%swap3A_429, %swap3A_430], %swap3A_433 {strides = array<i32>} : memref<80x64xf32, #tpu.memory_space<vmem>>, vector<1x16xf32>,
      %get3A_434 = arith.index_cast %add3A_419 : i32 to index
      %get3A_435 = arith.constant 16 : index
      %get3A_436 = tpu.vector_load %arg10[%get3A_434, %get3A_435] {strides = array<i32>} : memref<80x64xf32, #tpu.memory_space<vmem>>, vector<1x16xf32>,
      %get3A_437 = vector.shape_cast %get3A_436 : vector<1x16xf32> to vector<16xf32>
      %mul3A_438 = arith.mulf %get3A_437, %gather3A_423 : vector<16xf32>
      %swap3A_439 = arith.index_cast %add3A_419 : i32 to index
      %swap3A_440 = arith.constant 16 : index
      %swap3A_441 = tpu.vector_load %arg10[%swap3A_439, %swap3A_440] {strides = array<i32>} : memref<80x64xf32, #tpu.memory_space<vmem>>, vector<1x16xf32>,
      %swap3A_442 = vector.shape_cast %swap3A_441 : vector<1x16xf32> to vector<16xf32>
      %swap3A_443 = vector.shape_cast %mul3A_438 : vector<16xf32> to vector<1x16xf32>
      tpu.vector_store %arg10[%swap3A_439, %swap3A_440], %swap3A_443 {strides = array<i32>} : memref<80x64xf32, #tpu.memory_space<vmem>>, vector<1x16xf32>,
      %get3A_444 = arith.index_cast %add3A_419 : i32 to index
      %get3A_445 = arith.constant 32 : index
      %get3A_446 = tpu.vector_load %arg10[%get3A_444, %get3A_445] {strides = array<i32>} : memref<80x64xf32, #tpu.memory_space<vmem>>, vector<1x16xf32>,
      %get3A_447 = vector.shape_cast %get3A_446 : vector<1x16xf32> to vector<16xf32>
      %mul3A_448 = arith.mulf %get3A_447, %gather3A_423 : vector<16xf32>
      %swap3A_449 = arith.index_cast %add3A_419 : i32 to index
      %swap3A_450 = arith.constant 32 : index
      %swap3A_451 = tpu.vector_load %arg10[%swap3A_449, %swap3A_450] {strides = array<i32>} : memref<80x64xf32, #tpu.memory_space<vmem>>, vector<1x16xf32>,
      %swap3A_452 = vector.shape_cast %swap3A_451 : vector<1x16xf32> to vector<16xf32>
      %swap3A_453 = vector.shape_cast %mul3A_448 : vector<16xf32> to vector<1x16xf32>
      tpu.vector_store %arg10[%swap3A_449, %swap3A_450], %swap3A_453 {strides = array<i32>} : memref<80x64xf32, #tpu.memory_space<vmem>>, vector<1x16xf32>,
      %get3A_454 = arith.index_cast %add3A_419 : i32 to index
      %get3A_455 = arith.constant 48 : index
      %get3A_456 = tpu.vector_load %arg10[%get3A_454, %get3A_455] {strides = array<i32>} : memref<80x64xf32, #tpu.memory_space<vmem>>, vector<1x16xf32>,
      %get3A_457 = vector.shape_cast %get3A_456 : vector<1x16xf32> to vector<16xf32>
      %mul3A_458 = arith.mulf %get3A_457, %gather3A_423 : vector<16xf32>
      %swap3A_459 = arith.index_cast %add3A_419 : i32 to index
      %swap3A_460 = arith.constant 48 : index
      %swap3A_461 = tpu.vector_load %arg10[%swap3A_459, %swap3A_460] {strides = array<i32>} : memref<80x64xf32, #tpu.memory_space<vmem>>, vector<1x16xf32>,
      %swap3A_462 = vector.shape_cast %swap3A_461 : vector<1x16xf32> to vector<16xf32>
      %swap3A_463 = vector.shape_cast %mul3A_458 : vector<16xf32> to vector<1x16xf32>
      tpu.vector_store %arg10[%swap3A_459, %swap3A_460], %swap3A_463 {strides = array<i32>} : memref<80x64xf32, #tpu.memory_space<vmem>>, vector<1x16xf32>,
      %mul3A_464 = arith.constant 16 : i32
      %mul3A_465 = arith.muli %scan3A_76, %mul3A_464 : i32
      %add3A_466 = arith.constant 8 : i32
      %add3A_467 = arith.addi %mul3A_465, %add3A_466 : i32
      %broadcast_in_dim3A_468 = arith.constant 8 : i32
      %broadcast_in_dim3A_469 = vector.broadcast %broadcast_in_dim3A_468 : i32 to vector<16x1xi32>
      %gather3A_470 = vector.shape_cast %broadcast_in_dim3A_469 : vector<16x1xi32> to vector<16xi32>
      %gather3A_471 = tpu.dynamic_gather %get3A_82[%gather3A_470] in [0] : vector<16xf32>, vector<16xi32> -> vector<16xf32>
      %get3A_472 = arith.index_cast %add3A_467 : i32 to index
      %get3A_473 = arith.constant 0 : index
      %get3A_474 = tpu.vector_load %arg10[%get3A_472, %get3A_473] {strides = array<i32>} : memref<80x64xf32, #tpu.memory_space<vmem>>, vector<1x16xf32>,
      %get3A_475 = vector.shape_cast %get3A_474 : vector<1x16xf32> to vector<16xf32>
      %mul3A_476 = arith.mulf %get3A_475, %gather3A_471 : vector<16xf32>
      %swap3A_477 = arith.index_cast %add3A_467 : i32 to index
      %swap3A_478 = arith.constant 0 : index
      %swap3A_479 = tpu.vector_load %arg10[%swap3A_477, %swap3A_478] {strides = array<i32>} : memref<80x64xf32, #tpu.memory_space<vmem>>, vector<1x16xf32>,
      %swap3A_480 = vector.shape_cast %swap3A_479 : vector<1x16xf32> to vector<16xf32>
      %swap3A_481 = vector.shape_cast %mul3A_476 : vector<16xf32> to vector<1x16xf32>
      tpu.vector_store %arg10[%swap3A_477, %swap3A_478], %swap3A_481 {strides = array<i32>} : memref<80x64xf32, #tpu.memory_space<vmem>>, vector<1x16xf32>,
      %get3A_482 = arith.index_cast %add3A_467 : i32 to index
      %get3A_483 = arith.constant 16 : index
      %get3A_484 = tpu.vector_load %arg10[%get3A_482, %get3A_483] {strides = array<i32>} : memref<80x64xf32, #tpu.memory_space<vmem>>, vector<1x16xf32>,
      %get3A_485 = vector.shape_cast %get3A_484 : vector<1x16xf32> to vector<16xf32>
      %mul3A_486 = arith.mulf %get3A_485, %gather3A_471 : vector<16xf32>
      %swap3A_487 = arith.index_cast %add3A_467 : i32 to index
      %swap3A_488 = arith.constant 16 : index
      %swap3A_489 = tpu.vector_load %arg10[%swap3A_487, %swap3A_488] {strides = array<i32>} : memref<80x64xf32, #tpu.memory_space<vmem>>, vector<1x16xf32>,
      %swap3A_490 = vector.shape_cast %swap3A_489 : vector<1x16xf32> to vector<16xf32>
      %swap3A_491 = vector.shape_cast %mul3A_486 : vector<16xf32> to vector<1x16xf32>
      tpu.vector_store %arg10[%swap3A_487, %swap3A_488], %swap3A_491 {strides = array<i32>} : memref<80x64xf32, #tpu.memory_space<vmem>>, vector<1x16xf32>,
      %get3A_492 = arith.index_cast %add3A_467 : i32 to index
      %get3A_493 = arith.constant 32 : index
      %get3A_494 = tpu.vector_load %arg10[%get3A_492, %get3A_493] {strides = array<i32>} : memref<80x64xf32, #tpu.memory_space<vmem>>, vector<1x16xf32>,
      %get3A_495 = vector.shape_cast %get3A_494 : vector<1x16xf32> to vector<16xf32>
      %mul3A_496 = arith.mulf %get3A_495, %gather3A_471 : vector<16xf32>
      %swap3A_497 = arith.index_cast %add3A_467 : i32 to index
      %swap3A_498 = arith.constant 32 : index
      %swap3A_499 = tpu.vector_load %arg10[%swap3A_497, %swap3A_498] {strides = array<i32>} : memref<80x64xf32, #tpu.memory_space<vmem>>, vector<1x16xf32>,
      %swap3A_500 = vector.shape_cast %swap3A_499 : vector<1x16xf32> to vector<16xf32>
      %swap3A_501 = vector.shape_cast %mul3A_496 : vector<16xf32> to vector<1x16xf32>
      tpu.vector_store %arg10[%swap3A_497, %swap3A_498], %swap3A_501 {strides = array<i32>} : memref<80x64xf32, #tpu.memory_space<vmem>>, vector<1x16xf32>,
      %get3A_502 = arith.index_cast %add3A_467 : i32 to index
      %get3A_503 = arith.constant 48 : index
      %get3A_504 = tpu.vector_load %arg10[%get3A_502, %get3A_503] {strides = array<i32>} : memref<80x64xf32, #tpu.memory_space<vmem>>, vector<1x16xf32>,
      %get3A_505 = vector.shape_cast %get3A_504 : vector<1x16xf32> to vector<16xf32>
      %mul3A_506 = arith.mulf %get3A_505, %gather3A_471 : vector<16xf32>
      %swap3A_507 = arith.index_cast %add3A_467 : i32 to index
      %swap3A_508 = arith.constant 48 : index
      %swap3A_509 = tpu.vector_load %arg10[%swap3A_507, %swap3A_508] {strides = array<i32>} : memref<80x64xf32, #tpu.memory_space<vmem>>, vector<1x16xf32>,
      %swap3A_510 = vector.shape_cast %swap3A_509 : vector<1x16xf32> to vector<16xf32>
      %swap3A_511 = vector.shape_cast %mul3A_506 : vector<16xf32> to vector<1x16xf32>
      tpu.vector_store %arg10[%swap3A_507, %swap3A_508], %swap3A_511 {strides = array<i32>} : memref<80x64xf32, #tpu.memory_space<vmem>>, vector<1x16xf32>,
      %mul3A_512 = arith.constant 16 : i32
      %mul3A_513 = arith.muli %scan3A_76, %mul3A_512 : i32
      %add3A_514 = arith.constant 9 : i32
      %add3A_515 = arith.addi %mul3A_513, %add3A_514 : i32
      %broadcast_in_dim3A_516 = arith.constant 9 : i32
      %broadcast_in_dim3A_517 = vector.broadcast %broadcast_in_dim3A_516 : i32 to vector<16x1xi32>
      %gather3A_518 = vector.shape_cast %broadcast_in_dim3A_517 : vector<16x1xi32> to vector<16xi32>
      %gather3A_519 = tpu.dynamic_gather %get3A_82[%gather3A_518] in [0] : vector<16xf32>, vector<16xi32> -> vector<16xf32>
      %get3A_520 = arith.index_cast %add3A_515 : i32 to index
      %get3A_521 = arith.constant 0 : index
      %get3A_522 = tpu.vector_load %arg10[%get3A_520, %get3A_521] {strides = array<i32>} : memref<80x64xf32, #tpu.memory_space<vmem>>, vector<1x16xf32>,
      %get3A_523 = vector.shape_cast %get3A_522 : vector<1x16xf32> to vector<16xf32>
      %mul3A_524 = arith.mulf %get3A_523, %gather3A_519 : vector<16xf32>
      %swap3A_525 = arith.index_cast %add3A_515 : i32 to index
      %swap3A_526 = arith.constant 0 : index
      %swap3A_527 = tpu.vector_load %arg10[%swap3A_525, %swap3A_526] {strides = array<i32>} : memref<80x64xf32, #tpu.memory_space<vmem>>, vector<1x16xf32>,
      %swap3A_528 = vector.shape_cast %swap3A_527 : vector<1x16xf32> to vector<16xf32>
      %swap3A_529 = vector.shape_cast %mul3A_524 : vector<16xf32> to vector<1x16xf32>
      tpu.vector_store %arg10[%swap3A_525, %swap3A_526], %swap3A_529 {strides = array<i32>} : memref<80x64xf32, #tpu.memory_space<vmem>>, vector<1x16xf32>,
      %get3A_530 = arith.index_cast %add3A_515 : i32 to index
      %get3A_531 = arith.constant 16 : index
      %get3A_532 = tpu.vector_load %arg10[%get3A_530, %get3A_531] {strides = array<i32>} : memref<80x64xf32, #tpu.memory_space<vmem>>, vector<1x16xf32>,
      %get3A_533 = vector.shape_cast %get3A_532 : vector<1x16xf32> to vector<16xf32>
      %mul3A_534 = arith.mulf %get3A_533, %gather3A_519 : vector<16xf32>
      %swap3A_535 = arith.index_cast %add3A_515 : i32 to index
      %swap3A_536 = arith.constant 16 : index
      %swap3A_537 = tpu.vector_load %arg10[%swap3A_535, %swap3A_536] {strides = array<i32>} : memref<80x64xf32, #tpu.memory_space<vmem>>, vector<1x16xf32>,
      %swap3A_538 = vector.shape_cast %swap3A_537 : vector<1x16xf32> to vector<16xf32>
      %swap3A_539 = vector.shape_cast %mul3A_534 : vector<16xf32> to vector<1x16xf32>
      tpu.vector_store %arg10[%swap3A_535, %swap3A_536], %swap3A_539 {strides = array<i32>} : memref<80x64xf32, #tpu.memory_space<vmem>>, vector<1x16xf32>,
      %get3A_540 = arith.index_cast %add3A_515 : i32 to index
      %get3A_541 = arith.constant 32 : index
      %get3A_542 = tpu.vector_load %arg10[%get3A_540, %get3A_541] {strides = array<i32>} : memref<80x64xf32, #tpu.memory_space<vmem>>, vector<1x16xf32>,
      %get3A_543 = vector.shape_cast %get3A_542 : vector<1x16xf32> to vector<16xf32>
      %mul3A_544 = arith.mulf %get3A_543, %gather3A_519 : vector<16xf32>
      %swap3A_545 = arith.index_cast %add3A_515 : i32 to index
      %swap3A_546 = arith.constant 32 : index
      %swap3A_547 = tpu.vector_load %arg10[%swap3A_545, %swap3A_546] {strides = array<i32>} : memref<80x64xf32, #tpu.memory_space<vmem>>, vector<1x16xf32>,
      %swap3A_548 = vector.shape_cast %swap3A_547 : vector<1x16xf32> to vector<16xf32>
      %swap3A_549 = vector.shape_cast %mul3A_544 : vector<16xf32> to vector<1x16xf32>
      tpu.vector_store %arg10[%swap3A_545, %swap3A_546], %swap3A_549 {strides = array<i32>} : memref<80x64xf32, #tpu.memory_space<vmem>>, vector<1x16xf32>,
      %get3A_550 = arith.index_cast %add3A_515 : i32 to index
      %get3A_551 = arith.constant 48 : index
      %get3A_552 = tpu.vector_load %arg10[%get3A_550, %get3A_551] {strides = array<i32>} : memref<80x64xf32, #tpu.memory_space<vmem>>, vector<1x16xf32>,
      %get3A_553 = vector.shape_cast %get3A_552 : vector<1x16xf32> to vector<16xf32>
      %mul3A_554 = arith.mulf %get3A_553, %gather3A_519 : vector<16xf32>
      %swap3A_555 = arith.index_cast %add3A_515 : i32 to index
      %swap3A_556 = arith.constant 48 : index
      %swap3A_557 = tpu.vector_load %arg10[%swap3A_555, %swap3A_556] {strides = array<i32>} : memref<80x64xf32, #tpu.memory_space<vmem>>, vector<1x16xf32>,
      %swap3A_558 = vector.shape_cast %swap3A_557 : vector<1x16xf32> to vector<16xf32>
      %swap3A_559 = vector.shape_cast %mul3A_554 : vector<16xf32> to vector<1x16xf32>
      tpu.vector_store %arg10[%swap3A_555, %swap3A_556], %swap3A_559 {strides = array<i32>} : memref<80x64xf32, #tpu.memory_space<vmem>>, vector<1x16xf32>,
      %mul3A_560 = arith.constant 16 : i32
      %mul3A_561 = arith.muli %scan3A_76, %mul3A_560 : i32
      %add3A_562 = arith.constant 10 : i32
      %add3A_563 = arith.addi %mul3A_561, %add3A_562 : i32
      %broadcast_in_dim3A_564 = arith.constant 10 : i32
      %broadcast_in_dim3A_565 = vector.broadcast %broadcast_in_dim3A_564 : i32 to vector<16x1xi32>
      %gather3A_566 = vector.shape_cast %broadcast_in_dim3A_565 : vector<16x1xi32> to vector<16xi32>
      %gather3A_567 = tpu.dynamic_gather %get3A_82[%gather3A_566] in [0] : vector<16xf32>, vector<16xi32> -> vector<16xf32>
      %get3A_568 = arith.index_cast %add3A_563 : i32 to index
      %get3A_569 = arith.constant 0 : index
      %get3A_570 = tpu.vector_load %arg10[%get3A_568, %get3A_569] {strides = array<i32>} : memref<80x64xf32, #tpu.memory_space<vmem>>, vector<1x16xf32>,
      %get3A_571 = vector.shape_cast %get3A_570 : vector<1x16xf32> to vector<16xf32>
      %mul3A_572 = arith.mulf %get3A_571, %gather3A_567 : vector<16xf32>
      %swap3A_573 = arith.index_cast %add3A_563 : i32 to index
      %swap3A_574 = arith.constant 0 : index
      %swap3A_575 = tpu.vector_load %arg10[%swap3A_573, %swap3A_574] {strides = array<i32>} : memref<80x64xf32, #tpu.memory_space<vmem>>, vector<1x16xf32>,
      %swap3A_576 = vector.shape_cast %swap3A_575 : vector<1x16xf32> to vector<16xf32>
      %swap3A_577 = vector.shape_cast %mul3A_572 : vector<16xf32> to vector<1x16xf32>
      tpu.vector_store %arg10[%swap3A_573, %swap3A_574], %swap3A_577 {strides = array<i32>} : memref<80x64xf32, #tpu.memory_space<vmem>>, vector<1x16xf32>,
      %get3A_578 = arith.index_cast %add3A_563 : i32 to index
      %get3A_579 = arith.constant 16 : index
      %get3A_580 = tpu.vector_load %arg10[%get3A_578, %get3A_579] {strides = array<i32>} : memref<80x64xf32, #tpu.memory_space<vmem>>, vector<1x16xf32>,
      %get3A_581 = vector.shape_cast %get3A_580 : vector<1x16xf32> to vector<16xf32>
      %mul3A_582 = arith.mulf %get3A_581, %gather3A_567 : vector<16xf32>
      %swap3A_583 = arith.index_cast %add3A_563 : i32 to index
      %swap3A_584 = arith.constant 16 : index
      %swap3A_585 = tpu.vector_load %arg10[%swap3A_583, %swap3A_584] {strides = array<i32>} : memref<80x64xf32, #tpu.memory_space<vmem>>, vector<1x16xf32>,
      %swap3A_586 = vector.shape_cast %swap3A_585 : vector<1x16xf32> to vector<16xf32>
      %swap3A_587 = vector.shape_cast %mul3A_582 : vector<16xf32> to vector<1x16xf32>
      tpu.vector_store %arg10[%swap3A_583, %swap3A_584], %swap3A_587 {strides = array<i32>} : memref<80x64xf32, #tpu.memory_space<vmem>>, vector<1x16xf32>,
      %get3A_588 = arith.index_cast %add3A_563 : i32 to index
      %get3A_589 = arith.constant 32 : index
      %get3A_590 = tpu.vector_load %arg10[%get3A_588, %get3A_589] {strides = array<i32>} : memref<80x64xf32, #tpu.memory_space<vmem>>, vector<1x16xf32>,
      %get3A_591 = vector.shape_cast %get3A_590 : vector<1x16xf32> to vector<16xf32>
      %mul3A_592 = arith.mulf %get3A_591, %gather3A_567 : vector<16xf32>
      %swap3A_593 = arith.index_cast %add3A_563 : i32 to index
      %swap3A_594 = arith.constant 32 : index
      %swap3A_595 = tpu.vector_load %arg10[%swap3A_593, %swap3A_594] {strides = array<i32>} : memref<80x64xf32, #tpu.memory_space<vmem>>, vector<1x16xf32>,
      %swap3A_596 = vector.shape_cast %swap3A_595 : vector<1x16xf32> to vector<16xf32>
      %swap3A_597 = vector.shape_cast %mul3A_592 : vector<16xf32> to vector<1x16xf32>
      tpu.vector_store %arg10[%swap3A_593, %swap3A_594], %swap3A_597 {strides = array<i32>} : memref<80x64xf32, #tpu.memory_space<vmem>>, vector<1x16xf32>,
      %get3A_598 = arith.index_cast %add3A_563 : i32 to index
      %get3A_599 = arith.constant 48 : index
      %get3A_600 = tpu.vector_load %arg10[%get3A_598, %get3A_599] {strides = array<i32>} : memref<80x64xf32, #tpu.memory_space<vmem>>, vector<1x16xf32>,
      %get3A_601 = vector.shape_cast %get3A_600 : vector<1x16xf32> to vector<16xf32>
      %mul3A_602 = arith.mulf %get3A_601, %gather3A_567 : vector<16xf32>
      %swap3A_603 = arith.index_cast %add3A_563 : i32 to index
      %swap3A_604 = arith.constant 48 : index
      %swap3A_605 = tpu.vector_load %arg10[%swap3A_603, %swap3A_604] {strides = array<i32>} : memref<80x64xf32, #tpu.memory_space<vmem>>, vector<1x16xf32>,
      %swap3A_606 = vector.shape_cast %swap3A_605 : vector<1x16xf32> to vector<16xf32>
      %swap3A_607 = vector.shape_cast %mul3A_602 : vector<16xf32> to vector<1x16xf32>
      tpu.vector_store %arg10[%swap3A_603, %swap3A_604], %swap3A_607 {strides = array<i32>} : memref<80x64xf32, #tpu.memory_space<vmem>>, vector<1x16xf32>,
      %mul3A_608 = arith.constant 16 : i32
      %mul3A_609 = arith.muli %scan3A_76, %mul3A_608 : i32
      %add3A_610 = arith.constant 11 : i32
      %add3A_611 = arith.addi %mul3A_609, %add3A_610 : i32
      %broadcast_in_dim3A_612 = arith.constant 11 : i32
      %broadcast_in_dim3A_613 = vector.broadcast %broadcast_in_dim3A_612 : i32 to vector<16x1xi32>
      %gather3A_614 = vector.shape_cast %broadcast_in_dim3A_613 : vector<16x1xi32> to vector<16xi32>
      %gather3A_615 = tpu.dynamic_gather %get3A_82[%gather3A_614] in [0] : vector<16xf32>, vector<16xi32> -> vector<16xf32>
      %get3A_616 = arith.index_cast %add3A_611 : i32 to index
      %get3A_617 = arith.constant 0 : index
      %get3A_618 = tpu.vector_load %arg10[%get3A_616, %get3A_617] {strides = array<i32>} : memref<80x64xf32, #tpu.memory_space<vmem>>, vector<1x16xf32>,
      %get3A_619 = vector.shape_cast %get3A_618 : vector<1x16xf32> to vector<16xf32>
      %mul3A_620 = arith.mulf %get3A_619, %gather3A_615 : vector<16xf32>
      %swap3A_621 = arith.index_cast %add3A_611 : i32 to index
      %swap3A_622 = arith.constant 0 : index
      %swap3A_623 = tpu.vector_load %arg10[%swap3A_621, %swap3A_622] {strides = array<i32>} : memref<80x64xf32, #tpu.memory_space<vmem>>, vector<1x16xf32>,
      %swap3A_624 = vector.shape_cast %swap3A_623 : vector<1x16xf32> to vector<16xf32>
      %swap3A_625 = vector.shape_cast %mul3A_620 : vector<16xf32> to vector<1x16xf32>
      tpu.vector_store %arg10[%swap3A_621, %swap3A_622], %swap3A_625 {strides = array<i32>} : memref<80x64xf32, #tpu.memory_space<vmem>>, vector<1x16xf32>,
      %get3A_626 = arith.index_cast %add3A_611 : i32 to index
      %get3A_627 = arith.constant 16 : index
      %get3A_628 = tpu.vector_load %arg10[%get3A_626, %get3A_627] {strides = array<i32>} : memref<80x64xf32, #tpu.memory_space<vmem>>, vector<1x16xf32>,
      %get3A_629 = vector.shape_cast %get3A_628 : vector<1x16xf32> to vector<16xf32>
      %mul3A_630 = arith.mulf %get3A_629, %gather3A_615 : vector<16xf32>
      %swap3A_631 = arith.index_cast %add3A_611 : i32 to index
      %swap3A_632 = arith.constant 16 : index
      %swap3A_633 = tpu.vector_load %arg10[%swap3A_631, %swap3A_632] {strides = array<i32>} : memref<80x64xf32, #tpu.memory_space<vmem>>, vector<1x16xf32>,
      %swap3A_634 = vector.shape_cast %swap3A_633 : vector<1x16xf32> to vector<16xf32>
      %swap3A_635 = vector.shape_cast %mul3A_630 : vector<16xf32> to vector<1x16xf32>
      tpu.vector_store %arg10[%swap3A_631, %swap3A_632], %swap3A_635 {strides = array<i32>} : memref<80x64xf32, #tpu.memory_space<vmem>>, vector<1x16xf32>,
      %get3A_636 = arith.index_cast %add3A_611 : i32 to index
      %get3A_637 = arith.constant 32 : index
      %get3A_638 = tpu.vector_load %arg10[%get3A_636, %get3A_637] {strides = array<i32>} : memref<80x64xf32, #tpu.memory_space<vmem>>, vector<1x16xf32>,
      %get3A_639 = vector.shape_cast %get3A_638 : vector<1x16xf32> to vector<16xf32>
      %mul3A_640 = arith.mulf %get3A_639, %gather3A_615 : vector<16xf32>
      %swap3A_641 = arith.index_cast %add3A_611 : i32 to index
      %swap3A_642 = arith.constant 32 : index
      %swap3A_643 = tpu.vector_load %arg10[%swap3A_641, %swap3A_642] {strides = array<i32>} : memref<80x64xf32, #tpu.memory_space<vmem>>, vector<1x16xf32>,
      %swap3A_644 = vector.shape_cast %swap3A_643 : vector<1x16xf32> to vector<16xf32>
      %swap3A_645 = vector.shape_cast %mul3A_640 : vector<16xf32> to vector<1x16xf32>
      tpu.vector_store %arg10[%swap3A_641, %swap3A_642], %swap3A_645 {strides = array<i32>} : memref<80x64xf32, #tpu.memory_space<vmem>>, vector<1x16xf32>,
      %get3A_646 = arith.index_cast %add3A_611 : i32 to index
      %get3A_647 = arith.constant 48 : index
      %get3A_648 = tpu.vector_load %arg10[%get3A_646, %get3A_647] {strides = array<i32>} : memref<80x64xf32, #tpu.memory_space<vmem>>, vector<1x16xf32>,
      %get3A_649 = vector.shape_cast %get3A_648 : vector<1x16xf32> to vector<16xf32>
      %mul3A_650 = arith.mulf %get3A_649, %gather3A_615 : vector<16xf32>
      %swap3A_651 = arith.index_cast %add3A_611 : i32 to index
      %swap3A_652 = arith.constant 48 : index
      %swap3A_653 = tpu.vector_load %arg10[%swap3A_651, %swap3A_652] {strides = array<i32>} : memref<80x64xf32, #tpu.memory_space<vmem>>, vector<1x16xf32>,
      %swap3A_654 = vector.shape_cast %swap3A_653 : vector<1x16xf32> to vector<16xf32>
      %swap3A_655 = vector.shape_cast %mul3A_650 : vector<16xf32> to vector<1x16xf32>
      tpu.vector_store %arg10[%swap3A_651, %swap3A_652], %swap3A_655 {strides = array<i32>} : memref<80x64xf32, #tpu.memory_space<vmem>>, vector<1x16xf32>,
      %mul3A_656 = arith.constant 16 : i32
      %mul3A_657 = arith.muli %scan3A_76, %mul3A_656 : i32
      %add3A_658 = arith.constant 12 : i32
      %add3A_659 = arith.addi %mul3A_657, %add3A_658 : i32
      %broadcast_in_dim3A_660 = arith.constant 12 : i32
      %broadcast_in_dim3A_661 = vector.broadcast %broadcast_in_dim3A_660 : i32 to vector<16x1xi32>
      %gather3A_662 = vector.shape_cast %broadcast_in_dim3A_661 : vector<16x1xi32> to vector<16xi32>
      %gather3A_663 = tpu.dynamic_gather %get3A_82[%gather3A_662] in [0] : vector<16xf32>, vector<16xi32> -> vector<16xf32>
      %get3A_664 = arith.index_cast %add3A_659 : i32 to index
      %get3A_665 = arith.constant 0 : index
      %get3A_666 = tpu.vector_load %arg10[%get3A_664, %get3A_665] {strides = array<i32>} : memref<80x64xf32, #tpu.memory_space<vmem>>, vector<1x16xf32>,
      %get3A_667 = vector.shape_cast %get3A_666 : vector<1x16xf32> to vector<16xf32>
      %mul3A_668 = arith.mulf %get3A_667, %gather3A_663 : vector<16xf32>
      %swap3A_669 = arith.index_cast %add3A_659 : i32 to index
      %swap3A_670 = arith.constant 0 : index
      %swap3A_671 = tpu.vector_load %arg10[%swap3A_669, %swap3A_670] {strides = array<i32>} : memref<80x64xf32, #tpu.memory_space<vmem>>, vector<1x16xf32>,
      %swap3A_672 = vector.shape_cast %swap3A_671 : vector<1x16xf32> to vector<16xf32>
      %swap3A_673 = vector.shape_cast %mul3A_668 : vector<16xf32> to vector<1x16xf32>
      tpu.vector_store %arg10[%swap3A_669, %swap3A_670], %swap3A_673 {strides = array<i32>} : memref<80x64xf32, #tpu.memory_space<vmem>>, vector<1x16xf32>,
      %get3A_674 = arith.index_cast %add3A_659 : i32 to index
      %get3A_675 = arith.constant 16 : index
      %get3A_676 = tpu.vector_load %arg10[%get3A_674, %get3A_675] {strides = array<i32>} : memref<80x64xf32, #tpu.memory_space<vmem>>, vector<1x16xf32>,
      %get3A_677 = vector.shape_cast %get3A_676 : vector<1x16xf32> to vector<16xf32>
      %mul3A_678 = arith.mulf %get3A_677, %gather3A_663 : vector<16xf32>
      %swap3A_679 = arith.index_cast %add3A_659 : i32 to index
      %swap3A_680 = arith.constant 16 : index
      %swap3A_681 = tpu.vector_load %arg10[%swap3A_679, %swap3A_680] {strides = array<i32>} : memref<80x64xf32, #tpu.memory_space<vmem>>, vector<1x16xf32>,
      %swap3A_682 = vector.shape_cast %swap3A_681 : vector<1x16xf32> to vector<16xf32>
      %swap3A_683 = vector.shape_cast %mul3A_678 : vector<16xf32> to vector<1x16xf32>
      tpu.vector_store %arg10[%swap3A_679, %swap3A_680], %swap3A_683 {strides = array<i32>} : memref<80x64xf32, #tpu.memory_space<vmem>>, vector<1x16xf32>,
      %get3A_684 = arith.index_cast %add3A_659 : i32 to index
      %get3A_685 = arith.constant 32 : index
      %get3A_686 = tpu.vector_load %arg10[%get3A_684, %get3A_685] {strides = array<i32>} : memref<80x64xf32, #tpu.memory_space<vmem>>, vector<1x16xf32>,
      %get3A_687 = vector.shape_cast %get3A_686 : vector<1x16xf32> to vector<16xf32>
      %mul3A_688 = arith.mulf %get3A_687, %gather3A_663 : vector<16xf32>
      %swap3A_689 = arith.index_cast %add3A_659 : i32 to index
      %swap3A_690 = arith.constant 32 : index
      %swap3A_691 = tpu.vector_load %arg10[%swap3A_689, %swap3A_690] {strides = array<i32>} : memref<80x64xf32, #tpu.memory_space<vmem>>, vector<1x16xf32>,
      %swap3A_692 = vector.shape_cast %swap3A_691 : vector<1x16xf32> to vector<16xf32>
      %swap3A_693 = vector.shape_cast %mul3A_688 : vector<16xf32> to vector<1x16xf32>
      tpu.vector_store %arg10[%swap3A_689, %swap3A_690], %swap3A_693 {strides = array<i32>} : memref<80x64xf32, #tpu.memory_space<vmem>>, vector<1x16xf32>,
      %get3A_694 = arith.index_cast %add3A_659 : i32 to index
      %get3A_695 = arith.constant 48 : index
      %get3A_696 = tpu.vector_load %arg10[%get3A_694, %get3A_695] {strides = array<i32>} : memref<80x64xf32, #tpu.memory_space<vmem>>, vector<1x16xf32>,
      %get3A_697 = vector.shape_cast %get3A_696 : vector<1x16xf32> to vector<16xf32>
      %mul3A_698 = arith.mulf %get3A_697, %gather3A_663 : vector<16xf32>
      %swap3A_699 = arith.index_cast %add3A_659 : i32 to index
      %swap3A_700 = arith.constant 48 : index
      %swap3A_701 = tpu.vector_load %arg10[%swap3A_699, %swap3A_700] {strides = array<i32>} : memref<80x64xf32, #tpu.memory_space<vmem>>, vector<1x16xf32>,
      %swap3A_702 = vector.shape_cast %swap3A_701 : vector<1x16xf32> to vector<16xf32>
      %swap3A_703 = vector.shape_cast %mul3A_698 : vector<16xf32> to vector<1x16xf32>
      tpu.vector_store %arg10[%swap3A_699, %swap3A_700], %swap3A_703 {strides = array<i32>} : memref<80x64xf32, #tpu.memory_space<vmem>>, vector<1x16xf32>,
      %mul3A_704 = arith.constant 16 : i32
      %mul3A_705 = arith.muli %scan3A_76, %mul3A_704 : i32
      %add3A_706 = arith.constant 13 : i32
      %add3A_707 = arith.addi %mul3A_705, %add3A_706 : i32
      %broadcast_in_dim3A_708 = arith.constant 13 : i32
      %broadcast_in_dim3A_709 = vector.broadcast %broadcast_in_dim3A_708 : i32 to vector<16x1xi32>
      %gather3A_710 = vector.shape_cast %broadcast_in_dim3A_709 : vector<16x1xi32> to vector<16xi32>
      %gather3A_711 = tpu.dynamic_gather %get3A_82[%gather3A_710] in [0] : vector<16xf32>, vector<16xi32> -> vector<16xf32>
      %get3A_712 = arith.index_cast %add3A_707 : i32 to index
      %get3A_713 = arith.constant 0 : index
      %get3A_714 = tpu.vector_load %arg10[%get3A_712, %get3A_713] {strides = array<i32>} : memref<80x64xf32, #tpu.memory_space<vmem>>, vector<1x16xf32>,
      %get3A_715 = vector.shape_cast %get3A_714 : vector<1x16xf32> to vector<16xf32>
      %mul3A_716 = arith.mulf %get3A_715, %gather3A_711 : vector<16xf32>
      %swap3A_717 = arith.index_cast %add3A_707 : i32 to index
      %swap3A_718 = arith.constant 0 : index
      %swap3A_719 = tpu.vector_load %arg10[%swap3A_717, %swap3A_718] {strides = array<i32>} : memref<80x64xf32, #tpu.memory_space<vmem>>, vector<1x16xf32>,
      %swap3A_720 = vector.shape_cast %swap3A_719 : vector<1x16xf32> to vector<16xf32>
      %swap3A_721 = vector.shape_cast %mul3A_716 : vector<16xf32> to vector<1x16xf32>
      tpu.vector_store %arg10[%swap3A_717, %swap3A_718], %swap3A_721 {strides = array<i32>} : memref<80x64xf32, #tpu.memory_space<vmem>>, vector<1x16xf32>,
      %get3A_722 = arith.index_cast %add3A_707 : i32 to index
      %get3A_723 = arith.constant 16 : index
      %get3A_724 = tpu.vector_load %arg10[%get3A_722, %get3A_723] {strides = array<i32>} : memref<80x64xf32, #tpu.memory_space<vmem>>, vector<1x16xf32>,
      %get3A_725 = vector.shape_cast %get3A_724 : vector<1x16xf32> to vector<16xf32>
      %mul3A_726 = arith.mulf %get3A_725, %gather3A_711 : vector<16xf32>
      %swap3A_727 = arith.index_cast %add3A_707 : i32 to index
      %swap3A_728 = arith.constant 16 : index
      %swap3A_729 = tpu.vector_load %arg10[%swap3A_727, %swap3A_728] {strides = array<i32>} : memref<80x64xf32, #tpu.memory_space<vmem>>, vector<1x16xf32>,
      %swap3A_730 = vector.shape_cast %swap3A_729 : vector<1x16xf32> to vector<16xf32>
      %swap3A_731 = vector.shape_cast %mul3A_726 : vector<16xf32> to vector<1x16xf32>
      tpu.vector_store %arg10[%swap3A_727, %swap3A_728], %swap3A_731 {strides = array<i32>} : memref<80x64xf32, #tpu.memory_space<vmem>>, vector<1x16xf32>,
      %get3A_732 = arith.index_cast %add3A_707 : i32 to index
      %get3A_733 = arith.constant 32 : index
      %get3A_734 = tpu.vector_load %arg10[%get3A_732, %get3A_733] {strides = array<i32>} : memref<80x64xf32, #tpu.memory_space<vmem>>, vector<1x16xf32>,
      %get3A_735 = vector.shape_cast %get3A_734 : vector<1x16xf32> to vector<16xf32>
      %mul3A_736 = arith.mulf %get3A_735, %gather3A_711 : vector<16xf32>
      %swap3A_737 = arith.index_cast %add3A_707 : i32 to index
      %swap3A_738 = arith.constant 32 : index
      %swap3A_739 = tpu.vector_load %arg10[%swap3A_737, %swap3A_738] {strides = array<i32>} : memref<80x64xf32, #tpu.memory_space<vmem>>, vector<1x16xf32>,
      %swap3A_740 = vector.shape_cast %swap3A_739 : vector<1x16xf32> to vector<16xf32>
      %swap3A_741 = vector.shape_cast %mul3A_736 : vector<16xf32> to vector<1x16xf32>
      tpu.vector_store %arg10[%swap3A_737, %swap3A_738], %swap3A_741 {strides = array<i32>} : memref<80x64xf32, #tpu.memory_space<vmem>>, vector<1x16xf32>,
      %get3A_742 = arith.index_cast %add3A_707 : i32 to index
      %get3A_743 = arith.constant 48 : index
      %get3A_744 = tpu.vector_load %arg10[%get3A_742, %get3A_743] {strides = array<i32>} : memref<80x64xf32, #tpu.memory_space<vmem>>, vector<1x16xf32>,
      %get3A_745 = vector.shape_cast %get3A_744 : vector<1x16xf32> to vector<16xf32>
      %mul3A_746 = arith.mulf %get3A_745, %gather3A_711 : vector<16xf32>
      %swap3A_747 = arith.index_cast %add3A_707 : i32 to index
      %swap3A_748 = arith.constant 48 : index
      %swap3A_749 = tpu.vector_load %arg10[%swap3A_747, %swap3A_748] {strides = array<i32>} : memref<80x64xf32, #tpu.memory_space<vmem>>, vector<1x16xf32>,
      %swap3A_750 = vector.shape_cast %swap3A_749 : vector<1x16xf32> to vector<16xf32>
      %swap3A_751 = vector.shape_cast %mul3A_746 : vector<16xf32> to vector<1x16xf32>
      tpu.vector_store %arg10[%swap3A_747, %swap3A_748], %swap3A_751 {strides = array<i32>} : memref<80x64xf32, #tpu.memory_space<vmem>>, vector<1x16xf32>,
      %mul3A_752 = arith.constant 16 : i32
      %mul3A_753 = arith.muli %scan3A_76, %mul3A_752 : i32
      %add3A_754 = arith.constant 14 : i32
      %add3A_755 = arith.addi %mul3A_753, %add3A_754 : i32
      %broadcast_in_dim3A_756 = arith.constant 14 : i32
      %broadcast_in_dim3A_757 = vector.broadcast %broadcast_in_dim3A_756 : i32 to vector<16x1xi32>
      %gather3A_758 = vector.shape_cast %broadcast_in_dim3A_757 : vector<16x1xi32> to vector<16xi32>
      %gather3A_759 = tpu.dynamic_gather %get3A_82[%gather3A_758] in [0] : vector<16xf32>, vector<16xi32> -> vector<16xf32>
      %get3A_760 = arith.index_cast %add3A_755 : i32 to index
      %get3A_761 = arith.constant 0 : index
      %get3A_762 = tpu.vector_load %arg10[%get3A_760, %get3A_761] {strides = array<i32>} : memref<80x64xf32, #tpu.memory_space<vmem>>, vector<1x16xf32>,
      %get3A_763 = vector.shape_cast %get3A_762 : vector<1x16xf32> to vector<16xf32>
      %mul3A_764 = arith.mulf %get3A_763, %gather3A_759 : vector<16xf32>
      %swap3A_765 = arith.index_cast %add3A_755 : i32 to index
      %swap3A_766 = arith.constant 0 : index
      %swap3A_767 = tpu.vector_load %arg10[%swap3A_765, %swap3A_766] {strides = array<i32>} : memref<80x64xf32, #tpu.memory_space<vmem>>, vector<1x16xf32>,
      %swap3A_768 = vector.shape_cast %swap3A_767 : vector<1x16xf32> to vector<16xf32>
      %swap3A_769 = vector.shape_cast %mul3A_764 : vector<16xf32> to vector<1x16xf32>
      tpu.vector_store %arg10[%swap3A_765, %swap3A_766], %swap3A_769 {strides = array<i32>} : memref<80x64xf32, #tpu.memory_space<vmem>>, vector<1x16xf32>,
      %get3A_770 = arith.index_cast %add3A_755 : i32 to index
      %get3A_771 = arith.constant 16 : index
      %get3A_772 = tpu.vector_load %arg10[%get3A_770, %get3A_771] {strides = array<i32>} : memref<80x64xf32, #tpu.memory_space<vmem>>, vector<1x16xf32>,
      %get3A_773 = vector.shape_cast %get3A_772 : vector<1x16xf32> to vector<16xf32>
      %mul3A_774 = arith.mulf %get3A_773, %gather3A_759 : vector<16xf32>
      %swap3A_775 = arith.index_cast %add3A_755 : i32 to index
      %swap3A_776 = arith.constant 16 : index
      %swap3A_777 = tpu.vector_load %arg10[%swap3A_775, %swap3A_776] {strides = array<i32>} : memref<80x64xf32, #tpu.memory_space<vmem>>, vector<1x16xf32>,
      %swap3A_778 = vector.shape_cast %swap3A_777 : vector<1x16xf32> to vector<16xf32>
      %swap3A_779 = vector.shape_cast %mul3A_774 : vector<16xf32> to vector<1x16xf32>
      tpu.vector_store %arg10[%swap3A_775, %swap3A_776], %swap3A_779 {strides = array<i32>} : memref<80x64xf32, #tpu.memory_space<vmem>>, vector<1x16xf32>,
      %get3A_780 = arith.index_cast %add3A_755 : i32 to index
      %get3A_781 = arith.constant 32 : index
      %get3A_782 = tpu.vector_load %arg10[%get3A_780, %get3A_781] {strides = array<i32>} : memref<80x64xf32, #tpu.memory_space<vmem>>, vector<1x16xf32>,
      %get3A_783 = vector.shape_cast %get3A_782 : vector<1x16xf32> to vector<16xf32>
      %mul3A_784 = arith.mulf %get3A_783, %gather3A_759 : vector<16xf32>
      %swap3A_785 = arith.index_cast %add3A_755 : i32 to index
      %swap3A_786 = arith.constant 32 : index
      %swap3A_787 = tpu.vector_load %arg10[%swap3A_785, %swap3A_786] {strides = array<i32>} : memref<80x64xf32, #tpu.memory_space<vmem>>, vector<1x16xf32>,
      %swap3A_788 = vector.shape_cast %swap3A_787 : vector<1x16xf32> to vector<16xf32>
      %swap3A_789 = vector.shape_cast %mul3A_784 : vector<16xf32> to vector<1x16xf32>
      tpu.vector_store %arg10[%swap3A_785, %swap3A_786], %swap3A_789 {strides = array<i32>} : memref<80x64xf32, #tpu.memory_space<vmem>>, vector<1x16xf32>,
      %get3A_790 = arith.index_cast %add3A_755 : i32 to index
      %get3A_791 = arith.constant 48 : index
      %get3A_792 = tpu.vector_load %arg10[%get3A_790, %get3A_791] {strides = array<i32>} : memref<80x64xf32, #tpu.memory_space<vmem>>, vector<1x16xf32>,
      %get3A_793 = vector.shape_cast %get3A_792 : vector<1x16xf32> to vector<16xf32>
      %mul3A_794 = arith.mulf %get3A_793, %gather3A_759 : vector<16xf32>
      %swap3A_795 = arith.index_cast %add3A_755 : i32 to index
      %swap3A_796 = arith.constant 48 : index
      %swap3A_797 = tpu.vector_load %arg10[%swap3A_795, %swap3A_796] {strides = array<i32>} : memref<80x64xf32, #tpu.memory_space<vmem>>, vector<1x16xf32>,
      %swap3A_798 = vector.shape_cast %swap3A_797 : vector<1x16xf32> to vector<16xf32>
      %swap3A_799 = vector.shape_cast %mul3A_794 : vector<16xf32> to vector<1x16xf32>
      tpu.vector_store %arg10[%swap3A_795, %swap3A_796], %swap3A_799 {strides = array<i32>} : memref<80x64xf32, #tpu.memory_space<vmem>>, vector<1x16xf32>,
      %mul3A_800 = arith.constant 16 : i32
      %mul3A_801 = arith.muli %scan3A_76, %mul3A_800 : i32
      %add3A_802 = arith.constant 15 : i32
      %add3A_803 = arith.addi %mul3A_801, %add3A_802 : i32
      %broadcast_in_dim3A_804 = arith.constant 15 : i32
      %broadcast_in_dim3A_805 = vector.broadcast %broadcast_in_dim3A_804 : i32 to vector<16x1xi32>
      %gather3A_806 = vector.shape_cast %broadcast_in_dim3A_805 : vector<16x1xi32> to vector<16xi32>
      %gather3A_807 = tpu.dynamic_gather %get3A_82[%gather3A_806] in [0] : vector<16xf32>, vector<16xi32> -> vector<16xf32>
      %get3A_808 = arith.index_cast %add3A_803 : i32 to index
      %get3A_809 = arith.constant 0 : index
      %get3A_810 = tpu.vector_load %arg10[%get3A_808, %get3A_809] {strides = array<i32>} : memref<80x64xf32, #tpu.memory_space<vmem>>, vector<1x16xf32>,
      %get3A_811 = vector.shape_cast %get3A_810 : vector<1x16xf32> to vector<16xf32>
      %mul3A_812 = arith.mulf %get3A_811, %gather3A_807 : vector<16xf32>
      %swap3A_813 = arith.index_cast %add3A_803 : i32 to index
      %swap3A_814 = arith.constant 0 : index
      %swap3A_815 = tpu.vector_load %arg10[%swap3A_813, %swap3A_814] {strides = array<i32>} : memref<80x64xf32, #tpu.memory_space<vmem>>, vector<1x16xf32>,
      %swap3A_816 = vector.shape_cast %swap3A_815 : vector<1x16xf32> to vector<16xf32>
      %swap3A_817 = vector.shape_cast %mul3A_812 : vector<16xf32> to vector<1x16xf32>
      tpu.vector_store %arg10[%swap3A_813, %swap3A_814], %swap3A_817 {strides = array<i32>} : memref<80x64xf32, #tpu.memory_space<vmem>>, vector<1x16xf32>,
      %get3A_818 = arith.index_cast %add3A_803 : i32 to index
      %get3A_819 = arith.constant 16 : index
      %get3A_820 = tpu.vector_load %arg10[%get3A_818, %get3A_819] {strides = array<i32>} : memref<80x64xf32, #tpu.memory_space<vmem>>, vector<1x16xf32>,
      %get3A_821 = vector.shape_cast %get3A_820 : vector<1x16xf32> to vector<16xf32>
      %mul3A_822 = arith.mulf %get3A_821, %gather3A_807 : vector<16xf32>
      %swap3A_823 = arith.index_cast %add3A_803 : i32 to index
      %swap3A_824 = arith.constant 16 : index
      %swap3A_825 = tpu.vector_load %arg10[%swap3A_823, %swap3A_824] {strides = array<i32>} : memref<80x64xf32, #tpu.memory_space<vmem>>, vector<1x16xf32>,
      %swap3A_826 = vector.shape_cast %swap3A_825 : vector<1x16xf32> to vector<16xf32>
      %swap3A_827 = vector.shape_cast %mul3A_822 : vector<16xf32> to vector<1x16xf32>
      tpu.vector_store %arg10[%swap3A_823, %swap3A_824], %swap3A_827 {strides = array<i32>} : memref<80x64xf32, #tpu.memory_space<vmem>>, vector<1x16xf32>,
      %get3A_828 = arith.index_cast %add3A_803 : i32 to index
      %get3A_829 = arith.constant 32 : index
      %get3A_830 = tpu.vector_load %arg10[%get3A_828, %get3A_829] {strides = array<i32>} : memref<80x64xf32, #tpu.memory_space<vmem>>, vector<1x16xf32>,
      %get3A_831 = vector.shape_cast %get3A_830 : vector<1x16xf32> to vector<16xf32>
      %mul3A_832 = arith.mulf %get3A_831, %gather3A_807 : vector<16xf32>
      %swap3A_833 = arith.index_cast %add3A_803 : i32 to index
      %swap3A_834 = arith.constant 32 : index
      %swap3A_835 = tpu.vector_load %arg10[%swap3A_833, %swap3A_834] {strides = array<i32>} : memref<80x64xf32, #tpu.memory_space<vmem>>, vector<1x16xf32>,
      %swap3A_836 = vector.shape_cast %swap3A_835 : vector<1x16xf32> to vector<16xf32>
      %swap3A_837 = vector.shape_cast %mul3A_832 : vector<16xf32> to vector<1x16xf32>
      tpu.vector_store %arg10[%swap3A_833, %swap3A_834], %swap3A_837 {strides = array<i32>} : memref<80x64xf32, #tpu.memory_space<vmem>>, vector<1x16xf32>,
      %get3A_838 = arith.index_cast %add3A_803 : i32 to index
      %get3A_839 = arith.constant 48 : index
      %get3A_840 = tpu.vector_load %arg10[%get3A_838, %get3A_839] {strides = array<i32>} : memref<80x64xf32, #tpu.memory_space<vmem>>, vector<1x16xf32>,
      %get3A_841 = vector.shape_cast %get3A_840 : vector<1x16xf32> to vector<16xf32>
      %mul3A_842 = arith.mulf %get3A_841, %gather3A_807 : vector<16xf32>
      %swap3A_843 = arith.index_cast %add3A_803 : i32 to index
      %swap3A_844 = arith.constant 48 : index
      %swap3A_845 = tpu.vector_load %arg10[%swap3A_843, %swap3A_844] {strides = array<i32>} : memref<80x64xf32, #tpu.memory_space<vmem>>, vector<1x16xf32>,
      %swap3A_846 = vector.shape_cast %swap3A_845 : vector<1x16xf32> to vector<16xf32>
      %swap3A_847 = vector.shape_cast %mul3A_842 : vector<16xf32> to vector<1x16xf32>
      tpu.vector_store %arg10[%swap3A_843, %swap3A_844], %swap3A_847 {strides = array<i32>} : memref<80x64xf32, #tpu.memory_space<vmem>>, vector<1x16xf32>,
    }
    %scan3A_53 = arith.constant 5 : i32
    %run_scoped3A = arith.constant 248 : i32
    "tpu.region"() ({
      %run_scoped3A_76 = tpu.sem_alloc : memref<!tpu.dma_semaphore, #tpu.memory_space<semaphore_mem>>
      %dma_start3A_77 = arith.constant 0 : i32
      %dma_start3A_78 = tpu.memref_slice %arg8[%run_scoped3A, %dma_start3A_77] : memref<250x80xi32, #tpu.memory_space<vmem>> -> memref<1x80xi32, #tpu.memory_space<vmem>>
      %dma_start3A_79 = tpu.memref_squeeze %dma_start3A_78 : memref<1x80xi32, #tpu.memory_space<vmem>> -> memref<80xi32, #tpu.memory_space<vmem>>
      %dma_start3A_80 = arith.constant 0 : i32
      %dma_start3A_81 = arith.constant 0 : i32
      %dma_start3A_82 = tpu.memref_slice %arg13[%dma_start3A_80, %dma_start3A_81] : memref<10240x64xf32, #tpu.memory_space<vmem_shared>> -> memref<10240x64xf32, #tpu.memory_space<vmem_shared>>
      tpu.enqueue_indirect_dma source(%arg10 : memref<80x64xf32, #tpu.memory_space<vmem>>) target(%dma_start3A_82 : memref<10240x64xf32, #tpu.memory_space<vmem_shared>>) offsets(%dma_start3A_79 : memref<80xi32, #tpu.memory_space<vmem>>) semaphore(%run_scoped3A_76 : memref<!tpu.dma_semaphore, #tpu.memory_space<semaphore_mem>>) {add = true}
      %dma_wait3A_83 = arith.constant 0 : i32
      %dma_wait3A_84 = tpu.memref_slice %arg8[%run_scoped3A, %dma_wait3A_83] : memref<250x80xi32, #tpu.memory_space<vmem>> -> memref<1x80xi32, #tpu.memory_space<vmem>>
      %dma_wait3A_85 = tpu.memref_squeeze %dma_wait3A_84 : memref<1x80xi32, #tpu.memory_space<vmem>> -> memref<80xi32, #tpu.memory_space<vmem>>
      %dma_wait3A_86 = arith.constant 0 : i32
      %dma_wait3A_87 = arith.constant 0 : i32
      %dma_wait3A_88 = tpu.memref_slice %arg13[%dma_wait3A_86, %dma_wait3A_87] : memref<10240x64xf32, #tpu.memory_space<vmem_shared>> -> memref<10240x64xf32, #tpu.memory_space<vmem_shared>>
      tpu.wait_indirect_dma semaphore(%run_scoped3A_76 : memref<!tpu.dma_semaphore, #tpu.memory_space<semaphore_mem>>) src(%arg10 : memref<80x64xf32, #tpu.memory_space<vmem>>) dst(%dma_wait3A_88 : memref<10240x64xf32, #tpu.memory_space<vmem_shared>>)
      tpu.yield
    }) : () -> ()
    %dma_wait3A_54 = arith.constant 249 : i32
    %dma_wait3A_55 = arith.constant 0 : i32
    %dma_wait3A_56 = tpu.memref_slice %arg7[%dma_wait3A_54, %dma_wait3A_55] : memref<250x80xi32, #tpu.memory_space<vmem>> -> memref<1x80xi32, #tpu.memory_space<vmem>>
    %dma_wait3A_57 = tpu.memref_squeeze %dma_wait3A_56 : memref<1x80xi32, #tpu.memory_space<vmem>> -> memref<80xi32, #tpu.memory_space<vmem>>
    %dma_wait3A_58 = arith.constant 0 : i32
    %dma_wait3A_59 = arith.constant 0 : i32
    %dma_wait3A_60 = tpu.memref_slice %arg5[%dma_wait3A_58, %dma_wait3A_59] : memref<20000x64xf32, #tpu.memory_space<hbm>> -> memref<20000x64xf32, #tpu.memory_space<hbm>>
    tpu.wait_indirect_dma semaphore(%arg15 : memref<!tpu.dma_semaphore, #tpu.memory_space<semaphore_mem>>) src(%dma_wait3A_60 : memref<20000x64xf32, #tpu.memory_space<hbm>>) dst(%arg11 : memref<80x64xf32, #tpu.memory_space<vmem>>)
    %scan3A_61 = arith.constant 0 : i32
    %scan3A_62 = arith.constant 0 : i32
    %scan3A_63 = arith.constant 5 : i32
    %scan3A_64 = arith.addi %scan3A_62, %scan3A_63 : i32
    %scan3A_65 = arith.constant 1 : i32
    scf.for %scan3A_76 = %scan3A_62 to %scan3A_64 step %scan3A_65  : i32 {
      %mul3A_77 = arith.constant 16 : i32
      %mul3A_78 = arith.muli %scan3A_76, %mul3A_77 : i32
      %get3A = arith.constant 249 : i32
      %get3A_79 = arith.index_cast %get3A : i32 to index
      %get3A_80 = arith.index_cast %mul3A_78 : i32 to index
      %get3A_81 = tpu.vector_load %arg9[%get3A_79, %get3A_80] {strides = array<i32>} : memref<250x80xf32, #tpu.memory_space<vmem>>, vector<1x16xf32>,
      %get3A_82 = vector.shape_cast %get3A_81 : vector<1x16xf32> to vector<16xf32>
      %mul3A_83 = arith.constant 16 : i32
      %mul3A_84 = arith.muli %scan3A_76, %mul3A_83 : i32
      %add3A_85 = arith.constant 0 : i32
      %add3A_86 = arith.addi %mul3A_84, %add3A_85 : i32
      %broadcast_in_dim3A = arith.constant 0 : i32
      %broadcast_in_dim3A_87 = vector.broadcast %broadcast_in_dim3A : i32 to vector<16x1xi32>
      %gather3A = vector.shape_cast %broadcast_in_dim3A_87 : vector<16x1xi32> to vector<16xi32>
      %gather3A_88 = tpu.dynamic_gather %get3A_82[%gather3A] in [0] : vector<16xf32>, vector<16xi32> -> vector<16xf32>
      %get3A_89 = arith.index_cast %add3A_86 : i32 to index
      %get3A_90 = arith.constant 0 : index
      %get3A_91 = tpu.vector_load %arg11[%get3A_89, %get3A_90] {strides = array<i32>} : memref<80x64xf32, #tpu.memory_space<vmem>>, vector<1x16xf32>,
      %get3A_92 = vector.shape_cast %get3A_91 : vector<1x16xf32> to vector<16xf32>
      %mul3A_93 = arith.mulf %get3A_92, %gather3A_88 : vector<16xf32>
      %swap3A = arith.index_cast %add3A_86 : i32 to index
      %swap3A_94 = arith.constant 0 : index
      %swap3A_95 = tpu.vector_load %arg11[%swap3A, %swap3A_94] {strides = array<i32>} : memref<80x64xf32, #tpu.memory_space<vmem>>, vector<1x16xf32>,
      %swap3A_96 = vector.shape_cast %swap3A_95 : vector<1x16xf32> to vector<16xf32>
      %swap3A_97 = vector.shape_cast %mul3A_93 : vector<16xf32> to vector<1x16xf32>
      tpu.vector_store %arg11[%swap3A, %swap3A_94], %swap3A_97 {strides = array<i32>} : memref<80x64xf32, #tpu.memory_space<vmem>>, vector<1x16xf32>,
      %get3A_98 = arith.index_cast %add3A_86 : i32 to index
      %get3A_99 = arith.constant 16 : index
      %get3A_100 = tpu.vector_load %arg11[%get3A_98, %get3A_99] {strides = array<i32>} : memref<80x64xf32, #tpu.memory_space<vmem>>, vector<1x16xf32>,
      %get3A_101 = vector.shape_cast %get3A_100 : vector<1x16xf32> to vector<16xf32>
      %mul3A_102 = arith.mulf %get3A_101, %gather3A_88 : vector<16xf32>
      %swap3A_103 = arith.index_cast %add3A_86 : i32 to index
      %swap3A_104 = arith.constant 16 : index
      %swap3A_105 = tpu.vector_load %arg11[%swap3A_103, %swap3A_104] {strides = array<i32>} : memref<80x64xf32, #tpu.memory_space<vmem>>, vector<1x16xf32>,
      %swap3A_106 = vector.shape_cast %swap3A_105 : vector<1x16xf32> to vector<16xf32>
      %swap3A_107 = vector.shape_cast %mul3A_102 : vector<16xf32> to vector<1x16xf32>
      tpu.vector_store %arg11[%swap3A_103, %swap3A_104], %swap3A_107 {strides = array<i32>} : memref<80x64xf32, #tpu.memory_space<vmem>>, vector<1x16xf32>,
      %get3A_108 = arith.index_cast %add3A_86 : i32 to index
      %get3A_109 = arith.constant 32 : index
      %get3A_110 = tpu.vector_load %arg11[%get3A_108, %get3A_109] {strides = array<i32>} : memref<80x64xf32, #tpu.memory_space<vmem>>, vector<1x16xf32>,
      %get3A_111 = vector.shape_cast %get3A_110 : vector<1x16xf32> to vector<16xf32>
      %mul3A_112 = arith.mulf %get3A_111, %gather3A_88 : vector<16xf32>
      %swap3A_113 = arith.index_cast %add3A_86 : i32 to index
      %swap3A_114 = arith.constant 32 : index
      %swap3A_115 = tpu.vector_load %arg11[%swap3A_113, %swap3A_114] {strides = array<i32>} : memref<80x64xf32, #tpu.memory_space<vmem>>, vector<1x16xf32>,
      %swap3A_116 = vector.shape_cast %swap3A_115 : vector<1x16xf32> to vector<16xf32>
      %swap3A_117 = vector.shape_cast %mul3A_112 : vector<16xf32> to vector<1x16xf32>
      tpu.vector_store %arg11[%swap3A_113, %swap3A_114], %swap3A_117 {strides = array<i32>} : memref<80x64xf32, #tpu.memory_space<vmem>>, vector<1x16xf32>,
      %get3A_118 = arith.index_cast %add3A_86 : i32 to index
      %get3A_119 = arith.constant 48 : index
      %get3A_120 = tpu.vector_load %arg11[%get3A_118, %get3A_119] {strides = array<i32>} : memref<80x64xf32, #tpu.memory_space<vmem>>, vector<1x16xf32>,
      %get3A_121 = vector.shape_cast %get3A_120 : vector<1x16xf32> to vector<16xf32>
      %mul3A_122 = arith.mulf %get3A_121, %gather3A_88 : vector<16xf32>
      %swap3A_123 = arith.index_cast %add3A_86 : i32 to index
      %swap3A_124 = arith.constant 48 : index
      %swap3A_125 = tpu.vector_load %arg11[%swap3A_123, %swap3A_124] {strides = array<i32>} : memref<80x64xf32, #tpu.memory_space<vmem>>, vector<1x16xf32>,
      %swap3A_126 = vector.shape_cast %swap3A_125 : vector<1x16xf32> to vector<16xf32>
      %swap3A_127 = vector.shape_cast %mul3A_122 : vector<16xf32> to vector<1x16xf32>
      tpu.vector_store %arg11[%swap3A_123, %swap3A_124], %swap3A_127 {strides = array<i32>} : memref<80x64xf32, #tpu.memory_space<vmem>>, vector<1x16xf32>,
      %mul3A_128 = arith.constant 16 : i32
      %mul3A_129 = arith.muli %scan3A_76, %mul3A_128 : i32
      %add3A_130 = arith.constant 1 : i32
      %add3A_131 = arith.addi %mul3A_129, %add3A_130 : i32
      %broadcast_in_dim3A_132 = arith.constant 1 : i32
      %broadcast_in_dim3A_133 = vector.broadcast %broadcast_in_dim3A_132 : i32 to vector<16x1xi32>
      %gather3A_134 = vector.shape_cast %broadcast_in_dim3A_133 : vector<16x1xi32> to vector<16xi32>
      %gather3A_135 = tpu.dynamic_gather %get3A_82[%gather3A_134] in [0] : vector<16xf32>, vector<16xi32> -> vector<16xf32>
      %get3A_136 = arith.index_cast %add3A_131 : i32 to index
      %get3A_137 = arith.constant 0 : index
      %get3A_138 = tpu.vector_load %arg11[%get3A_136, %get3A_137] {strides = array<i32>} : memref<80x64xf32, #tpu.memory_space<vmem>>, vector<1x16xf32>,
      %get3A_139 = vector.shape_cast %get3A_138 : vector<1x16xf32> to vector<16xf32>
      %mul3A_140 = arith.mulf %get3A_139, %gather3A_135 : vector<16xf32>
      %swap3A_141 = arith.index_cast %add3A_131 : i32 to index
      %swap3A_142 = arith.constant 0 : index
      %swap3A_143 = tpu.vector_load %arg11[%swap3A_141, %swap3A_142] {strides = array<i32>} : memref<80x64xf32, #tpu.memory_space<vmem>>, vector<1x16xf32>,
      %swap3A_144 = vector.shape_cast %swap3A_143 : vector<1x16xf32> to vector<16xf32>
      %swap3A_145 = vector.shape_cast %mul3A_140 : vector<16xf32> to vector<1x16xf32>
      tpu.vector_store %arg11[%swap3A_141, %swap3A_142], %swap3A_145 {strides = array<i32>} : memref<80x64xf32, #tpu.memory_space<vmem>>, vector<1x16xf32>,
      %get3A_146 = arith.index_cast %add3A_131 : i32 to index
      %get3A_147 = arith.constant 16 : index
      %get3A_148 = tpu.vector_load %arg11[%get3A_146, %get3A_147] {strides = array<i32>} : memref<80x64xf32, #tpu.memory_space<vmem>>, vector<1x16xf32>,
      %get3A_149 = vector.shape_cast %get3A_148 : vector<1x16xf32> to vector<16xf32>
      %mul3A_150 = arith.mulf %get3A_149, %gather3A_135 : vector<16xf32>
      %swap3A_151 = arith.index_cast %add3A_131 : i32 to index
      %swap3A_152 = arith.constant 16 : index
      %swap3A_153 = tpu.vector_load %arg11[%swap3A_151, %swap3A_152] {strides = array<i32>} : memref<80x64xf32, #tpu.memory_space<vmem>>, vector<1x16xf32>,
      %swap3A_154 = vector.shape_cast %swap3A_153 : vector<1x16xf32> to vector<16xf32>
      %swap3A_155 = vector.shape_cast %mul3A_150 : vector<16xf32> to vector<1x16xf32>
      tpu.vector_store %arg11[%swap3A_151, %swap3A_152], %swap3A_155 {strides = array<i32>} : memref<80x64xf32, #tpu.memory_space<vmem>>, vector<1x16xf32>,
      %get3A_156 = arith.index_cast %add3A_131 : i32 to index
      %get3A_157 = arith.constant 32 : index
      %get3A_158 = tpu.vector_load %arg11[%get3A_156, %get3A_157] {strides = array<i32>} : memref<80x64xf32, #tpu.memory_space<vmem>>, vector<1x16xf32>,
      %get3A_159 = vector.shape_cast %get3A_158 : vector<1x16xf32> to vector<16xf32>
      %mul3A_160 = arith.mulf %get3A_159, %gather3A_135 : vector<16xf32>
      %swap3A_161 = arith.index_cast %add3A_131 : i32 to index
      %swap3A_162 = arith.constant 32 : index
      %swap3A_163 = tpu.vector_load %arg11[%swap3A_161, %swap3A_162] {strides = array<i32>} : memref<80x64xf32, #tpu.memory_space<vmem>>, vector<1x16xf32>,
      %swap3A_164 = vector.shape_cast %swap3A_163 : vector<1x16xf32> to vector<16xf32>
      %swap3A_165 = vector.shape_cast %mul3A_160 : vector<16xf32> to vector<1x16xf32>
      tpu.vector_store %arg11[%swap3A_161, %swap3A_162], %swap3A_165 {strides = array<i32>} : memref<80x64xf32, #tpu.memory_space<vmem>>, vector<1x16xf32>,
      %get3A_166 = arith.index_cast %add3A_131 : i32 to index
      %get3A_167 = arith.constant 48 : index
      %get3A_168 = tpu.vector_load %arg11[%get3A_166, %get3A_167] {strides = array<i32>} : memref<80x64xf32, #tpu.memory_space<vmem>>, vector<1x16xf32>,
      %get3A_169 = vector.shape_cast %get3A_168 : vector<1x16xf32> to vector<16xf32>
      %mul3A_170 = arith.mulf %get3A_169, %gather3A_135 : vector<16xf32>
      %swap3A_171 = arith.index_cast %add3A_131 : i32 to index
      %swap3A_172 = arith.constant 48 : index
      %swap3A_173 = tpu.vector_load %arg11[%swap3A_171, %swap3A_172] {strides = array<i32>} : memref<80x64xf32, #tpu.memory_space<vmem>>, vector<1x16xf32>,
      %swap3A_174 = vector.shape_cast %swap3A_173 : vector<1x16xf32> to vector<16xf32>
      %swap3A_175 = vector.shape_cast %mul3A_170 : vector<16xf32> to vector<1x16xf32>
      tpu.vector_store %arg11[%swap3A_171, %swap3A_172], %swap3A_175 {strides = array<i32>} : memref<80x64xf32, #tpu.memory_space<vmem>>, vector<1x16xf32>,
      %mul3A_176 = arith.constant 16 : i32
      %mul3A_177 = arith.muli %scan3A_76, %mul3A_176 : i32
      %add3A_178 = arith.constant 2 : i32
      %add3A_179 = arith.addi %mul3A_177, %add3A_178 : i32
      %broadcast_in_dim3A_180 = arith.constant 2 : i32
      %broadcast_in_dim3A_181 = vector.broadcast %broadcast_in_dim3A_180 : i32 to vector<16x1xi32>
      %gather3A_182 = vector.shape_cast %broadcast_in_dim3A_181 : vector<16x1xi32> to vector<16xi32>
      %gather3A_183 = tpu.dynamic_gather %get3A_82[%gather3A_182] in [0] : vector<16xf32>, vector<16xi32> -> vector<16xf32>
      %get3A_184 = arith.index_cast %add3A_179 : i32 to index
      %get3A_185 = arith.constant 0 : index
      %get3A_186 = tpu.vector_load %arg11[%get3A_184, %get3A_185] {strides = array<i32>} : memref<80x64xf32, #tpu.memory_space<vmem>>, vector<1x16xf32>,
      %get3A_187 = vector.shape_cast %get3A_186 : vector<1x16xf32> to vector<16xf32>
      %mul3A_188 = arith.mulf %get3A_187, %gather3A_183 : vector<16xf32>
      %swap3A_189 = arith.index_cast %add3A_179 : i32 to index
      %swap3A_190 = arith.constant 0 : index
      %swap3A_191 = tpu.vector_load %arg11[%swap3A_189, %swap3A_190] {strides = array<i32>} : memref<80x64xf32, #tpu.memory_space<vmem>>, vector<1x16xf32>,
      %swap3A_192 = vector.shape_cast %swap3A_191 : vector<1x16xf32> to vector<16xf32>
      %swap3A_193 = vector.shape_cast %mul3A_188 : vector<16xf32> to vector<1x16xf32>
      tpu.vector_store %arg11[%swap3A_189, %swap3A_190], %swap3A_193 {strides = array<i32>} : memref<80x64xf32, #tpu.memory_space<vmem>>, vector<1x16xf32>,
      %get3A_194 = arith.index_cast %add3A_179 : i32 to index
      %get3A_195 = arith.constant 16 : index
      %get3A_196 = tpu.vector_load %arg11[%get3A_194, %get3A_195] {strides = array<i32>} : memref<80x64xf32, #tpu.memory_space<vmem>>, vector<1x16xf32>,
      %get3A_197 = vector.shape_cast %get3A_196 : vector<1x16xf32> to vector<16xf32>
      %mul3A_198 = arith.mulf %get3A_197, %gather3A_183 : vector<16xf32>
      %swap3A_199 = arith.index_cast %add3A_179 : i32 to index
      %swap3A_200 = arith.constant 16 : index
      %swap3A_201 = tpu.vector_load %arg11[%swap3A_199, %swap3A_200] {strides = array<i32>} : memref<80x64xf32, #tpu.memory_space<vmem>>, vector<1x16xf32>,
      %swap3A_202 = vector.shape_cast %swap3A_201 : vector<1x16xf32> to vector<16xf32>
      %swap3A_203 = vector.shape_cast %mul3A_198 : vector<16xf32> to vector<1x16xf32>
      tpu.vector_store %arg11[%swap3A_199, %swap3A_200], %swap3A_203 {strides = array<i32>} : memref<80x64xf32, #tpu.memory_space<vmem>>, vector<1x16xf32>,
      %get3A_204 = arith.index_cast %add3A_179 : i32 to index
      %get3A_205 = arith.constant 32 : index
      %get3A_206 = tpu.vector_load %arg11[%get3A_204, %get3A_205] {strides = array<i32>} : memref<80x64xf32, #tpu.memory_space<vmem>>, vector<1x16xf32>,
      %get3A_207 = vector.shape_cast %get3A_206 : vector<1x16xf32> to vector<16xf32>
      %mul3A_208 = arith.mulf %get3A_207, %gather3A_183 : vector<16xf32>
      %swap3A_209 = arith.index_cast %add3A_179 : i32 to index
      %swap3A_210 = arith.constant 32 : index
      %swap3A_211 = tpu.vector_load %arg11[%swap3A_209, %swap3A_210] {strides = array<i32>} : memref<80x64xf32, #tpu.memory_space<vmem>>, vector<1x16xf32>,
      %swap3A_212 = vector.shape_cast %swap3A_211 : vector<1x16xf32> to vector<16xf32>
      %swap3A_213 = vector.shape_cast %mul3A_208 : vector<16xf32> to vector<1x16xf32>
      tpu.vector_store %arg11[%swap3A_209, %swap3A_210], %swap3A_213 {strides = array<i32>} : memref<80x64xf32, #tpu.memory_space<vmem>>, vector<1x16xf32>,
      %get3A_214 = arith.index_cast %add3A_179 : i32 to index
      %get3A_215 = arith.constant 48 : index
      %get3A_216 = tpu.vector_load %arg11[%get3A_214, %get3A_215] {strides = array<i32>} : memref<80x64xf32, #tpu.memory_space<vmem>>, vector<1x16xf32>,
      %get3A_217 = vector.shape_cast %get3A_216 : vector<1x16xf32> to vector<16xf32>
      %mul3A_218 = arith.mulf %get3A_217, %gather3A_183 : vector<16xf32>
      %swap3A_219 = arith.index_cast %add3A_179 : i32 to index
      %swap3A_220 = arith.constant 48 : index
      %swap3A_221 = tpu.vector_load %arg11[%swap3A_219, %swap3A_220] {strides = array<i32>} : memref<80x64xf32, #tpu.memory_space<vmem>>, vector<1x16xf32>,
      %swap3A_222 = vector.shape_cast %swap3A_221 : vector<1x16xf32> to vector<16xf32>
      %swap3A_223 = vector.shape_cast %mul3A_218 : vector<16xf32> to vector<1x16xf32>
      tpu.vector_store %arg11[%swap3A_219, %swap3A_220], %swap3A_223 {strides = array<i32>} : memref<80x64xf32, #tpu.memory_space<vmem>>, vector<1x16xf32>,
      %mul3A_224 = arith.constant 16 : i32
      %mul3A_225 = arith.muli %scan3A_76, %mul3A_224 : i32
      %add3A_226 = arith.constant 3 : i32
      %add3A_227 = arith.addi %mul3A_225, %add3A_226 : i32
      %broadcast_in_dim3A_228 = arith.constant 3 : i32
      %broadcast_in_dim3A_229 = vector.broadcast %broadcast_in_dim3A_228 : i32 to vector<16x1xi32>
      %gather3A_230 = vector.shape_cast %broadcast_in_dim3A_229 : vector<16x1xi32> to vector<16xi32>
      %gather3A_231 = tpu.dynamic_gather %get3A_82[%gather3A_230] in [0] : vector<16xf32>, vector<16xi32> -> vector<16xf32>
      %get3A_232 = arith.index_cast %add3A_227 : i32 to index
      %get3A_233 = arith.constant 0 : index
      %get3A_234 = tpu.vector_load %arg11[%get3A_232, %get3A_233] {strides = array<i32>} : memref<80x64xf32, #tpu.memory_space<vmem>>, vector<1x16xf32>,
      %get3A_235 = vector.shape_cast %get3A_234 : vector<1x16xf32> to vector<16xf32>
      %mul3A_236 = arith.mulf %get3A_235, %gather3A_231 : vector<16xf32>
      %swap3A_237 = arith.index_cast %add3A_227 : i32 to index
      %swap3A_238 = arith.constant 0 : index
      %swap3A_239 = tpu.vector_load %arg11[%swap3A_237, %swap3A_238] {strides = array<i32>} : memref<80x64xf32, #tpu.memory_space<vmem>>, vector<1x16xf32>,
      %swap3A_240 = vector.shape_cast %swap3A_239 : vector<1x16xf32> to vector<16xf32>
      %swap3A_241 = vector.shape_cast %mul3A_236 : vector<16xf32> to vector<1x16xf32>
      tpu.vector_store %arg11[%swap3A_237, %swap3A_238], %swap3A_241 {strides = array<i32>} : memref<80x64xf32, #tpu.memory_space<vmem>>, vector<1x16xf32>,
      %get3A_242 = arith.index_cast %add3A_227 : i32 to index
      %get3A_243 = arith.constant 16 : index
      %get3A_244 = tpu.vector_load %arg11[%get3A_242, %get3A_243] {strides = array<i32>} : memref<80x64xf32, #tpu.memory_space<vmem>>, vector<1x16xf32>,
      %get3A_245 = vector.shape_cast %get3A_244 : vector<1x16xf32> to vector<16xf32>
      %mul3A_246 = arith.mulf %get3A_245, %gather3A_231 : vector<16xf32>
      %swap3A_247 = arith.index_cast %add3A_227 : i32 to index
      %swap3A_248 = arith.constant 16 : index
      %swap3A_249 = tpu.vector_load %arg11[%swap3A_247, %swap3A_248] {strides = array<i32>} : memref<80x64xf32, #tpu.memory_space<vmem>>, vector<1x16xf32>,
      %swap3A_250 = vector.shape_cast %swap3A_249 : vector<1x16xf32> to vector<16xf32>
      %swap3A_251 = vector.shape_cast %mul3A_246 : vector<16xf32> to vector<1x16xf32>
      tpu.vector_store %arg11[%swap3A_247, %swap3A_248], %swap3A_251 {strides = array<i32>} : memref<80x64xf32, #tpu.memory_space<vmem>>, vector<1x16xf32>,
      %get3A_252 = arith.index_cast %add3A_227 : i32 to index
      %get3A_253 = arith.constant 32 : index
      %get3A_254 = tpu.vector_load %arg11[%get3A_252, %get3A_253] {strides = array<i32>} : memref<80x64xf32, #tpu.memory_space<vmem>>, vector<1x16xf32>,
      %get3A_255 = vector.shape_cast %get3A_254 : vector<1x16xf32> to vector<16xf32>
      %mul3A_256 = arith.mulf %get3A_255, %gather3A_231 : vector<16xf32>
      %swap3A_257 = arith.index_cast %add3A_227 : i32 to index
      %swap3A_258 = arith.constant 32 : index
      %swap3A_259 = tpu.vector_load %arg11[%swap3A_257, %swap3A_258] {strides = array<i32>} : memref<80x64xf32, #tpu.memory_space<vmem>>, vector<1x16xf32>,
      %swap3A_260 = vector.shape_cast %swap3A_259 : vector<1x16xf32> to vector<16xf32>
      %swap3A_261 = vector.shape_cast %mul3A_256 : vector<16xf32> to vector<1x16xf32>
      tpu.vector_store %arg11[%swap3A_257, %swap3A_258], %swap3A_261 {strides = array<i32>} : memref<80x64xf32, #tpu.memory_space<vmem>>, vector<1x16xf32>,
      %get3A_262 = arith.index_cast %add3A_227 : i32 to index
      %get3A_263 = arith.constant 48 : index
      %get3A_264 = tpu.vector_load %arg11[%get3A_262, %get3A_263] {strides = array<i32>} : memref<80x64xf32, #tpu.memory_space<vmem>>, vector<1x16xf32>,
      %get3A_265 = vector.shape_cast %get3A_264 : vector<1x16xf32> to vector<16xf32>
      %mul3A_266 = arith.mulf %get3A_265, %gather3A_231 : vector<16xf32>
      %swap3A_267 = arith.index_cast %add3A_227 : i32 to index
      %swap3A_268 = arith.constant 48 : index
      %swap3A_269 = tpu.vector_load %arg11[%swap3A_267, %swap3A_268] {strides = array<i32>} : memref<80x64xf32, #tpu.memory_space<vmem>>, vector<1x16xf32>,
      %swap3A_270 = vector.shape_cast %swap3A_269 : vector<1x16xf32> to vector<16xf32>
      %swap3A_271 = vector.shape_cast %mul3A_266 : vector<16xf32> to vector<1x16xf32>
      tpu.vector_store %arg11[%swap3A_267, %swap3A_268], %swap3A_271 {strides = array<i32>} : memref<80x64xf32, #tpu.memory_space<vmem>>, vector<1x16xf32>,
      %mul3A_272 = arith.constant 16 : i32
      %mul3A_273 = arith.muli %scan3A_76, %mul3A_272 : i32
      %add3A_274 = arith.constant 4 : i32
      %add3A_275 = arith.addi %mul3A_273, %add3A_274 : i32
      %broadcast_in_dim3A_276 = arith.constant 4 : i32
      %broadcast_in_dim3A_277 = vector.broadcast %broadcast_in_dim3A_276 : i32 to vector<16x1xi32>
      %gather3A_278 = vector.shape_cast %broadcast_in_dim3A_277 : vector<16x1xi32> to vector<16xi32>
      %gather3A_279 = tpu.dynamic_gather %get3A_82[%gather3A_278] in [0] : vector<16xf32>, vector<16xi32> -> vector<16xf32>
      %get3A_280 = arith.index_cast %add3A_275 : i32 to index
      %get3A_281 = arith.constant 0 : index
      %get3A_282 = tpu.vector_load %arg11[%get3A_280, %get3A_281] {strides = array<i32>} : memref<80x64xf32, #tpu.memory_space<vmem>>, vector<1x16xf32>,
      %get3A_283 = vector.shape_cast %get3A_282 : vector<1x16xf32> to vector<16xf32>
      %mul3A_284 = arith.mulf %get3A_283, %gather3A_279 : vector<16xf32>
      %swap3A_285 = arith.index_cast %add3A_275 : i32 to index
      %swap3A_286 = arith.constant 0 : index
      %swap3A_287 = tpu.vector_load %arg11[%swap3A_285, %swap3A_286] {strides = array<i32>} : memref<80x64xf32, #tpu.memory_space<vmem>>, vector<1x16xf32>,
      %swap3A_288 = vector.shape_cast %swap3A_287 : vector<1x16xf32> to vector<16xf32>
      %swap3A_289 = vector.shape_cast %mul3A_284 : vector<16xf32> to vector<1x16xf32>
      tpu.vector_store %arg11[%swap3A_285, %swap3A_286], %swap3A_289 {strides = array<i32>} : memref<80x64xf32, #tpu.memory_space<vmem>>, vector<1x16xf32>,
      %get3A_290 = arith.index_cast %add3A_275 : i32 to index
      %get3A_291 = arith.constant 16 : index
      %get3A_292 = tpu.vector_load %arg11[%get3A_290, %get3A_291] {strides = array<i32>} : memref<80x64xf32, #tpu.memory_space<vmem>>, vector<1x16xf32>,
      %get3A_293 = vector.shape_cast %get3A_292 : vector<1x16xf32> to vector<16xf32>
      %mul3A_294 = arith.mulf %get3A_293, %gather3A_279 : vector<16xf32>
      %swap3A_295 = arith.index_cast %add3A_275 : i32 to index
      %swap3A_296 = arith.constant 16 : index
      %swap3A_297 = tpu.vector_load %arg11[%swap3A_295, %swap3A_296] {strides = array<i32>} : memref<80x64xf32, #tpu.memory_space<vmem>>, vector<1x16xf32>,
      %swap3A_298 = vector.shape_cast %swap3A_297 : vector<1x16xf32> to vector<16xf32>
      %swap3A_299 = vector.shape_cast %mul3A_294 : vector<16xf32> to vector<1x16xf32>
      tpu.vector_store %arg11[%swap3A_295, %swap3A_296], %swap3A_299 {strides = array<i32>} : memref<80x64xf32, #tpu.memory_space<vmem>>, vector<1x16xf32>,
      %get3A_300 = arith.index_cast %add3A_275 : i32 to index
      %get3A_301 = arith.constant 32 : index
      %get3A_302 = tpu.vector_load %arg11[%get3A_300, %get3A_301] {strides = array<i32>} : memref<80x64xf32, #tpu.memory_space<vmem>>, vector<1x16xf32>,
      %get3A_303 = vector.shape_cast %get3A_302 : vector<1x16xf32> to vector<16xf32>
      %mul3A_304 = arith.mulf %get3A_303, %gather3A_279 : vector<16xf32>
      %swap3A_305 = arith.index_cast %add3A_275 : i32 to index
      %swap3A_306 = arith.constant 32 : index
      %swap3A_307 = tpu.vector_load %arg11[%swap3A_305, %swap3A_306] {strides = array<i32>} : memref<80x64xf32, #tpu.memory_space<vmem>>, vector<1x16xf32>,
      %swap3A_308 = vector.shape_cast %swap3A_307 : vector<1x16xf32> to vector<16xf32>
      %swap3A_309 = vector.shape_cast %mul3A_304 : vector<16xf32> to vector<1x16xf32>
      tpu.vector_store %arg11[%swap3A_305, %swap3A_306], %swap3A_309 {strides = array<i32>} : memref<80x64xf32, #tpu.memory_space<vmem>>, vector<1x16xf32>,
      %get3A_310 = arith.index_cast %add3A_275 : i32 to index
      %get3A_311 = arith.constant 48 : index
      %get3A_312 = tpu.vector_load %arg11[%get3A_310, %get3A_311] {strides = array<i32>} : memref<80x64xf32, #tpu.memory_space<vmem>>, vector<1x16xf32>,
      %get3A_313 = vector.shape_cast %get3A_312 : vector<1x16xf32> to vector<16xf32>
      %mul3A_314 = arith.mulf %get3A_313, %gather3A_279 : vector<16xf32>
      %swap3A_315 = arith.index_cast %add3A_275 : i32 to index
      %swap3A_316 = arith.constant 48 : index
      %swap3A_317 = tpu.vector_load %arg11[%swap3A_315, %swap3A_316] {strides = array<i32>} : memref<80x64xf32, #tpu.memory_space<vmem>>, vector<1x16xf32>,
      %swap3A_318 = vector.shape_cast %swap3A_317 : vector<1x16xf32> to vector<16xf32>
      %swap3A_319 = vector.shape_cast %mul3A_314 : vector<16xf32> to vector<1x16xf32>
      tpu.vector_store %arg11[%swap3A_315, %swap3A_316], %swap3A_319 {strides = array<i32>} : memref<80x64xf32, #tpu.memory_space<vmem>>, vector<1x16xf32>,
      %mul3A_320 = arith.constant 16 : i32
      %mul3A_321 = arith.muli %scan3A_76, %mul3A_320 : i32
      %add3A_322 = arith.constant 5 : i32
      %add3A_323 = arith.addi %mul3A_321, %add3A_322 : i32
      %broadcast_in_dim3A_324 = arith.constant 5 : i32
      %broadcast_in_dim3A_325 = vector.broadcast %broadcast_in_dim3A_324 : i32 to vector<16x1xi32>
      %gather3A_326 = vector.shape_cast %broadcast_in_dim3A_325 : vector<16x1xi32> to vector<16xi32>
      %gather3A_327 = tpu.dynamic_gather %get3A_82[%gather3A_326] in [0] : vector<16xf32>, vector<16xi32> -> vector<16xf32>
      %get3A_328 = arith.index_cast %add3A_323 : i32 to index
      %get3A_329 = arith.constant 0 : index
      %get3A_330 = tpu.vector_load %arg11[%get3A_328, %get3A_329] {strides = array<i32>} : memref<80x64xf32, #tpu.memory_space<vmem>>, vector<1x16xf32>,
      %get3A_331 = vector.shape_cast %get3A_330 : vector<1x16xf32> to vector<16xf32>
      %mul3A_332 = arith.mulf %get3A_331, %gather3A_327 : vector<16xf32>
      %swap3A_333 = arith.index_cast %add3A_323 : i32 to index
      %swap3A_334 = arith.constant 0 : index
      %swap3A_335 = tpu.vector_load %arg11[%swap3A_333, %swap3A_334] {strides = array<i32>} : memref<80x64xf32, #tpu.memory_space<vmem>>, vector<1x16xf32>,
      %swap3A_336 = vector.shape_cast %swap3A_335 : vector<1x16xf32> to vector<16xf32>
      %swap3A_337 = vector.shape_cast %mul3A_332 : vector<16xf32> to vector<1x16xf32>
      tpu.vector_store %arg11[%swap3A_333, %swap3A_334], %swap3A_337 {strides = array<i32>} : memref<80x64xf32, #tpu.memory_space<vmem>>, vector<1x16xf32>,
      %get3A_338 = arith.index_cast %add3A_323 : i32 to index
      %get3A_339 = arith.constant 16 : index
      %get3A_340 = tpu.vector_load %arg11[%get3A_338, %get3A_339] {strides = array<i32>} : memref<80x64xf32, #tpu.memory_space<vmem>>, vector<1x16xf32>,
      %get3A_341 = vector.shape_cast %get3A_340 : vector<1x16xf32> to vector<16xf32>
      %mul3A_342 = arith.mulf %get3A_341, %gather3A_327 : vector<16xf32>
      %swap3A_343 = arith.index_cast %add3A_323 : i32 to index
      %swap3A_344 = arith.constant 16 : index
      %swap3A_345 = tpu.vector_load %arg11[%swap3A_343, %swap3A_344] {strides = array<i32>} : memref<80x64xf32, #tpu.memory_space<vmem>>, vector<1x16xf32>,
      %swap3A_346 = vector.shape_cast %swap3A_345 : vector<1x16xf32> to vector<16xf32>
      %swap3A_347 = vector.shape_cast %mul3A_342 : vector<16xf32> to vector<1x16xf32>
      tpu.vector_store %arg11[%swap3A_343, %swap3A_344], %swap3A_347 {strides = array<i32>} : memref<80x64xf32, #tpu.memory_space<vmem>>, vector<1x16xf32>,
      %get3A_348 = arith.index_cast %add3A_323 : i32 to index
      %get3A_349 = arith.constant 32 : index
      %get3A_350 = tpu.vector_load %arg11[%get3A_348, %get3A_349] {strides = array<i32>} : memref<80x64xf32, #tpu.memory_space<vmem>>, vector<1x16xf32>,
      %get3A_351 = vector.shape_cast %get3A_350 : vector<1x16xf32> to vector<16xf32>
      %mul3A_352 = arith.mulf %get3A_351, %gather3A_327 : vector<16xf32>
      %swap3A_353 = arith.index_cast %add3A_323 : i32 to index
      %swap3A_354 = arith.constant 32 : index
      %swap3A_355 = tpu.vector_load %arg11[%swap3A_353, %swap3A_354] {strides = array<i32>} : memref<80x64xf32, #tpu.memory_space<vmem>>, vector<1x16xf32>,
      %swap3A_356 = vector.shape_cast %swap3A_355 : vector<1x16xf32> to vector<16xf32>
      %swap3A_357 = vector.shape_cast %mul3A_352 : vector<16xf32> to vector<1x16xf32>
      tpu.vector_store %arg11[%swap3A_353, %swap3A_354], %swap3A_357 {strides = array<i32>} : memref<80x64xf32, #tpu.memory_space<vmem>>, vector<1x16xf32>,
      %get3A_358 = arith.index_cast %add3A_323 : i32 to index
      %get3A_359 = arith.constant 48 : index
      %get3A_360 = tpu.vector_load %arg11[%get3A_358, %get3A_359] {strides = array<i32>} : memref<80x64xf32, #tpu.memory_space<vmem>>, vector<1x16xf32>,
      %get3A_361 = vector.shape_cast %get3A_360 : vector<1x16xf32> to vector<16xf32>
      %mul3A_362 = arith.mulf %get3A_361, %gather3A_327 : vector<16xf32>
      %swap3A_363 = arith.index_cast %add3A_323 : i32 to index
      %swap3A_364 = arith.constant 48 : index
      %swap3A_365 = tpu.vector_load %arg11[%swap3A_363, %swap3A_364] {strides = array<i32>} : memref<80x64xf32, #tpu.memory_space<vmem>>, vector<1x16xf32>,
      %swap3A_366 = vector.shape_cast %swap3A_365 : vector<1x16xf32> to vector<16xf32>
      %swap3A_367 = vector.shape_cast %mul3A_362 : vector<16xf32> to vector<1x16xf32>
      tpu.vector_store %arg11[%swap3A_363, %swap3A_364], %swap3A_367 {strides = array<i32>} : memref<80x64xf32, #tpu.memory_space<vmem>>, vector<1x16xf32>,
      %mul3A_368 = arith.constant 16 : i32
      %mul3A_369 = arith.muli %scan3A_76, %mul3A_368 : i32
      %add3A_370 = arith.constant 6 : i32
      %add3A_371 = arith.addi %mul3A_369, %add3A_370 : i32
      %broadcast_in_dim3A_372 = arith.constant 6 : i32
      %broadcast_in_dim3A_373 = vector.broadcast %broadcast_in_dim3A_372 : i32 to vector<16x1xi32>
      %gather3A_374 = vector.shape_cast %broadcast_in_dim3A_373 : vector<16x1xi32> to vector<16xi32>
      %gather3A_375 = tpu.dynamic_gather %get3A_82[%gather3A_374] in [0] : vector<16xf32>, vector<16xi32> -> vector<16xf32>
      %get3A_376 = arith.index_cast %add3A_371 : i32 to index
      %get3A_377 = arith.constant 0 : index
      %get3A_378 = tpu.vector_load %arg11[%get3A_376, %get3A_377] {strides = array<i32>} : memref<80x64xf32, #tpu.memory_space<vmem>>, vector<1x16xf32>,
      %get3A_379 = vector.shape_cast %get3A_378 : vector<1x16xf32> to vector<16xf32>
      %mul3A_380 = arith.mulf %get3A_379, %gather3A_375 : vector<16xf32>
      %swap3A_381 = arith.index_cast %add3A_371 : i32 to index
      %swap3A_382 = arith.constant 0 : index
      %swap3A_383 = tpu.vector_load %arg11[%swap3A_381, %swap3A_382] {strides = array<i32>} : memref<80x64xf32, #tpu.memory_space<vmem>>, vector<1x16xf32>,
      %swap3A_384 = vector.shape_cast %swap3A_383 : vector<1x16xf32> to vector<16xf32>
      %swap3A_385 = vector.shape_cast %mul3A_380 : vector<16xf32> to vector<1x16xf32>
      tpu.vector_store %arg11[%swap3A_381, %swap3A_382], %swap3A_385 {strides = array<i32>} : memref<80x64xf32, #tpu.memory_space<vmem>>, vector<1x16xf32>,
      %get3A_386 = arith.index_cast %add3A_371 : i32 to index
      %get3A_387 = arith.constant 16 : index
      %get3A_388 = tpu.vector_load %arg11[%get3A_386, %get3A_387] {strides = array<i32>} : memref<80x64xf32, #tpu.memory_space<vmem>>, vector<1x16xf32>,
      %get3A_389 = vector.shape_cast %get3A_388 : vector<1x16xf32> to vector<16xf32>
      %mul3A_390 = arith.mulf %get3A_389, %gather3A_375 : vector<16xf32>
      %swap3A_391 = arith.index_cast %add3A_371 : i32 to index
      %swap3A_392 = arith.constant 16 : index
      %swap3A_393 = tpu.vector_load %arg11[%swap3A_391, %swap3A_392] {strides = array<i32>} : memref<80x64xf32, #tpu.memory_space<vmem>>, vector<1x16xf32>,
      %swap3A_394 = vector.shape_cast %swap3A_393 : vector<1x16xf32> to vector<16xf32>
      %swap3A_395 = vector.shape_cast %mul3A_390 : vector<16xf32> to vector<1x16xf32>
      tpu.vector_store %arg11[%swap3A_391, %swap3A_392], %swap3A_395 {strides = array<i32>} : memref<80x64xf32, #tpu.memory_space<vmem>>, vector<1x16xf32>,
      %get3A_396 = arith.index_cast %add3A_371 : i32 to index
      %get3A_397 = arith.constant 32 : index
      %get3A_398 = tpu.vector_load %arg11[%get3A_396, %get3A_397] {strides = array<i32>} : memref<80x64xf32, #tpu.memory_space<vmem>>, vector<1x16xf32>,
      %get3A_399 = vector.shape_cast %get3A_398 : vector<1x16xf32> to vector<16xf32>
      %mul3A_400 = arith.mulf %get3A_399, %gather3A_375 : vector<16xf32>
      %swap3A_401 = arith.index_cast %add3A_371 : i32 to index
      %swap3A_402 = arith.constant 32 : index
      %swap3A_403 = tpu.vector_load %arg11[%swap3A_401, %swap3A_402] {strides = array<i32>} : memref<80x64xf32, #tpu.memory_space<vmem>>, vector<1x16xf32>,
      %swap3A_404 = vector.shape_cast %swap3A_403 : vector<1x16xf32> to vector<16xf32>
      %swap3A_405 = vector.shape_cast %mul3A_400 : vector<16xf32> to vector<1x16xf32>
      tpu.vector_store %arg11[%swap3A_401, %swap3A_402], %swap3A_405 {strides = array<i32>} : memref<80x64xf32, #tpu.memory_space<vmem>>, vector<1x16xf32>,
      %get3A_406 = arith.index_cast %add3A_371 : i32 to index
      %get3A_407 = arith.constant 48 : index
      %get3A_408 = tpu.vector_load %arg11[%get3A_406, %get3A_407] {strides = array<i32>} : memref<80x64xf32, #tpu.memory_space<vmem>>, vector<1x16xf32>,
      %get3A_409 = vector.shape_cast %get3A_408 : vector<1x16xf32> to vector<16xf32>
      %mul3A_410 = arith.mulf %get3A_409, %gather3A_375 : vector<16xf32>
      %swap3A_411 = arith.index_cast %add3A_371 : i32 to index
      %swap3A_412 = arith.constant 48 : index
      %swap3A_413 = tpu.vector_load %arg11[%swap3A_411, %swap3A_412] {strides = array<i32>} : memref<80x64xf32, #tpu.memory_space<vmem>>, vector<1x16xf32>,
      %swap3A_414 = vector.shape_cast %swap3A_413 : vector<1x16xf32> to vector<16xf32>
      %swap3A_415 = vector.shape_cast %mul3A_410 : vector<16xf32> to vector<1x16xf32>
      tpu.vector_store %arg11[%swap3A_411, %swap3A_412], %swap3A_415 {strides = array<i32>} : memref<80x64xf32, #tpu.memory_space<vmem>>, vector<1x16xf32>,
      %mul3A_416 = arith.constant 16 : i32
      %mul3A_417 = arith.muli %scan3A_76, %mul3A_416 : i32
      %add3A_418 = arith.constant 7 : i32
      %add3A_419 = arith.addi %mul3A_417, %add3A_418 : i32
      %broadcast_in_dim3A_420 = arith.constant 7 : i32
      %broadcast_in_dim3A_421 = vector.broadcast %broadcast_in_dim3A_420 : i32 to vector<16x1xi32>
      %gather3A_422 = vector.shape_cast %broadcast_in_dim3A_421 : vector<16x1xi32> to vector<16xi32>
      %gather3A_423 = tpu.dynamic_gather %get3A_82[%gather3A_422] in [0] : vector<16xf32>, vector<16xi32> -> vector<16xf32>
      %get3A_424 = arith.index_cast %add3A_419 : i32 to index
      %get3A_425 = arith.constant 0 : index
      %get3A_426 = tpu.vector_load %arg11[%get3A_424, %get3A_425] {strides = array<i32>} : memref<80x64xf32, #tpu.memory_space<vmem>>, vector<1x16xf32>,
      %get3A_427 = vector.shape_cast %get3A_426 : vector<1x16xf32> to vector<16xf32>
      %mul3A_428 = arith.mulf %get3A_427, %gather3A_423 : vector<16xf32>
      %swap3A_429 = arith.index_cast %add3A_419 : i32 to index
      %swap3A_430 = arith.constant 0 : index
      %swap3A_431 = tpu.vector_load %arg11[%swap3A_429, %swap3A_430] {strides = array<i32>} : memref<80x64xf32, #tpu.memory_space<vmem>>, vector<1x16xf32>,
      %swap3A_432 = vector.shape_cast %swap3A_431 : vector<1x16xf32> to vector<16xf32>
      %swap3A_433 = vector.shape_cast %mul3A_428 : vector<16xf32> to vector<1x16xf32>
      tpu.vector_store %arg11[%swap3A_429, %swap3A_430], %swap3A_433 {strides = array<i32>} : memref<80x64xf32, #tpu.memory_space<vmem>>, vector<1x16xf32>,
      %get3A_434 = arith.index_cast %add3A_419 : i32 to index
      %get3A_435 = arith.constant 16 : index
      %get3A_436 = tpu.vector_load %arg11[%get3A_434, %get3A_435] {strides = array<i32>} : memref<80x64xf32, #tpu.memory_space<vmem>>, vector<1x16xf32>,
      %get3A_437 = vector.shape_cast %get3A_436 : vector<1x16xf32> to vector<16xf32>
      %mul3A_438 = arith.mulf %get3A_437, %gather3A_423 : vector<16xf32>
      %swap3A_439 = arith.index_cast %add3A_419 : i32 to index
      %swap3A_440 = arith.constant 16 : index
      %swap3A_441 = tpu.vector_load %arg11[%swap3A_439, %swap3A_440] {strides = array<i32>} : memref<80x64xf32, #tpu.memory_space<vmem>>, vector<1x16xf32>,
      %swap3A_442 = vector.shape_cast %swap3A_441 : vector<1x16xf32> to vector<16xf32>
      %swap3A_443 = vector.shape_cast %mul3A_438 : vector<16xf32> to vector<1x16xf32>
      tpu.vector_store %arg11[%swap3A_439, %swap3A_440], %swap3A_443 {strides = array<i32>} : memref<80x64xf32, #tpu.memory_space<vmem>>, vector<1x16xf32>,
      %get3A_444 = arith.index_cast %add3A_419 : i32 to index
      %get3A_445 = arith.constant 32 : index
      %get3A_446 = tpu.vector_load %arg11[%get3A_444, %get3A_445] {strides = array<i32>} : memref<80x64xf32, #tpu.memory_space<vmem>>, vector<1x16xf32>,
      %get3A_447 = vector.shape_cast %get3A_446 : vector<1x16xf32> to vector<16xf32>
      %mul3A_448 = arith.mulf %get3A_447, %gather3A_423 : vector<16xf32>
      %swap3A_449 = arith.index_cast %add3A_419 : i32 to index
      %swap3A_450 = arith.constant 32 : index
      %swap3A_451 = tpu.vector_load %arg11[%swap3A_449, %swap3A_450] {strides = array<i32>} : memref<80x64xf32, #tpu.memory_space<vmem>>, vector<1x16xf32>,
      %swap3A_452 = vector.shape_cast %swap3A_451 : vector<1x16xf32> to vector<16xf32>
      %swap3A_453 = vector.shape_cast %mul3A_448 : vector<16xf32> to vector<1x16xf32>
      tpu.vector_store %arg11[%swap3A_449, %swap3A_450], %swap3A_453 {strides = array<i32>} : memref<80x64xf32, #tpu.memory_space<vmem>>, vector<1x16xf32>,
      %get3A_454 = arith.index_cast %add3A_419 : i32 to index
      %get3A_455 = arith.constant 48 : index
      %get3A_456 = tpu.vector_load %arg11[%get3A_454, %get3A_455] {strides = array<i32>} : memref<80x64xf32, #tpu.memory_space<vmem>>, vector<1x16xf32>,
      %get3A_457 = vector.shape_cast %get3A_456 : vector<1x16xf32> to vector<16xf32>
      %mul3A_458 = arith.mulf %get3A_457, %gather3A_423 : vector<16xf32>
      %swap3A_459 = arith.index_cast %add3A_419 : i32 to index
      %swap3A_460 = arith.constant 48 : index
      %swap3A_461 = tpu.vector_load %arg11[%swap3A_459, %swap3A_460] {strides = array<i32>} : memref<80x64xf32, #tpu.memory_space<vmem>>, vector<1x16xf32>,
      %swap3A_462 = vector.shape_cast %swap3A_461 : vector<1x16xf32> to vector<16xf32>
      %swap3A_463 = vector.shape_cast %mul3A_458 : vector<16xf32> to vector<1x16xf32>
      tpu.vector_store %arg11[%swap3A_459, %swap3A_460], %swap3A_463 {strides = array<i32>} : memref<80x64xf32, #tpu.memory_space<vmem>>, vector<1x16xf32>,
      %mul3A_464 = arith.constant 16 : i32
      %mul3A_465 = arith.muli %scan3A_76, %mul3A_464 : i32
      %add3A_466 = arith.constant 8 : i32
      %add3A_467 = arith.addi %mul3A_465, %add3A_466 : i32
      %broadcast_in_dim3A_468 = arith.constant 8 : i32
      %broadcast_in_dim3A_469 = vector.broadcast %broadcast_in_dim3A_468 : i32 to vector<16x1xi32>
      %gather3A_470 = vector.shape_cast %broadcast_in_dim3A_469 : vector<16x1xi32> to vector<16xi32>
      %gather3A_471 = tpu.dynamic_gather %get3A_82[%gather3A_470] in [0] : vector<16xf32>, vector<16xi32> -> vector<16xf32>
      %get3A_472 = arith.index_cast %add3A_467 : i32 to index
      %get3A_473 = arith.constant 0 : index
      %get3A_474 = tpu.vector_load %arg11[%get3A_472, %get3A_473] {strides = array<i32>} : memref<80x64xf32, #tpu.memory_space<vmem>>, vector<1x16xf32>,
      %get3A_475 = vector.shape_cast %get3A_474 : vector<1x16xf32> to vector<16xf32>
      %mul3A_476 = arith.mulf %get3A_475, %gather3A_471 : vector<16xf32>
      %swap3A_477 = arith.index_cast %add3A_467 : i32 to index
      %swap3A_478 = arith.constant 0 : index
      %swap3A_479 = tpu.vector_load %arg11[%swap3A_477, %swap3A_478] {strides = array<i32>} : memref<80x64xf32, #tpu.memory_space<vmem>>, vector<1x16xf32>,
      %swap3A_480 = vector.shape_cast %swap3A_479 : vector<1x16xf32> to vector<16xf32>
      %swap3A_481 = vector.shape_cast %mul3A_476 : vector<16xf32> to vector<1x16xf32>
      tpu.vector_store %arg11[%swap3A_477, %swap3A_478], %swap3A_481 {strides = array<i32>} : memref<80x64xf32, #tpu.memory_space<vmem>>, vector<1x16xf32>,
      %get3A_482 = arith.index_cast %add3A_467 : i32 to index
      %get3A_483 = arith.constant 16 : index
      %get3A_484 = tpu.vector_load %arg11[%get3A_482, %get3A_483] {strides = array<i32>} : memref<80x64xf32, #tpu.memory_space<vmem>>, vector<1x16xf32>,
      %get3A_485 = vector.shape_cast %get3A_484 : vector<1x16xf32> to vector<16xf32>
      %mul3A_486 = arith.mulf %get3A_485, %gather3A_471 : vector<16xf32>
      %swap3A_487 = arith.index_cast %add3A_467 : i32 to index
      %swap3A_488 = arith.constant 16 : index
      %swap3A_489 = tpu.vector_load %arg11[%swap3A_487, %swap3A_488] {strides = array<i32>} : memref<80x64xf32, #tpu.memory_space<vmem>>, vector<1x16xf32>,
      %swap3A_490 = vector.shape_cast %swap3A_489 : vector<1x16xf32> to vector<16xf32>
      %swap3A_491 = vector.shape_cast %mul3A_486 : vector<16xf32> to vector<1x16xf32>
      tpu.vector_store %arg11[%swap3A_487, %swap3A_488], %swap3A_491 {strides = array<i32>} : memref<80x64xf32, #tpu.memory_space<vmem>>, vector<1x16xf32>,
      %get3A_492 = arith.index_cast %add3A_467 : i32 to index
      %get3A_493 = arith.constant 32 : index
      %get3A_494 = tpu.vector_load %arg11[%get3A_492, %get3A_493] {strides = array<i32>} : memref<80x64xf32, #tpu.memory_space<vmem>>, vector<1x16xf32>,
      %get3A_495 = vector.shape_cast %get3A_494 : vector<1x16xf32> to vector<16xf32>
      %mul3A_496 = arith.mulf %get3A_495, %gather3A_471 : vector<16xf32>
      %swap3A_497 = arith.index_cast %add3A_467 : i32 to index
      %swap3A_498 = arith.constant 32 : index
      %swap3A_499 = tpu.vector_load %arg11[%swap3A_497, %swap3A_498] {strides = array<i32>} : memref<80x64xf32, #tpu.memory_space<vmem>>, vector<1x16xf32>,
      %swap3A_500 = vector.shape_cast %swap3A_499 : vector<1x16xf32> to vector<16xf32>
      %swap3A_501 = vector.shape_cast %mul3A_496 : vector<16xf32> to vector<1x16xf32>
      tpu.vector_store %arg11[%swap3A_497, %swap3A_498], %swap3A_501 {strides = array<i32>} : memref<80x64xf32, #tpu.memory_space<vmem>>, vector<1x16xf32>,
      %get3A_502 = arith.index_cast %add3A_467 : i32 to index
      %get3A_503 = arith.constant 48 : index
      %get3A_504 = tpu.vector_load %arg11[%get3A_502, %get3A_503] {strides = array<i32>} : memref<80x64xf32, #tpu.memory_space<vmem>>, vector<1x16xf32>,
      %get3A_505 = vector.shape_cast %get3A_504 : vector<1x16xf32> to vector<16xf32>
      %mul3A_506 = arith.mulf %get3A_505, %gather3A_471 : vector<16xf32>
      %swap3A_507 = arith.index_cast %add3A_467 : i32 to index
      %swap3A_508 = arith.constant 48 : index
      %swap3A_509 = tpu.vector_load %arg11[%swap3A_507, %swap3A_508] {strides = array<i32>} : memref<80x64xf32, #tpu.memory_space<vmem>>, vector<1x16xf32>,
      %swap3A_510 = vector.shape_cast %swap3A_509 : vector<1x16xf32> to vector<16xf32>
      %swap3A_511 = vector.shape_cast %mul3A_506 : vector<16xf32> to vector<1x16xf32>
      tpu.vector_store %arg11[%swap3A_507, %swap3A_508], %swap3A_511 {strides = array<i32>} : memref<80x64xf32, #tpu.memory_space<vmem>>, vector<1x16xf32>,
      %mul3A_512 = arith.constant 16 : i32
      %mul3A_513 = arith.muli %scan3A_76, %mul3A_512 : i32
      %add3A_514 = arith.constant 9 : i32
      %add3A_515 = arith.addi %mul3A_513, %add3A_514 : i32
      %broadcast_in_dim3A_516 = arith.constant 9 : i32
      %broadcast_in_dim3A_517 = vector.broadcast %broadcast_in_dim3A_516 : i32 to vector<16x1xi32>
      %gather3A_518 = vector.shape_cast %broadcast_in_dim3A_517 : vector<16x1xi32> to vector<16xi32>
      %gather3A_519 = tpu.dynamic_gather %get3A_82[%gather3A_518] in [0] : vector<16xf32>, vector<16xi32> -> vector<16xf32>
      %get3A_520 = arith.index_cast %add3A_515 : i32 to index
      %get3A_521 = arith.constant 0 : index
      %get3A_522 = tpu.vector_load %arg11[%get3A_520, %get3A_521] {strides = array<i32>} : memref<80x64xf32, #tpu.memory_space<vmem>>, vector<1x16xf32>,
      %get3A_523 = vector.shape_cast %get3A_522 : vector<1x16xf32> to vector<16xf32>
      %mul3A_524 = arith.mulf %get3A_523, %gather3A_519 : vector<16xf32>
      %swap3A_525 = arith.index_cast %add3A_515 : i32 to index
      %swap3A_526 = arith.constant 0 : index
      %swap3A_527 = tpu.vector_load %arg11[%swap3A_525, %swap3A_526] {strides = array<i32>} : memref<80x64xf32, #tpu.memory_space<vmem>>, vector<1x16xf32>,
      %swap3A_528 = vector.shape_cast %swap3A_527 : vector<1x16xf32> to vector<16xf32>
      %swap3A_529 = vector.shape_cast %mul3A_524 : vector<16xf32> to vector<1x16xf32>
      tpu.vector_store %arg11[%swap3A_525, %swap3A_526], %swap3A_529 {strides = array<i32>} : memref<80x64xf32, #tpu.memory_space<vmem>>, vector<1x16xf32>,
      %get3A_530 = arith.index_cast %add3A_515 : i32 to index
      %get3A_531 = arith.constant 16 : index
      %get3A_532 = tpu.vector_load %arg11[%get3A_530, %get3A_531] {strides = array<i32>} : memref<80x64xf32, #tpu.memory_space<vmem>>, vector<1x16xf32>,
      %get3A_533 = vector.shape_cast %get3A_532 : vector<1x16xf32> to vector<16xf32>
      %mul3A_534 = arith.mulf %get3A_533, %gather3A_519 : vector<16xf32>
      %swap3A_535 = arith.index_cast %add3A_515 : i32 to index
      %swap3A_536 = arith.constant 16 : index
      %swap3A_537 = tpu.vector_load %arg11[%swap3A_535, %swap3A_536] {strides = array<i32>} : memref<80x64xf32, #tpu.memory_space<vmem>>, vector<1x16xf32>,
      %swap3A_538 = vector.shape_cast %swap3A_537 : vector<1x16xf32> to vector<16xf32>
      %swap3A_539 = vector.shape_cast %mul3A_534 : vector<16xf32> to vector<1x16xf32>
      tpu.vector_store %arg11[%swap3A_535, %swap3A_536], %swap3A_539 {strides = array<i32>} : memref<80x64xf32, #tpu.memory_space<vmem>>, vector<1x16xf32>,
      %get3A_540 = arith.index_cast %add3A_515 : i32 to index
      %get3A_541 = arith.constant 32 : index
      %get3A_542 = tpu.vector_load %arg11[%get3A_540, %get3A_541] {strides = array<i32>} : memref<80x64xf32, #tpu.memory_space<vmem>>, vector<1x16xf32>,
      %get3A_543 = vector.shape_cast %get3A_542 : vector<1x16xf32> to vector<16xf32>
      %mul3A_544 = arith.mulf %get3A_543, %gather3A_519 : vector<16xf32>
      %swap3A_545 = arith.index_cast %add3A_515 : i32 to index
      %swap3A_546 = arith.constant 32 : index
      %swap3A_547 = tpu.vector_load %arg11[%swap3A_545, %swap3A_546] {strides = array<i32>} : memref<80x64xf32, #tpu.memory_space<vmem>>, vector<1x16xf32>,
      %swap3A_548 = vector.shape_cast %swap3A_547 : vector<1x16xf32> to vector<16xf32>
      %swap3A_549 = vector.shape_cast %mul3A_544 : vector<16xf32> to vector<1x16xf32>
      tpu.vector_store %arg11[%swap3A_545, %swap3A_546], %swap3A_549 {strides = array<i32>} : memref<80x64xf32, #tpu.memory_space<vmem>>, vector<1x16xf32>,
      %get3A_550 = arith.index_cast %add3A_515 : i32 to index
      %get3A_551 = arith.constant 48 : index
      %get3A_552 = tpu.vector_load %arg11[%get3A_550, %get3A_551] {strides = array<i32>} : memref<80x64xf32, #tpu.memory_space<vmem>>, vector<1x16xf32>,
      %get3A_553 = vector.shape_cast %get3A_552 : vector<1x16xf32> to vector<16xf32>
      %mul3A_554 = arith.mulf %get3A_553, %gather3A_519 : vector<16xf32>
      %swap3A_555 = arith.index_cast %add3A_515 : i32 to index
      %swap3A_556 = arith.constant 48 : index
      %swap3A_557 = tpu.vector_load %arg11[%swap3A_555, %swap3A_556] {strides = array<i32>} : memref<80x64xf32, #tpu.memory_space<vmem>>, vector<1x16xf32>,
      %swap3A_558 = vector.shape_cast %swap3A_557 : vector<1x16xf32> to vector<16xf32>
      %swap3A_559 = vector.shape_cast %mul3A_554 : vector<16xf32> to vector<1x16xf32>
      tpu.vector_store %arg11[%swap3A_555, %swap3A_556], %swap3A_559 {strides = array<i32>} : memref<80x64xf32, #tpu.memory_space<vmem>>, vector<1x16xf32>,
      %mul3A_560 = arith.constant 16 : i32
      %mul3A_561 = arith.muli %scan3A_76, %mul3A_560 : i32
      %add3A_562 = arith.constant 10 : i32
      %add3A_563 = arith.addi %mul3A_561, %add3A_562 : i32
      %broadcast_in_dim3A_564 = arith.constant 10 : i32
      %broadcast_in_dim3A_565 = vector.broadcast %broadcast_in_dim3A_564 : i32 to vector<16x1xi32>
      %gather3A_566 = vector.shape_cast %broadcast_in_dim3A_565 : vector<16x1xi32> to vector<16xi32>
      %gather3A_567 = tpu.dynamic_gather %get3A_82[%gather3A_566] in [0] : vector<16xf32>, vector<16xi32> -> vector<16xf32>
      %get3A_568 = arith.index_cast %add3A_563 : i32 to index
      %get3A_569 = arith.constant 0 : index
      %get3A_570 = tpu.vector_load %arg11[%get3A_568, %get3A_569] {strides = array<i32>} : memref<80x64xf32, #tpu.memory_space<vmem>>, vector<1x16xf32>,
      %get3A_571 = vector.shape_cast %get3A_570 : vector<1x16xf32> to vector<16xf32>
      %mul3A_572 = arith.mulf %get3A_571, %gather3A_567 : vector<16xf32>
      %swap3A_573 = arith.index_cast %add3A_563 : i32 to index
      %swap3A_574 = arith.constant 0 : index
      %swap3A_575 = tpu.vector_load %arg11[%swap3A_573, %swap3A_574] {strides = array<i32>} : memref<80x64xf32, #tpu.memory_space<vmem>>, vector<1x16xf32>,
      %swap3A_576 = vector.shape_cast %swap3A_575 : vector<1x16xf32> to vector<16xf32>
      %swap3A_577 = vector.shape_cast %mul3A_572 : vector<16xf32> to vector<1x16xf32>
      tpu.vector_store %arg11[%swap3A_573, %swap3A_574], %swap3A_577 {strides = array<i32>} : memref<80x64xf32, #tpu.memory_space<vmem>>, vector<1x16xf32>,
      %get3A_578 = arith.index_cast %add3A_563 : i32 to index
      %get3A_579 = arith.constant 16 : index
      %get3A_580 = tpu.vector_load %arg11[%get3A_578, %get3A_579] {strides = array<i32>} : memref<80x64xf32, #tpu.memory_space<vmem>>, vector<1x16xf32>,
      %get3A_581 = vector.shape_cast %get3A_580 : vector<1x16xf32> to vector<16xf32>
      %mul3A_582 = arith.mulf %get3A_581, %gather3A_567 : vector<16xf32>
      %swap3A_583 = arith.index_cast %add3A_563 : i32 to index
      %swap3A_584 = arith.constant 16 : index
      %swap3A_585 = tpu.vector_load %arg11[%swap3A_583, %swap3A_584] {strides = array<i32>} : memref<80x64xf32, #tpu.memory_space<vmem>>, vector<1x16xf32>,
      %swap3A_586 = vector.shape_cast %swap3A_585 : vector<1x16xf32> to vector<16xf32>
      %swap3A_587 = vector.shape_cast %mul3A_582 : vector<16xf32> to vector<1x16xf32>
      tpu.vector_store %arg11[%swap3A_583, %swap3A_584], %swap3A_587 {strides = array<i32>} : memref<80x64xf32, #tpu.memory_space<vmem>>, vector<1x16xf32>,
      %get3A_588 = arith.index_cast %add3A_563 : i32 to index
      %get3A_589 = arith.constant 32 : index
      %get3A_590 = tpu.vector_load %arg11[%get3A_588, %get3A_589] {strides = array<i32>} : memref<80x64xf32, #tpu.memory_space<vmem>>, vector<1x16xf32>,
      %get3A_591 = vector.shape_cast %get3A_590 : vector<1x16xf32> to vector<16xf32>
      %mul3A_592 = arith.mulf %get3A_591, %gather3A_567 : vector<16xf32>
      %swap3A_593 = arith.index_cast %add3A_563 : i32 to index
      %swap3A_594 = arith.constant 32 : index
      %swap3A_595 = tpu.vector_load %arg11[%swap3A_593, %swap3A_594] {strides = array<i32>} : memref<80x64xf32, #tpu.memory_space<vmem>>, vector<1x16xf32>,
      %swap3A_596 = vector.shape_cast %swap3A_595 : vector<1x16xf32> to vector<16xf32>
      %swap3A_597 = vector.shape_cast %mul3A_592 : vector<16xf32> to vector<1x16xf32>
      tpu.vector_store %arg11[%swap3A_593, %swap3A_594], %swap3A_597 {strides = array<i32>} : memref<80x64xf32, #tpu.memory_space<vmem>>, vector<1x16xf32>,
      %get3A_598 = arith.index_cast %add3A_563 : i32 to index
      %get3A_599 = arith.constant 48 : index
      %get3A_600 = tpu.vector_load %arg11[%get3A_598, %get3A_599] {strides = array<i32>} : memref<80x64xf32, #tpu.memory_space<vmem>>, vector<1x16xf32>,
      %get3A_601 = vector.shape_cast %get3A_600 : vector<1x16xf32> to vector<16xf32>
      %mul3A_602 = arith.mulf %get3A_601, %gather3A_567 : vector<16xf32>
      %swap3A_603 = arith.index_cast %add3A_563 : i32 to index
      %swap3A_604 = arith.constant 48 : index
      %swap3A_605 = tpu.vector_load %arg11[%swap3A_603, %swap3A_604] {strides = array<i32>} : memref<80x64xf32, #tpu.memory_space<vmem>>, vector<1x16xf32>,
      %swap3A_606 = vector.shape_cast %swap3A_605 : vector<1x16xf32> to vector<16xf32>
      %swap3A_607 = vector.shape_cast %mul3A_602 : vector<16xf32> to vector<1x16xf32>
      tpu.vector_store %arg11[%swap3A_603, %swap3A_604], %swap3A_607 {strides = array<i32>} : memref<80x64xf32, #tpu.memory_space<vmem>>, vector<1x16xf32>,
      %mul3A_608 = arith.constant 16 : i32
      %mul3A_609 = arith.muli %scan3A_76, %mul3A_608 : i32
      %add3A_610 = arith.constant 11 : i32
      %add3A_611 = arith.addi %mul3A_609, %add3A_610 : i32
      %broadcast_in_dim3A_612 = arith.constant 11 : i32
      %broadcast_in_dim3A_613 = vector.broadcast %broadcast_in_dim3A_612 : i32 to vector<16x1xi32>
      %gather3A_614 = vector.shape_cast %broadcast_in_dim3A_613 : vector<16x1xi32> to vector<16xi32>
      %gather3A_615 = tpu.dynamic_gather %get3A_82[%gather3A_614] in [0] : vector<16xf32>, vector<16xi32> -> vector<16xf32>
      %get3A_616 = arith.index_cast %add3A_611 : i32 to index
      %get3A_617 = arith.constant 0 : index
      %get3A_618 = tpu.vector_load %arg11[%get3A_616, %get3A_617] {strides = array<i32>} : memref<80x64xf32, #tpu.memory_space<vmem>>, vector<1x16xf32>,
      %get3A_619 = vector.shape_cast %get3A_618 : vector<1x16xf32> to vector<16xf32>
      %mul3A_620 = arith.mulf %get3A_619, %gather3A_615 : vector<16xf32>
      %swap3A_621 = arith.index_cast %add3A_611 : i32 to index
      %swap3A_622 = arith.constant 0 : index
      %swap3A_623 = tpu.vector_load %arg11[%swap3A_621, %swap3A_622] {strides = array<i32>} : memref<80x64xf32, #tpu.memory_space<vmem>>, vector<1x16xf32>,
      %swap3A_624 = vector.shape_cast %swap3A_623 : vector<1x16xf32> to vector<16xf32>
      %swap3A_625 = vector.shape_cast %mul3A_620 : vector<16xf32> to vector<1x16xf32>
      tpu.vector_store %arg11[%swap3A_621, %swap3A_622], %swap3A_625 {strides = array<i32>} : memref<80x64xf32, #tpu.memory_space<vmem>>, vector<1x16xf32>,
      %get3A_626 = arith.index_cast %add3A_611 : i32 to index
      %get3A_627 = arith.constant 16 : index
      %get3A_628 = tpu.vector_load %arg11[%get3A_626, %get3A_627] {strides = array<i32>} : memref<80x64xf32, #tpu.memory_space<vmem>>, vector<1x16xf32>,
      %get3A_629 = vector.shape_cast %get3A_628 : vector<1x16xf32> to vector<16xf32>
      %mul3A_630 = arith.mulf %get3A_629, %gather3A_615 : vector<16xf32>
      %swap3A_631 = arith.index_cast %add3A_611 : i32 to index
      %swap3A_632 = arith.constant 16 : index
      %swap3A_633 = tpu.vector_load %arg11[%swap3A_631, %swap3A_632] {strides = array<i32>} : memref<80x64xf32, #tpu.memory_space<vmem>>, vector<1x16xf32>,
      %swap3A_634 = vector.shape_cast %swap3A_633 : vector<1x16xf32> to vector<16xf32>
      %swap3A_635 = vector.shape_cast %mul3A_630 : vector<16xf32> to vector<1x16xf32>
      tpu.vector_store %arg11[%swap3A_631, %swap3A_632], %swap3A_635 {strides = array<i32>} : memref<80x64xf32, #tpu.memory_space<vmem>>, vector<1x16xf32>,
      %get3A_636 = arith.index_cast %add3A_611 : i32 to index
      %get3A_637 = arith.constant 32 : index
      %get3A_638 = tpu.vector_load %arg11[%get3A_636, %get3A_637] {strides = array<i32>} : memref<80x64xf32, #tpu.memory_space<vmem>>, vector<1x16xf32>,
      %get3A_639 = vector.shape_cast %get3A_638 : vector<1x16xf32> to vector<16xf32>
      %mul3A_640 = arith.mulf %get3A_639, %gather3A_615 : vector<16xf32>
      %swap3A_641 = arith.index_cast %add3A_611 : i32 to index
      %swap3A_642 = arith.constant 32 : index
      %swap3A_643 = tpu.vector_load %arg11[%swap3A_641, %swap3A_642] {strides = array<i32>} : memref<80x64xf32, #tpu.memory_space<vmem>>, vector<1x16xf32>,
      %swap3A_644 = vector.shape_cast %swap3A_643 : vector<1x16xf32> to vector<16xf32>
      %swap3A_645 = vector.shape_cast %mul3A_640 : vector<16xf32> to vector<1x16xf32>
      tpu.vector_store %arg11[%swap3A_641, %swap3A_642], %swap3A_645 {strides = array<i32>} : memref<80x64xf32, #tpu.memory_space<vmem>>, vector<1x16xf32>,
      %get3A_646 = arith.index_cast %add3A_611 : i32 to index
      %get3A_647 = arith.constant 48 : index
      %get3A_648 = tpu.vector_load %arg11[%get3A_646, %get3A_647] {strides = array<i32>} : memref<80x64xf32, #tpu.memory_space<vmem>>, vector<1x16xf32>,
      %get3A_649 = vector.shape_cast %get3A_648 : vector<1x16xf32> to vector<16xf32>
      %mul3A_650 = arith.mulf %get3A_649, %gather3A_615 : vector<16xf32>
      %swap3A_651 = arith.index_cast %add3A_611 : i32 to index
      %swap3A_652 = arith.constant 48 : index
      %swap3A_653 = tpu.vector_load %arg11[%swap3A_651, %swap3A_652] {strides = array<i32>} : memref<80x64xf32, #tpu.memory_space<vmem>>, vector<1x16xf32>,
      %swap3A_654 = vector.shape_cast %swap3A_653 : vector<1x16xf32> to vector<16xf32>
      %swap3A_655 = vector.shape_cast %mul3A_650 : vector<16xf32> to vector<1x16xf32>
      tpu.vector_store %arg11[%swap3A_651, %swap3A_652], %swap3A_655 {strides = array<i32>} : memref<80x64xf32, #tpu.memory_space<vmem>>, vector<1x16xf32>,
      %mul3A_656 = arith.constant 16 : i32
      %mul3A_657 = arith.muli %scan3A_76, %mul3A_656 : i32
      %add3A_658 = arith.constant 12 : i32
      %add3A_659 = arith.addi %mul3A_657, %add3A_658 : i32
      %broadcast_in_dim3A_660 = arith.constant 12 : i32
      %broadcast_in_dim3A_661 = vector.broadcast %broadcast_in_dim3A_660 : i32 to vector<16x1xi32>
      %gather3A_662 = vector.shape_cast %broadcast_in_dim3A_661 : vector<16x1xi32> to vector<16xi32>
      %gather3A_663 = tpu.dynamic_gather %get3A_82[%gather3A_662] in [0] : vector<16xf32>, vector<16xi32> -> vector<16xf32>
      %get3A_664 = arith.index_cast %add3A_659 : i32 to index
      %get3A_665 = arith.constant 0 : index
      %get3A_666 = tpu.vector_load %arg11[%get3A_664, %get3A_665] {strides = array<i32>} : memref<80x64xf32, #tpu.memory_space<vmem>>, vector<1x16xf32>,
      %get3A_667 = vector.shape_cast %get3A_666 : vector<1x16xf32> to vector<16xf32>
      %mul3A_668 = arith.mulf %get3A_667, %gather3A_663 : vector<16xf32>
      %swap3A_669 = arith.index_cast %add3A_659 : i32 to index
      %swap3A_670 = arith.constant 0 : index
      %swap3A_671 = tpu.vector_load %arg11[%swap3A_669, %swap3A_670] {strides = array<i32>} : memref<80x64xf32, #tpu.memory_space<vmem>>, vector<1x16xf32>,
      %swap3A_672 = vector.shape_cast %swap3A_671 : vector<1x16xf32> to vector<16xf32>
      %swap3A_673 = vector.shape_cast %mul3A_668 : vector<16xf32> to vector<1x16xf32>
      tpu.vector_store %arg11[%swap3A_669, %swap3A_670], %swap3A_673 {strides = array<i32>} : memref<80x64xf32, #tpu.memory_space<vmem>>, vector<1x16xf32>,
      %get3A_674 = arith.index_cast %add3A_659 : i32 to index
      %get3A_675 = arith.constant 16 : index
      %get3A_676 = tpu.vector_load %arg11[%get3A_674, %get3A_675] {strides = array<i32>} : memref<80x64xf32, #tpu.memory_space<vmem>>, vector<1x16xf32>,
      %get3A_677 = vector.shape_cast %get3A_676 : vector<1x16xf32> to vector<16xf32>
      %mul3A_678 = arith.mulf %get3A_677, %gather3A_663 : vector<16xf32>
      %swap3A_679 = arith.index_cast %add3A_659 : i32 to index
      %swap3A_680 = arith.constant 16 : index
      %swap3A_681 = tpu.vector_load %arg11[%swap3A_679, %swap3A_680] {strides = array<i32>} : memref<80x64xf32, #tpu.memory_space<vmem>>, vector<1x16xf32>,
      %swap3A_682 = vector.shape_cast %swap3A_681 : vector<1x16xf32> to vector<16xf32>
      %swap3A_683 = vector.shape_cast %mul3A_678 : vector<16xf32> to vector<1x16xf32>
      tpu.vector_store %arg11[%swap3A_679, %swap3A_680], %swap3A_683 {strides = array<i32>} : memref<80x64xf32, #tpu.memory_space<vmem>>, vector<1x16xf32>,
      %get3A_684 = arith.index_cast %add3A_659 : i32 to index
      %get3A_685 = arith.constant 32 : index
      %get3A_686 = tpu.vector_load %arg11[%get3A_684, %get3A_685] {strides = array<i32>} : memref<80x64xf32, #tpu.memory_space<vmem>>, vector<1x16xf32>,
      %get3A_687 = vector.shape_cast %get3A_686 : vector<1x16xf32> to vector<16xf32>
      %mul3A_688 = arith.mulf %get3A_687, %gather3A_663 : vector<16xf32>
      %swap3A_689 = arith.index_cast %add3A_659 : i32 to index
      %swap3A_690 = arith.constant 32 : index
      %swap3A_691 = tpu.vector_load %arg11[%swap3A_689, %swap3A_690] {strides = array<i32>} : memref<80x64xf32, #tpu.memory_space<vmem>>, vector<1x16xf32>,
      %swap3A_692 = vector.shape_cast %swap3A_691 : vector<1x16xf32> to vector<16xf32>
      %swap3A_693 = vector.shape_cast %mul3A_688 : vector<16xf32> to vector<1x16xf32>
      tpu.vector_store %arg11[%swap3A_689, %swap3A_690], %swap3A_693 {strides = array<i32>} : memref<80x64xf32, #tpu.memory_space<vmem>>, vector<1x16xf32>,
      %get3A_694 = arith.index_cast %add3A_659 : i32 to index
      %get3A_695 = arith.constant 48 : index
      %get3A_696 = tpu.vector_load %arg11[%get3A_694, %get3A_695] {strides = array<i32>} : memref<80x64xf32, #tpu.memory_space<vmem>>, vector<1x16xf32>,
      %get3A_697 = vector.shape_cast %get3A_696 : vector<1x16xf32> to vector<16xf32>
      %mul3A_698 = arith.mulf %get3A_697, %gather3A_663 : vector<16xf32>
      %swap3A_699 = arith.index_cast %add3A_659 : i32 to index
      %swap3A_700 = arith.constant 48 : index
      %swap3A_701 = tpu.vector_load %arg11[%swap3A_699, %swap3A_700] {strides = array<i32>} : memref<80x64xf32, #tpu.memory_space<vmem>>, vector<1x16xf32>,
      %swap3A_702 = vector.shape_cast %swap3A_701 : vector<1x16xf32> to vector<16xf32>
      %swap3A_703 = vector.shape_cast %mul3A_698 : vector<16xf32> to vector<1x16xf32>
      tpu.vector_store %arg11[%swap3A_699, %swap3A_700], %swap3A_703 {strides = array<i32>} : memref<80x64xf32, #tpu.memory_space<vmem>>, vector<1x16xf32>,
      %mul3A_704 = arith.constant 16 : i32
      %mul3A_705 = arith.muli %scan3A_76, %mul3A_704 : i32
      %add3A_706 = arith.constant 13 : i32
      %add3A_707 = arith.addi %mul3A_705, %add3A_706 : i32
      %broadcast_in_dim3A_708 = arith.constant 13 : i32
      %broadcast_in_dim3A_709 = vector.broadcast %broadcast_in_dim3A_708 : i32 to vector<16x1xi32>
      %gather3A_710 = vector.shape_cast %broadcast_in_dim3A_709 : vector<16x1xi32> to vector<16xi32>
      %gather3A_711 = tpu.dynamic_gather %get3A_82[%gather3A_710] in [0] : vector<16xf32>, vector<16xi32> -> vector<16xf32>
      %get3A_712 = arith.index_cast %add3A_707 : i32 to index
      %get3A_713 = arith.constant 0 : index
      %get3A_714 = tpu.vector_load %arg11[%get3A_712, %get3A_713] {strides = array<i32>} : memref<80x64xf32, #tpu.memory_space<vmem>>, vector<1x16xf32>,
      %get3A_715 = vector.shape_cast %get3A_714 : vector<1x16xf32> to vector<16xf32>
      %mul3A_716 = arith.mulf %get3A_715, %gather3A_711 : vector<16xf32>
      %swap3A_717 = arith.index_cast %add3A_707 : i32 to index
      %swap3A_718 = arith.constant 0 : index
      %swap3A_719 = tpu.vector_load %arg11[%swap3A_717, %swap3A_718] {strides = array<i32>} : memref<80x64xf32, #tpu.memory_space<vmem>>, vector<1x16xf32>,
      %swap3A_720 = vector.shape_cast %swap3A_719 : vector<1x16xf32> to vector<16xf32>
      %swap3A_721 = vector.shape_cast %mul3A_716 : vector<16xf32> to vector<1x16xf32>
      tpu.vector_store %arg11[%swap3A_717, %swap3A_718], %swap3A_721 {strides = array<i32>} : memref<80x64xf32, #tpu.memory_space<vmem>>, vector<1x16xf32>,
      %get3A_722 = arith.index_cast %add3A_707 : i32 to index
      %get3A_723 = arith.constant 16 : index
      %get3A_724 = tpu.vector_load %arg11[%get3A_722, %get3A_723] {strides = array<i32>} : memref<80x64xf32, #tpu.memory_space<vmem>>, vector<1x16xf32>,
      %get3A_725 = vector.shape_cast %get3A_724 : vector<1x16xf32> to vector<16xf32>
      %mul3A_726 = arith.mulf %get3A_725, %gather3A_711 : vector<16xf32>
      %swap3A_727 = arith.index_cast %add3A_707 : i32 to index
      %swap3A_728 = arith.constant 16 : index
      %swap3A_729 = tpu.vector_load %arg11[%swap3A_727, %swap3A_728] {strides = array<i32>} : memref<80x64xf32, #tpu.memory_space<vmem>>, vector<1x16xf32>,
      %swap3A_730 = vector.shape_cast %swap3A_729 : vector<1x16xf32> to vector<16xf32>
      %swap3A_731 = vector.shape_cast %mul3A_726 : vector<16xf32> to vector<1x16xf32>
      tpu.vector_store %arg11[%swap3A_727, %swap3A_728], %swap3A_731 {strides = array<i32>} : memref<80x64xf32, #tpu.memory_space<vmem>>, vector<1x16xf32>,
      %get3A_732 = arith.index_cast %add3A_707 : i32 to index
      %get3A_733 = arith.constant 32 : index
      %get3A_734 = tpu.vector_load %arg11[%get3A_732, %get3A_733] {strides = array<i32>} : memref<80x64xf32, #tpu.memory_space<vmem>>, vector<1x16xf32>,
      %get3A_735 = vector.shape_cast %get3A_734 : vector<1x16xf32> to vector<16xf32>
      %mul3A_736 = arith.mulf %get3A_735, %gather3A_711 : vector<16xf32>
      %swap3A_737 = arith.index_cast %add3A_707 : i32 to index
      %swap3A_738 = arith.constant 32 : index
      %swap3A_739 = tpu.vector_load %arg11[%swap3A_737, %swap3A_738] {strides = array<i32>} : memref<80x64xf32, #tpu.memory_space<vmem>>, vector<1x16xf32>,
      %swap3A_740 = vector.shape_cast %swap3A_739 : vector<1x16xf32> to vector<16xf32>
      %swap3A_741 = vector.shape_cast %mul3A_736 : vector<16xf32> to vector<1x16xf32>
      tpu.vector_store %arg11[%swap3A_737, %swap3A_738], %swap3A_741 {strides = array<i32>} : memref<80x64xf32, #tpu.memory_space<vmem>>, vector<1x16xf32>,
      %get3A_742 = arith.index_cast %add3A_707 : i32 to index
      %get3A_743 = arith.constant 48 : index
      %get3A_744 = tpu.vector_load %arg11[%get3A_742, %get3A_743] {strides = array<i32>} : memref<80x64xf32, #tpu.memory_space<vmem>>, vector<1x16xf32>,
      %get3A_745 = vector.shape_cast %get3A_744 : vector<1x16xf32> to vector<16xf32>
      %mul3A_746 = arith.mulf %get3A_745, %gather3A_711 : vector<16xf32>
      %swap3A_747 = arith.index_cast %add3A_707 : i32 to index
      %swap3A_748 = arith.constant 48 : index
      %swap3A_749 = tpu.vector_load %arg11[%swap3A_747, %swap3A_748] {strides = array<i32>} : memref<80x64xf32, #tpu.memory_space<vmem>>, vector<1x16xf32>,
      %swap3A_750 = vector.shape_cast %swap3A_749 : vector<1x16xf32> to vector<16xf32>
      %swap3A_751 = vector.shape_cast %mul3A_746 : vector<16xf32> to vector<1x16xf32>
      tpu.vector_store %arg11[%swap3A_747, %swap3A_748], %swap3A_751 {strides = array<i32>} : memref<80x64xf32, #tpu.memory_space<vmem>>, vector<1x16xf32>,
      %mul3A_752 = arith.constant 16 : i32
      %mul3A_753 = arith.muli %scan3A_76, %mul3A_752 : i32
      %add3A_754 = arith.constant 14 : i32
      %add3A_755 = arith.addi %mul3A_753, %add3A_754 : i32
      %broadcast_in_dim3A_756 = arith.constant 14 : i32
      %broadcast_in_dim3A_757 = vector.broadcast %broadcast_in_dim3A_756 : i32 to vector<16x1xi32>
      %gather3A_758 = vector.shape_cast %broadcast_in_dim3A_757 : vector<16x1xi32> to vector<16xi32>
      %gather3A_759 = tpu.dynamic_gather %get3A_82[%gather3A_758] in [0] : vector<16xf32>, vector<16xi32> -> vector<16xf32>
      %get3A_760 = arith.index_cast %add3A_755 : i32 to index
      %get3A_761 = arith.constant 0 : index
      %get3A_762 = tpu.vector_load %arg11[%get3A_760, %get3A_761] {strides = array<i32>} : memref<80x64xf32, #tpu.memory_space<vmem>>, vector<1x16xf32>,
      %get3A_763 = vector.shape_cast %get3A_762 : vector<1x16xf32> to vector<16xf32>
      %mul3A_764 = arith.mulf %get3A_763, %gather3A_759 : vector<16xf32>
      %swap3A_765 = arith.index_cast %add3A_755 : i32 to index
      %swap3A_766 = arith.constant 0 : index
      %swap3A_767 = tpu.vector_load %arg11[%swap3A_765, %swap3A_766] {strides = array<i32>} : memref<80x64xf32, #tpu.memory_space<vmem>>, vector<1x16xf32>,
      %swap3A_768 = vector.shape_cast %swap3A_767 : vector<1x16xf32> to vector<16xf32>
      %swap3A_769 = vector.shape_cast %mul3A_764 : vector<16xf32> to vector<1x16xf32>
      tpu.vector_store %arg11[%swap3A_765, %swap3A_766], %swap3A_769 {strides = array<i32>} : memref<80x64xf32, #tpu.memory_space<vmem>>, vector<1x16xf32>,
      %get3A_770 = arith.index_cast %add3A_755 : i32 to index
      %get3A_771 = arith.constant 16 : index
      %get3A_772 = tpu.vector_load %arg11[%get3A_770, %get3A_771] {strides = array<i32>} : memref<80x64xf32, #tpu.memory_space<vmem>>, vector<1x16xf32>,
      %get3A_773 = vector.shape_cast %get3A_772 : vector<1x16xf32> to vector<16xf32>
      %mul3A_774 = arith.mulf %get3A_773, %gather3A_759 : vector<16xf32>
      %swap3A_775 = arith.index_cast %add3A_755 : i32 to index
      %swap3A_776 = arith.constant 16 : index
      %swap3A_777 = tpu.vector_load %arg11[%swap3A_775, %swap3A_776] {strides = array<i32>} : memref<80x64xf32, #tpu.memory_space<vmem>>, vector<1x16xf32>,
      %swap3A_778 = vector.shape_cast %swap3A_777 : vector<1x16xf32> to vector<16xf32>
      %swap3A_779 = vector.shape_cast %mul3A_774 : vector<16xf32> to vector<1x16xf32>
      tpu.vector_store %arg11[%swap3A_775, %swap3A_776], %swap3A_779 {strides = array<i32>} : memref<80x64xf32, #tpu.memory_space<vmem>>, vector<1x16xf32>,
      %get3A_780 = arith.index_cast %add3A_755 : i32 to index
      %get3A_781 = arith.constant 32 : index
      %get3A_782 = tpu.vector_load %arg11[%get3A_780, %get3A_781] {strides = array<i32>} : memref<80x64xf32, #tpu.memory_space<vmem>>, vector<1x16xf32>,
      %get3A_783 = vector.shape_cast %get3A_782 : vector<1x16xf32> to vector<16xf32>
      %mul3A_784 = arith.mulf %get3A_783, %gather3A_759 : vector<16xf32>
      %swap3A_785 = arith.index_cast %add3A_755 : i32 to index
      %swap3A_786 = arith.constant 32 : index
      %swap3A_787 = tpu.vector_load %arg11[%swap3A_785, %swap3A_786] {strides = array<i32>} : memref<80x64xf32, #tpu.memory_space<vmem>>, vector<1x16xf32>,
      %swap3A_788 = vector.shape_cast %swap3A_787 : vector<1x16xf32> to vector<16xf32>
      %swap3A_789 = vector.shape_cast %mul3A_784 : vector<16xf32> to vector<1x16xf32>
      tpu.vector_store %arg11[%swap3A_785, %swap3A_786], %swap3A_789 {strides = array<i32>} : memref<80x64xf32, #tpu.memory_space<vmem>>, vector<1x16xf32>,
      %get3A_790 = arith.index_cast %add3A_755 : i32 to index
      %get3A_791 = arith.constant 48 : index
      %get3A_792 = tpu.vector_load %arg11[%get3A_790, %get3A_791] {strides = array<i32>} : memref<80x64xf32, #tpu.memory_space<vmem>>, vector<1x16xf32>,
      %get3A_793 = vector.shape_cast %get3A_792 : vector<1x16xf32> to vector<16xf32>
      %mul3A_794 = arith.mulf %get3A_793, %gather3A_759 : vector<16xf32>
      %swap3A_795 = arith.index_cast %add3A_755 : i32 to index
      %swap3A_796 = arith.constant 48 : index
      %swap3A_797 = tpu.vector_load %arg11[%swap3A_795, %swap3A_796] {strides = array<i32>} : memref<80x64xf32, #tpu.memory_space<vmem>>, vector<1x16xf32>,
      %swap3A_798 = vector.shape_cast %swap3A_797 : vector<1x16xf32> to vector<16xf32>
      %swap3A_799 = vector.shape_cast %mul3A_794 : vector<16xf32> to vector<1x16xf32>
      tpu.vector_store %arg11[%swap3A_795, %swap3A_796], %swap3A_799 {strides = array<i32>} : memref<80x64xf32, #tpu.memory_space<vmem>>, vector<1x16xf32>,
      %mul3A_800 = arith.constant 16 : i32
      %mul3A_801 = arith.muli %scan3A_76, %mul3A_800 : i32
      %add3A_802 = arith.constant 15 : i32
      %add3A_803 = arith.addi %mul3A_801, %add3A_802 : i32
      %broadcast_in_dim3A_804 = arith.constant 15 : i32
      %broadcast_in_dim3A_805 = vector.broadcast %broadcast_in_dim3A_804 : i32 to vector<16x1xi32>
      %gather3A_806 = vector.shape_cast %broadcast_in_dim3A_805 : vector<16x1xi32> to vector<16xi32>
      %gather3A_807 = tpu.dynamic_gather %get3A_82[%gather3A_806] in [0] : vector<16xf32>, vector<16xi32> -> vector<16xf32>
      %get3A_808 = arith.index_cast %add3A_803 : i32 to index
      %get3A_809 = arith.constant 0 : index
      %get3A_810 = tpu.vector_load %arg11[%get3A_808, %get3A_809] {strides = array<i32>} : memref<80x64xf32, #tpu.memory_space<vmem>>, vector<1x16xf32>,
      %get3A_811 = vector.shape_cast %get3A_810 : vector<1x16xf32> to vector<16xf32>
      %mul3A_812 = arith.mulf %get3A_811, %gather3A_807 : vector<16xf32>
      %swap3A_813 = arith.index_cast %add3A_803 : i32 to index
      %swap3A_814 = arith.constant 0 : index
      %swap3A_815 = tpu.vector_load %arg11[%swap3A_813, %swap3A_814] {strides = array<i32>} : memref<80x64xf32, #tpu.memory_space<vmem>>, vector<1x16xf32>,
      %swap3A_816 = vector.shape_cast %swap3A_815 : vector<1x16xf32> to vector<16xf32>
      %swap3A_817 = vector.shape_cast %mul3A_812 : vector<16xf32> to vector<1x16xf32>
      tpu.vector_store %arg11[%swap3A_813, %swap3A_814], %swap3A_817 {strides = array<i32>} : memref<80x64xf32, #tpu.memory_space<vmem>>, vector<1x16xf32>,
      %get3A_818 = arith.index_cast %add3A_803 : i32 to index
      %get3A_819 = arith.constant 16 : index
      %get3A_820 = tpu.vector_load %arg11[%get3A_818, %get3A_819] {strides = array<i32>} : memref<80x64xf32, #tpu.memory_space<vmem>>, vector<1x16xf32>,
      %get3A_821 = vector.shape_cast %get3A_820 : vector<1x16xf32> to vector<16xf32>
      %mul3A_822 = arith.mulf %get3A_821, %gather3A_807 : vector<16xf32>
      %swap3A_823 = arith.index_cast %add3A_803 : i32 to index
      %swap3A_824 = arith.constant 16 : index
      %swap3A_825 = tpu.vector_load %arg11[%swap3A_823, %swap3A_824] {strides = array<i32>} : memref<80x64xf32, #tpu.memory_space<vmem>>, vector<1x16xf32>,
      %swap3A_826 = vector.shape_cast %swap3A_825 : vector<1x16xf32> to vector<16xf32>
      %swap3A_827 = vector.shape_cast %mul3A_822 : vector<16xf32> to vector<1x16xf32>
      tpu.vector_store %arg11[%swap3A_823, %swap3A_824], %swap3A_827 {strides = array<i32>} : memref<80x64xf32, #tpu.memory_space<vmem>>, vector<1x16xf32>,
      %get3A_828 = arith.index_cast %add3A_803 : i32 to index
      %get3A_829 = arith.constant 32 : index
      %get3A_830 = tpu.vector_load %arg11[%get3A_828, %get3A_829] {strides = array<i32>} : memref<80x64xf32, #tpu.memory_space<vmem>>, vector<1x16xf32>,
      %get3A_831 = vector.shape_cast %get3A_830 : vector<1x16xf32> to vector<16xf32>
      %mul3A_832 = arith.mulf %get3A_831, %gather3A_807 : vector<16xf32>
      %swap3A_833 = arith.index_cast %add3A_803 : i32 to index
      %swap3A_834 = arith.constant 32 : index
      %swap3A_835 = tpu.vector_load %arg11[%swap3A_833, %swap3A_834] {strides = array<i32>} : memref<80x64xf32, #tpu.memory_space<vmem>>, vector<1x16xf32>,
      %swap3A_836 = vector.shape_cast %swap3A_835 : vector<1x16xf32> to vector<16xf32>
      %swap3A_837 = vector.shape_cast %mul3A_832 : vector<16xf32> to vector<1x16xf32>
      tpu.vector_store %arg11[%swap3A_833, %swap3A_834], %swap3A_837 {strides = array<i32>} : memref<80x64xf32, #tpu.memory_space<vmem>>, vector<1x16xf32>,
      %get3A_838 = arith.index_cast %add3A_803 : i32 to index
      %get3A_839 = arith.constant 48 : index
      %get3A_840 = tpu.vector_load %arg11[%get3A_838, %get3A_839] {strides = array<i32>} : memref<80x64xf32, #tpu.memory_space<vmem>>, vector<1x16xf32>,
      %get3A_841 = vector.shape_cast %get3A_840 : vector<1x16xf32> to vector<16xf32>
      %mul3A_842 = arith.mulf %get3A_841, %gather3A_807 : vector<16xf32>
      %swap3A_843 = arith.index_cast %add3A_803 : i32 to index
      %swap3A_844 = arith.constant 48 : index
      %swap3A_845 = tpu.vector_load %arg11[%swap3A_843, %swap3A_844] {strides = array<i32>} : memref<80x64xf32, #tpu.memory_space<vmem>>, vector<1x16xf32>,
      %swap3A_846 = vector.shape_cast %swap3A_845 : vector<1x16xf32> to vector<16xf32>
      %swap3A_847 = vector.shape_cast %mul3A_842 : vector<16xf32> to vector<1x16xf32>
      tpu.vector_store %arg11[%swap3A_843, %swap3A_844], %swap3A_847 {strides = array<i32>} : memref<80x64xf32, #tpu.memory_space<vmem>>, vector<1x16xf32>,
    }
    %scan3A_66 = arith.constant 5 : i32
    %run_scoped3A_67 = arith.constant 249 : i32
    "tpu.region"() ({
      %run_scoped3A_76 = tpu.sem_alloc : memref<!tpu.dma_semaphore, #tpu.memory_space<semaphore_mem>>
      %dma_start3A_77 = arith.constant 0 : i32
      %dma_start3A_78 = tpu.memref_slice %arg8[%run_scoped3A_67, %dma_start3A_77] : memref<250x80xi32, #tpu.memory_space<vmem>> -> memref<1x80xi32, #tpu.memory_space<vmem>>
      %dma_start3A_79 = tpu.memref_squeeze %dma_start3A_78 : memref<1x80xi32, #tpu.memory_space<vmem>> -> memref<80xi32, #tpu.memory_space<vmem>>
      %dma_start3A_80 = arith.constant 0 : i32
      %dma_start3A_81 = arith.constant 0 : i32
      %dma_start3A_82 = tpu.memref_slice %arg13[%dma_start3A_80, %dma_start3A_81] : memref<10240x64xf32, #tpu.memory_space<vmem_shared>> -> memref<10240x64xf32, #tpu.memory_space<vmem_shared>>
      tpu.enqueue_indirect_dma source(%arg11 : memref<80x64xf32, #tpu.memory_space<vmem>>) target(%dma_start3A_82 : memref<10240x64xf32, #tpu.memory_space<vmem_shared>>) offsets(%dma_start3A_79 : memref<80xi32, #tpu.memory_space<vmem>>) semaphore(%run_scoped3A_76 : memref<!tpu.dma_semaphore, #tpu.memory_space<semaphore_mem>>) {add = true}
      %dma_wait3A_83 = arith.constant 0 : i32
      %dma_wait3A_84 = tpu.memref_slice %arg8[%run_scoped3A_67, %dma_wait3A_83] : memref<250x80xi32, #tpu.memory_space<vmem>> -> memref<1x80xi32, #tpu.memory_space<vmem>>
      %dma_wait3A_85 = tpu.memref_squeeze %dma_wait3A_84 : memref<1x80xi32, #tpu.memory_space<vmem>> -> memref<80xi32, #tpu.memory_space<vmem>>
      %dma_wait3A_86 = arith.constant 0 : i32
      %dma_wait3A_87 = arith.constant 0 : i32
      %dma_wait3A_88 = tpu.memref_slice %arg13[%dma_wait3A_86, %dma_wait3A_87] : memref<10240x64xf32, #tpu.memory_space<vmem_shared>> -> memref<10240x64xf32, #tpu.memory_space<vmem_shared>>
      tpu.wait_indirect_dma semaphore(%run_scoped3A_76 : memref<!tpu.dma_semaphore, #tpu.memory_space<semaphore_mem>>) src(%arg11 : memref<80x64xf32, #tpu.memory_space<vmem>>) dst(%dma_wait3A_88 : memref<10240x64xf32, #tpu.memory_space<vmem_shared>>)
      tpu.yield
    }) : () -> ()
    %barrier3A_68 = arith.constant 0 : index
    tpu.barrier barrier_id(%barrier3A_68)
    %mul3A_69 = arith.constant 640 : i32
    %mul3A_70 = arith.muli %arg1, %mul3A_69 : i32
    %mul3A_71 = arith.constant 10240 : i32
    %mul3A_72 = arith.muli %arg0, %mul3A_71 : i32
    %mul3A_73 = arith.constant 640 : i32
    %mul3A_74 = arith.muli %arg1, %mul3A_73 : i32
    %add3A_75 = arith.addi %mul3A_72, %mul3A_74 : i32
    "tpu.region"() ({
      %run_scoped3A_76 = tpu.sem_alloc : memref<!tpu.dma_semaphore, #tpu.memory_space<semaphore_mem>>
      %dma_start3A_77 = arith.constant 0 : i32
      %dma_start3A_78 = tpu.memref_slice %arg6[%add3A_75, %dma_start3A_77] : memref<20480x64xf32, #tpu.memory_space<hbm>> -> memref<640x64xf32, #tpu.memory_space<hbm>>
      %dma_start3A_79 = arith.constant 0 : i32
      %dma_start3A_80 = tpu.memref_slice %arg13[%mul3A_70, %dma_start3A_79] : memref<10240x64xf32, #tpu.memory_space<vmem_shared>> -> memref<640x64xf32, #tpu.memory_space<vmem_shared>>
      tpu.enqueue_dma source(%dma_start3A_80 : memref<640x64xf32, #tpu.memory_space<vmem_shared>>) target(%dma_start3A_78 : memref<640x64xf32, #tpu.memory_space<hbm>>) target_semaphore(%run_scoped3A_76 : memref<!tpu.dma_semaphore, #tpu.memory_space<semaphore_mem>>)
      %dma_wait3A_81 = arith.constant 0 : i32
      %dma_wait3A_82 = tpu.memref_slice %arg6[%add3A_75, %dma_wait3A_81] : memref<20480x64xf32, #tpu.memory_space<hbm>> -> memref<640x64xf32, #tpu.memory_space<hbm>>
      %dma_wait3A_83 = arith.constant 0 : i32
      %dma_wait3A_84 = tpu.memref_slice %arg13[%mul3A_70, %dma_wait3A_83] : memref<10240x64xf32, #tpu.memory_space<vmem_shared>> -> memref<640x64xf32, #tpu.memory_space<vmem_shared>>
      tpu.wait_dma2 semaphore(%run_scoped3A_76 : memref<!tpu.dma_semaphore, #tpu.memory_space<semaphore_mem>>) src(%dma_wait3A_84 : memref<640x64xf32, #tpu.memory_space<vmem_shared>>) dst(%dma_wait3A_82 : memref<640x64xf32, #tpu.memory_space<hbm>>)
      tpu.yield
    }) : () -> ()
    return
  }
}

module attributes {stable_mosaic.version = 14 : i64} {
  func.func @_tc_body(%arg0: i32, %arg1: memref<512x64xf32, #tpu.memory_space<vmem>>, %arg2: memref<512x64xf32, #tpu.memory_space<vmem>>, %arg3: memref<64x128xf32, #tpu.memory_space<vmem>>, %arg4: memref<64x128xf32, #tpu.memory_space<vmem>>, %arg5: memref<1x128xf32, #tpu.memory_space<vmem>>, %arg6: memref<512x128xf32, #tpu.memory_space<vmem>>) attributes {dimension_semantics = [#tpu.dimension_semantics<arbitrary>], iteration_bounds = array<i64: 20>, scalar_prefetch = 0 : i64, scratch_operands = 0 : i64, tpu.core_type = #tpu.core_type<tc>, window_params = [{transform_indices = @transform_0, window_bounds = array<i64: 512, 64>}, {transform_indices = @transform_1, window_bounds = array<i64: 512, 64>}, {transform_indices = @transform_2, window_bounds = array<i64: 64, 128>}, {transform_indices = @transform_3, window_bounds = array<i64: 64, 128>}, {pipeline_mode = #tpu.pipeline_mode<synchronous>, transform_indices = @transform_4, window_bounds = array<i64: 1, 128>}, {transform_indices = @transform_5, window_bounds = array<i64: 512, 128>}]} {
    %get3A = arith.constant 0 : index
    %get3A_0 = arith.constant 0 : index
    %get3A_1 = vector.load %arg1[%get3A, %get3A_0] : memref<512x64xf32, #tpu.memory_space<vmem>>, vector<512x64xf32>
    %get3A_2 = arith.constant 0 : index
    %get3A_3 = arith.constant 0 : index
    %get3A_4 = vector.load %arg3[%get3A_2, %get3A_3] : memref<64x128xf32, #tpu.memory_space<vmem>>, vector<64x128xf32>
    %dot_general3A = arith.constant dense<0.000000e+00> : vector<512x128xf32>
    %dot_general3A_5 = tpu.matmul %get3A_1, %get3A_4, %dot_general3A {dimension_numbers = #tpu.dot_dimension_numbers<[1], [0], [0], [1], [0, 0, 1, 1], [], []>, transpose_lhs_hint = false} : vector<512x64xf32>, vector<64x128xf32>, vector<512x128xf32> -> vector<512x128xf32>
    %get3A_6 = arith.constant 0 : index
    %get3A_7 = arith.constant 0 : index
    %get3A_8 = vector.load %arg2[%get3A_6, %get3A_7] : memref<512x64xf32, #tpu.memory_space<vmem>>, vector<512x64xf32>
    %get3A_9 = arith.constant 0 : index
    %get3A_10 = arith.constant 0 : index
    %get3A_11 = vector.load %arg4[%get3A_9, %get3A_10] : memref<64x128xf32, #tpu.memory_space<vmem>>, vector<64x128xf32>
    %dot_general3A_12 = arith.constant dense<0.000000e+00> : vector<512x128xf32>
    %dot_general3A_13 = tpu.matmul %get3A_8, %get3A_11, %dot_general3A_12 {dimension_numbers = #tpu.dot_dimension_numbers<[1], [0], [0], [1], [0, 0, 1, 1], [], []>, transpose_lhs_hint = false} : vector<512x64xf32>, vector<64x128xf32>, vector<512x128xf32> -> vector<512x128xf32>
    %add3A = arith.addf %dot_general3A_5, %dot_general3A_13 : vector<512x128xf32>
    %get3A_14 = arith.constant 0 : index
    %get3A_15 = arith.constant 0 : index
    %get3A_16 = vector.load %arg5[%get3A_14, %get3A_15] : memref<1x128xf32, #tpu.memory_space<vmem>>, vector<1x128xf32>
    %add3A_17 = vector.broadcast %get3A_16 : vector<1x128xf32> to vector<512x128xf32>
    %add3A_18 = arith.addf %add3A, %add3A_17 : vector<512x128xf32>
    %swap3A = arith.constant 0 : index
    %swap3A_19 = arith.constant 0 : index
    %swap3A_20 = vector.load %arg6[%swap3A, %swap3A_19] : memref<512x128xf32, #tpu.memory_space<vmem>>, vector<512x128xf32>
    tpu.vector_store %arg6[%swap3A, %swap3A_19], %add3A_18 {strides = array<i32>} : memref<512x128xf32, #tpu.memory_space<vmem>>, vector<512x128xf32>,
    return
  }
  func.func @transform_0(%arg0: i32) -> (i32, i32) {
    %c0_i32 = arith.constant 0 : i32
    %c0_i32_0 = arith.constant 0 : i32
    return %arg0, %c0_i32 : i32, i32
  }
  func.func @transform_1(%arg0: i32) -> (i32, i32) {
    %add3A = arith.constant 20 : i32
    %add3A_0 = arith.addi %arg0, %add3A : i32
    %c0_i32 = arith.constant 0 : i32
    %c0_i32_1 = arith.constant 0 : i32
    return %add3A_0, %c0_i32 : i32, i32
  }
  func.func @transform_2(%arg0: i32) -> (i32, i32) {
    %c0_i32 = arith.constant 0 : i32
    %c0_i32_0 = arith.constant 0 : i32
    %c0_i32_1 = arith.constant 0 : i32
    return %c0_i32, %c0_i32_0 : i32, i32
  }
  func.func @transform_3(%arg0: i32) -> (i32, i32) {
    %c1_i32 = arith.constant 1 : i32
    %c0_i32 = arith.constant 0 : i32
    %c0_i32_0 = arith.constant 0 : i32
    return %c1_i32, %c0_i32 : i32, i32
  }
  func.func @transform_4(%arg0: i32) -> (i32, i32) {
    %c0_i32 = arith.constant 0 : i32
    %c0_i32_0 = arith.constant 0 : i32
    %c0_i32_1 = arith.constant 0 : i32
    return %c0_i32, %c0_i32_0 : i32, i32
  }
  func.func @transform_5(%arg0: i32) -> (i32, i32) {
    %c0_i32 = arith.constant 0 : i32
    %c0_i32_0 = arith.constant 0 : i32
    return %arg0, %c0_i32 : i32, i32
  }
}

</mosaic_0001>

<sc_bundles>
// kernel: kernel.4.cloned.1.call-start
scs
__scs_entry_jumppad:
0x0: {  	(pc) =	sbr.rel $0x88, $3  }
0x1: {  	(tag) =	ssettag $0x0;
	lr =	simm.s32 $0x1  }
0x2: {  	[smem:$0x3F9C] =	sst lr;
	_ =	strace $0xD0000000  }
0x3: {  	_ = 	snop  }
0x4: {  	_ = 	snop  }
0x5: {  	_ = 	snop  }
0x6: {  	_ = 	snop  }
0x7: {  	_ = 	snop  }
__scs_overlays_trampoline_lowered:
0x8: {  	[smem:$0x3FAB] =	sst s0  }
0x9: {  	[smem:$0x3FAC] =	sst s1  }
0xa: {  	[smem:$0x3FAD] =	sst s2  }
0xb: {  	[smem:$0x3FAE] =	sst s3  }
0xc: {  	[smem:$0x3FAF] =	sst s4  }
0xd: {  	[smem:$0x3FB0] =	sst s5  }
0xe: {  	[smem:$0x3FB1] =	sst s6  }
0xf: {  	[smem:$0x3FB2] =	sst s7  }
0x10: {  	[smem:$0x3FB3] =	sst s8  }
0x11: {  	[smem:$0x3FB4] =	sst s9;
	s0 =	simm.s32 @!p0 $0x0  }
0x12: {  	s1 =	sld [smem:$0x3F9A];
	s0 =	simm.s32 @p0 $0x1  }
0x13: {  	[smem:$0x3FB5] =	sst s0;
	s0 =	simm.s32 @!p1 $0x0  }
0x14: {  	s2 =	sld [smem:$0x3F99];
	s0 =	simm.s32 @p1 $0x1  }
0x15: {  	[smem:$0x3FB6] =	sst s0;
	s0 =	simm.s32 @!p2 $0x0  }
0x16: {  	s3 =	sld [smem:$0x3FDB];
	s0 =	simm.s32 @p2 $0x1  }
0x17: {  	s4 =	simm.s32 $0x1BF5;
	[smem:$0x3FB8] =	sst s0  }
0x18: {  	s0 =	sld [smem:$0x3F9B];
	_ =	swait.ge [sflag:s4], $0x0  }
0x19: {  	s7 =	sld [smem:$0x3F9C]  }
0x1a: {  	s8 =	sadd.s32 $0xFFFFE003, lr  }
0x1b: {  	s9 =	sadd.s32 $0xFFFFFEF7, lr;
	s5 =	simm.s32 $0xFFFFFFFF;
	p2 =	slt.u32 s8, $0xFFFFF086  }
0x1c: {  	p1 =	slt.u32 s9, $0xF7A;
	s5 =	simm.s32 @!p2 $0x0  }
0x1d: {  	s5 =	simm.s32 @p1 $0x1;
	p0 =	seq.s32 s7, s2  }
0x1e: {  	s7 =	smul.u32 @!p0 $0xF7A, s2;
	p2 =	seq.s32 @!p0 s5, $0x0  }
0x1f: {  	s9 =	smul.u32 $0xF7A, s1;
	s8 =	simm.s32 @!p0 $0x1BF5;
	p2 =	por !p2, p0  }
0x20: {  	[sflag:s8] =	ssyncset.s32 @!p0 $0xFFFFF086;
	s6 =	sadd.s32 @!p0 s3, s7;
	s7 =	simm.s32 @!p0 $0x108  }
0x21: {  	s3 =	sadd.s32 s3, s9;
	s6 =	sadd.s32 @!p0 $0x88, s6;
	s7 =	simm.s32 @p2 $0x1082  }
0x22: {  	[simem:s7], [sflag:s8] =	dma.local @!p0 [hbm:s6], $0xF7A  }
0x23: {  	s9 =	sor.u32 $0xD0000000, s2;
	s6 =	simm.s32 $0x108;
	_ =	swait.ge @!p0 [sflag:s8], $0x0  }
0x24: {  	s3 =	sadd.s32 $0x88, s3;
	s6 =	simm.s32 @!p1 $0x1082;
	[sflag:s4] =	ssyncset.s32 $0xFFFFF086  }
0x25: {  	[simem:s6], [sflag:s4] =	dma.local [hbm:s3], $0xF7A  }
0x26: {  	[smem:$0x3F9C] =	sst s1;
	(tag) =	ssettag s2;
	_ =	strace s9  }
0x27: {  	s1 =	sld [smem:$0x3FAC]  }
0x28: {  	s2 =	sld [smem:$0x3FAD]  }
0x29: {  	s4 =	sld [smem:$0x3FAF]  }
0x2a: {  	p0 =	seq.s32 s5, $0x0;
	s5 =	sld [smem:$0x3FB0]  }
0x2b: {  	s6 =	sld [smem:$0x3FB1]  }
0x2c: {  	s7 =	sld [smem:$0x3FB2]  }
0x2d: {  	s3 =	simm.s32 $0x108;
	s8 =	sld [smem:$0x3FB3]  }
0x2e: {  	s3 =	simm.s32 @!p0 $0x1082;
	s9 =	sld [smem:$0x3FB4]  }
0x2f: {  	lr =	sadd.s32 s0, s3;
	s0 =	sld [smem:$0x3FAB]  }
0x30: {  	s3 =	sld [smem:$0x3FAE]  }
0x31: {  	[smem:$0x3FB7] =	sst s10  }
0x32: {  	s10 =	sld [smem:$0x3FB5];
	_ =	sdelay $0x3  }
0x33: {  	p0 =	seq.s32 s10, $0x1;
	s10 =	sld [smem:$0x3FB7];
	_ =	sdelay $0x3  }
0x34: {  	[smem:$0x3FB7] =	sst s10  }
0x35: {  	s10 =	sld [smem:$0x3FB6];
	_ =	sdelay $0x3  }
0x36: {  	p1 =	seq.s32 s10, $0x1;
	s10 =	sld [smem:$0x3FB7];
	_ =	sdelay $0x3  }
0x37: {  	[smem:$0x3FB7] =	sst s10  }
0x38: {  	s10 =	sld [smem:$0x3FB8]  }
0x39: {  	_ = 	snop;
	(pc) =	sbr.ind lr, $3  }
0x3a: {  	_ = 	snop  }
0x3b: {  	_ = 	snop  }
0x3c: {  	p2 =	seq.s32 s10, $0x1;
	s10 =	sld [smem:$0x3FB7]  }
0x3d: {  	_ =	shalt  }
0x3e: {  	_ =	shalt  }
0x3f: {  	_ =	shalt  }
0x40: {  	_ =	shalt  }
0x41: {  	_ =	shalt  }
0x42: {  	_ =	shalt  }
0x43: {  	_ =	shalt  }
0x44: {  	_ =	shalt  }
0x45: {  	_ =	shalt  }
0x46: {  	_ =	shalt  }
0x47: {  	_ =	shalt  }
0x48: {  	_ =	shalt  }
0x49: {  	_ =	shalt  }
0x4a: {  	_ =	shalt  }
0x4b: {  	_ =	shalt  }
0x4c: {  	_ =	shalt  }
0x4d: {  	_ =	shalt  }
0x4e: {  	_ =	shalt  }
0x4f: {  	_ =	shalt  }
0x50: {  	_ =	shalt  }
0x51: {  	_ =	shalt  }
0x52: {  	_ =	shalt  }
0x53: {  	_ =	shalt  }
0x54: {  	_ =	shalt  }
0x55: {  	_ =	shalt  }
0x56: {  	_ =	shalt  }
0x57: {  	_ =	shalt  }
0x58: {  	_ =	shalt  }
0x59: {  	_ =	shalt  }
0x5a: {  	_ =	shalt  }
0x5b: {  	_ =	shalt  }
0x5c: {  	_ =	shalt  }
0x5d: {  	_ =	shalt  }
0x5e: {  	_ =	shalt  }
0x5f: {  	_ =	shalt  }
0x60: {  	_ =	shalt  }
0x61: {  	_ =	shalt  }
0x62: {  	_ =	shalt  }
0x63: {  	_ =	shalt  }
0x64: {  	_ =	shalt  }
0x65: {  	_ =	shalt  }
0x66: {  	_ =	shalt  }
0x67: {  	_ =	shalt  }
0x68: {  	_ =	shalt  }
0x69: {  	_ =	shalt  }
0x6a: {  	_ =	shalt  }
0x6b: {  	_ =	shalt  }
0x6c: {  	_ =	shalt  }
0x6d: {  	_ =	shalt  }
0x6e: {  	_ =	shalt  }
0x6f: {  	_ =	shalt  }
0x70: {  	_ =	shalt  }
0x71: {  	_ =	shalt  }
0x72: {  	_ =	shalt  }
0x73: {  	_ =	shalt  }
0x74: {  	_ =	shalt  }
0x75: {  	_ =	shalt  }
0x76: {  	_ =	shalt  }
0x77: {  	_ =	shalt  }
0x78: {  	_ =	shalt  }
0x79: {  	_ =	shalt  }
0x7a: {  	_ =	shalt  }
0x7b: {  	_ =	shalt  }
0x7c: {  	_ =	shalt  }
0x7d: {  	_ =	shalt  }
0x7e: {  	_ =	shalt  }
0x7f: {  	_ =	shalt  }
0x80: {  	_ =	shalt  }
0x81: {  	_ =	shalt  }
0x82: {  	_ =	shalt  }
0x83: {  	_ =	shalt  }
0x84: {  	_ =	shalt  }
0x85: {  	_ =	shalt  }
0x86: {  	_ =	shalt  }
0x87: {  	_ =	shalt  }
.Lfunc_end0:
.L_simem_size_0:
called_computation_lowered:
.L_overlay_start_0:
0x88: {  	s2 =	sld [smem:$0x3FD9]  }
0x89: {  	s3 =	sld [smem:$0x3FFE];
	_ =	sdelay $0x1  }
0x8a: {  	s1 =	srdreg.scid  }
0x8b: {  	s0 =	sand.u32 $0x1, s1  }
0x8c: {  	s17 =	sshll.u32 s0, $0xA;
	s2 =	sadd.s32 s3, s2  }
0x8d: {  	s2 =	sadd.s32 s2, s17  }
0x8e: {  	[smem:$0x3FC3] =	sst s2  }
0x8f: {  	_ = 	snop  }
0x90: {  	s2 =	sld [smem:$0x3FC8]  }
0x91: {  	s18 =	sld [smem:$0x3FD0];
	(tm) =	ssettm $0x1  }
0x92: {  	s4 =	sld [smem:$0x3FFB];
	_ =	sdelay $0x3  }
0x93: {  	_ =	strace s4  }
0x94: {  	s4 =	sld [smem:$0x3FFC];
	_ =	sdelay $0x3  }
0x95: {  	_ =	strace s4  }
0x96: {  	s4 =	sld [smem:$0x3FFD];
	_ =	sdelay $0x3  }
0x97: {  	_ =	strace s4  }
0x98: {  	_ =	strace $0x8FFFFFFF  }
0x99: {  	s19 =	sld [smem:$0x3FDB];
	_ =	sdelay $0x1  }
0x9a: {  	s5 =	simm.s32 $_scs_section_size  }
0x9b: {  	s6 =	simm.s32 $_size__tile_overlayer_lowered;
	s7 =	simm.s32 $_tile_overlayer_lowered  }
0x9c: {  	s22 =	simm.s32 $0x1BFF;
	s21 =	sshll.u32 s7, $0x1;
	s4 =	sadd.s32 s5, s19  }
0x9d: {  	s8 =	simm.s32 $0x0;
	s20 =	sshll.u32 s6, $0x1;
	s6 =	sadd.s32 s21, s4  }
0x9e: {  	[timem:s8], [sflag:s22] =	dma.local [hbm:s6], s20  }
0x9f: {  	_ =	swait.ge [sflag:s22], s20  }
0xa0: {  	s5 =	ssub.s32 $0x0, s20;
	[sflag:s22] =	ssyncset.done $0x0  }
0xa1: {  	[sflag:s22] =	ssyncadd.s32 s5;
	_ =	sdelay $0x1  }
0xa2: {  	s23 =	simm.s32 $0x1B8B  }
0xa3: {  	_ =	swait.ge [sflag:s23], $0x1  }
0xa4: {  	[sflag:s23] =	ssyncset.done $0x0  }
0xa5: {  	s25 =	simm.s32 $0x1B8E;
	s24 =	sld [smem:$0x3FFE];
	[sflag:s23] =	ssyncadd.s32 $0xFFFFFFFF  }
0xa6: {  	s26 =	simm.s32 $execute0_lowered;
	[smem:$0x3FD2] =	sst s25  }
0xa7: {  	s6 =	sshll.u32 s26, $0x1;
	_ =	strace $0x80000046;
	[dreg:$0x1] =	wrdreg $0xFFFFFFFF  }
0xa8: {  	s28 =	simm.s32 $_size_execute0_lowered;
	s4 =	sadd.s32 s4, s6;
	[dreg:$0x0] =	wrdreg $0x0  }
0xa9: {  	s6 =	sshll.u32 s28, $0x1;
	[dreg:$0x2] =	wrdreg s4  }
0xaa: {  	[dreg:$0x3] =	wrdreg s6  }
0xab: {  	[dreg:$0x4] =	wrdreg $0xC0  }
0xac: {  	_ =	task [dreg:s8], $0x5FFFF  }
0xad: {  	[dreg:$0x1] =	wrdreg $0xFFFFFFFF  }
0xae: {  	[dreg:$0x0] =	wrdreg $0x60  }
0xaf: {  	[dreg:$0x2] =	wrdreg s24  }
0xb0: {  	[dreg:$0x3] =	wrdreg s2  }
0xb1: {  	[dreg:$0x4] =	wrdreg s18  }
0xb2: {  	[dreg:$0x5] =	wrdreg $0x132600  }
0xb3: {  	[dreg:$0x6] =	wrdreg $0x9  }
0xb4: {  	_ =	task.clear_ibuf [dreg:s8], $0x7FFFF;
	_ =	strace $0x90000046  }
0xb5: {  	s29 =	simm.s32 $0x9;
	_ =	strace $0x80000048  }
0xb6: {  	_ =	swait.ge [sflag:s29], $0x1  }
0xb7: {  	[sflag:s29] =	ssyncadd.s32 $0xFFFFFFFF  }
0xb8: {  	_ =	strace $0x90000048  }
0xb9: {  	_ =	sfence  }
0xba: {  	s30 =	sld [smem:$0x0];
	_ =	sdelay $0x2  }
0xbb: {  	s31 =	sshll.u32 s1, $0xD;
	s1 =	sshrl.u32 s1, $0x2  }
0xbc: {  	s3 =	sand.u32 $0x4000, s31;
	s1 =	sadd.s32 s1, s30  }
0xbd: {  	s0 =	sor.u32 s3, s0;
	s1 =	sshll.u32 s1, $0x11  }
0xbe: {  	s0 =	sor.u32 s1, s0  }
0xbf: {  	s0 =	sadd.s32 $0x8F2B, s0  }
0xc0: {  	[sflag:s0] =	ssyncadd.remote.s32 $0x1  }
0xc1: {  	_ =	sfence.sel $0xFFFF  }
0xc2: {  	[dreg:$0x0] =	wrdreg $0xFFFFFFFF;
	(pc) =	sbr.abs _section_cstart, $3  }
0xc3: {  	[dreg:$0x1] =	wrdreg $0xFFFFFFFF  }
0xc4: {  	_ =	task.clear_ibuf [dreg:s8], $0x2FFFF;
	_ =	strace $0x9FFFFFFF  }
0xc5: {  	(tm) =	ssettm $0x7FFFFFFF  }
tec
execute0_lowered:
.L_overlay_start_1:
0x0: {  	(tag) =	ssettag $0x1  }
0x1: {  	s0 =	rddreg [dreg:$0x0]  }
0x2: {  	s7 =	rddreg [dreg:$0x1]  }
0x3: {  	s2 =	rddreg [dreg:$0x2]  }
0x4: {  	s3 =	rddreg [dreg:$0x3]  }
0x5: {  	s1 =	stileid.u32;
	s5 =	srdreg.scid  }
0x6: {  	s4 =	simm.s32 $0x0;
	s15 =	simm.s32 $0x3;
	s18 =	simm.s32 $0x11260  }
0x7: {  	s19 =	simm.s32 $0x50;
	s20 =	simm.s32 $0xEA60;
	s6 =	smul.u32 $0x4E20, s1  }
0x8: {  	s21 =	simm.s32 $0x1;
	s22 =	simm.s32 $0xFE60;
	s9 =	smul.u32 $0x1400, s1  }
0x9: {  	s23 =	simm.s32 $0x2;
	s5 =	sand.u32 $0x1, s5;
	s12 =	smul.u32 $0x28000, s1  }
0xa: {  	s26 =	simm.s32 $0x9BF0;
	s28 =	simm.s32 $0x0;
	s8 =	smul.u32 $0x4E200, s5  }
0xb: {  	[smem:$0x7FF] =	sst s4;
	s29 =	smul.u32 $0x14000, s5;
	s5 =	ssub.s32 $0x2, s5  }
0xc: {  	_ =	strace $0x80000047;
	s10 =	sshrl.u32 s6, $0x3;
	s30 =	sshrl.u32 s5, $0x1  }
0xd: {  	v0 =	vimm.f32 $0.0e+00;
	v1 =	vimm.s32 $0x0;
	s31 =	sshrl.u32 s12, $0x2;
	s6 =	sadd.s32 s6, s8;
	s11 =	sadd.s32 s10, s0  }
0xe: {  	v2 =	vimm.s32 $0x1;
	v3 =	vimm.s32 $0x2;
	v4 =	vimm.s32 $0x3;
	s8 =	sadd.s32 s9, s29;
	s14 =	ssub.s32 s5, s30;
	s6 =	sshrl.u32 s6, $0x3  }
0xf: {  	v5 =	vimm.s32 $0x4;
	v6 =	vimm.s32 $0x5;
	v7 =	vimm.s32 $0x6;
	s7 =	sadd.s32 s7, s10;
	s14 =	smax.u32 s14, $0x1;
	s6 =	sadd.s32 s6, s0  }
0x10: {  	v8 =	vimm.s32 $0x7;
	v9 =	vimm.s32 $0x8;
	v10 =	vimm.s32 $0x9;
	s0 =	sadd.s32 s8, s0;
	s5 =	sadd.s32 $0xA800, s6;
	s6 =	sadd.s32 s31, s3  }
0x11: {  	v11 =	vimm.s32 $0xA;
	v12 =	vimm.s32 $0xB;
	v13 =	vimm.s32 $0xC;
	s8 =	sadd.s32 $0xA00, s11;
	s13 =	sadd.s32 $0x1E200, s0;
	s9 =	sadd.s32 $0x2000, s6  }
0x12: {  	v14 =	vimm.s32 $0xD;
	v15 =	vimm.s32 $0xE;
	v16 =	vimm.s32 $0xF;
	s10 =	sadd.s32 $0x4000, s6;
	s11 =	sadd.s32 $0x6000, s6;
	s12 =	sadd.s32 $0x8000, s6  }
.LBB2_1:
0x13: {  	[tilespmem:s4], [sflag:$0x3] =	stream.linear.gather [hbm4b:s5+s4], $0x4E20, $0x38;
	[tilespmem:$0x1D260] =	vst v63  }
0x14: {  	_ =	swait.ge [sflag:s15], $0x4E20  }
0x15: {  	[sflag:s15] =	ssyncset.done $0x0  }
0x16: {  	s0 =	simm.s32 $0x9C40;
	[sflag:s15] =	ssyncadd.s32 $0xFFFFB1E0  }
0x17: {  	[tilespmem:s0], [sflag:$0x3] =	stream.linear.gather [hbm4b:s7+s4], $0x4E20, $0x38;
	[tilespmem:$0x1D260] =	vst v63  }
0x18: {  	_ =	swait.ge [sflag:s15], $0x4E20  }
0x19: {  	[sflag:s15] =	ssyncset.done $0x0  }
0x1a: {  	s31 =	simm.s32 $0x4E20;
	[sflag:s15] =	ssyncadd.s32 $0xFFFFB1E0  }
0x1b: {  	[tilespmem:s31], [sflag:$0x3] =	stream.linear.gather [hbm4b:s8+s4], $0x4E20, $0x38;
	[tilespmem:$0x1D260] =	vst v63  }
0x1c: {  	_ =	swait.ge [sflag:s15], $0x4E20  }
0x1d: {  	[sflag:s15] =	ssyncset.done $0x0  }
0x1e: {  	s16 =	simm.s32 $0x100;
	s0 =	simm.s32 $0x0;
	[sflag:s15] =	ssyncadd.s32 $0xFFFFB1E0  }
.LBB2_2:
0x1f: {  	p0 =	sne.s32 s16, $0x7F00;
	[tilespmem:s0+$0x11290] =	vst v0;
	s17 =	smov.u32 s16;
	s16 =	sadd.s32 $0x100, s16  }
.Ltmp0:
0x20: {  	[tilespmem:s0+$0x11280] =	vst v0;
	(pc) =	sbr.rel @p0 .LBB2_2-.Ltmp0, $3  }
0x21: {  	[tilespmem:s0+$0x11260] =	vst v0  }
0x22: {  	[tilespmem:s0+$0x11270] =	vst v0;
	_ =	sdelay $0x1  }
0x23: {  	s0 =	sshra.s32 s17, $0x2  }
0x24: {  	[tilespmem:s0+$0x11290] =	vst v0  }
0x25: {  	[tilespmem:s0+$0x11280] =	vst v0  }
0x26: {  	[tilespmem:s0+$0x11260] =	vst v0  }
0x27: {  	[tilespmem:s0+$0x11270] =	vst v0  }
0x28: {  	[spmem:s6] =	stream.linear.scatter [tilespmem:s18], [sflag:$0x3], $0x2000, $0x38;
	[tilespmem:$0x1D260] =	vst v63  }
0x29: {  	_ =	swait.ge [sflag:s15], $0x2000  }
0x2a: {  	[sflag:s15] =	ssyncset.done $0x0  }
0x2b: {  	[sflag:s15] =	ssyncadd.s32 $0xFFFFE000  }
0x2c: {  	[spmem:s9] =	stream.linear.scatter [tilespmem:s18], [sflag:$0x3], $0x2000, $0x38;
	[tilespmem:$0x1D260] =	vst v63  }
0x2d: {  	_ =	swait.ge [sflag:s15], $0x2000  }
0x2e: {  	[sflag:s15] =	ssyncset.done $0x0  }
0x2f: {  	[sflag:s15] =	ssyncadd.s32 $0xFFFFE000  }
0x30: {  	[spmem:s10] =	stream.linear.scatter [tilespmem:s18], [sflag:$0x3], $0x2000, $0x38;
	[tilespmem:$0x1D260] =	vst v63  }
0x31: {  	_ =	swait.ge [sflag:s15], $0x2000  }
0x32: {  	[sflag:s15] =	ssyncset.done $0x0  }
0x33: {  	[sflag:s15] =	ssyncadd.s32 $0xFFFFE000  }
0x34: {  	[spmem:s11] =	stream.linear.scatter [tilespmem:s18], [sflag:$0x3], $0x2000, $0x38;
	[tilespmem:$0x1D260] =	vst v63  }
0x35: {  	_ =	swait.ge [sflag:s15], $0x2000  }
0x36: {  	[sflag:s15] =	ssyncset.done $0x0  }
0x37: {  	[sflag:s15] =	ssyncadd.s32 $0xFFFFE000  }
0x38: {  	[spmem:s12] =	stream.linear.scatter [tilespmem:s18], [sflag:$0x3], $0x2000, $0x38;
	[tilespmem:$0x1D260] =	vst v63  }
0x39: {  	_ =	swait.ge [sflag:s15], $0x2000  }
0x3a: {  	[sflag:s15] =	ssyncset.done $0x0  }
0x3b: {  	s29 =	simm.s32 $0x0;
	[sflag:s15] =	ssyncadd.s32 $0xFFFFE000  }
0x3c: {  	s30 =	simm.s32 $0x9C40;
	s31 =	simm.s32 $0x9C90;
	[bflag:$0x0] =	sbarrier.arrive $0xFFFF  }
0x3d: {  	[tilespmem:s20], [sflag:$0x1] =	stream.indirect.gather [hbm4b:s2+s19], $0x40, s29, s19, $0xb8;
	[tilespmem:$0x1D260] =	vst v63  }
.LBB2_4:
0x3e: {  	_ =	swait.ge [sflag:s21], $0x1400;
	s0 =	smul.u32 $0xA0, s29;
	v17 =	vmov s30  }
0x3f: {  	s16 =	smul.u32 $0x280, s29;
	s17 =	simm.s32 $0xEC60;
	[sflag:s21] =	ssyncset.done $0x0  }
0x40: {  	s24 =	simm.s32 $0x0;
	[sflag:s21] =	ssyncadd.s32 $0xFFFFEC00;
	s0 =	sadd.s32 $0x50, s0  }
0x41: {  	[tilespmem:s22], [sflag:$0x2] =	stream.indirect.gather [hbm4b:s2+s19], $0x40, s0, s19, $0xb8;
	[tilespmem:$0x1D260] =	vst v63  }
.LBB2_5:
0x42: {  	s25 =	sshra.s32 s24, $0x2  }
0x43: {  	v18 =	vld.idx.msk [tilespmem:v17+s25+$0x0 ss:$0x1], $0xffff;
	_ =	sdelay $0x1  }
0x44: {  	v19 =	vld [tilespmem:s17+$0xFFFFFE00];
	_ =	sdelay $0x2  }
0x45: {  	v20 =	vperm.xlane v18, v1;
	_ =	sdelay $0x1  }
0x46: {  	v19 =	vmul.f32 v19, v20;
	_ =	sdelay $0x1  }
0x47: {  	[tilespmem:s17+$0xFFFFFE00] =	vst v19;
	v19 =	vld [tilespmem:s17+$0xFFFFFE10];
	_ =	sdelay $0x4  }
0x48: {  	v19 =	vmul.f32 v19, v20;
	_ =	sdelay $0x1  }
0x49: {  	[tilespmem:s17+$0xFFFFFE10] =	vst v19;
	v19 =	vld [tilespmem:s17+$0xFFFFFE20];
	_ =	sdelay $0x4  }
0x4a: {  	v19 =	vmul.f32 v19, v20;
	_ =	sdelay $0x1  }
0x4b: {  	[tilespmem:s17+$0xFFFFFE20] =	vst v19;
	v19 =	vld [tilespmem:s17+$0xFFFFFE30];
	_ =	sdelay $0x4  }
0x4c: {  	v19 =	vmul.f32 v19, v20;
	_ =	sdelay $0x1  }
0x4d: {  	[tilespmem:s17+$0xFFFFFE30] =	vst v19;
	v19 =	vld [tilespmem:s17+$0xFFFFFE40];
	_ =	sdelay $0x2  }
0x4e: {  	v50 =	vperm.xlane v18, v2;
	_ =	sdelay $0x1  }
0x4f: {  	v19 =	vmul.f32 v19, v50;
	_ =	sdelay $0x1  }
0x50: {  	[tilespmem:s17+$0xFFFFFE40] =	vst v19;
	v19 =	vld [tilespmem:s17+$0xFFFFFE50];
	_ =	sdelay $0x4  }
0x51: {  	v19 =	vmul.f32 v19, v50;
	_ =	sdelay $0x1  }
0x52: {  	[tilespmem:s17+$0xFFFFFE50] =	vst v19;
	v19 =	vld [tilespmem:s17+$0xFFFFFE60];
	_ =	sdelay $0x4  }
0x53: {  	v19 =	vmul.f32 v19, v50;
	_ =	sdelay $0x1  }
0x54: {  	[tilespmem:s17+$0xFFFFFE60] =	vst v19;
	v19 =	vld [tilespmem:s17+$0xFFFFFE70];
	_ =	sdelay $0x4  }
0x55: {  	v19 =	vmul.f32 v19, v50;
	_ =	sdelay $0x1  }
0x56: {  	[tilespmem:s17+$0xFFFFFE70] =	vst v19;
	v19 =	vld [tilespmem:s17+$0xFFFFFE80];
	_ =	sdelay $0x2  }
0x57: {  	v51 =	vperm.xlane v18, v3;
	_ =	sdelay $0x1  }
0x58: {  	v19 =	vmul.f32 v19, v51;
	_ =	sdelay $0x1  }
0x59: {  	[tilespmem:s17+$0xFFFFFE80] =	vst v19;
	v19 =	vld [tilespmem:s17+$0xFFFFFE90];
	_ =	sdelay $0x4  }
0x5a: {  	v19 =	vmul.f32 v19, v51;
	_ =	sdelay $0x1  }
0x5b: {  	[tilespmem:s17+$0xFFFFFE90] =	vst v19;
	v19 =	vld [tilespmem:s17+$0xFFFFFEA0];
	_ =	sdelay $0x4  }
0x5c: {  	v19 =	vmul.f32 v19, v51;
	_ =	sdelay $0x1  }
0x5d: {  	[tilespmem:s17+$0xFFFFFEA0] =	vst v19;
	v19 =	vld [tilespmem:s17+$0xFFFFFEB0];
	_ =	sdelay $0x4  }
0x5e: {  	v19 =	vmul.f32 v19, v51;
	_ =	sdelay $0x1  }
0x5f: {  	[tilespmem:s17+$0xFFFFFEB0] =	vst v19;
	v19 =	vld [tilespmem:s17+$0xFFFFFEC0];
	_ =	sdelay $0x2  }
0x60: {  	v52 =	vperm.xlane v18, v4;
	_ =	sdelay $0x1  }
0x61: {  	v19 =	vmul.f32 v19, v52;
	_ =	sdelay $0x1  }
0x62: {  	[tilespmem:s17+$0xFFFFFEC0] =	vst v19;
	v19 =	vld [tilespmem:s17+$0xFFFFFED0];
	_ =	sdelay $0x4  }
0x63: {  	v19 =	vmul.f32 v19, v52;
	_ =	sdelay $0x1  }
0x64: {  	[tilespmem:s17+$0xFFFFFED0] =	vst v19;
	v19 =	vld [tilespmem:s17+$0xFFFFFEE0];
	_ =	sdelay $0x4  }
0x65: {  	v19 =	vmul.f32 v19, v52;
	_ =	sdelay $0x1  }
0x66: {  	[tilespmem:s17+$0xFFFFFEE0] =	vst v19;
	v19 =	vld [tilespmem:s17+$0xFFFFFEF0];
	_ =	sdelay $0x4  }
0x67: {  	v19 =	vmul.f32 v19, v52;
	_ =	sdelay $0x1  }
0x68: {  	[tilespmem:s17+$0xFFFFFEF0] =	vst v19;
	v19 =	vld [tilespmem:s17+$0xFFFFFF00];
	_ =	sdelay $0x2  }
0x69: {  	v53 =	vperm.xlane v18, v5;
	_ =	sdelay $0x1  }
0x6a: {  	v19 =	vmul.f32 v19, v53;
	_ =	sdelay $0x1  }
0x6b: {  	[tilespmem:s17+$0xFFFFFF00] =	vst v19;
	v19 =	vld [tilespmem:s17+$0xFFFFFF10];
	_ =	sdelay $0x4  }
0x6c: {  	v19 =	vmul.f32 v19, v53;
	_ =	sdelay $0x1  }
0x6d: {  	[tilespmem:s17+$0xFFFFFF10] =	vst v19;
	v19 =	vld [tilespmem:s17+$0xFFFFFF20];
	_ =	sdelay $0x4  }
0x6e: {  	v19 =	vmul.f32 v19, v53;
	_ =	sdelay $0x1  }
0x6f: {  	[tilespmem:s17+$0xFFFFFF20] =	vst v19;
	v19 =	vld [tilespmem:s17+$0xFFFFFF30];
	_ =	sdelay $0x4  }
0x70: {  	v19 =	vmul.f32 v19, v53;
	_ =	sdelay $0x1  }
0x71: {  	[tilespmem:s17+$0xFFFFFF30] =	vst v19;
	v19 =	vld [tilespmem:s17+$0xFFFFFF40];
	_ =	sdelay $0x2  }
0x72: {  	v54 =	vperm.xlane v18, v6;
	_ =	sdelay $0x1  }
0x73: {  	v19 =	vmul.f32 v19, v54;
	_ =	sdelay $0x1  }
0x74: {  	[tilespmem:s17+$0xFFFFFF40] =	vst v19;
	v19 =	vld [tilespmem:s17+$0xFFFFFF50];
	_ =	sdelay $0x4  }
0x75: {  	v19 =	vmul.f32 v19, v54;
	_ =	sdelay $0x1  }
0x76: {  	[tilespmem:s17+$0xFFFFFF50] =	vst v19;
	v19 =	vld [tilespmem:s17+$0xFFFFFF60];
	_ =	sdelay $0x4  }
0x77: {  	v19 =	vmul.f32 v19, v54;
	_ =	sdelay $0x1  }
0x78: {  	[tilespmem:s17+$0xFFFFFF60] =	vst v19;
	v19 =	vld [tilespmem:s17+$0xFFFFFF70];
	_ =	sdelay $0x4  }
0x79: {  	v19 =	vmul.f32 v19, v54;
	_ =	sdelay $0x1  }
0x7a: {  	[tilespmem:s17+$0xFFFFFF70] =	vst v19;
	v19 =	vld [tilespmem:s17+$0xFFFFFF80];
	_ =	sdelay $0x2  }
0x7b: {  	v55 =	vperm.xlane v18, v7;
	_ =	sdelay $0x1  }
0x7c: {  	v19 =	vmul.f32 v19, v55;
	_ =	sdelay $0x1  }
0x7d: {  	[tilespmem:s17+$0xFFFFFF80] =	vst v19;
	v19 =	vld [tilespmem:s17+$0xFFFFFF90];
	_ =	sdelay $0x4  }
0x7e: {  	v19 =	vmul.f32 v19, v55;
	_ =	sdelay $0x1  }
0x7f: {  	[tilespmem:s17+$0xFFFFFF90] =	vst v19;
	v19 =	vld [tilespmem:s17+$0xFFFFFFA0];
	_ =	sdelay $0x4  }
0x80: {  	v19 =	vmul.f32 v19, v55;
	_ =	sdelay $0x1  }
0x81: {  	[tilespmem:s17+$0xFFFFFFA0] =	vst v19;
	v19 =	vld [tilespmem:s17+$0xFFFFFFB0];
	_ =	sdelay $0x4  }
0x82: {  	v19 =	vmul.f32 v19, v55;
	_ =	sdelay $0x1  }
0x83: {  	[tilespmem:s17+$0xFFFFFFB0] =	vst v19;
	v19 =	vld [tilespmem:s17+$0xFFFFFFC0];
	_ =	sdelay $0x2  }
0x84: {  	v56 =	vperm.xlane v18, v8;
	_ =	sdelay $0x1  }
0x85: {  	v19 =	vmul.f32 v19, v56;
	_ =	sdelay $0x1  }
0x86: {  	[tilespmem:s17+$0xFFFFFFC0] =	vst v19;
	v19 =	vld [tilespmem:s17+$0xFFFFFFD0];
	_ =	sdelay $0x4  }
0x87: {  	v19 =	vmul.f32 v19, v56;
	_ =	sdelay $0x1  }
0x88: {  	[tilespmem:s17+$0xFFFFFFD0] =	vst v19;
	v19 =	vld [tilespmem:s17+$0xFFFFFFE0];
	_ =	sdelay $0x4  }
0x89: {  	v19 =	vmul.f32 v19, v56;
	_ =	sdelay $0x1  }
0x8a: {  	[tilespmem:s17+$0xFFFFFFE0] =	vst v19;
	v19 =	vld [tilespmem:s17+$0xFFFFFFF0];
	_ =	sdelay $0x4  }
0x8b: {  	v19 =	vmul.f32 v19, v56;
	_ =	sdelay $0x1  }
0x8c: {  	[tilespmem:s17+$0xFFFFFFF0] =	vst v19;
	v19 =	vld [tilespmem:s17+$0x0];
	_ =	sdelay $0x2  }
0x8d: {  	v57 =	vperm.xlane v18, v9;
	_ =	sdelay $0x1  }
0x8e: {  	v19 =	vmul.f32 v19, v57;
	_ =	sdelay $0x1  }
0x8f: {  	[tilespmem:s17+$0x0] =	vst v19;
	v19 =	vld [tilespmem:s17+$0x10];
	_ =	sdelay $0x4  }
0x90: {  	v19 =	vmul.f32 v19, v57;
	_ =	sdelay $0x1  }
0x91: {  	[tilespmem:s17+$0x10] =	vst v19;
	v19 =	vld [tilespmem:s17+$0x20];
	_ =	sdelay $0x4  }
0x92: {  	v19 =	vmul.f32 v19, v57;
	_ =	sdelay $0x1  }
0x93: {  	[tilespmem:s17+$0x20] =	vst v19;
	v19 =	vld [tilespmem:s17+$0x30];
	_ =	sdelay $0x4  }
0x94: {  	v19 =	vmul.f32 v19, v57;
	_ =	sdelay $0x1  }
0x95: {  	[tilespmem:s17+$0x30] =	vst v19;
	v19 =	vld [tilespmem:s17+$0x40];
	_ =	sdelay $0x2  }
0x96: {  	v58 =	vperm.xlane v18, v10;
	_ =	sdelay $0x1  }
0x97: {  	v19 =	vmul.f32 v19, v58;
	_ =	sdelay $0x1  }
0x98: {  	[tilespmem:s17+$0x40] =	vst v19;
	v19 =	vld [tilespmem:s17+$0x50];
	_ =	sdelay $0x4  }
0x99: {  	v19 =	vmul.f32 v19, v58;
	_ =	sdelay $0x1  }
0x9a: {  	[tilespmem:s17+$0x50] =	vst v19;
	v19 =	vld [tilespmem:s17+$0x60];
	_ =	sdelay $0x4  }
0x9b: {  	v19 =	vmul.f32 v19, v58;
	_ =	sdelay $0x1  }
0x9c: {  	[tilespmem:s17+$0x60] =	vst v19;
	v19 =	vld [tilespmem:s17+$0x70];
	_ =	sdelay $0x4  }
0x9d: {  	v19 =	vmul.f32 v19, v58;
	_ =	sdelay $0x1  }
0x9e: {  	[tilespmem:s17+$0x70] =	vst v19;
	v19 =	vld [tilespmem:s17+$0x80];
	_ =	sdelay $0x2  }
0x9f: {  	v59 =	vperm.xlane v18, v11;
	_ =	sdelay $0x1  }
0xa0: {  	v19 =	vmul.f32 v19, v59;
	_ =	sdelay $0x1  }
0xa1: {  	[tilespmem:s17+$0x80] =	vst v19;
	v19 =	vld [tilespmem:s17+$0x90];
	_ =	sdelay $0x4  }
0xa2: {  	v19 =	vmul.f32 v19, v59;
	_ =	sdelay $0x1  }
0xa3: {  	[tilespmem:s17+$0x90] =	vst v19;
	v19 =	vld [tilespmem:s17+$0xA0];
	_ =	sdelay $0x4  }
0xa4: {  	v19 =	vmul.f32 v19, v59;
	_ =	sdelay $0x1  }
0xa5: {  	[tilespmem:s17+$0xA0] =	vst v19;
	v19 =	vld [tilespmem:s17+$0xB0];
	_ =	sdelay $0x4  }
0xa6: {  	v19 =	vmul.f32 v19, v59;
	_ =	sdelay $0x1  }
0xa7: {  	[tilespmem:s17+$0xB0] =	vst v19;
	v19 =	vld [tilespmem:s17+$0xC0];
	_ =	sdelay $0x2  }
0xa8: {  	v60 =	vperm.xlane v18, v12;
	_ =	sdelay $0x1  }
0xa9: {  	v19 =	vmul.f32 v19, v60;
	_ =	sdelay $0x1  }
0xaa: {  	[tilespmem:s17+$0xC0] =	vst v19;
	v19 =	vld [tilespmem:s17+$0xD0];
	_ =	sdelay $0x4  }
0xab: {  	v19 =	vmul.f32 v19, v60;
	_ =	sdelay $0x1  }
0xac: {  	[tilespmem:s17+$0xD0] =	vst v19;
	v19 =	vld [tilespmem:s17+$0xE0];
	_ =	sdelay $0x4  }
0xad: {  	v19 =	vmul.f32 v19, v60;
	_ =	sdelay $0x1  }
0xae: {  	[tilespmem:s17+$0xE0] =	vst v19;
	v19 =	vld [tilespmem:s17+$0xF0];
	_ =	sdelay $0x4  }
0xaf: {  	v19 =	vmul.f32 v19, v60;
	_ =	sdelay $0x1  }
0xb0: {  	[tilespmem:s17+$0xF0] =	vst v19;
	v19 =	vld [tilespmem:s17+$0x100];
	_ =	sdelay $0x2  }
0xb1: {  	v61 =	vperm.xlane v18, v13;
	_ =	sdelay $0x1  }
0xb2: {  	v19 =	vmul.f32 v19, v61;
	_ =	sdelay $0x1  }
0xb3: {  	[tilespmem:s17+$0x100] =	vst v19;
	v19 =	vld [tilespmem:s17+$0x110];
	_ =	sdelay $0x4  }
0xb4: {  	v19 =	vmul.f32 v19, v61;
	_ =	sdelay $0x1  }
0xb5: {  	[tilespmem:s17+$0x110] =	vst v19;
	v19 =	vld [tilespmem:s17+$0x120];
	_ =	sdelay $0x4  }
0xb6: {  	v19 =	vmul.f32 v19, v61;
	_ =	sdelay $0x1  }
0xb7: {  	[tilespmem:s17+$0x120] =	vst v19;
	v19 =	vld [tilespmem:s17+$0x130];
	_ =	sdelay $0x4  }
0xb8: {  	v19 =	vmul.f32 v19, v61;
	_ =	sdelay $0x1  }
0xb9: {  	[tilespmem:s17+$0x130] =	vst v19;
	v19 =	vld [tilespmem:s17+$0x140];
	_ =	sdelay $0x2  }
0xba: {  	v62 =	vperm.xlane v18, v14;
	_ =	sdelay $0x1  }
0xbb: {  	v19 =	vmul.f32 v19, v62;
	_ =	sdelay $0x1  }
0xbc: {  	[tilespmem:s17+$0x140] =	vst v19;
	v19 =	vld [tilespmem:s17+$0x150];
	_ =	sdelay $0x4  }
0xbd: {  	v19 =	vmul.f32 v19, v62;
	_ =	sdelay $0x1  }
0xbe: {  	[tilespmem:s17+$0x150] =	vst v19;
	v19 =	vld [tilespmem:s17+$0x160];
	_ =	sdelay $0x4  }
0xbf: {  	v19 =	vmul.f32 v19, v62;
	_ =	sdelay $0x1  }
0xc0: {  	[tilespmem:s17+$0x160] =	vst v19;
	v19 =	vld [tilespmem:s17+$0x170];
	_ =	sdelay $0x4  }
0xc1: {  	v19 =	vmul.f32 v19, v62;
	_ =	sdelay $0x1  }
0xc2: {  	[tilespmem:s17+$0x170] =	vst v19;
	v19 =	vld [tilespmem:s17+$0x180];
	_ =	sdelay $0x2  }
0xc3: {  	v63 =	vperm.xlane v18, v15;
	_ =	sdelay $0x1  }
0xc4: {  	v19 =	vmul.f32 v19, v63;
	_ =	sdelay $0x1  }
0xc5: {  	[tilespmem:s17+$0x180] =	vst v19;
	v19 =	vld [tilespmem:s17+$0x190];
	_ =	sdelay $0x4  }
0xc6: {  	v19 =	vmul.f32 v19, v63;
	_ =	sdelay $0x1  }
0xc7: {  	[tilespmem:s17+$0x190] =	vst v19;
	v19 =	vld [tilespmem:s17+$0x1A0];
	_ =	sdelay $0x4  }
0xc8: {  	v19 =	vmul.f32 v19, v63;
	_ =	sdelay $0x1  }
0xc9: {  	[tilespmem:s17+$0x1A0] =	vst v19;
	v19 =	vld [tilespmem:s17+$0x1B0];
	_ =	sdelay $0x4  }
0xca: {  	v19 =	vmul.f32 v19, v63;
	_ =	sdelay $0x1  }
0xcb: {  	[tilespmem:s17+$0x1B0] =	vst v19;
	v19 =	vld [tilespmem:s17+$0x1C0];
	_ =	sdelay $0x2  }
0xcc: {  	v18 =	vperm.xlane v18, v16;
	_ =	sdelay $0x1  }
0xcd: {  	v19 =	vmul.f32 v19, v18;
	_ =	sdelay $0x1  }
0xce: {  	[tilespmem:s17+$0x1C0] =	vst v19;
	v19 =	vld [tilespmem:s17+$0x1D0];
	_ =	sdelay $0x4  }
0xcf: {  	v19 =	vmul.f32 v19, v18;
	_ =	sdelay $0x1  }
0xd0: {  	[tilespmem:s17+$0x1D0] =	vst v19;
	v19 =	vld [tilespmem:s17+$0x1E0];
	_ =	sdelay $0x4  }
0xd1: {  	v19 =	vmul.f32 v19, v18;
	_ =	sdelay $0x1  }
0xd2: {  	[tilespmem:s17+$0x1E0] =	vst v19;
	v19 =	vld [tilespmem:s17+$0x1F0];
	_ =	sdelay $0x1  }
0xd3: {  	p0 =	sne.s32 s24, $0x100  }
.Ltmp1:
0xd4: {  	_ = 	snop;
	(pc) =	sbr.rel @p0 .LBB2_5-.Ltmp1, $3  }
0xd5: {  	_ = 	snop  }
0xd6: {  	v18 =	vmul.f32 v19, v18;
	_ =	sdelay $0x1  }
0xd7: {  	s24 =	sadd.s32 $0x40, s24;
	[tilespmem:s17+$0x1F0] =	vst v18;
	s17 =	sadd.s32 $0x400, s17  }
0xd8: {  	s16 =	sshra.s32 s16, $0x2  }
0xd9: {  	s17 =	sadd.s32 $0x4E20, s16  }
0xda: {  	[spmem:s3] =	stream.indirect.scatter.add.f32 [tilespmem:s20], [sflag:$0x3], $0x40, s17, s19, $0xb8;
	[tilespmem:$0x1D260] =	vst v63  }
0xdb: {  	_ =	swait.ge [sflag:s15], $0x1400  }
0xdc: {  	[sflag:s15] =	ssyncset.done $0x0  }
0xdd: {  	[sflag:s15] =	ssyncadd.s32 $0xFFFFEC00  }
0xde: {  	_ =	swait.ge [sflag:s23], $0x1400  }
0xdf: {  	v17 =	vmov s31;
	[sflag:s23] =	ssyncset.done $0x0  }
0xe0: {  	s16 =	sadd.s32 $0xA0, s16;
	[sflag:s23] =	ssyncadd.s32 $0xFFFFEC00  }
0xe1: {  	[tilespmem:s20], [sflag:$0x1] =	stream.indirect.gather [hbm4b:s2+s19], $0x40, s16, s19, $0xb8;
	[tilespmem:$0x1D260] =	vst v63  }
0xe2: {  	s17 =	simm.s32 $0x10060;
	s16 =	simm.s32 $0x0  }
.LBB2_7:
0xe3: {  	s24 =	sshra.s32 s16, $0x2  }
0xe4: {  	v18 =	vld.idx.msk [tilespmem:v17+s24+$0x0 ss:$0x1], $0xffff;
	_ =	sdelay $0x1  }
0xe5: {  	v19 =	vld [tilespmem:s17+$0xFFFFFE00];
	_ =	sdelay $0x2  }
0xe6: {  	v20 =	vperm.xlane v18, v1;
	_ =	sdelay $0x1  }
0xe7: {  	v19 =	vmul.f32 v19, v20;
	_ =	sdelay $0x1  }
0xe8: {  	[tilespmem:s17+$0xFFFFFE00] =	vst v19;
	v19 =	vld [tilespmem:s17+$0xFFFFFE10];
	_ =	sdelay $0x4  }
0xe9: {  	v19 =	vmul.f32 v19, v20;
	_ =	sdelay $0x1  }
0xea: {  	[tilespmem:s17+$0xFFFFFE10] =	vst v19;
	v19 =	vld [tilespmem:s17+$0xFFFFFE20];
	_ =	sdelay $0x4  }
0xeb: {  	v19 =	vmul.f32 v19, v20;
	_ =	sdelay $0x1  }
0xec: {  	[tilespmem:s17+$0xFFFFFE20] =	vst v19;
	v19 =	vld [tilespmem:s17+$0xFFFFFE30];
	_ =	sdelay $0x4  }
0xed: {  	v19 =	vmul.f32 v19, v20;
	_ =	sdelay $0x1  }
0xee: {  	[tilespmem:s17+$0xFFFFFE30] =	vst v19;
	v19 =	vld [tilespmem:s17+$0xFFFFFE40];
	_ =	sdelay $0x2  }
0xef: {  	v50 =	vperm.xlane v18, v2;
	_ =	sdelay $0x1  }
0xf0: {  	v19 =	vmul.f32 v19, v50;
	_ =	sdelay $0x1  }
0xf1: {  	[tilespmem:s17+$0xFFFFFE40] =	vst v19;
	v19 =	vld [tilespmem:s17+$0xFFFFFE50];
	_ =	sdelay $0x4  }
0xf2: {  	v19 =	vmul.f32 v19, v50;
	_ =	sdelay $0x1  }
0xf3: {  	[tilespmem:s17+$0xFFFFFE50] =	vst v19;
	v19 =	vld [tilespmem:s17+$0xFFFFFE60];
	_ =	sdelay $0x4  }
0xf4: {  	v19 =	vmul.f32 v19, v50;
	_ =	sdelay $0x1  }
0xf5: {  	[tilespmem:s17+$0xFFFFFE60] =	vst v19;
	v19 =	vld [tilespmem:s17+$0xFFFFFE70];
	_ =	sdelay $0x4  }
0xf6: {  	v19 =	vmul.f32 v19, v50;
	_ =	sdelay $0x1  }
0xf7: {  	[tilespmem:s17+$0xFFFFFE70] =	vst v19;
	v19 =	vld [tilespmem:s17+$0xFFFFFE80];
	_ =	sdelay $0x2  }
0xf8: {  	v51 =	vperm.xlane v18, v3;
	_ =	sdelay $0x1  }
0xf9: {  	v19 =	vmul.f32 v19, v51;
	_ =	sdelay $0x1  }
0xfa: {  	[tilespmem:s17+$0xFFFFFE80] =	vst v19;
	v19 =	vld [tilespmem:s17+$0xFFFFFE90];
	_ =	sdelay $0x4  }
0xfb: {  	v19 =	vmul.f32 v19, v51;
	_ =	sdelay $0x1  }
0xfc: {  	[tilespmem:s17+$0xFFFFFE90] =	vst v19;
	v19 =	vld [tilespmem:s17+$0xFFFFFEA0];
	_ =	sdelay $0x4  }
0xfd: {  	v19 =	vmul.f32 v19, v51;
	_ =	sdelay $0x1  }
0xfe: {  	[tilespmem:s17+$0xFFFFFEA0] =	vst v19;
	v19 =	vld [tilespmem:s17+$0xFFFFFEB0];
	_ =	sdelay $0x4  }
0xff: {  	v19 =	vmul.f32 v19, v51;
	_ =	sdelay $0x1  }
0x100: {  	[tilespmem:s17+$0xFFFFFEB0] =	vst v19;
	v19 =	vld [tilespmem:s17+$0xFFFFFEC0];
	_ =	sdelay $0x2  }
0x101: {  	v52 =	vperm.xlane v18, v4;
	_ =	sdelay $0x1  }
0x102: {  	v19 =	vmul.f32 v19, v52;
	_ =	sdelay $0x1  }
0x103: {  	[tilespmem:s17+$0xFFFFFEC0] =	vst v19;
	v19 =	vld [tilespmem:s17+$0xFFFFFED0];
	_ =	sdelay $0x4  }
0x104: {  	v19 =	vmul.f32 v19, v52;
	_ =	sdelay $0x1  }
0x105: {  	[tilespmem:s17+$0xFFFFFED0] =	vst v19;
	v19 =	vld [tilespmem:s17+$0xFFFFFEE0];
	_ =	sdelay $0x4  }
0x106: {  	v19 =	vmul.f32 v19, v52;
	_ =	sdelay $0x1  }
0x107: {  	[tilespmem:s17+$0xFFFFFEE0] =	vst v19;
	v19 =	vld [tilespmem:s17+$0xFFFFFEF0];
	_ =	sdelay $0x4  }
0x108: {  	v19 =	vmul.f32 v19, v52;
	_ =	sdelay $0x1  }
0x109: {  	[tilespmem:s17+$0xFFFFFEF0] =	vst v19;
	v19 =	vld [tilespmem:s17+$0xFFFFFF00];
	_ =	sdelay $0x2  }
0x10a: {  	v53 =	vperm.xlane v18, v5;
	_ =	sdelay $0x1  }
0x10b: {  	v19 =	vmul.f32 v19, v53;
	_ =	sdelay $0x1  }
0x10c: {  	[tilespmem:s17+$0xFFFFFF00] =	vst v19;
	v19 =	vld [tilespmem:s17+$0xFFFFFF10];
	_ =	sdelay $0x4  }
0x10d: {  	v19 =	vmul.f32 v19, v53;
	_ =	sdelay $0x1  }
0x10e: {  	[tilespmem:s17+$0xFFFFFF10] =	vst v19;
	v19 =	vld [tilespmem:s17+$0xFFFFFF20];
	_ =	sdelay $0x4  }
0x10f: {  	v19 =	vmul.f32 v19, v53;
	_ =	sdelay $0x1  }
0x110: {  	[tilespmem:s17+$0xFFFFFF20] =	vst v19;
	v19 =	vld [tilespmem:s17+$0xFFFFFF30];
	_ =	sdelay $0x4  }
0x111: {  	v19 =	vmul.f32 v19, v53;
	_ =	sdelay $0x1  }
0x112: {  	[tilespmem:s17+$0xFFFFFF30] =	vst v19;
	v19 =	vld [tilespmem:s17+$0xFFFFFF40];
	_ =	sdelay $0x2  }
0x113: {  	v54 =	vperm.xlane v18, v6;
	_ =	sdelay $0x1  }
0x114: {  	v19 =	vmul.f32 v19, v54;
	_ =	sdelay $0x1  }
0x115: {  	[tilespmem:s17+$0xFFFFFF40] =	vst v19;
	v19 =	vld [tilespmem:s17+$0xFFFFFF50];
	_ =	sdelay $0x4  }
0x116: {  	v19 =	vmul.f32 v19, v54;
	_ =	sdelay $0x1  }
0x117: {  	[tilespmem:s17+$0xFFFFFF50] =	vst v19;
	v19 =	vld [tilespmem:s17+$0xFFFFFF60];
	_ =	sdelay $0x4  }
0x118: {  	v19 =	vmul.f32 v19, v54;
	_ =	sdelay $0x1  }
0x119: {  	[tilespmem:s17+$0xFFFFFF60] =	vst v19;
	v19 =	vld [tilespmem:s17+$0xFFFFFF70];
	_ =	sdelay $0x4  }
0x11a: {  	v19 =	vmul.f32 v19, v54;
	_ =	sdelay $0x1  }
0x11b: {  	[tilespmem:s17+$0xFFFFFF70] =	vst v19;
	v19 =	vld [tilespmem:s17+$0xFFFFFF80];
	_ =	sdelay $0x2  }
0x11c: {  	v55 =	vperm.xlane v18, v7;
	_ =	sdelay $0x1  }
0x11d: {  	v19 =	vmul.f32 v19, v55;
	_ =	sdelay $0x1  }
0x11e: {  	[tilespmem:s17+$0xFFFFFF80] =	vst v19;
	v19 =	vld [tilespmem:s17+$0xFFFFFF90];
	_ =	sdelay $0x4  }
0x11f: {  	v19 =	vmul.f32 v19, v55;
	_ =	sdelay $0x1  }
0x120: {  	[tilespmem:s17+$0xFFFFFF90] =	vst v19;
	v19 =	vld [tilespmem:s17+$0xFFFFFFA0];
	_ =	sdelay $0x4  }
0x121: {  	v19 =	vmul.f32 v19, v55;
	_ =	sdelay $0x1  }
0x122: {  	[tilespmem:s17+$0xFFFFFFA0] =	vst v19;
	v19 =	vld [tilespmem:s17+$0xFFFFFFB0];
	_ =	sdelay $0x4  }
0x123: {  	v19 =	vmul.f32 v19, v55;
	_ =	sdelay $0x1  }
0x124: {  	[tilespmem:s17+$0xFFFFFFB0] =	vst v19;
	v19 =	vld [tilespmem:s17+$0xFFFFFFC0];
	_ =	sdelay $0x2  }
0x125: {  	v56 =	vperm.xlane v18, v8;
	_ =	sdelay $0x1  }
0x126: {  	v19 =	vmul.f32 v19, v56;
	_ =	sdelay $0x1  }
0x127: {  	[tilespmem:s17+$0xFFFFFFC0] =	vst v19;
	v19 =	vld [tilespmem:s17+$0xFFFFFFD0];
	_ =	sdelay $0x4  }
0x128: {  	v19 =	vmul.f32 v19, v56;
	_ =	sdelay $0x1  }
0x129: {  	[tilespmem:s17+$0xFFFFFFD0] =	vst v19;
	v19 =	vld [tilespmem:s17+$0xFFFFFFE0];
	_ =	sdelay $0x4  }
0x12a: {  	v19 =	vmul.f32 v19, v56;
	_ =	sdelay $0x1  }
0x12b: {  	[tilespmem:s17+$0xFFFFFFE0] =	vst v19;
	v19 =	vld [tilespmem:s17+$0xFFFFFFF0];
	_ =	sdelay $0x4  }
0x12c: {  	v19 =	vmul.f32 v19, v56;
	_ =	sdelay $0x1  }
0x12d: {  	[tilespmem:s17+$0xFFFFFFF0] =	vst v19;
	v19 =	vld [tilespmem:s17+$0x0];
	_ =	sdelay $0x2  }
0x12e: {  	v57 =	vperm.xlane v18, v9;
	_ =	sdelay $0x1  }
0x12f: {  	v19 =	vmul.f32 v19, v57;
	_ =	sdelay $0x1  }
0x130: {  	[tilespmem:s17+$0x0] =	vst v19;
	v19 =	vld [tilespmem:s17+$0x10];
	_ =	sdelay $0x4  }
0x131: {  	v19 =	vmul.f32 v19, v57;
	_ =	sdelay $0x1  }
0x132: {  	[tilespmem:s17+$0x10] =	vst v19;
	v19 =	vld [tilespmem:s17+$0x20];
	_ =	sdelay $0x4  }
0x133: {  	v19 =	vmul.f32 v19, v57;
	_ =	sdelay $0x1  }
0x134: {  	[tilespmem:s17+$0x20] =	vst v19;
	v19 =	vld [tilespmem:s17+$0x30];
	_ =	sdelay $0x4  }
0x135: {  	v19 =	vmul.f32 v19, v57;
	_ =	sdelay $0x1  }
0x136: {  	[tilespmem:s17+$0x30] =	vst v19;
	v19 =	vld [tilespmem:s17+$0x40];
	_ =	sdelay $0x2  }
0x137: {  	v58 =	vperm.xlane v18, v10;
	_ =	sdelay $0x1  }
0x138: {  	v19 =	vmul.f32 v19, v58;
	_ =	sdelay $0x1  }
0x139: {  	[tilespmem:s17+$0x40] =	vst v19;
	v19 =	vld [tilespmem:s17+$0x50];
	_ =	sdelay $0x4  }
0x13a: {  	v19 =	vmul.f32 v19, v58;
	_ =	sdelay $0x1  }
0x13b: {  	[tilespmem:s17+$0x50] =	vst v19;
	v19 =	vld [tilespmem:s17+$0x60];
	_ =	sdelay $0x4  }
0x13c: {  	v19 =	vmul.f32 v19, v58;
	_ =	sdelay $0x1  }
0x13d: {  	[tilespmem:s17+$0x60] =	vst v19;
	v19 =	vld [tilespmem:s17+$0x70];
	_ =	sdelay $0x4  }
0x13e: {  	v19 =	vmul.f32 v19, v58;
	_ =	sdelay $0x1  }
0x13f: {  	[tilespmem:s17+$0x70] =	vst v19;
	v19 =	vld [tilespmem:s17+$0x80];
	_ =	sdelay $0x2  }
0x140: {  	v59 =	vperm.xlane v18, v11;
	_ =	sdelay $0x1  }
0x141: {  	v19 =	vmul.f32 v19, v59;
	_ =	sdelay $0x1  }
0x142: {  	[tilespmem:s17+$0x80] =	vst v19;
	v19 =	vld [tilespmem:s17+$0x90];
	_ =	sdelay $0x4  }
0x143: {  	v19 =	vmul.f32 v19, v59;
	_ =	sdelay $0x1  }
0x144: {  	[tilespmem:s17+$0x90] =	vst v19;
	v19 =	vld [tilespmem:s17+$0xA0];
	_ =	sdelay $0x4  }
0x145: {  	v19 =	vmul.f32 v19, v59;
	_ =	sdelay $0x1  }
0x146: {  	[tilespmem:s17+$0xA0] =	vst v19;
	v19 =	vld [tilespmem:s17+$0xB0];
	_ =	sdelay $0x4  }
0x147: {  	v19 =	vmul.f32 v19, v59;
	_ =	sdelay $0x1  }
0x148: {  	[tilespmem:s17+$0xB0] =	vst v19;
	v19 =	vld [tilespmem:s17+$0xC0];
	_ =	sdelay $0x2  }
0x149: {  	v60 =	vperm.xlane v18, v12;
	_ =	sdelay $0x1  }
0x14a: {  	v19 =	vmul.f32 v19, v60;
	_ =	sdelay $0x1  }
0x14b: {  	[tilespmem:s17+$0xC0] =	vst v19;
	v19 =	vld [tilespmem:s17+$0xD0];
	_ =	sdelay $0x4  }
0x14c: {  	v19 =	vmul.f32 v19, v60;
	_ =	sdelay $0x1  }
0x14d: {  	[tilespmem:s17+$0xD0] =	vst v19;
	v19 =	vld [tilespmem:s17+$0xE0];
	_ =	sdelay $0x4  }
0x14e: {  	v19 =	vmul.f32 v19, v60;
	_ =	sdelay $0x1  }
0x14f: {  	[tilespmem:s17+$0xE0] =	vst v19;
	v19 =	vld [tilespmem:s17+$0xF0];
	_ =	sdelay $0x4  }
0x150: {  	v19 =	vmul.f32 v19, v60;
	_ =	sdelay $0x1  }
0x151: {  	[tilespmem:s17+$0xF0] =	vst v19;
	v19 =	vld [tilespmem:s17+$0x100];
	_ =	sdelay $0x2  }
0x152: {  	v61 =	vperm.xlane v18, v13;
	_ =	sdelay $0x1  }
0x153: {  	v19 =	vmul.f32 v19, v61;
	_ =	sdelay $0x1  }
0x154: {  	[tilespmem:s17+$0x100] =	vst v19;
	v19 =	vld [tilespmem:s17+$0x110];
	_ =	sdelay $0x4  }
0x155: {  	v19 =	vmul.f32 v19, v61;
	_ =	sdelay $0x1  }
0x156: {  	[tilespmem:s17+$0x110] =	vst v19;
	v19 =	vld [tilespmem:s17+$0x120];
	_ =	sdelay $0x4  }
0x157: {  	v19 =	vmul.f32 v19, v61;
	_ =	sdelay $0x1  }
0x158: {  	[tilespmem:s17+$0x120] =	vst v19;
	v19 =	vld [tilespmem:s17+$0x130];
	_ =	sdelay $0x4  }
0x159: {  	v19 =	vmul.f32 v19, v61;
	_ =	sdelay $0x1  }
0x15a: {  	[tilespmem:s17+$0x130] =	vst v19;
	v19 =	vld [tilespmem:s17+$0x140];
	_ =	sdelay $0x2  }
0x15b: {  	v62 =	vperm.xlane v18, v14;
	_ =	sdelay $0x1  }
0x15c: {  	v19 =	vmul.f32 v19, v62;
	_ =	sdelay $0x1  }
0x15d: {  	[tilespmem:s17+$0x140] =	vst v19;
	v19 =	vld [tilespmem:s17+$0x150];
	_ =	sdelay $0x4  }
0x15e: {  	v19 =	vmul.f32 v19, v62;
	_ =	sdelay $0x1  }
0x15f: {  	[tilespmem:s17+$0x150] =	vst v19;
	v19 =	vld [tilespmem:s17+$0x160];
	_ =	sdelay $0x4  }
0x160: {  	v19 =	vmul.f32 v19, v62;
	_ =	sdelay $0x1  }
0x161: {  	[tilespmem:s17+$0x160] =	vst v19;
	v19 =	vld [tilespmem:s17+$0x170];
	_ =	sdelay $0x4  }
0x162: {  	v19 =	vmul.f32 v19, v62;
	_ =	sdelay $0x1  }
0x163: {  	[tilespmem:s17+$0x170] =	vst v19;
	v19 =	vld [tilespmem:s17+$0x180];
	_ =	sdelay $0x2  }
0x164: {  	v63 =	vperm.xlane v18, v15;
	_ =	sdelay $0x1  }
0x165: {  	v19 =	vmul.f32 v19, v63;
	_ =	sdelay $0x1  }
0x166: {  	[tilespmem:s17+$0x180] =	vst v19;
	v19 =	vld [tilespmem:s17+$0x190];
	_ =	sdelay $0x4  }
0x167: {  	v19 =	vmul.f32 v19, v63;
	_ =	sdelay $0x1  }
0x168: {  	[tilespmem:s17+$0x190] =	vst v19;
	v19 =	vld [tilespmem:s17+$0x1A0];
	_ =	sdelay $0x4  }
0x169: {  	v19 =	vmul.f32 v19, v63;
	_ =	sdelay $0x1  }
0x16a: {  	[tilespmem:s17+$0x1A0] =	vst v19;
	v19 =	vld [tilespmem:s17+$0x1B0];
	_ =	sdelay $0x4  }
0x16b: {  	v19 =	vmul.f32 v19, v63;
	_ =	sdelay $0x1  }
0x16c: {  	[tilespmem:s17+$0x1B0] =	vst v19;
	v19 =	vld [tilespmem:s17+$0x1C0];
	_ =	sdelay $0x2  }
0x16d: {  	v18 =	vperm.xlane v18, v16;
	_ =	sdelay $0x1  }
0x16e: {  	v19 =	vmul.f32 v19, v18;
	_ =	sdelay $0x1  }
0x16f: {  	[tilespmem:s17+$0x1C0] =	vst v19;
	v19 =	vld [tilespmem:s17+$0x1D0];
	_ =	sdelay $0x4  }
0x170: {  	v19 =	vmul.f32 v19, v18;
	_ =	sdelay $0x1  }
0x171: {  	[tilespmem:s17+$0x1D0] =	vst v19;
	v19 =	vld [tilespmem:s17+$0x1E0];
	_ =	sdelay $0x4  }
0x172: {  	v19 =	vmul.f32 v19, v18;
	_ =	sdelay $0x1  }
0x173: {  	[tilespmem:s17+$0x1E0] =	vst v19;
	v19 =	vld [tilespmem:s17+$0x1F0];
	_ =	sdelay $0x1  }
0x174: {  	p0 =	sne.s32 s16, $0x100  }
.Ltmp2:
0x175: {  	_ = 	snop;
	(pc) =	sbr.rel @p0 .LBB2_7-.Ltmp2, $3  }
0x176: {  	_ = 	snop  }
0x177: {  	v18 =	vmul.f32 v19, v18;
	_ =	sdelay $0x1  }
0x178: {  	s16 =	sadd.s32 $0x40, s16;
	[tilespmem:s17+$0x1F0] =	vst v18;
	s17 =	sadd.s32 $0x400, s17  }
0x179: {  	s29 =	sadd.s32 $0x1, s29  }
0x17a: {  	p0 =	sne.s32 s29, $0x7C  }
.Ltmp3:
0x17b: {  	s0 =	sadd.s32 $0x4E20, s0;
	(pc) =	sbr.rel @p0 .LBB2_4-.Ltmp3, $4  }
0x17c: {  	[spmem:s3] =	stream.indirect.scatter.add.f32 [tilespmem:s22], [sflag:$0x3], $0x40, s0, s19, $0xb8;
	[tilespmem:$0x1D260] =	vst v63  }
0x17d: {  	_ =	swait.ge [sflag:s15], $0x1400  }
0x17e: {  	[sflag:s15] =	ssyncset.done $0x0  }
0x17f: {  	s30 =	sadd.s32 $0xA0, s30;
	s31 =	sadd.s32 $0xA0, s31;
	[sflag:s15] =	ssyncadd.s32 $0xFFFFEC00  }
0x180: {  	_ =	swait.ge [sflag:s21], $0x1400  }
0x181: {  	[sflag:s21] =	ssyncset.done $0x0  }
0x182: {  	s0 =	simm.s32 $0x4DD0;
	[sflag:s21] =	ssyncadd.s32 $0xFFFFEC00  }
0x183: {  	[tilespmem:s22], [sflag:$0x2] =	stream.indirect.gather [hbm4b:s2+s19], $0x40, s0, s19, $0xb8;
	[tilespmem:$0x1D260] =	vst v63  }
0x184: {  	s16 =	simm.s32 $0xEC60;
	s0 =	simm.s32 $0x0  }
.LBB2_10:
0x185: {  	s17 =	sshra.s32 s0, $0x2  }
0x186: {  	v17 =	vld [tilespmem:s17+$0xE9C0];
	_ =	sdelay $0x1  }
0x187: {  	v18 =	vld [tilespmem:s16+$0xFFFFFE00];
	_ =	sdelay $0x2  }
0x188: {  	v19 =	vperm.xlane v17, v1;
	_ =	sdelay $0x1  }
0x189: {  	v18 =	vmul.f32 v18, v19;
	_ =	sdelay $0x1  }
0x18a: {  	[tilespmem:s16+$0xFFFFFE00] =	vst v18;
	v18 =	vld [tilespmem:s16+$0xFFFFFE10];
	_ =	sdelay $0x4  }
0x18b: {  	v18 =	vmul.f32 v18, v19;
	_ =	sdelay $0x1  }
0x18c: {  	[tilespmem:s16+$0xFFFFFE10] =	vst v18;
	v18 =	vld [tilespmem:s16+$0xFFFFFE20];
	_ =	sdelay $0x4  }
0x18d: {  	v18 =	vmul.f32 v18, v19;
	_ =	sdelay $0x1  }
0x18e: {  	[tilespmem:s16+$0xFFFFFE20] =	vst v18;
	v18 =	vld [tilespmem:s16+$0xFFFFFE30];
	_ =	sdelay $0x4  }
0x18f: {  	v18 =	vmul.f32 v18, v19;
	_ =	sdelay $0x1  }
0x190: {  	[tilespmem:s16+$0xFFFFFE30] =	vst v18;
	v18 =	vld [tilespmem:s16+$0xFFFFFE40];
	_ =	sdelay $0x2  }
0x191: {  	v19 =	vperm.xlane v17, v2;
	_ =	sdelay $0x1  }
0x192: {  	v18 =	vmul.f32 v18, v19;
	_ =	sdelay $0x1  }
0x193: {  	[tilespmem:s16+$0xFFFFFE40] =	vst v18;
	v18 =	vld [tilespmem:s16+$0xFFFFFE50];
	_ =	sdelay $0x4  }
0x194: {  	v18 =	vmul.f32 v18, v19;
	_ =	sdelay $0x1  }
0x195: {  	[tilespmem:s16+$0xFFFFFE50] =	vst v18;
	v18 =	vld [tilespmem:s16+$0xFFFFFE60];
	_ =	sdelay $0x4  }
0x196: {  	v18 =	vmul.f32 v18, v19;
	_ =	sdelay $0x1  }
0x197: {  	[tilespmem:s16+$0xFFFFFE60] =	vst v18;
	v18 =	vld [tilespmem:s16+$0xFFFFFE70];
	_ =	sdelay $0x4  }
0x198: {  	v18 =	vmul.f32 v18, v19;
	_ =	sdelay $0x1  }
0x199: {  	[tilespmem:s16+$0xFFFFFE70] =	vst v18;
	v18 =	vld [tilespmem:s16+$0xFFFFFE80];
	_ =	sdelay $0x2  }
0x19a: {  	v19 =	vperm.xlane v17, v3;
	_ =	sdelay $0x1  }
0x19b: {  	v18 =	vmul.f32 v18, v19;
	_ =	sdelay $0x1  }
0x19c: {  	[tilespmem:s16+$0xFFFFFE80] =	vst v18;
	v18 =	vld [tilespmem:s16+$0xFFFFFE90];
	_ =	sdelay $0x4  }
0x19d: {  	v18 =	vmul.f32 v18, v19;
	_ =	sdelay $0x1  }
0x19e: {  	[tilespmem:s16+$0xFFFFFE90] =	vst v18;
	v18 =	vld [tilespmem:s16+$0xFFFFFEA0];
	_ =	sdelay $0x4  }
0x19f: {  	v18 =	vmul.f32 v18, v19;
	_ =	sdelay $0x1  }
0x1a0: {  	[tilespmem:s16+$0xFFFFFEA0] =	vst v18;
	v18 =	vld [tilespmem:s16+$0xFFFFFEB0];
	_ =	sdelay $0x4  }
0x1a1: {  	v18 =	vmul.f32 v18, v19;
	_ =	sdelay $0x1  }
0x1a2: {  	[tilespmem:s16+$0xFFFFFEB0] =	vst v18;
	v18 =	vld [tilespmem:s16+$0xFFFFFEC0];
	_ =	sdelay $0x2  }
0x1a3: {  	v19 =	vperm.xlane v17, v4;
	_ =	sdelay $0x1  }
0x1a4: {  	v18 =	vmul.f32 v18, v19;
	_ =	sdelay $0x1  }
0x1a5: {  	[tilespmem:s16+$0xFFFFFEC0] =	vst v18;
	v18 =	vld [tilespmem:s16+$0xFFFFFED0];
	_ =	sdelay $0x4  }
0x1a6: {  	v18 =	vmul.f32 v18, v19;
	_ =	sdelay $0x1  }
0x1a7: {  	[tilespmem:s16+$0xFFFFFED0] =	vst v18;
	v18 =	vld [tilespmem:s16+$0xFFFFFEE0];
	_ =	sdelay $0x4  }
0x1a8: {  	v18 =	vmul.f32 v18, v19;
	_ =	sdelay $0x1  }
0x1a9: {  	[tilespmem:s16+$0xFFFFFEE0] =	vst v18;
	v18 =	vld [tilespmem:s16+$0xFFFFFEF0];
	_ =	sdelay $0x4  }
0x1aa: {  	v18 =	vmul.f32 v18, v19;
	_ =	sdelay $0x1  }
0x1ab: {  	[tilespmem:s16+$0xFFFFFEF0] =	vst v18;
	v18 =	vld [tilespmem:s16+$0xFFFFFF00];
	_ =	sdelay $0x2  }
0x1ac: {  	v19 =	vperm.xlane v17, v5;
	_ =	sdelay $0x1  }
0x1ad: {  	v18 =	vmul.f32 v18, v19;
	_ =	sdelay $0x1  }
0x1ae: {  	[tilespmem:s16+$0xFFFFFF00] =	vst v18;
	v18 =	vld [tilespmem:s16+$0xFFFFFF10];
	_ =	sdelay $0x4  }
0x1af: {  	v18 =	vmul.f32 v18, v19;
	_ =	sdelay $0x1  }
0x1b0: {  	[tilespmem:s16+$0xFFFFFF10] =	vst v18;
	v18 =	vld [tilespmem:s16+$0xFFFFFF20];
	_ =	sdelay $0x4  }
0x1b1: {  	v18 =	vmul.f32 v18, v19;
	_ =	sdelay $0x1  }
0x1b2: {  	[tilespmem:s16+$0xFFFFFF20] =	vst v18;
	v18 =	vld [tilespmem:s16+$0xFFFFFF30];
	_ =	sdelay $0x4  }
0x1b3: {  	v18 =	vmul.f32 v18, v19;
	_ =	sdelay $0x1  }
0x1b4: {  	[tilespmem:s16+$0xFFFFFF30] =	vst v18;
	v18 =	vld [tilespmem:s16+$0xFFFFFF40];
	_ =	sdelay $0x2  }
0x1b5: {  	v19 =	vperm.xlane v17, v6;
	_ =	sdelay $0x1  }
0x1b6: {  	v18 =	vmul.f32 v18, v19;
	_ =	sdelay $0x1  }
0x1b7: {  	[tilespmem:s16+$0xFFFFFF40] =	vst v18;
	v18 =	vld [tilespmem:s16+$0xFFFFFF50];
	_ =	sdelay $0x4  }
0x1b8: {  	v18 =	vmul.f32 v18, v19;
	_ =	sdelay $0x1  }
0x1b9: {  	[tilespmem:s16+$0xFFFFFF50] =	vst v18;
	v18 =	vld [tilespmem:s16+$0xFFFFFF60];
	_ =	sdelay $0x4  }
0x1ba: {  	v18 =	vmul.f32 v18, v19;
	_ =	sdelay $0x1  }
0x1bb: {  	[tilespmem:s16+$0xFFFFFF60] =	vst v18;
	v18 =	vld [tilespmem:s16+$0xFFFFFF70];
	_ =	sdelay $0x4  }
0x1bc: {  	v18 =	vmul.f32 v18, v19;
	_ =	sdelay $0x1  }
0x1bd: {  	[tilespmem:s16+$0xFFFFFF70] =	vst v18;
	v18 =	vld [tilespmem:s16+$0xFFFFFF80];
	_ =	sdelay $0x2  }
0x1be: {  	v19 =	vperm.xlane v17, v7;
	_ =	sdelay $0x1  }
0x1bf: {  	v18 =	vmul.f32 v18, v19;
	_ =	sdelay $0x1  }
0x1c0: {  	[tilespmem:s16+$0xFFFFFF80] =	vst v18;
	v18 =	vld [tilespmem:s16+$0xFFFFFF90];
	_ =	sdelay $0x4  }
0x1c1: {  	v18 =	vmul.f32 v18, v19;
	_ =	sdelay $0x1  }
0x1c2: {  	[tilespmem:s16+$0xFFFFFF90] =	vst v18;
	v18 =	vld [tilespmem:s16+$0xFFFFFFA0];
	_ =	sdelay $0x4  }
0x1c3: {  	v18 =	vmul.f32 v18, v19;
	_ =	sdelay $0x1  }
0x1c4: {  	[tilespmem:s16+$0xFFFFFFA0] =	vst v18;
	v18 =	vld [tilespmem:s16+$0xFFFFFFB0];
	_ =	sdelay $0x4  }
0x1c5: {  	v18 =	vmul.f32 v18, v19;
	_ =	sdelay $0x1  }
0x1c6: {  	[tilespmem:s16+$0xFFFFFFB0] =	vst v18;
	v18 =	vld [tilespmem:s16+$0xFFFFFFC0];
	_ =	sdelay $0x2  }
0x1c7: {  	v19 =	vperm.xlane v17, v8;
	_ =	sdelay $0x1  }
0x1c8: {  	v18 =	vmul.f32 v18, v19;
	_ =	sdelay $0x1  }
0x1c9: {  	[tilespmem:s16+$0xFFFFFFC0] =	vst v18;
	v18 =	vld [tilespmem:s16+$0xFFFFFFD0];
	_ =	sdelay $0x4  }
0x1ca: {  	v18 =	vmul.f32 v18, v19;
	_ =	sdelay $0x1  }
0x1cb: {  	[tilespmem:s16+$0xFFFFFFD0] =	vst v18;
	v18 =	vld [tilespmem:s16+$0xFFFFFFE0];
	_ =	sdelay $0x4  }
0x1cc: {  	v18 =	vmul.f32 v18, v19;
	_ =	sdelay $0x1  }
0x1cd: {  	[tilespmem:s16+$0xFFFFFFE0] =	vst v18;
	v18 =	vld [tilespmem:s16+$0xFFFFFFF0];
	_ =	sdelay $0x4  }
0x1ce: {  	v18 =	vmul.f32 v18, v19;
	_ =	sdelay $0x1  }
0x1cf: {  	[tilespmem:s16+$0xFFFFFFF0] =	vst v18;
	v18 =	vld [tilespmem:s16+$0x0];
	_ =	sdelay $0x2  }
0x1d0: {  	v19 =	vperm.xlane v17, v9;
	_ =	sdelay $0x1  }
0x1d1: {  	v18 =	vmul.f32 v18, v19;
	_ =	sdelay $0x1  }
0x1d2: {  	[tilespmem:s16+$0x0] =	vst v18;
	v18 =	vld [tilespmem:s16+$0x10];
	_ =	sdelay $0x4  }
0x1d3: {  	v18 =	vmul.f32 v18, v19;
	_ =	sdelay $0x1  }
0x1d4: {  	[tilespmem:s16+$0x10] =	vst v18;
	v18 =	vld [tilespmem:s16+$0x20];
	_ =	sdelay $0x4  }
0x1d5: {  	v18 =	vmul.f32 v18, v19;
	_ =	sdelay $0x1  }
0x1d6: {  	[tilespmem:s16+$0x20] =	vst v18;
	v18 =	vld [tilespmem:s16+$0x30];
	_ =	sdelay $0x4  }
0x1d7: {  	v18 =	vmul.f32 v18, v19;
	_ =	sdelay $0x1  }
0x1d8: {  	[tilespmem:s16+$0x30] =	vst v18;
	v18 =	vld [tilespmem:s16+$0x40];
	_ =	sdelay $0x2  }
0x1d9: {  	v19 =	vperm.xlane v17, v10;
	_ =	sdelay $0x1  }
0x1da: {  	v18 =	vmul.f32 v18, v19;
	_ =	sdelay $0x1  }
0x1db: {  	[tilespmem:s16+$0x40] =	vst v18;
	v18 =	vld [tilespmem:s16+$0x50];
	_ =	sdelay $0x4  }
0x1dc: {  	v18 =	vmul.f32 v18, v19;
	_ =	sdelay $0x1  }
0x1dd: {  	[tilespmem:s16+$0x50] =	vst v18;
	v18 =	vld [tilespmem:s16+$0x60];
	_ =	sdelay $0x4  }
0x1de: {  	v18 =	vmul.f32 v18, v19;
	_ =	sdelay $0x1  }
0x1df: {  	[tilespmem:s16+$0x60] =	vst v18;
	v18 =	vld [tilespmem:s16+$0x70];
	_ =	sdelay $0x4  }
0x1e0: {  	v18 =	vmul.f32 v18, v19;
	_ =	sdelay $0x1  }
0x1e1: {  	[tilespmem:s16+$0x70] =	vst v18;
	v18 =	vld [tilespmem:s16+$0x80];
	_ =	sdelay $0x2  }
0x1e2: {  	v19 =	vperm.xlane v17, v11;
	_ =	sdelay $0x1  }
0x1e3: {  	v18 =	vmul.f32 v18, v19;
	_ =	sdelay $0x1  }
0x1e4: {  	[tilespmem:s16+$0x80] =	vst v18;
	v18 =	vld [tilespmem:s16+$0x90];
	_ =	sdelay $0x4  }
0x1e5: {  	v18 =	vmul.f32 v18, v19;
	_ =	sdelay $0x1  }
0x1e6: {  	[tilespmem:s16+$0x90] =	vst v18;
	v18 =	vld [tilespmem:s16+$0xA0];
	_ =	sdelay $0x4  }
0x1e7: {  	v18 =	vmul.f32 v18, v19;
	_ =	sdelay $0x1  }
0x1e8: {  	[tilespmem:s16+$0xA0] =	vst v18;
	v18 =	vld [tilespmem:s16+$0xB0];
	_ =	sdelay $0x4  }
0x1e9: {  	v18 =	vmul.f32 v18, v19;
	_ =	sdelay $0x1  }
0x1ea: {  	[tilespmem:s16+$0xB0] =	vst v18;
	v18 =	vld [tilespmem:s16+$0xC0];
	_ =	sdelay $0x2  }
0x1eb: {  	v19 =	vperm.xlane v17, v12;
	_ =	sdelay $0x1  }
0x1ec: {  	v18 =	vmul.f32 v18, v19;
	_ =	sdelay $0x1  }
0x1ed: {  	[tilespmem:s16+$0xC0] =	vst v18;
	v18 =	vld [tilespmem:s16+$0xD0];
	_ =	sdelay $0x4  }
0x1ee: {  	v18 =	vmul.f32 v18, v19;
	_ =	sdelay $0x1  }
0x1ef: {  	[tilespmem:s16+$0xD0] =	vst v18;
	v18 =	vld [tilespmem:s16+$0xE0];
	_ =	sdelay $0x4  }
0x1f0: {  	v18 =	vmul.f32 v18, v19;
	_ =	sdelay $0x1  }
0x1f1: {  	[tilespmem:s16+$0xE0] =	vst v18;
	v18 =	vld [tilespmem:s16+$0xF0];
	_ =	sdelay $0x4  }
0x1f2: {  	v18 =	vmul.f32 v18, v19;
	_ =	sdelay $0x1  }
0x1f3: {  	[tilespmem:s16+$0xF0] =	vst v18;
	v18 =	vld [tilespmem:s16+$0x100];
	_ =	sdelay $0x2  }
0x1f4: {  	v19 =	vperm.xlane v17, v13;
	_ =	sdelay $0x1  }
0x1f5: {  	v18 =	vmul.f32 v18, v19;
	_ =	sdelay $0x1  }
0x1f6: {  	[tilespmem:s16+$0x100] =	vst v18;
	v18 =	vld [tilespmem:s16+$0x110];
	_ =	sdelay $0x4  }
0x1f7: {  	v18 =	vmul.f32 v18, v19;
	_ =	sdelay $0x1  }
0x1f8: {  	[tilespmem:s16+$0x110] =	vst v18;
	v18 =	vld [tilespmem:s16+$0x120];
	_ =	sdelay $0x4  }
0x1f9: {  	v18 =	vmul.f32 v18, v19;
	_ =	sdelay $0x1  }
0x1fa: {  	[tilespmem:s16+$0x120] =	vst v18;
	v18 =	vld [tilespmem:s16+$0x130];
	_ =	sdelay $0x4  }
0x1fb: {  	v18 =	vmul.f32 v18, v19;
	_ =	sdelay $0x1  }
0x1fc: {  	[tilespmem:s16+$0x130] =	vst v18;
	v18 =	vld [tilespmem:s16+$0x140];
	_ =	sdelay $0x2  }
0x1fd: {  	v19 =	vperm.xlane v17, v14;
	_ =	sdelay $0x1  }
0x1fe: {  	v18 =	vmul.f32 v18, v19;
	_ =	sdelay $0x1  }
0x1ff: {  	[tilespmem:s16+$0x140] =	vst v18;
	v18 =	vld [tilespmem:s16+$0x150];
	_ =	sdelay $0x4  }
0x200: {  	v18 =	vmul.f32 v18, v19;
	_ =	sdelay $0x1  }
0x201: {  	[tilespmem:s16+$0x150] =	vst v18;
	v18 =	vld [tilespmem:s16+$0x160];
	_ =	sdelay $0x4  }
0x202: {  	v18 =	vmul.f32 v18, v19;
	_ =	sdelay $0x1  }
0x203: {  	[tilespmem:s16+$0x160] =	vst v18;
	v18 =	vld [tilespmem:s16+$0x170];
	_ =	sdelay $0x4  }
0x204: {  	v18 =	vmul.f32 v18, v19;
	_ =	sdelay $0x1  }
0x205: {  	[tilespmem:s16+$0x170] =	vst v18;
	v18 =	vld [tilespmem:s16+$0x180];
	_ =	sdelay $0x2  }
0x206: {  	v19 =	vperm.xlane v17, v15;
	_ =	sdelay $0x1  }
0x207: {  	v18 =	vmul.f32 v18, v19;
	_ =	sdelay $0x1  }
0x208: {  	[tilespmem:s16+$0x180] =	vst v18;
	v18 =	vld [tilespmem:s16+$0x190];
	_ =	sdelay $0x4  }
0x209: {  	v18 =	vmul.f32 v18, v19;
	_ =	sdelay $0x1  }
0x20a: {  	[tilespmem:s16+$0x190] =	vst v18;
	v18 =	vld [tilespmem:s16+$0x1A0];
	_ =	sdelay $0x4  }
0x20b: {  	v18 =	vmul.f32 v18, v19;
	_ =	sdelay $0x1  }
0x20c: {  	[tilespmem:s16+$0x1A0] =	vst v18;
	v18 =	vld [tilespmem:s16+$0x1B0];
	_ =	sdelay $0x4  }
0x20d: {  	v18 =	vmul.f32 v18, v19;
	_ =	sdelay $0x1  }
0x20e: {  	[tilespmem:s16+$0x1B0] =	vst v18;
	v18 =	vld [tilespmem:s16+$0x1C0];
	_ =	sdelay $0x2  }
0x20f: {  	v17 =	vperm.xlane v17, v16;
	_ =	sdelay $0x1  }
0x210: {  	v18 =	vmul.f32 v18, v17;
	_ =	sdelay $0x1  }
0x211: {  	[tilespmem:s16+$0x1C0] =	vst v18;
	v18 =	vld [tilespmem:s16+$0x1D0];
	_ =	sdelay $0x4  }
0x212: {  	v18 =	vmul.f32 v18, v17;
	_ =	sdelay $0x1  }
0x213: {  	[tilespmem:s16+$0x1D0] =	vst v18;
	v18 =	vld [tilespmem:s16+$0x1E0];
	_ =	sdelay $0x4  }
0x214: {  	v18 =	vmul.f32 v18, v17;
	_ =	sdelay $0x1  }
0x215: {  	[tilespmem:s16+$0x1E0] =	vst v18;
	v18 =	vld [tilespmem:s16+$0x1F0];
	_ =	sdelay $0x1  }
0x216: {  	p0 =	sne.s32 s0, $0x100  }
.Ltmp4:
0x217: {  	_ = 	snop;
	(pc) =	sbr.rel @p0 .LBB2_10-.Ltmp4, $3  }
0x218: {  	_ = 	snop  }
0x219: {  	v17 =	vmul.f32 v18, v17;
	_ =	sdelay $0x1  }
0x21a: {  	s0 =	sadd.s32 $0x40, s0;
	[tilespmem:s16+$0x1F0] =	vst v17;
	s16 =	sadd.s32 $0x400, s16  }
0x21b: {  	s0 =	simm.s32 $0x9BA0  }
0x21c: {  	[spmem:s3] =	stream.indirect.scatter.add.f32 [tilespmem:s20], [sflag:$0x3], $0x40, s0, s19, $0xb8;
	[tilespmem:$0x1D260] =	vst v63  }
0x21d: {  	_ =	swait.ge [sflag:s15], $0x1400  }
0x21e: {  	[sflag:s15] =	ssyncset.done $0x0  }
0x21f: {  	[sflag:s15] =	ssyncadd.s32 $0xFFFFEC00  }
0x220: {  	_ =	swait.ge [sflag:s23], $0x1400  }
0x221: {  	[sflag:s23] =	ssyncset.done $0x0  }
0x222: {  	s16 =	simm.s32 $0x10060;
	s0 =	simm.s32 $0x0;
	[sflag:s23] =	ssyncadd.s32 $0xFFFFEC00  }
.LBB2_12:
0x223: {  	s17 =	sshra.s32 s0, $0x2  }
0x224: {  	v17 =	vld [tilespmem:s17+$0xEA10];
	_ =	sdelay $0x1  }
0x225: {  	v18 =	vld [tilespmem:s16+$0xFFFFFE00];
	_ =	sdelay $0x2  }
0x226: {  	v19 =	vperm.xlane v17, v1;
	_ =	sdelay $0x1  }
0x227: {  	v18 =	vmul.f32 v18, v19;
	_ =	sdelay $0x1  }
0x228: {  	[tilespmem:s16+$0xFFFFFE00] =	vst v18;
	v18 =	vld [tilespmem:s16+$0xFFFFFE10];
	_ =	sdelay $0x4  }
0x229: {  	v18 =	vmul.f32 v18, v19;
	_ =	sdelay $0x1  }
0x22a: {  	[tilespmem:s16+$0xFFFFFE10] =	vst v18;
	v18 =	vld [tilespmem:s16+$0xFFFFFE20];
	_ =	sdelay $0x4  }
0x22b: {  	v18 =	vmul.f32 v18, v19;
	_ =	sdelay $0x1  }
0x22c: {  	[tilespmem:s16+$0xFFFFFE20] =	vst v18;
	v18 =	vld [tilespmem:s16+$0xFFFFFE30];
	_ =	sdelay $0x4  }
0x22d: {  	v18 =	vmul.f32 v18, v19;
	_ =	sdelay $0x1  }
0x22e: {  	[tilespmem:s16+$0xFFFFFE30] =	vst v18;
	v18 =	vld [tilespmem:s16+$0xFFFFFE40];
	_ =	sdelay $0x2  }
0x22f: {  	v19 =	vperm.xlane v17, v2;
	_ =	sdelay $0x1  }
0x230: {  	v18 =	vmul.f32 v18, v19;
	_ =	sdelay $0x1  }
0x231: {  	[tilespmem:s16+$0xFFFFFE40] =	vst v18;
	v18 =	vld [tilespmem:s16+$0xFFFFFE50];
	_ =	sdelay $0x4  }
0x232: {  	v18 =	vmul.f32 v18, v19;
	_ =	sdelay $0x1  }
0x233: {  	[tilespmem:s16+$0xFFFFFE50] =	vst v18;
	v18 =	vld [tilespmem:s16+$0xFFFFFE60];
	_ =	sdelay $0x4  }
0x234: {  	v18 =	vmul.f32 v18, v19;
	_ =	sdelay $0x1  }
0x235: {  	[tilespmem:s16+$0xFFFFFE60] =	vst v18;
	v18 =	vld [tilespmem:s16+$0xFFFFFE70];
	_ =	sdelay $0x4  }
0x236: {  	v18 =	vmul.f32 v18, v19;
	_ =	sdelay $0x1  }
0x237: {  	[tilespmem:s16+$0xFFFFFE70] =	vst v18;
	v18 =	vld [tilespmem:s16+$0xFFFFFE80];
	_ =	sdelay $0x2  }
0x238: {  	v19 =	vperm.xlane v17, v3;
	_ =	sdelay $0x1  }
0x239: {  	v18 =	vmul.f32 v18, v19;
	_ =	sdelay $0x1  }
0x23a: {  	[tilespmem:s16+$0xFFFFFE80] =	vst v18;
	v18 =	vld [tilespmem:s16+$0xFFFFFE90];
	_ =	sdelay $0x4  }
0x23b: {  	v18 =	vmul.f32 v18, v19;
	_ =	sdelay $0x1  }
0x23c: {  	[tilespmem:s16+$0xFFFFFE90] =	vst v18;
	v18 =	vld [tilespmem:s16+$0xFFFFFEA0];
	_ =	sdelay $0x4  }
0x23d: {  	v18 =	vmul.f32 v18, v19;
	_ =	sdelay $0x1  }
0x23e: {  	[tilespmem:s16+$0xFFFFFEA0] =	vst v18;
	v18 =	vld [tilespmem:s16+$0xFFFFFEB0];
	_ =	sdelay $0x4  }
0x23f: {  	v18 =	vmul.f32 v18, v19;
	_ =	sdelay $0x1  }
0x240: {  	[tilespmem:s16+$0xFFFFFEB0] =	vst v18;
	v18 =	vld [tilespmem:s16+$0xFFFFFEC0];
	_ =	sdelay $0x2  }
0x241: {  	v19 =	vperm.xlane v17, v4;
	_ =	sdelay $0x1  }
0x242: {  	v18 =	vmul.f32 v18, v19;
	_ =	sdelay $0x1  }
0x243: {  	[tilespmem:s16+$0xFFFFFEC0] =	vst v18;
	v18 =	vld [tilespmem:s16+$0xFFFFFED0];
	_ =	sdelay $0x4  }
0x244: {  	v18 =	vmul.f32 v18, v19;
	_ =	sdelay $0x1  }
0x245: {  	[tilespmem:s16+$0xFFFFFED0] =	vst v18;
	v18 =	vld [tilespmem:s16+$0xFFFFFEE0];
	_ =	sdelay $0x4  }
0x246: {  	v18 =	vmul.f32 v18, v19;
	_ =	sdelay $0x1  }
0x247: {  	[tilespmem:s16+$0xFFFFFEE0] =	vst v18;
	v18 =	vld [tilespmem:s16+$0xFFFFFEF0];
	_ =	sdelay $0x4  }
0x248: {  	v18 =	vmul.f32 v18, v19;
	_ =	sdelay $0x1  }
0x249: {  	[tilespmem:s16+$0xFFFFFEF0] =	vst v18;
	v18 =	vld [tilespmem:s16+$0xFFFFFF00];
	_ =	sdelay $0x2  }
0x24a: {  	v19 =	vperm.xlane v17, v5;
	_ =	sdelay $0x1  }
0x24b: {  	v18 =	vmul.f32 v18, v19;
	_ =	sdelay $0x1  }
0x24c: {  	[tilespmem:s16+$0xFFFFFF00] =	vst v18;
	v18 =	vld [tilespmem:s16+$0xFFFFFF10];
	_ =	sdelay $0x4  }
0x24d: {  	v18 =	vmul.f32 v18, v19;
	_ =	sdelay $0x1  }
0x24e: {  	[tilespmem:s16+$0xFFFFFF10] =	vst v18;
	v18 =	vld [tilespmem:s16+$0xFFFFFF20];
	_ =	sdelay $0x4  }
0x24f: {  	v18 =	vmul.f32 v18, v19;
	_ =	sdelay $0x1  }
0x250: {  	[tilespmem:s16+$0xFFFFFF20] =	vst v18;
	v18 =	vld [tilespmem:s16+$0xFFFFFF30];
	_ =	sdelay $0x4  }
0x251: {  	v18 =	vmul.f32 v18, v19;
	_ =	sdelay $0x1  }
0x252: {  	[tilespmem:s16+$0xFFFFFF30] =	vst v18;
	v18 =	vld [tilespmem:s16+$0xFFFFFF40];
	_ =	sdelay $0x2  }
0x253: {  	v19 =	vperm.xlane v17, v6;
	_ =	sdelay $0x1  }
0x254: {  	v18 =	vmul.f32 v18, v19;
	_ =	sdelay $0x1  }
0x255: {  	[tilespmem:s16+$0xFFFFFF40] =	vst v18;
	v18 =	vld [tilespmem:s16+$0xFFFFFF50];
	_ =	sdelay $0x4  }
0x256: {  	v18 =	vmul.f32 v18, v19;
	_ =	sdelay $0x1  }
0x257: {  	[tilespmem:s16+$0xFFFFFF50] =	vst v18;
	v18 =	vld [tilespmem:s16+$0xFFFFFF60];
	_ =	sdelay $0x4  }
0x258: {  	v18 =	vmul.f32 v18, v19;
	_ =	sdelay $0x1  }
0x259: {  	[tilespmem:s16+$0xFFFFFF60] =	vst v18;
	v18 =	vld [tilespmem:s16+$0xFFFFFF70];
	_ =	sdelay $0x4  }
0x25a: {  	v18 =	vmul.f32 v18, v19;
	_ =	sdelay $0x1  }
0x25b: {  	[tilespmem:s16+$0xFFFFFF70] =	vst v18;
	v18 =	vld [tilespmem:s16+$0xFFFFFF80];
	_ =	sdelay $0x2  }
0x25c: {  	v19 =	vperm.xlane v17, v7;
	_ =	sdelay $0x1  }
0x25d: {  	v18 =	vmul.f32 v18, v19;
	_ =	sdelay $0x1  }
0x25e: {  	[tilespmem:s16+$0xFFFFFF80] =	vst v18;
	v18 =	vld [tilespmem:s16+$0xFFFFFF90];
	_ =	sdelay $0x4  }
0x25f: {  	v18 =	vmul.f32 v18, v19;
	_ =	sdelay $0x1  }
0x260: {  	[tilespmem:s16+$0xFFFFFF90] =	vst v18;
	v18 =	vld [tilespmem:s16+$0xFFFFFFA0];
	_ =	sdelay $0x4  }
0x261: {  	v18 =	vmul.f32 v18, v19;
	_ =	sdelay $0x1  }
0x262: {  	[tilespmem:s16+$0xFFFFFFA0] =	vst v18;
	v18 =	vld [tilespmem:s16+$0xFFFFFFB0];
	_ =	sdelay $0x4  }
0x263: {  	v18 =	vmul.f32 v18, v19;
	_ =	sdelay $0x1  }
0x264: {  	[tilespmem:s16+$0xFFFFFFB0] =	vst v18;
	v18 =	vld [tilespmem:s16+$0xFFFFFFC0];
	_ =	sdelay $0x2  }
0x265: {  	v19 =	vperm.xlane v17, v8;
	_ =	sdelay $0x1  }
0x266: {  	v18 =	vmul.f32 v18, v19;
	_ =	sdelay $0x1  }
0x267: {  	[tilespmem:s16+$0xFFFFFFC0] =	vst v18;
	v18 =	vld [tilespmem:s16+$0xFFFFFFD0];
	_ =	sdelay $0x4  }
0x268: {  	v18 =	vmul.f32 v18, v19;
	_ =	sdelay $0x1  }
0x269: {  	[tilespmem:s16+$0xFFFFFFD0] =	vst v18;
	v18 =	vld [tilespmem:s16+$0xFFFFFFE0];
	_ =	sdelay $0x4  }
0x26a: {  	v18 =	vmul.f32 v18, v19;
	_ =	sdelay $0x1  }
0x26b: {  	[tilespmem:s16+$0xFFFFFFE0] =	vst v18;
	v18 =	vld [tilespmem:s16+$0xFFFFFFF0];
	_ =	sdelay $0x4  }
0x26c: {  	v18 =	vmul.f32 v18, v19;
	_ =	sdelay $0x1  }
0x26d: {  	[tilespmem:s16+$0xFFFFFFF0] =	vst v18;
	v18 =	vld [tilespmem:s16+$0x0];
	_ =	sdelay $0x2  }
0x26e: {  	v19 =	vperm.xlane v17, v9;
	_ =	sdelay $0x1  }
0x26f: {  	v18 =	vmul.f32 v18, v19;
	_ =	sdelay $0x1  }
0x270: {  	[tilespmem:s16+$0x0] =	vst v18;
	v18 =	vld [tilespmem:s16+$0x10];
	_ =	sdelay $0x4  }
0x271: {  	v18 =	vmul.f32 v18, v19;
	_ =	sdelay $0x1  }
0x272: {  	[tilespmem:s16+$0x10] =	vst v18;
	v18 =	vld [tilespmem:s16+$0x20];
	_ =	sdelay $0x4  }
0x273: {  	v18 =	vmul.f32 v18, v19;
	_ =	sdelay $0x1  }
0x274: {  	[tilespmem:s16+$0x20] =	vst v18;
	v18 =	vld [tilespmem:s16+$0x30];
	_ =	sdelay $0x4  }
0x275: {  	v18 =	vmul.f32 v18, v19;
	_ =	sdelay $0x1  }
0x276: {  	[tilespmem:s16+$0x30] =	vst v18;
	v18 =	vld [tilespmem:s16+$0x40];
	_ =	sdelay $0x2  }
0x277: {  	v19 =	vperm.xlane v17, v10;
	_ =	sdelay $0x1  }
0x278: {  	v18 =	vmul.f32 v18, v19;
	_ =	sdelay $0x1  }
0x279: {  	[tilespmem:s16+$0x40] =	vst v18;
	v18 =	vld [tilespmem:s16+$0x50];
	_ =	sdelay $0x4  }
0x27a: {  	v18 =	vmul.f32 v18, v19;
	_ =	sdelay $0x1  }
0x27b: {  	[tilespmem:s16+$0x50] =	vst v18;
	v18 =	vld [tilespmem:s16+$0x60];
	_ =	sdelay $0x4  }
0x27c: {  	v18 =	vmul.f32 v18, v19;
	_ =	sdelay $0x1  }
0x27d: {  	[tilespmem:s16+$0x60] =	vst v18;
	v18 =	vld [tilespmem:s16+$0x70];
	_ =	sdelay $0x4  }
0x27e: {  	v18 =	vmul.f32 v18, v19;
	_ =	sdelay $0x1  }
0x27f: {  	[tilespmem:s16+$0x70] =	vst v18;
	v18 =	vld [tilespmem:s16+$0x80];
	_ =	sdelay $0x2  }
0x280: {  	v19 =	vperm.xlane v17, v11;
	_ =	sdelay $0x1  }
0x281: {  	v18 =	vmul.f32 v18, v19;
	_ =	sdelay $0x1  }
0x282: {  	[tilespmem:s16+$0x80] =	vst v18;
	v18 =	vld [tilespmem:s16+$0x90];
	_ =	sdelay $0x4  }
0x283: {  	v18 =	vmul.f32 v18, v19;
	_ =	sdelay $0x1  }
0x284: {  	[tilespmem:s16+$0x90] =	vst v18;
	v18 =	vld [tilespmem:s16+$0xA0];
	_ =	sdelay $0x4  }
0x285: {  	v18 =	vmul.f32 v18, v19;
	_ =	sdelay $0x1  }
0x286: {  	[tilespmem:s16+$0xA0] =	vst v18;
	v18 =	vld [tilespmem:s16+$0xB0];
	_ =	sdelay $0x4  }
0x287: {  	v18 =	vmul.f32 v18, v19;
	_ =	sdelay $0x1  }
0x288: {  	[tilespmem:s16+$0xB0] =	vst v18;
	v18 =	vld [tilespmem:s16+$0xC0];
	_ =	sdelay $0x2  }
0x289: {  	v19 =	vperm.xlane v17, v12;
	_ =	sdelay $0x1  }
0x28a: {  	v18 =	vmul.f32 v18, v19;
	_ =	sdelay $0x1  }
0x28b: {  	[tilespmem:s16+$0xC0] =	vst v18;
	v18 =	vld [tilespmem:s16+$0xD0];
	_ =	sdelay $0x4  }
0x28c: {  	v18 =	vmul.f32 v18, v19;
	_ =	sdelay $0x1  }
0x28d: {  	[tilespmem:s16+$0xD0] =	vst v18;
	v18 =	vld [tilespmem:s16+$0xE0];
	_ =	sdelay $0x4  }
0x28e: {  	v18 =	vmul.f32 v18, v19;
	_ =	sdelay $0x1  }
0x28f: {  	[tilespmem:s16+$0xE0] =	vst v18;
	v18 =	vld [tilespmem:s16+$0xF0];
	_ =	sdelay $0x4  }
0x290: {  	v18 =	vmul.f32 v18, v19;
	_ =	sdelay $0x1  }
0x291: {  	[tilespmem:s16+$0xF0] =	vst v18;
	v18 =	vld [tilespmem:s16+$0x100];
	_ =	sdelay $0x2  }
0x292: {  	v19 =	vperm.xlane v17, v13;
	_ =	sdelay $0x1  }
0x293: {  	v18 =	vmul.f32 v18, v19;
	_ =	sdelay $0x1  }
0x294: {  	[tilespmem:s16+$0x100] =	vst v18;
	v18 =	vld [tilespmem:s16+$0x110];
	_ =	sdelay $0x4  }
0x295: {  	v18 =	vmul.f32 v18, v19;
	_ =	sdelay $0x1  }
0x296: {  	[tilespmem:s16+$0x110] =	vst v18;
	v18 =	vld [tilespmem:s16+$0x120];
	_ =	sdelay $0x4  }
0x297: {  	v18 =	vmul.f32 v18, v19;
	_ =	sdelay $0x1  }
0x298: {  	[tilespmem:s16+$0x120] =	vst v18;
	v18 =	vld [tilespmem:s16+$0x130];
	_ =	sdelay $0x4  }
0x299: {  	v18 =	vmul.f32 v18, v19;
	_ =	sdelay $0x1  }
0x29a: {  	[tilespmem:s16+$0x130] =	vst v18;
	v18 =	vld [tilespmem:s16+$0x140];
	_ =	sdelay $0x2  }
0x29b: {  	v19 =	vperm.xlane v17, v14;
	_ =	sdelay $0x1  }
0x29c: {  	v18 =	vmul.f32 v18, v19;
	_ =	sdelay $0x1  }
0x29d: {  	[tilespmem:s16+$0x140] =	vst v18;
	v18 =	vld [tilespmem:s16+$0x150];
	_ =	sdelay $0x4  }
0x29e: {  	v18 =	vmul.f32 v18, v19;
	_ =	sdelay $0x1  }
0x29f: {  	[tilespmem:s16+$0x150] =	vst v18;
	v18 =	vld [tilespmem:s16+$0x160];
	_ =	sdelay $0x4  }
0x2a0: {  	v18 =	vmul.f32 v18, v19;
	_ =	sdelay $0x1  }
0x2a1: {  	[tilespmem:s16+$0x160] =	vst v18;
	v18 =	vld [tilespmem:s16+$0x170];
	_ =	sdelay $0x4  }
0x2a2: {  	v18 =	vmul.f32 v18, v19;
	_ =	sdelay $0x1  }
0x2a3: {  	[tilespmem:s16+$0x170] =	vst v18;
	v18 =	vld [tilespmem:s16+$0x180];
	_ =	sdelay $0x2  }
0x2a4: {  	v19 =	vperm.xlane v17, v15;
	_ =	sdelay $0x1  }
0x2a5: {  	v18 =	vmul.f32 v18, v19;
	_ =	sdelay $0x1  }
0x2a6: {  	[tilespmem:s16+$0x180] =	vst v18;
	v18 =	vld [tilespmem:s16+$0x190];
	_ =	sdelay $0x4  }
0x2a7: {  	v18 =	vmul.f32 v18, v19;
	_ =	sdelay $0x1  }
0x2a8: {  	[tilespmem:s16+$0x190] =	vst v18;
	v18 =	vld [tilespmem:s16+$0x1A0];
	_ =	sdelay $0x4  }
0x2a9: {  	v18 =	vmul.f32 v18, v19;
	_ =	sdelay $0x1  }
0x2aa: {  	[tilespmem:s16+$0x1A0] =	vst v18;
	v18 =	vld [tilespmem:s16+$0x1B0];
	_ =	sdelay $0x4  }
0x2ab: {  	v18 =	vmul.f32 v18, v19;
	_ =	sdelay $0x1  }
0x2ac: {  	[tilespmem:s16+$0x1B0] =	vst v18;
	v18 =	vld [tilespmem:s16+$0x1C0];
	_ =	sdelay $0x2  }
0x2ad: {  	v17 =	vperm.xlane v17, v16;
	_ =	sdelay $0x1  }
0x2ae: {  	v18 =	vmul.f32 v18, v17;
	_ =	sdelay $0x1  }
0x2af: {  	[tilespmem:s16+$0x1C0] =	vst v18;
	v18 =	vld [tilespmem:s16+$0x1D0];
	_ =	sdelay $0x4  }
0x2b0: {  	v18 =	vmul.f32 v18, v17;
	_ =	sdelay $0x1  }
0x2b1: {  	[tilespmem:s16+$0x1D0] =	vst v18;
	v18 =	vld [tilespmem:s16+$0x1E0];
	_ =	sdelay $0x4  }
0x2b2: {  	v18 =	vmul.f32 v18, v17;
	_ =	sdelay $0x1  }
0x2b3: {  	[tilespmem:s16+$0x1E0] =	vst v18;
	v18 =	vld [tilespmem:s16+$0x1F0];
	_ =	sdelay $0x1  }
0x2b4: {  	p0 =	sne.s32 s0, $0x100  }
.Ltmp5:
0x2b5: {  	_ = 	snop;
	(pc) =	sbr.rel @p0 .LBB2_12-.Ltmp5, $3  }
0x2b6: {  	_ = 	snop  }
0x2b7: {  	v17 =	vmul.f32 v18, v17;
	_ =	sdelay $0x1  }
0x2b8: {  	s0 =	sadd.s32 $0x40, s0;
	[tilespmem:s16+$0x1F0] =	vst v17;
	s16 =	sadd.s32 $0x400, s16  }
0x2b9: {  	[spmem:s3] =	stream.indirect.scatter.add.f32 [tilespmem:s22], [sflag:$0x3], $0x40, s26, s19, $0xb8;
	[tilespmem:$0x1D260] =	vst v63  }
0x2ba: {  	_ =	swait.ge [sflag:s15], $0x1400  }
0x2bb: {  	s0 =	sshll.u32 s1, $0x6;
	s28 =	sadd.s32 $0x1, s28;
	[sflag:s15] =	ssyncset.done $0x0  }
0x2bc: {  	s16 =	sshrl.u32 s6, $0x3;
	p0 =	sne.s32 s28, s14;
	[sflag:s15] =	ssyncadd.s32 $0xFFFFEC00  }
.Ltmp6:
0x2bd: {  	s0 =	sor.u32 $0x1C03, s0;
	[bflag:$0x0] =	sbarrier.arrive $0xFFFF;
	(pc) =	sbr.rel @p0 .LBB2_1-.Ltmp6, $4  }
0x2be: {  	[hbm:s13], [sflag:s0] =	dma.local [spmem:s16], $0x1400  }
0x2bf: {  	_ =	swait.ge [sflag:s15], $0x1400  }
0x2c0: {  	[sflag:s15] =	ssyncset.done $0x0  }
0x2c1: {  	[sflag:s15] =	ssyncadd.s32 $0xFFFFEC00  }
0x2c2: {  	_ =	sfence.sel $0x180000  }
0x2c3: {  	[bflag:$0x0] =	sbarrier.arrive $0xFFFF  }
0x2c4: {  	_ =	strace $0x90000047  }
0x2c5: {  	[bflag:$0x2] =	sbarrier.arrive $0xFFFF  }
0x2c6: {  	p0 =	sne.s32 s1, $0x0;
	s0 =	rddreg [dreg:$0x4]  }
0x2c7: {  	s0 =	sadd.s32 @!p0 $0x100000, s0  }
0x2c8: {  	[sflag:s0] =	ssyncadd.tile.s32 @!p0 $0x1;
	_ =	shalt  }
.Lfunc_end2:
_tile_overlayer_lowered:
.L_overlay_start_2:
0x2c9: {  	(tag) =	ssettag $0x2  }
0x2ca: {  	s0 =	rddreg [dreg:$0x0];
	s2 =	stileid.u32  }
0x2cb: {  	s1 =	rddreg [dreg:$0x1];
	p0 =	sne.s32 s2, $0x0  }
0x2cc: {  	s3 =	rddreg [dreg:$0x2];
	[bflag:$0x3] =	sbarrier.arrive $0xFFFF;
	s2 =	simm.s32 @!p0 $0x1C03  }
0x2cd: {  	[timem:s3], [sflag:s2] =	dma.local @!p0 [hbm:s0], s1  }
0x2ce: {  	s0 =	simm.s32 @!p0 $0x3  }
0x2cf: {  	_ =	swait.ge @!p0 [sflag:s0], s1  }
0x2d0: {  	s1 =	ssub.s32 @!p0 $0x0, s1;
	[sflag:s0] =	ssyncset.done @!p0 $0x0  }
0x2d1: {  	[sflag:s0] =	ssyncadd.s32 @!p0 s1  }
0x2d2: {  	[bflag:$0x3] =	sbarrier.arrive $0xFFFF  }
0x2d3: {  	_ =	shalt  }

</sc_bundles>
